<compile_context>
chip_gen: v7x
topology: tpu7x:2x2x1
jax: 0.10.2.dev20260603
libtpu: 0.0.44.dev20260713+nightly
codegen_flags: <defaults>
</compile_context>

<pallas_src>
import jax
import jax.numpy as jnp
from jax import lax
from jax.experimental import pallas as pl
from jax.experimental.pallas import tpu as pltpu
from jax.experimental.pallas import tpu_sc as plsc

N = 10000
E = 320000
D = 128
DH = D // 2
NC, NS = 2, 16
NW = NC * NS
NP = 10240
RPT = NP // NS
NACC = 10112
RPA = NACC // NS
CH = 112
DEPTH = 6
NCH_AGG = 180
E_PAD = NS * NCH_AGG * CH
NCH_DEG = E_PAD // NW // CH

f32 = jnp.float32
_mesh = plsc.VectorSubcoreMesh(core_axis_name="c", subcore_axis_name="s")
_sc_params = pltpu.CompilerParams(use_tc_tiling_on_sc=False)



def _deg_body(dst_hbm, deg_hbm, idx_v, ones_v, zb_v, acc_sh):
    c = lax.axis_index("c")
    s = lax.axis_index("s")

    def zz(i, _):
        zb_v[pl.ds(i * 16, 16)] = jnp.zeros((16,), f32)
        return 0
    lax.fori_loop(0, RPT // 16, zz, 0)

    def oo(i, _):
        ones_v[pl.ds(i * 16, 16)] = jnp.ones((16,), f32)
        return 0
    lax.fori_loop(0, CH // 16, oo, 0)

    pltpu.sync_copy(zb_v, acc_sh.at[pl.ds(s * RPT, RPT)])
    w = s * NC + c
    pltpu.sync_copy(dst_hbm.at[w], idx_v)
    plsc.subcore_barrier()

    def body(j, _):
        pltpu.sync_copy(ones_v, acc_sh.at[idx_v.at[j]], add=True)
        return 0
    lax.fori_loop(0, NCH_DEG, body, 0)
    plsc.subcore_barrier()

    pltpu.sync_copy(acc_sh.at[pl.ds(s * RPT, RPT)], zb_v)
    pltpu.sync_copy(zb_v, deg_hbm.at[c, pl.ds(s * RPT, RPT)])


_deg_call = pl.kernel(
    _deg_body,
    out_type=jax.ShapeDtypeStruct((NC, NP), f32),
    mesh=_mesh,
    scratch_types=[
        pltpu.VMEM((NCH_DEG, CH), jnp.int32),
        pltpu.VMEM((CH,), f32),
        pltpu.VMEM((RPT,), f32),
        pltpu.VMEM_SHARED((NP,), f32),
    ],
    compiler_params=_sc_params,
)



def _agg_body(y_hbm, src_hbm, dst_hbm, out_hbm, isrc_v, idst_v,
              r0, r1, r2, r3, r4, r5, zb_v, acc_sh,
              g0, g1, g2, g3, g4, g5):
    c = lax.axis_index("c")
    s = lax.axis_index("s")
    rows = (r0, r1, r2, r3, r4, r5)
    gsem = (g0, g1, g2, g3, g4, g5)

    def gather(j, b):
        pltpu.async_copy(y_hbm.at[c].at[isrc_v.at[j]], rows[b], gsem[b])

    def gwait(j, b):
        pltpu.make_async_copy(
            y_hbm.at[c].at[isrc_v.at[j]], rows[b], gsem[b]).wait()

    def scatter(j, b):
        pltpu.sync_copy(rows[b], acc_sh.at[idst_v.at[j]], add=True)

    LEAD = DEPTH // 2
    pltpu.sync_copy(src_hbm.at[s], isrc_v)
    pltpu.sync_copy(dst_hbm.at[s], idst_v)
    for b in range(LEAD):
        gather(b, b)

    def zz(t, _):
        zb_v[t // 4, pl.ds((t % 4) * 16, 16)] = jnp.zeros((16,), f32)
        return 0
    lax.fori_loop(0, CH * 4, zz, 0)

    def zc(k, _):
        pltpu.sync_copy(zb_v, acc_sh.at[pl.ds(s * RPA + k * CH, CH)])
        return 0
    lax.fori_loop(0, RPA // CH, zc, 0)
    if RPA % CH:
        pltpu.sync_copy(zb_v.at[pl.ds(0, RPA % CH)],
                        acc_sh.at[pl.ds(s * RPA + (RPA // CH) * CH, RPA % CH)])
    plsc.subcore_barrier()

    for j in range(LEAD):
        gwait(j, j)
        scatter(j, j)
        gather(j + LEAD, j + LEAD)

    def body(jj, _):
        jb = LEAD + jj * DEPTH
        for t in range(DEPTH):
            j = jb + t
            b = (LEAD + t) % DEPTH
            gwait(j, b)
            scatter(j, b)
            gather(j + LEAD, t % DEPTH)
        return 0
    lax.fori_loop(0, (NCH_AGG - 2 * LEAD) // DEPTH, body, 0)

    for t in range(LEAD):
        j = NCH_AGG - LEAD + t
        b = j % DEPTH
        gwait(j, b)
        scatter(j, b)
    plsc.subcore_barrier()

    pltpu.sync_copy(acc_sh.at[pl.ds(s * RPA, RPA)],
                    out_hbm.at[c, pl.ds(s * RPA, RPA)])


_agg_call = pl.kernel(
    _agg_body,
    out_type=jax.ShapeDtypeStruct((NC, NACC, DH), f32),
    mesh=_mesh,
    scratch_types=[
        pltpu.VMEM((NCH_AGG, CH), jnp.int32),
        pltpu.VMEM((NCH_AGG, CH), jnp.int32),
    ] + [pltpu.VMEM((CH, DH), f32) for _ in range(DEPTH + 1)] + [
        pltpu.VMEM_SHARED((NACC, DH), f32),
    ] + [pltpu.SemaphoreType.DMA for _ in range(DEPTH)],
    compiler_params=_sc_params,
)



BN = 1024
GRID = NP // BN


def _mm_body(x_ref, w_ref, o_ref):
    o_ref[...] = jnp.dot(x_ref[...], w_ref[...], preferred_element_type=f32)


def _mm(x, W1):
    return pl.pallas_call(
        _mm_body,
        grid=(GRID,),
        in_specs=[
            pl.BlockSpec((BN, D), lambda i: (i, 0)),
            pl.BlockSpec((D, D), lambda i: (0, 0)),
        ],
        out_specs=pl.BlockSpec((BN, D), lambda i: (i, 0)),
        out_shape=jax.ShapeDtypeStruct((N, D), f32),
    )(x, W1)


def _tc1_body(deg_ref, xw_ref, dinv_ref, y_ref):
    deg = deg_ref[0, :] + deg_ref[1, :] + 1.0
    dinv = lax.rsqrt(deg)
    dinv_ref[...] = dinv[:, None]
    y = xw_ref[...] * dinv[:, None]
    y_ref[0] = y[:, :DH]
    y_ref[1] = y[:, DH:]


def _tc1(deg2, xw):
    return pl.pallas_call(
        _tc1_body,
        grid=(GRID,),
        in_specs=[
            pl.BlockSpec((NC, BN), lambda i: (0, i)),
            pl.BlockSpec((BN, D), lambda i: (i, 0)),
        ],
        out_specs=[
            pl.BlockSpec((BN, 1), lambda i: (i, 0)),
            pl.BlockSpec((NC, BN, DH), lambda i: (0, i, 0)),
        ],
        out_shape=[
            jax.ShapeDtypeStruct((N, 1), f32),
            jax.ShapeDtypeStruct((NC, N, DH), f32),
        ],
    )(deg2, xw)


def _tcmid_body(p_ref, y_ref, dinv_ref, b_ref, w_ref, o_ref):
    h = jnp.concatenate(
        [p_ref[0] + y_ref[0], p_ref[1] + y_ref[1]], axis=1)
    h = h * dinv_ref[...] + b_ref[...]
    h = jnp.maximum(h, 0.0)
    o = jnp.dot(h, w_ref[...], preferred_element_type=f32) * dinv_ref[...]
    o_ref[0] = o[:, :DH]
    o_ref[1] = o[:, DH:]


def _tcmid(p, y, dinv, b, Wn):
    return pl.pallas_call(
        _tcmid_body,
        grid=(GRID,),
        in_specs=[
            pl.BlockSpec((NC, BN, DH), lambda i: (0, i, 0)),
            pl.BlockSpec((NC, BN, DH), lambda i: (0, i, 0)),
            pl.BlockSpec((BN, 1), lambda i: (i, 0)),
            pl.BlockSpec((1, D), lambda i: (0, 0)),
            pl.BlockSpec((D, D), lambda i: (0, 0)),
        ],
        out_specs=pl.BlockSpec((NC, BN, DH), lambda i: (0, i, 0)),
        out_shape=jax.ShapeDtypeStruct((NC, N, DH), f32),
    )(p, y, dinv, b, Wn)


def _tcfin_body(p_ref, y_ref, dinv_ref, b_ref, wl_ref, bl_ref, o_ref):
    h = jnp.concatenate(
        [p_ref[0] + y_ref[0], p_ref[1] + y_ref[1]], axis=1)
    h = h * dinv_ref[...] + b_ref[...]
    o_ref[...] = jnp.dot(h, wl_ref[...],
                         preferred_element_type=f32) + bl_ref[...]


def _tcfin(p, y, dinv, b, Wl, bl):
    return pl.pallas_call(
        _tcfin_body,
        grid=(GRID,),
        in_specs=[
            pl.BlockSpec((NC, BN, DH), lambda i: (0, i, 0)),
            pl.BlockSpec((NC, BN, DH), lambda i: (0, i, 0)),
            pl.BlockSpec((BN, 1), lambda i: (i, 0)),
            pl.BlockSpec((1, D), lambda i: (0, 0)),
            pl.BlockSpec((D, 1), lambda i: (0, 0)),
            pl.BlockSpec((1, 1), lambda i: (0, 0)),
        ],
        out_specs=pl.BlockSpec((BN, 1), lambda i: (i, 0)),
        out_shape=jax.ShapeDtypeStruct((N, 1), f32),
    )(p, y, dinv, b, Wl, bl)



@jax.jit
def _run(x, srcw, dsts, dstw, W1, b1, W2, b2, W3, b3, Wl, bl):
    deg2 = _deg_call(dstw)
    xw1 = _mm(x, W1)
    dinv, y1 = _tc1(deg2, xw1)
    p = _agg_call(y1, srcw, dsts)
    y2 = _tcmid(p, y1, dinv, b1, W2)
    p = _agg_call(y2, srcw, dsts)
    y3 = _tcmid(p, y2, dinv, b2, W3)
    p = _agg_call(y3, srcw, dsts)
    return _tcfin(p, y3, dinv, b3, Wl, bl)


def kernel(x, edge_index, W1, b1, W2, b2, W3, b3, Wl, bl):
    ei = edge_index.astype(jnp.int32)
    pad = E_PAD - E
    src_p = jnp.concatenate([ei[0], jnp.zeros((pad,), jnp.int32)])
    dst_p = jnp.concatenate([ei[1], jnp.full((pad,), N, jnp.int32)])
    srcw = src_p.reshape(NS, NCH_AGG, CH)
    dsts = dst_p.reshape(NS, NCH_AGG, CH)
    dstw = dst_p.reshape(NW, NCH_DEG, CH)
    return _run(x, srcw, dsts, dstw, W1, b1.reshape(1, D), W2,
                b2.reshape(1, D), W3, b3.reshape(1, D), Wl, bl.reshape(1, 1))

# --- scband reference (transcript-rebuilt; emitter-appended) ---
"""Pipeline reference for scband-gcn-20203526160487 (READ-ONLY COPY).

The authoritative reference and input builder live on the scoring server;
editing this copy changes nothing except your own understanding.
"""

import jax, jax.numpy as jnp
import numpy as np

N_NODES = 10000
N_EDGES = 320000
D_FEAT = 128
WIDTH = 128


def gcn_conv(x, src, dst, W, b):
    n = x.shape[0]
    xw = x @ W
    loop = jnp.arange(n, dtype=src.dtype)
    src2 = jnp.concatenate([src, loop])
    dst2 = jnp.concatenate([dst, loop])
    deg = jax.ops.segment_sum(jnp.ones(src2.shape[0], dtype=xw.dtype), dst2, num_segments=n)
    dinv = jnp.where(deg > 0, deg ** -0.5, 0.0)
    norm = dinv[src2] * dinv[dst2]
    msgs = xw[src2] * norm[:, None]
    out = jax.ops.segment_sum(msgs, dst2, num_segments=n)
    return out + b


def setup_inputs(seed: int = 0) -> dict:
    key = jax.random.key(seed)
    ks = jax.random.split(key, 12)
    x = jax.random.normal(ks[0], (N_NODES, D_FEAT), dtype=jnp.float32)
    edge_index = jax.random.randint(ks[1], (2, N_EDGES), 0, N_NODES, dtype=jnp.int64)
    def glorot(k, shape):
        limit = (6.0 / (shape[0] + shape[1])) ** 0.5
        return jax.random.uniform(k, shape, minval=-limit, maxval=limit, dtype=jnp.float32)
    W1 = glorot(ks[2], (D_FEAT, WIDTH))
    b1 = jnp.zeros((WIDTH,), dtype=jnp.float32)
    W2 = glorot(ks[3], (WIDTH, WIDTH))
    b2 = jnp.zeros((WIDTH,), dtype=jnp.float32)
    W3 = glorot(ks[4], (WIDTH, WIDTH))
    b3 = jnp.zeros((WIDTH,), dtype=jnp.float32)
    Wl = glorot(ks[5], (WIDTH, 1))
    bl = jnp.zeros((1,), dtype=jnp.float32)
    return {"x": x, "edge_index": edge_index, "W1": W1, "b1": b1, "W2": W2, "b2": b2, "W3": W3, "b3": b3, "Wl": Wl, "bl": bl}


def reference(x, edge_index, W1, b1, W2, b2, W3, b3, Wl, bl):
    src = edge_index[0]
    dst = edge_index[1]
    # layer 1: GCNConv(num_node_features -> 128) + ReLU (+ Dropout=identity in eval)
    h = gcn_conv(x, src, dst, W1, b1)
    h = jax.nn.relu(h)
    # layer 2: GCNConv(128 -> 128) + ReLU (+ Dropout=identity in eval)
    h = gcn_conv(h, src, dst, W2, b2)
    h = jax.nn.relu(h)
    # layer 3: GCNConv(128 -> 128)
    h = gcn_conv(h, src, dst, W3, b3)
    # final Linear(128 -> 1)
    out = h @ Wl + bl
    return out

if __name__ == "__main__":
    import jax
    _d = setup_inputs()
    print(jax.jit(kernel)(*tuple(_d.values())))

</pallas_src>

<mosaic_0001>
#map = affine_map<(d0, d1) -> (0, 0, 0)>
#map1 = affine_map<(d0, d1) -> (0, 0)>
module attributes {stable_mosaic.version = 14 : i64} {
  func.func @_deg_body(%arg0: i32, %arg1: i32, %arg2: memref<32x90x112xi32, #tpu.memory_space<hbm>>, %arg3: memref<2x10240xf32, #tpu.memory_space<hbm>>, %arg4: memref<90x112xi32, #tpu.memory_space<vmem>>, %arg5: memref<112xf32, #tpu.memory_space<vmem>>, %arg6: memref<640xf32, #tpu.memory_space<vmem>>, %arg7: memref<10240xf32, #tpu.memory_space<vmem_shared>>) attributes {dimension_semantics = [#tpu.dimension_semantics<core_parallel>, #tpu.dimension_semantics<subcore_parallel>], iteration_bounds = array<i64: 2, 16>, scalar_prefetch = 0 : i64, scratch_operands = 4 : i64, tpu.core_type = #tpu.core_type<sc_vector_subcore>, window_params = [{transform_indices = #map}, {transform_indices = #map1}]} {
    %scan3A = arith.constant 0 : i32
    %scan3A_0 = arith.constant 0 : i32
    %scan3A_1 = arith.constant 40 : i32
    %scan3A_2 = arith.addi %scan3A_0, %scan3A_1 : i32
    %scan3A_3 = arith.constant 1 : i32
    %scan3A_4 = scf.for %scan3A_28 = %scan3A_0 to %scan3A_2 step %scan3A_3 iter_args(%scan3A_29 = %scan3A) -> (i32)  : i32 {
      %broadcast_in_dim3A = arith.constant 0.000000e+00 : f32
      %broadcast_in_dim3A_30 = vector.broadcast %broadcast_in_dim3A : f32 to vector<16xf32>
      %mul3A_31 = arith.constant 16 : i32
      %mul3A_32 = arith.muli %scan3A_28, %mul3A_31 : i32
      %swap3A = arith.index_cast %mul3A_32 : i32 to index
      %swap3A_33 = tpu.vector_load %arg6[%swap3A] {strides = array<i32>} : memref<640xf32, #tpu.memory_space<vmem>>, vector<16xf32>,
      %swap3A_34 = vector.shape_cast %swap3A_33 : vector<16xf32> to vector<16xf32>
      %swap3A_35 = vector.shape_cast %broadcast_in_dim3A_30 : vector<16xf32> to vector<16xf32>
      tpu.vector_store %arg6[%swap3A], %swap3A_35 {strides = array<i32>} : memref<640xf32, #tpu.memory_space<vmem>>, vector<16xf32>,
      %scan3A_36 = arith.constant 0 : i32
      scf.yield %scan3A_36 : i32
    }
    %scan3A_5 = arith.constant 40 : i32
    %scan3A_6 = arith.constant 0 : i32
    %scan3A_7 = arith.constant 0 : i32
    %scan3A_8 = arith.constant 7 : i32
    %scan3A_9 = arith.addi %scan3A_7, %scan3A_8 : i32
    %scan3A_10 = arith.constant 1 : i32
    %scan3A_11 = scf.for %scan3A_28 = %scan3A_7 to %scan3A_9 step %scan3A_10 iter_args(%scan3A_29 = %scan3A_6) -> (i32)  : i32 {
      %broadcast_in_dim3A = arith.constant 1.000000e+00 : f32
      %broadcast_in_dim3A_30 = vector.broadcast %broadcast_in_dim3A : f32 to vector<16xf32>
      %mul3A_31 = arith.constant 16 : i32
      %mul3A_32 = arith.muli %scan3A_28, %mul3A_31 : i32
      %swap3A = arith.index_cast %mul3A_32 : i32 to index
      %swap3A_33 = tpu.vector_load %arg5[%swap3A] {strides = array<i32>} : memref<112xf32, #tpu.memory_space<vmem>>, vector<16xf32>,
      %swap3A_34 = vector.shape_cast %swap3A_33 : vector<16xf32> to vector<16xf32>
      %swap3A_35 = vector.shape_cast %broadcast_in_dim3A_30 : vector<16xf32> to vector<16xf32>
      tpu.vector_store %arg5[%swap3A], %swap3A_35 {strides = array<i32>} : memref<112xf32, #tpu.memory_space<vmem>>, vector<16xf32>,
      %scan3A_36 = arith.constant 0 : i32
      scf.yield %scan3A_36 : i32
    }
    %scan3A_12 = arith.constant 7 : i32
    %mul3A = arith.constant 640 : i32
    %mul3A_13 = arith.muli %arg1, %mul3A : i32
    "tpu.region"() ({
      %run_scoped3A = tpu.sem_alloc : memref<!tpu.dma_semaphore, #tpu.memory_space<semaphore_mem>>
      %dma_start3A = tpu.memref_slice %arg7[%mul3A_13] : memref<10240xf32, #tpu.memory_space<vmem_shared>> -> memref<640xf32, #tpu.memory_space<vmem_shared>>
      %dma_start3A_28 = tpu.memref_slice %arg7[%mul3A_13] : memref<10240xf32, #tpu.memory_space<vmem_shared>> -> memref<640xf32, #tpu.memory_space<vmem_shared>>
      tpu.enqueue_dma source(%arg6 : memref<640xf32, #tpu.memory_space<vmem>>) target(%dma_start3A_28 : memref<640xf32, #tpu.memory_space<vmem_shared>>) target_semaphore(%run_scoped3A : memref<!tpu.dma_semaphore, #tpu.memory_space<semaphore_mem>>)
      %dma_wait3A = tpu.memref_slice %arg7[%mul3A_13] : memref<10240xf32, #tpu.memory_space<vmem_shared>> -> memref<640xf32, #tpu.memory_space<vmem_shared>>
      %dma_wait3A_29 = tpu.memref_slice %arg7[%mul3A_13] : memref<10240xf32, #tpu.memory_space<vmem_shared>> -> memref<640xf32, #tpu.memory_space<vmem_shared>>
      tpu.wait_dma2 semaphore(%run_scoped3A : memref<!tpu.dma_semaphore, #tpu.memory_space<semaphore_mem>>) src(%arg6 : memref<640xf32, #tpu.memory_space<vmem>>) dst(%dma_wait3A_29 : memref<640xf32, #tpu.memory_space<vmem_shared>>)
      tpu.yield
    }) : () -> ()
    %mul3A_14 = arith.constant 2 : i32
    %mul3A_15 = arith.muli %arg1, %mul3A_14 : i32
    %add3A = arith.addi %mul3A_15, %arg0 : i32
    "tpu.region"() ({
      %run_scoped3A = tpu.sem_alloc : memref<!tpu.dma_semaphore, #tpu.memory_space<semaphore_mem>>
      %dma_start3A = arith.constant 0 : i32
      %dma_start3A_28 = arith.constant 0 : i32
      %dma_start3A_29 = tpu.memref_slice %arg2[%add3A, %dma_start3A, %dma_start3A_28] : memref<32x90x112xi32, #tpu.memory_space<hbm>> -> memref<1x90x112xi32, #tpu.memory_space<hbm>>
      %dma_start3A_30 = tpu.memref_squeeze %dma_start3A_29 : memref<1x90x112xi32, #tpu.memory_space<hbm>> -> memref<90x112xi32, #tpu.memory_space<hbm>>
      %dma_start3A_31 = arith.constant 0 : i32
      %dma_start3A_32 = arith.constant 0 : i32
      %dma_start3A_33 = tpu.memref_slice %arg2[%add3A, %dma_start3A_31, %dma_start3A_32] : memref<32x90x112xi32, #tpu.memory_space<hbm>> -> memref<1x90x112xi32, #tpu.memory_space<hbm>>
      %dma_start3A_34 = tpu.memref_squeeze %dma_start3A_33 : memref<1x90x112xi32, #tpu.memory_space<hbm>> -> memref<90x112xi32, #tpu.memory_space<hbm>>
      tpu.enqueue_dma source(%dma_start3A_34 : memref<90x112xi32, #tpu.memory_space<hbm>>) target(%arg4 : memref<90x112xi32, #tpu.memory_space<vmem>>) target_semaphore(%run_scoped3A : memref<!tpu.dma_semaphore, #tpu.memory_space<semaphore_mem>>)
      %dma_wait3A = arith.constant 0 : i32
      %dma_wait3A_35 = arith.constant 0 : i32
      %dma_wait3A_36 = tpu.memref_slice %arg2[%add3A, %dma_wait3A, %dma_wait3A_35] : memref<32x90x112xi32, #tpu.memory_space<hbm>> -> memref<1x90x112xi32, #tpu.memory_space<hbm>>
      %dma_wait3A_37 = tpu.memref_squeeze %dma_wait3A_36 : memref<1x90x112xi32, #tpu.memory_space<hbm>> -> memref<90x112xi32, #tpu.memory_space<hbm>>
      %dma_wait3A_38 = arith.constant 0 : i32
      %dma_wait3A_39 = arith.constant 0 : i32
      %dma_wait3A_40 = tpu.memref_slice %arg2[%add3A, %dma_wait3A_38, %dma_wait3A_39] : memref<32x90x112xi32, #tpu.memory_space<hbm>> -> memref<1x90x112xi32, #tpu.memory_space<hbm>>
      %dma_wait3A_41 = tpu.memref_squeeze %dma_wait3A_40 : memref<1x90x112xi32, #tpu.memory_space<hbm>> -> memref<90x112xi32, #tpu.memory_space<hbm>>
      tpu.wait_dma2 semaphore(%run_scoped3A : memref<!tpu.dma_semaphore, #tpu.memory_space<semaphore_mem>>) src(%dma_wait3A_41 : memref<90x112xi32, #tpu.memory_space<hbm>>) dst(%arg4 : memref<90x112xi32, #tpu.memory_space<vmem>>)
      tpu.yield
    }) : () -> ()
    %barrier3A = arith.constant 0 : index
    tpu.barrier barrier_id(%barrier3A)
    %scan3A_16 = arith.constant 0 : i32
    %scan3A_17 = arith.constant 0 : i32
    %scan3A_18 = arith.constant 90 : i32
    %scan3A_19 = arith.addi %scan3A_17, %scan3A_18 : i32
    %scan3A_20 = arith.constant 1 : i32
    %scan3A_21 = scf.for %scan3A_28 = %scan3A_17 to %scan3A_19 step %scan3A_20 iter_args(%scan3A_29 = %scan3A_16) -> (i32)  : i32 {
      "tpu.region"() ({
        %run_scoped3A = tpu.sem_alloc : memref<!tpu.dma_semaphore, #tpu.memory_space<semaphore_mem>>
        %dma_start3A = arith.constant 0 : i32
        %dma_start3A_31 = tpu.memref_slice %arg4[%scan3A_28, %dma_start3A] : memref<90x112xi32, #tpu.memory_space<vmem>> -> memref<1x112xi32, #tpu.memory_space<vmem>>
        %dma_start3A_32 = tpu.memref_squeeze %dma_start3A_31 : memref<1x112xi32, #tpu.memory_space<vmem>> -> memref<112xi32, #tpu.memory_space<vmem>>
        %dma_start3A_33 = arith.constant 0 : i32
        %dma_start3A_34 = tpu.memref_slice %arg7[%dma_start3A_33] : memref<10240xf32, #tpu.memory_space<vmem_shared>> -> memref<10240xf32, #tpu.memory_space<vmem_shared>>
        tpu.enqueue_indirect_dma source(%arg5 : memref<112xf32, #tpu.memory_space<vmem>>) target(%dma_start3A_34 : memref<10240xf32, #tpu.memory_space<vmem_shared>>) offsets(%dma_start3A_32 : memref<112xi32, #tpu.memory_space<vmem>>) semaphore(%run_scoped3A : memref<!tpu.dma_semaphore, #tpu.memory_space<semaphore_mem>>) {add = true}
        %dma_wait3A = arith.constant 0 : i32
        %dma_wait3A_35 = tpu.memref_slice %arg4[%scan3A_28, %dma_wait3A] : memref<90x112xi32, #tpu.memory_space<vmem>> -> memref<1x112xi32, #tpu.memory_space<vmem>>
        %dma_wait3A_36 = tpu.memref_squeeze %dma_wait3A_35 : memref<1x112xi32, #tpu.memory_space<vmem>> -> memref<112xi32, #tpu.memory_space<vmem>>
        %dma_wait3A_37 = arith.constant 0 : i32
        %dma_wait3A_38 = tpu.memref_slice %arg7[%dma_wait3A_37] : memref<10240xf32, #tpu.memory_space<vmem_shared>> -> memref<10240xf32, #tpu.memory_space<vmem_shared>>
        tpu.wait_indirect_dma semaphore(%run_scoped3A : memref<!tpu.dma_semaphore, #tpu.memory_space<semaphore_mem>>) src(%arg5 : memref<112xf32, #tpu.memory_space<vmem>>) dst(%dma_wait3A_38 : memref<10240xf32, #tpu.memory_space<vmem_shared>>)
        tpu.yield
      }) : () -> ()
      %scan3A_30 = arith.constant 0 : i32
      scf.yield %scan3A_30 : i32
    }
    %scan3A_22 = arith.constant 90 : i32
    %barrier3A_23 = arith.constant 0 : index
    tpu.barrier barrier_id(%barrier3A_23)
    %mul3A_24 = arith.constant 640 : i32
    %mul3A_25 = arith.muli %arg1, %mul3A_24 : i32
    "tpu.region"() ({
      %run_scoped3A = tpu.sem_alloc : memref<!tpu.dma_semaphore, #tpu.memory_space<semaphore_mem>>
      %dma_start3A = tpu.memref_slice %arg7[%mul3A_25] : memref<10240xf32, #tpu.memory_space<vmem_shared>> -> memref<640xf32, #tpu.memory_space<vmem_shared>>
      %dma_start3A_28 = tpu.memref_slice %arg7[%mul3A_25] : memref<10240xf32, #tpu.memory_space<vmem_shared>> -> memref<640xf32, #tpu.memory_space<vmem_shared>>
      tpu.enqueue_dma source(%dma_start3A_28 : memref<640xf32, #tpu.memory_space<vmem_shared>>) target(%arg6 : memref<640xf32, #tpu.memory_space<vmem>>) target_semaphore(%run_scoped3A : memref<!tpu.dma_semaphore, #tpu.memory_space<semaphore_mem>>)
      %dma_wait3A = tpu.memref_slice %arg7[%mul3A_25] : memref<10240xf32, #tpu.memory_space<vmem_shared>> -> memref<640xf32, #tpu.memory_space<vmem_shared>>
      %dma_wait3A_29 = tpu.memref_slice %arg7[%mul3A_25] : memref<10240xf32, #tpu.memory_space<vmem_shared>> -> memref<640xf32, #tpu.memory_space<vmem_shared>>
      tpu.wait_dma2 semaphore(%run_scoped3A : memref<!tpu.dma_semaphore, #tpu.memory_space<semaphore_mem>>) src(%dma_wait3A_29 : memref<640xf32, #tpu.memory_space<vmem_shared>>) dst(%arg6 : memref<640xf32, #tpu.memory_space<vmem>>)
      tpu.yield
    }) : () -> ()
    %mul3A_26 = arith.constant 640 : i32
    %mul3A_27 = arith.muli %arg1, %mul3A_26 : i32
    "tpu.region"() ({
      %run_scoped3A = tpu.sem_alloc : memref<!tpu.dma_semaphore, #tpu.memory_space<semaphore_mem>>
      %dma_start3A = tpu.memref_slice %arg3[%arg0, %mul3A_27] : memref<2x10240xf32, #tpu.memory_space<hbm>> -> memref<1x640xf32, #tpu.memory_space<hbm>>
      %dma_start3A_28 = tpu.memref_squeeze %dma_start3A : memref<1x640xf32, #tpu.memory_space<hbm>> -> memref<640xf32, #tpu.memory_space<hbm>>
      %dma_start3A_29 = tpu.memref_slice %arg3[%arg0, %mul3A_27] : memref<2x10240xf32, #tpu.memory_space<hbm>> -> memref<1x640xf32, #tpu.memory_space<hbm>>
      %dma_start3A_30 = tpu.memref_squeeze %dma_start3A_29 : memref<1x640xf32, #tpu.memory_space<hbm>> -> memref<640xf32, #tpu.memory_space<hbm>>
      tpu.enqueue_dma source(%arg6 : memref<640xf32, #tpu.memory_space<vmem>>) target(%dma_start3A_30 : memref<640xf32, #tpu.memory_space<hbm>>) target_semaphore(%run_scoped3A : memref<!tpu.dma_semaphore, #tpu.memory_space<semaphore_mem>>)
      %dma_wait3A = tpu.memref_slice %arg3[%arg0, %mul3A_27] : memref<2x10240xf32, #tpu.memory_space<hbm>> -> memref<1x640xf32, #tpu.memory_space<hbm>>
      %dma_wait3A_31 = tpu.memref_squeeze %dma_wait3A : memref<1x640xf32, #tpu.memory_space<hbm>> -> memref<640xf32, #tpu.memory_space<hbm>>
      %dma_wait3A_32 = tpu.memref_slice %arg3[%arg0, %mul3A_27] : memref<2x10240xf32, #tpu.memory_space<hbm>> -> memref<1x640xf32, #tpu.memory_space<hbm>>
      %dma_wait3A_33 = tpu.memref_squeeze %dma_wait3A_32 : memref<1x640xf32, #tpu.memory_space<hbm>> -> memref<640xf32, #tpu.memory_space<hbm>>
      tpu.wait_dma2 semaphore(%run_scoped3A : memref<!tpu.dma_semaphore, #tpu.memory_space<semaphore_mem>>) src(%arg6 : memref<640xf32, #tpu.memory_space<vmem>>) dst(%dma_wait3A_33 : memref<640xf32, #tpu.memory_space<hbm>>)
      tpu.yield
    }) : () -> ()
    return
  }
}

#map = affine_map<(d0, d1) -> (0, 0, 0)>
module attributes {stable_mosaic.version = 14 : i64} {
  func.func @_agg_body(%arg0: i32, %arg1: i32, %arg2: memref<2x10000x64xf32, #tpu.memory_space<hbm>>, %arg3: memref<16x180x112xi32, #tpu.memory_space<hbm>>, %arg4: memref<16x180x112xi32, #tpu.memory_space<hbm>>, %arg5: memref<2x10112x64xf32, #tpu.memory_space<hbm>>, %arg6: memref<180x112xi32, #tpu.memory_space<vmem>>, %arg7: memref<180x112xi32, #tpu.memory_space<vmem>>, %arg8: memref<112x64xf32, #tpu.memory_space<vmem>>, %arg9: memref<112x64xf32, #tpu.memory_space<vmem>>, %arg10: memref<112x64xf32, #tpu.memory_space<vmem>>, %arg11: memref<112x64xf32, #tpu.memory_space<vmem>>, %arg12: memref<112x64xf32, #tpu.memory_space<vmem>>, %arg13: memref<112x64xf32, #tpu.memory_space<vmem>>, %arg14: memref<112x64xf32, #tpu.memory_space<vmem>>, %arg15: memref<10112x64xf32, #tpu.memory_space<vmem_shared>>, %arg16: memref<!tpu.dma_semaphore, #tpu.memory_space<semaphore_mem>>, %arg17: memref<!tpu.dma_semaphore, #tpu.memory_space<semaphore_mem>>, %arg18: memref<!tpu.dma_semaphore, #tpu.memory_space<semaphore_mem>>, %arg19: memref<!tpu.dma_semaphore, #tpu.memory_space<semaphore_mem>>, %arg20: memref<!tpu.dma_semaphore, #tpu.memory_space<semaphore_mem>>, %arg21: memref<!tpu.dma_semaphore, #tpu.memory_space<semaphore_mem>>) attributes {dimension_semantics = [#tpu.dimension_semantics<core_parallel>, #tpu.dimension_semantics<subcore_parallel>], iteration_bounds = array<i64: 2, 16>, scalar_prefetch = 0 : i64, scratch_operands = 16 : i64, tpu.core_type = #tpu.core_type<sc_vector_subcore>, window_params = [{transform_indices = #map}, {transform_indices = #map}, {transform_indices = #map}, {transform_indices = #map}]} {
    "tpu.region"() ({
      %run_scoped3A_162 = tpu.sem_alloc : memref<!tpu.dma_semaphore, #tpu.memory_space<semaphore_mem>>
      %dma_start3A_163 = arith.constant 0 : i32
      %dma_start3A_164 = arith.constant 0 : i32
      %dma_start3A_165 = tpu.memref_slice %arg3[%arg1, %dma_start3A_163, %dma_start3A_164] : memref<16x180x112xi32, #tpu.memory_space<hbm>> -> memref<1x180x112xi32, #tpu.memory_space<hbm>>
      %dma_start3A_166 = tpu.memref_squeeze %dma_start3A_165 : memref<1x180x112xi32, #tpu.memory_space<hbm>> -> memref<180x112xi32, #tpu.memory_space<hbm>>
      %dma_start3A_167 = arith.constant 0 : i32
      %dma_start3A_168 = arith.constant 0 : i32
      %dma_start3A_169 = tpu.memref_slice %arg3[%arg1, %dma_start3A_167, %dma_start3A_168] : memref<16x180x112xi32, #tpu.memory_space<hbm>> -> memref<1x180x112xi32, #tpu.memory_space<hbm>>
      %dma_start3A_170 = tpu.memref_squeeze %dma_start3A_169 : memref<1x180x112xi32, #tpu.memory_space<hbm>> -> memref<180x112xi32, #tpu.memory_space<hbm>>
      tpu.enqueue_dma source(%dma_start3A_170 : memref<180x112xi32, #tpu.memory_space<hbm>>) target(%arg6 : memref<180x112xi32, #tpu.memory_space<vmem>>) target_semaphore(%run_scoped3A_162 : memref<!tpu.dma_semaphore, #tpu.memory_space<semaphore_mem>>)
      %dma_wait3A_171 = arith.constant 0 : i32
      %dma_wait3A_172 = arith.constant 0 : i32
      %dma_wait3A_173 = tpu.memref_slice %arg3[%arg1, %dma_wait3A_171, %dma_wait3A_172] : memref<16x180x112xi32, #tpu.memory_space<hbm>> -> memref<1x180x112xi32, #tpu.memory_space<hbm>>
      %dma_wait3A_174 = tpu.memref_squeeze %dma_wait3A_173 : memref<1x180x112xi32, #tpu.memory_space<hbm>> -> memref<180x112xi32, #tpu.memory_space<hbm>>
      %dma_wait3A_175 = arith.constant 0 : i32
      %dma_wait3A_176 = arith.constant 0 : i32
      %dma_wait3A_177 = tpu.memref_slice %arg3[%arg1, %dma_wait3A_175, %dma_wait3A_176] : memref<16x180x112xi32, #tpu.memory_space<hbm>> -> memref<1x180x112xi32, #tpu.memory_space<hbm>>
      %dma_wait3A_178 = tpu.memref_squeeze %dma_wait3A_177 : memref<1x180x112xi32, #tpu.memory_space<hbm>> -> memref<180x112xi32, #tpu.memory_space<hbm>>
      tpu.wait_dma2 semaphore(%run_scoped3A_162 : memref<!tpu.dma_semaphore, #tpu.memory_space<semaphore_mem>>) src(%dma_wait3A_178 : memref<180x112xi32, #tpu.memory_space<hbm>>) dst(%arg6 : memref<180x112xi32, #tpu.memory_space<vmem>>)
      tpu.yield
    }) : () -> ()
    "tpu.region"() ({
      %run_scoped3A_162 = tpu.sem_alloc : memref<!tpu.dma_semaphore, #tpu.memory_space<semaphore_mem>>
      %dma_start3A_163 = arith.constant 0 : i32
      %dma_start3A_164 = arith.constant 0 : i32
      %dma_start3A_165 = tpu.memref_slice %arg4[%arg1, %dma_start3A_163, %dma_start3A_164] : memref<16x180x112xi32, #tpu.memory_space<hbm>> -> memref<1x180x112xi32, #tpu.memory_space<hbm>>
      %dma_start3A_166 = tpu.memref_squeeze %dma_start3A_165 : memref<1x180x112xi32, #tpu.memory_space<hbm>> -> memref<180x112xi32, #tpu.memory_space<hbm>>
      %dma_start3A_167 = arith.constant 0 : i32
      %dma_start3A_168 = arith.constant 0 : i32
      %dma_start3A_169 = tpu.memref_slice %arg4[%arg1, %dma_start3A_167, %dma_start3A_168] : memref<16x180x112xi32, #tpu.memory_space<hbm>> -> memref<1x180x112xi32, #tpu.memory_space<hbm>>
      %dma_start3A_170 = tpu.memref_squeeze %dma_start3A_169 : memref<1x180x112xi32, #tpu.memory_space<hbm>> -> memref<180x112xi32, #tpu.memory_space<hbm>>
      tpu.enqueue_dma source(%dma_start3A_170 : memref<180x112xi32, #tpu.memory_space<hbm>>) target(%arg7 : memref<180x112xi32, #tpu.memory_space<vmem>>) target_semaphore(%run_scoped3A_162 : memref<!tpu.dma_semaphore, #tpu.memory_space<semaphore_mem>>)
      %dma_wait3A_171 = arith.constant 0 : i32
      %dma_wait3A_172 = arith.constant 0 : i32
      %dma_wait3A_173 = tpu.memref_slice %arg4[%arg1, %dma_wait3A_171, %dma_wait3A_172] : memref<16x180x112xi32, #tpu.memory_space<hbm>> -> memref<1x180x112xi32, #tpu.memory_space<hbm>>
      %dma_wait3A_174 = tpu.memref_squeeze %dma_wait3A_173 : memref<1x180x112xi32, #tpu.memory_space<hbm>> -> memref<180x112xi32, #tpu.memory_space<hbm>>
      %dma_wait3A_175 = arith.constant 0 : i32
      %dma_wait3A_176 = arith.constant 0 : i32
      %dma_wait3A_177 = tpu.memref_slice %arg4[%arg1, %dma_wait3A_175, %dma_wait3A_176] : memref<16x180x112xi32, #tpu.memory_space<hbm>> -> memref<1x180x112xi32, #tpu.memory_space<hbm>>
      %dma_wait3A_178 = tpu.memref_squeeze %dma_wait3A_177 : memref<1x180x112xi32, #tpu.memory_space<hbm>> -> memref<180x112xi32, #tpu.memory_space<hbm>>
      tpu.wait_dma2 semaphore(%run_scoped3A_162 : memref<!tpu.dma_semaphore, #tpu.memory_space<semaphore_mem>>) src(%dma_wait3A_178 : memref<180x112xi32, #tpu.memory_space<hbm>>) dst(%arg7 : memref<180x112xi32, #tpu.memory_space<vmem>>)
      tpu.yield
    }) : () -> ()
    %dma_start3A = arith.constant 0 : i32
    %dma_start3A_0 = arith.constant 0 : i32
    %dma_start3A_1 = tpu.memref_slice %arg6[%dma_start3A, %dma_start3A_0] : memref<180x112xi32, #tpu.memory_space<vmem>> -> memref<1x112xi32, #tpu.memory_space<vmem>>
    %dma_start3A_2 = tpu.memref_squeeze %dma_start3A_1 : memref<1x112xi32, #tpu.memory_space<vmem>> -> memref<112xi32, #tpu.memory_space<vmem>>
    %dma_start3A_3 = arith.constant 0 : i32
    %dma_start3A_4 = arith.constant 0 : i32
    %dma_start3A_5 = tpu.memref_slice %arg2[%arg0, %dma_start3A_3, %dma_start3A_4] : memref<2x10000x64xf32, #tpu.memory_space<hbm>> -> memref<1x10000x64xf32, #tpu.memory_space<hbm>>
    %dma_start3A_6 = tpu.memref_squeeze %dma_start3A_5 : memref<1x10000x64xf32, #tpu.memory_space<hbm>> -> memref<10000x64xf32, #tpu.memory_space<hbm>>
    %dma_start3A_7 = arith.constant 0 : i32
    %dma_start3A_8 = arith.constant 0 : i32
    %dma_start3A_9 = tpu.memref_slice %dma_start3A_6[%dma_start3A_7, %dma_start3A_8] : memref<10000x64xf32, #tpu.memory_space<hbm>> -> memref<10000x64xf32, #tpu.memory_space<hbm>>
    tpu.enqueue_indirect_dma source(%dma_start3A_9 : memref<10000x64xf32, #tpu.memory_space<hbm>>) target(%arg8 : memref<112x64xf32, #tpu.memory_space<vmem>>) offsets(%dma_start3A_2 : memref<112xi32, #tpu.memory_space<vmem>>) semaphore(%arg16 : memref<!tpu.dma_semaphore, #tpu.memory_space<semaphore_mem>>)
    %dma_start3A_10 = arith.constant 1 : i32
    %dma_start3A_11 = arith.constant 0 : i32
    %dma_start3A_12 = tpu.memref_slice %arg6[%dma_start3A_10, %dma_start3A_11] : memref<180x112xi32, #tpu.memory_space<vmem>> -> memref<1x112xi32, #tpu.memory_space<vmem>>
    %dma_start3A_13 = tpu.memref_squeeze %dma_start3A_12 : memref<1x112xi32, #tpu.memory_space<vmem>> -> memref<112xi32, #tpu.memory_space<vmem>>
    %dma_start3A_14 = arith.constant 0 : i32
    %dma_start3A_15 = arith.constant 0 : i32
    %dma_start3A_16 = tpu.memref_slice %arg2[%arg0, %dma_start3A_14, %dma_start3A_15] : memref<2x10000x64xf32, #tpu.memory_space<hbm>> -> memref<1x10000x64xf32, #tpu.memory_space<hbm>>
    %dma_start3A_17 = tpu.memref_squeeze %dma_start3A_16 : memref<1x10000x64xf32, #tpu.memory_space<hbm>> -> memref<10000x64xf32, #tpu.memory_space<hbm>>
    %dma_start3A_18 = arith.constant 0 : i32
    %dma_start3A_19 = arith.constant 0 : i32
    %dma_start3A_20 = tpu.memref_slice %dma_start3A_17[%dma_start3A_18, %dma_start3A_19] : memref<10000x64xf32, #tpu.memory_space<hbm>> -> memref<10000x64xf32, #tpu.memory_space<hbm>>
    tpu.enqueue_indirect_dma source(%dma_start3A_20 : memref<10000x64xf32, #tpu.memory_space<hbm>>) target(%arg9 : memref<112x64xf32, #tpu.memory_space<vmem>>) offsets(%dma_start3A_13 : memref<112xi32, #tpu.memory_space<vmem>>) semaphore(%arg17 : memref<!tpu.dma_semaphore, #tpu.memory_space<semaphore_mem>>)
    %dma_start3A_21 = arith.constant 2 : i32
    %dma_start3A_22 = arith.constant 0 : i32
    %dma_start3A_23 = tpu.memref_slice %arg6[%dma_start3A_21, %dma_start3A_22] : memref<180x112xi32, #tpu.memory_space<vmem>> -> memref<1x112xi32, #tpu.memory_space<vmem>>
    %dma_start3A_24 = tpu.memref_squeeze %dma_start3A_23 : memref<1x112xi32, #tpu.memory_space<vmem>> -> memref<112xi32, #tpu.memory_space<vmem>>
    %dma_start3A_25 = arith.constant 0 : i32
    %dma_start3A_26 = arith.constant 0 : i32
    %dma_start3A_27 = tpu.memref_slice %arg2[%arg0, %dma_start3A_25, %dma_start3A_26] : memref<2x10000x64xf32, #tpu.memory_space<hbm>> -> memref<1x10000x64xf32, #tpu.memory_space<hbm>>
    %dma_start3A_28 = tpu.memref_squeeze %dma_start3A_27 : memref<1x10000x64xf32, #tpu.memory_space<hbm>> -> memref<10000x64xf32, #tpu.memory_space<hbm>>
    %dma_start3A_29 = arith.constant 0 : i32
    %dma_start3A_30 = arith.constant 0 : i32
    %dma_start3A_31 = tpu.memref_slice %dma_start3A_28[%dma_start3A_29, %dma_start3A_30] : memref<10000x64xf32, #tpu.memory_space<hbm>> -> memref<10000x64xf32, #tpu.memory_space<hbm>>
    tpu.enqueue_indirect_dma source(%dma_start3A_31 : memref<10000x64xf32, #tpu.memory_space<hbm>>) target(%arg10 : memref<112x64xf32, #tpu.memory_space<vmem>>) offsets(%dma_start3A_24 : memref<112xi32, #tpu.memory_space<vmem>>) semaphore(%arg18 : memref<!tpu.dma_semaphore, #tpu.memory_space<semaphore_mem>>)
    %scan3A = arith.constant 0 : i32
    %scan3A_32 = arith.constant 0 : i32
    %scan3A_33 = arith.constant 448 : i32
    %scan3A_34 = arith.addi %scan3A_32, %scan3A_33 : i32
    %scan3A_35 = arith.constant 1 : i32
    %scan3A_36 = scf.for %scan3A_162 = %scan3A_32 to %scan3A_34 step %scan3A_35 iter_args(%scan3A_163 = %scan3A) -> (i32)  : i32 {
      %broadcast_in_dim3A = arith.constant 0.000000e+00 : f32
      %broadcast_in_dim3A_164 = vector.broadcast %broadcast_in_dim3A : f32 to vector<16xf32>
      %jit3A = arith.constant 4 : i32
      %div3A = arith.divsi %scan3A_162, %jit3A : i32
      %sign3A = arith.constant 0 : i32
      %sign3A_165 = arith.cmpi sgt, %scan3A_162, %sign3A : i32
      %sign3A_166 = arith.extui %sign3A_165 : i1 to i32
      %sign3A_167 = arith.constant 0 : i32
      %sign3A_168 = arith.cmpi slt, %scan3A_162, %sign3A_167 : i32
      %sign3A_169 = arith.extui %sign3A_168 : i1 to i32
      %sign3A_170 = arith.subi %sign3A_166, %sign3A_169 : i32
      %sign3A_171 = arith.constant 0 : i32
      %sign3A_172 = arith.cmpi sgt, %jit3A, %sign3A_171 : i32
      %sign3A_173 = arith.extui %sign3A_172 : i1 to i32
      %sign3A_174 = arith.constant 0 : i32
      %sign3A_175 = arith.cmpi slt, %jit3A, %sign3A_174 : i32
      %sign3A_176 = arith.extui %sign3A_175 : i1 to i32
      %sign3A_177 = arith.subi %sign3A_173, %sign3A_176 : i32
      %ne3A = arith.cmpi ne, %sign3A_170, %sign3A_177 : i32
      %rem3A = arith.remsi %scan3A_162, %jit3A : i32
      %ne3A_178 = arith.constant 0 : i32
      %ne3A_179 = arith.cmpi ne, %rem3A, %ne3A_178 : i32
      %and3A = arith.andi %ne3A, %ne3A_179 : i1
      %sub3A = arith.constant 1 : i32
      %sub3A_180 = arith.subi %div3A, %sub3A : i32
      %select_n3A = arith.select %and3A, %sub3A_180, %div3A : i32
      %jit3A_181 = arith.constant 4 : i32
      %eq3A = arith.constant 0 : i32
      %eq3A_182 = arith.cmpi eq, %jit3A_181, %eq3A : i32
      %jit3A_183 = arith.constant 1 : i32
      %select_n3A_184 = arith.select %eq3A_182, %jit3A_183, %jit3A_181 : i32
      %rem3A_185 = arith.remsi %scan3A_162, %select_n3A_184 : i32
      %ne3A_186 = arith.constant 0 : i32
      %ne3A_187 = arith.cmpi ne, %rem3A_185, %ne3A_186 : i32
      %lt3A = arith.constant 0 : i32
      %lt3A_188 = arith.cmpi slt, %rem3A_185, %lt3A : i32
      %lt3A_189 = arith.constant 0 : i32
      %lt3A_190 = arith.cmpi slt, %select_n3A_184, %lt3A_189 : i32
      %ne3A_191 = arith.xori %lt3A_188, %lt3A_190 : i1
      %and3A_192 = arith.andi %ne3A_191, %ne3A_187 : i1
      %add3A_193 = arith.addi %rem3A_185, %select_n3A_184 : i32
      %select_n3A_194 = arith.select %and3A_192, %add3A_193, %rem3A_185 : i32
      %mul3A_195 = arith.constant 16 : i32
      %mul3A_196 = arith.muli %select_n3A_194, %mul3A_195 : i32
      %swap3A = arith.index_cast %select_n3A : i32 to index
      %swap3A_197 = arith.index_cast %mul3A_196 : i32 to index
      %swap3A_198 = tpu.vector_load %arg14[%swap3A, %swap3A_197] {strides = array<i32>} : memref<112x64xf32, #tpu.memory_space<vmem>>, vector<1x16xf32>,
      %swap3A_199 = vector.shape_cast %swap3A_198 : vector<1x16xf32> to vector<16xf32>
      %swap3A_200 = vector.shape_cast %broadcast_in_dim3A_164 : vector<16xf32> to vector<1x16xf32>
      tpu.vector_store %arg14[%swap3A, %swap3A_197], %swap3A_200 {strides = array<i32>} : memref<112x64xf32, #tpu.memory_space<vmem>>, vector<1x16xf32>,
      %scan3A_201 = arith.constant 0 : i32
      scf.yield %scan3A_201 : i32
    }
    %scan3A_37 = arith.constant 448 : i32
    %scan3A_38 = arith.constant 0 : i32
    %scan3A_39 = arith.constant 0 : i32
    %scan3A_40 = arith.constant 5 : i32
    %scan3A_41 = arith.addi %scan3A_39, %scan3A_40 : i32
    %scan3A_42 = arith.constant 1 : i32
    %scan3A_43 = scf.for %scan3A_162 = %scan3A_39 to %scan3A_41 step %scan3A_42 iter_args(%scan3A_163 = %scan3A_38) -> (i32)  : i32 {
      %mul3A_164 = arith.constant 632 : i32
      %mul3A_165 = arith.muli %arg1, %mul3A_164 : i32
      %mul3A_166 = arith.constant 112 : i32
      %mul3A_167 = arith.muli %scan3A_162, %mul3A_166 : i32
      %add3A_168 = arith.addi %mul3A_165, %mul3A_167 : i32
      "tpu.region"() ({
        %run_scoped3A_170 = tpu.sem_alloc : memref<!tpu.dma_semaphore, #tpu.memory_space<semaphore_mem>>
        %dma_start3A_171 = arith.constant 0 : i32
        %dma_start3A_172 = tpu.memref_slice %arg15[%add3A_168, %dma_start3A_171] : memref<10112x64xf32, #tpu.memory_space<vmem_shared>> -> memref<112x64xf32, #tpu.memory_space<vmem_shared>>
        %dma_start3A_173 = arith.constant 0 : i32
        %dma_start3A_174 = tpu.memref_slice %arg15[%add3A_168, %dma_start3A_173] : memref<10112x64xf32, #tpu.memory_space<vmem_shared>> -> memref<112x64xf32, #tpu.memory_space<vmem_shared>>
        tpu.enqueue_dma source(%arg14 : memref<112x64xf32, #tpu.memory_space<vmem>>) target(%dma_start3A_174 : memref<112x64xf32, #tpu.memory_space<vmem_shared>>) target_semaphore(%run_scoped3A_170 : memref<!tpu.dma_semaphore, #tpu.memory_space<semaphore_mem>>)
        %dma_wait3A_175 = arith.constant 0 : i32
        %dma_wait3A_176 = tpu.memref_slice %arg15[%add3A_168, %dma_wait3A_175] : memref<10112x64xf32, #tpu.memory_space<vmem_shared>> -> memref<112x64xf32, #tpu.memory_space<vmem_shared>>
        %dma_wait3A_177 = arith.constant 0 : i32
        %dma_wait3A_178 = tpu.memref_slice %arg15[%add3A_168, %dma_wait3A_177] : memref<10112x64xf32, #tpu.memory_space<vmem_shared>> -> memref<112x64xf32, #tpu.memory_space<vmem_shared>>
        tpu.wait_dma2 semaphore(%run_scoped3A_170 : memref<!tpu.dma_semaphore, #tpu.memory_space<semaphore_mem>>) src(%arg14 : memref<112x64xf32, #tpu.memory_space<vmem>>) dst(%dma_wait3A_178 : memref<112x64xf32, #tpu.memory_space<vmem_shared>>)
        tpu.yield
      }) : () -> ()
      %scan3A_169 = arith.constant 0 : i32
      scf.yield %scan3A_169 : i32
    }
    %scan3A_44 = arith.constant 5 : i32
    %mul3A = arith.constant 632 : i32
    %mul3A_45 = arith.muli %arg1, %mul3A : i32
    %add3A = arith.constant 560 : i32
    %add3A_46 = arith.addi %mul3A_45, %add3A : i32
    "tpu.region"() ({
      %run_scoped3A_162 = tpu.sem_alloc : memref<!tpu.dma_semaphore, #tpu.memory_space<semaphore_mem>>
      %dma_start3A_163 = arith.constant 0 : i32
      %dma_start3A_164 = arith.constant 0 : i32
      %dma_start3A_165 = tpu.memref_slice %arg14[%dma_start3A_163, %dma_start3A_164] : memref<112x64xf32, #tpu.memory_space<vmem>> -> memref<72x64xf32, #tpu.memory_space<vmem>>
      %dma_start3A_166 = arith.constant 0 : i32
      %dma_start3A_167 = tpu.memref_slice %arg15[%add3A_46, %dma_start3A_166] : memref<10112x64xf32, #tpu.memory_space<vmem_shared>> -> memref<72x64xf32, #tpu.memory_space<vmem_shared>>
      %dma_start3A_168 = arith.constant 0 : i32
      %dma_start3A_169 = tpu.memref_slice %arg15[%add3A_46, %dma_start3A_168] : memref<10112x64xf32, #tpu.memory_space<vmem_shared>> -> memref<72x64xf32, #tpu.memory_space<vmem_shared>>
      %dma_start3A_170 = arith.constant 0 : i32
      %dma_start3A_171 = arith.constant 0 : i32
      %dma_start3A_172 = tpu.memref_slice %arg14[%dma_start3A_170, %dma_start3A_171] : memref<112x64xf32, #tpu.memory_space<vmem>> -> memref<72x64xf32, #tpu.memory_space<vmem>>
      tpu.enqueue_dma source(%dma_start3A_172 : memref<72x64xf32, #tpu.memory_space<vmem>>) target(%dma_start3A_169 : memref<72x64xf32, #tpu.memory_space<vmem_shared>>) target_semaphore(%run_scoped3A_162 : memref<!tpu.dma_semaphore, #tpu.memory_space<semaphore_mem>>)
      %dma_wait3A_173 = arith.constant 0 : i32
      %dma_wait3A_174 = arith.constant 0 : i32
      %dma_wait3A_175 = tpu.memref_slice %arg14[%dma_wait3A_173, %dma_wait3A_174] : memref<112x64xf32, #tpu.memory_space<vmem>> -> memref<72x64xf32, #tpu.memory_space<vmem>>
      %dma_wait3A_176 = arith.constant 0 : i32
      %dma_wait3A_177 = tpu.memref_slice %arg15[%add3A_46, %dma_wait3A_176] : memref<10112x64xf32, #tpu.memory_space<vmem_shared>> -> memref<72x64xf32, #tpu.memory_space<vmem_shared>>
      %dma_wait3A_178 = arith.constant 0 : i32
      %dma_wait3A_179 = tpu.memref_slice %arg15[%add3A_46, %dma_wait3A_178] : memref<10112x64xf32, #tpu.memory_space<vmem_shared>> -> memref<72x64xf32, #tpu.memory_space<vmem_shared>>
      %dma_wait3A_180 = arith.constant 0 : i32
      %dma_wait3A_181 = arith.constant 0 : i32
      %dma_wait3A_182 = tpu.memref_slice %arg14[%dma_wait3A_180, %dma_wait3A_181] : memref<112x64xf32, #tpu.memory_space<vmem>> -> memref<72x64xf32, #tpu.memory_space<vmem>>
      tpu.wait_dma2 semaphore(%run_scoped3A_162 : memref<!tpu.dma_semaphore, #tpu.memory_space<semaphore_mem>>) src(%dma_wait3A_182 : memref<72x64xf32, #tpu.memory_space<vmem>>) dst(%dma_wait3A_179 : memref<72x64xf32, #tpu.memory_space<vmem_shared>>)
      tpu.yield
    }) : () -> ()
    %barrier3A = arith.constant 0 : index
    tpu.barrier barrier_id(%barrier3A)
    %dma_wait3A = arith.constant 0 : i32
    %dma_wait3A_47 = arith.constant 0 : i32
    %dma_wait3A_48 = tpu.memref_slice %arg6[%dma_wait3A, %dma_wait3A_47] : memref<180x112xi32, #tpu.memory_space<vmem>> -> memref<1x112xi32, #tpu.memory_space<vmem>>
    %dma_wait3A_49 = tpu.memref_squeeze %dma_wait3A_48 : memref<1x112xi32, #tpu.memory_space<vmem>> -> memref<112xi32, #tpu.memory_space<vmem>>
    %dma_wait3A_50 = arith.constant 0 : i32
    %dma_wait3A_51 = arith.constant 0 : i32
    %dma_wait3A_52 = tpu.memref_slice %arg2[%arg0, %dma_wait3A_50, %dma_wait3A_51] : memref<2x10000x64xf32, #tpu.memory_space<hbm>> -> memref<1x10000x64xf32, #tpu.memory_space<hbm>>
    %dma_wait3A_53 = tpu.memref_squeeze %dma_wait3A_52 : memref<1x10000x64xf32, #tpu.memory_space<hbm>> -> memref<10000x64xf32, #tpu.memory_space<hbm>>
    %dma_wait3A_54 = arith.constant 0 : i32
    %dma_wait3A_55 = arith.constant 0 : i32
    %dma_wait3A_56 = tpu.memref_slice %dma_wait3A_53[%dma_wait3A_54, %dma_wait3A_55] : memref<10000x64xf32, #tpu.memory_space<hbm>> -> memref<10000x64xf32, #tpu.memory_space<hbm>>
    tpu.wait_indirect_dma semaphore(%arg16 : memref<!tpu.dma_semaphore, #tpu.memory_space<semaphore_mem>>) src(%dma_wait3A_56 : memref<10000x64xf32, #tpu.memory_space<hbm>>) dst(%arg8 : memref<112x64xf32, #tpu.memory_space<vmem>>)
    %run_scoped3A = arith.constant 0 : i32
    "tpu.region"() ({
      %run_scoped3A_162 = tpu.sem_alloc : memref<!tpu.dma_semaphore, #tpu.memory_space<semaphore_mem>>
      %dma_start3A_163 = arith.constant 0 : i32
      %dma_start3A_164 = tpu.memref_slice %arg7[%run_scoped3A, %dma_start3A_163] : memref<180x112xi32, #tpu.memory_space<vmem>> -> memref<1x112xi32, #tpu.memory_space<vmem>>
      %dma_start3A_165 = tpu.memref_squeeze %dma_start3A_164 : memref<1x112xi32, #tpu.memory_space<vmem>> -> memref<112xi32, #tpu.memory_space<vmem>>
      %dma_start3A_166 = arith.constant 0 : i32
      %dma_start3A_167 = arith.constant 0 : i32
      %dma_start3A_168 = tpu.memref_slice %arg15[%dma_start3A_166, %dma_start3A_167] : memref<10112x64xf32, #tpu.memory_space<vmem_shared>> -> memref<10112x64xf32, #tpu.memory_space<vmem_shared>>
      tpu.enqueue_indirect_dma source(%arg8 : memref<112x64xf32, #tpu.memory_space<vmem>>) target(%dma_start3A_168 : memref<10112x64xf32, #tpu.memory_space<vmem_shared>>) offsets(%dma_start3A_165 : memref<112xi32, #tpu.memory_space<vmem>>) semaphore(%run_scoped3A_162 : memref<!tpu.dma_semaphore, #tpu.memory_space<semaphore_mem>>) {add = true}
      %dma_wait3A_169 = arith.constant 0 : i32
      %dma_wait3A_170 = tpu.memref_slice %arg7[%run_scoped3A, %dma_wait3A_169] : memref<180x112xi32, #tpu.memory_space<vmem>> -> memref<1x112xi32, #tpu.memory_space<vmem>>
      %dma_wait3A_171 = tpu.memref_squeeze %dma_wait3A_170 : memref<1x112xi32, #tpu.memory_space<vmem>> -> memref<112xi32, #tpu.memory_space<vmem>>
      %dma_wait3A_172 = arith.constant 0 : i32
      %dma_wait3A_173 = arith.constant 0 : i32
      %dma_wait3A_174 = tpu.memref_slice %arg15[%dma_wait3A_172, %dma_wait3A_173] : memref<10112x64xf32, #tpu.memory_space<vmem_shared>> -> memref<10112x64xf32, #tpu.memory_space<vmem_shared>>
      tpu.wait_indirect_dma semaphore(%run_scoped3A_162 : memref<!tpu.dma_semaphore, #tpu.memory_space<semaphore_mem>>) src(%arg8 : memref<112x64xf32, #tpu.memory_space<vmem>>) dst(%dma_wait3A_174 : memref<10112x64xf32, #tpu.memory_space<vmem_shared>>)
      tpu.yield
    }) : () -> ()
    %dma_start3A_57 = arith.constant 3 : i32
    %dma_start3A_58 = arith.constant 0 : i32
    %dma_start3A_59 = tpu.memref_slice %arg6[%dma_start3A_57, %dma_start3A_58] : memref<180x112xi32, #tpu.memory_space<vmem>> -> memref<1x112xi32, #tpu.memory_space<vmem>>
    %dma_start3A_60 = tpu.memref_squeeze %dma_start3A_59 : memref<1x112xi32, #tpu.memory_space<vmem>> -> memref<112xi32, #tpu.memory_space<vmem>>
    %dma_start3A_61 = arith.constant 0 : i32
    %dma_start3A_62 = arith.constant 0 : i32
    %dma_start3A_63 = tpu.memref_slice %arg2[%arg0, %dma_start3A_61, %dma_start3A_62] : memref<2x10000x64xf32, #tpu.memory_space<hbm>> -> memref<1x10000x64xf32, #tpu.memory_space<hbm>>
    %dma_start3A_64 = tpu.memref_squeeze %dma_start3A_63 : memref<1x10000x64xf32, #tpu.memory_space<hbm>> -> memref<10000x64xf32, #tpu.memory_space<hbm>>
    %dma_start3A_65 = arith.constant 0 : i32
    %dma_start3A_66 = arith.constant 0 : i32
    %dma_start3A_67 = tpu.memref_slice %dma_start3A_64[%dma_start3A_65, %dma_start3A_66] : memref<10000x64xf32, #tpu.memory_space<hbm>> -> memref<10000x64xf32, #tpu.memory_space<hbm>>
    tpu.enqueue_indirect_dma source(%dma_start3A_67 : memref<10000x64xf32, #tpu.memory_space<hbm>>) target(%arg11 : memref<112x64xf32, #tpu.memory_space<vmem>>) offsets(%dma_start3A_60 : memref<112xi32, #tpu.memory_space<vmem>>) semaphore(%arg19 : memref<!tpu.dma_semaphore, #tpu.memory_space<semaphore_mem>>)
    %dma_wait3A_68 = arith.constant 1 : i32
    %dma_wait3A_69 = arith.constant 0 : i32
    %dma_wait3A_70 = tpu.memref_slice %arg6[%dma_wait3A_68, %dma_wait3A_69] : memref<180x112xi32, #tpu.memory_space<vmem>> -> memref<1x112xi32, #tpu.memory_space<vmem>>
    %dma_wait3A_71 = tpu.memref_squeeze %dma_wait3A_70 : memref<1x112xi32, #tpu.memory_space<vmem>> -> memref<112xi32, #tpu.memory_space<vmem>>
    %dma_wait3A_72 = arith.constant 0 : i32
    %dma_wait3A_73 = arith.constant 0 : i32
    %dma_wait3A_74 = tpu.memref_slice %arg2[%arg0, %dma_wait3A_72, %dma_wait3A_73] : memref<2x10000x64xf32, #tpu.memory_space<hbm>> -> memref<1x10000x64xf32, #tpu.memory_space<hbm>>
    %dma_wait3A_75 = tpu.memref_squeeze %dma_wait3A_74 : memref<1x10000x64xf32, #tpu.memory_space<hbm>> -> memref<10000x64xf32, #tpu.memory_space<hbm>>
    %dma_wait3A_76 = arith.constant 0 : i32
    %dma_wait3A_77 = arith.constant 0 : i32
    %dma_wait3A_78 = tpu.memref_slice %dma_wait3A_75[%dma_wait3A_76, %dma_wait3A_77] : memref<10000x64xf32, #tpu.memory_space<hbm>> -> memref<10000x64xf32, #tpu.memory_space<hbm>>
    tpu.wait_indirect_dma semaphore(%arg17 : memref<!tpu.dma_semaphore, #tpu.memory_space<semaphore_mem>>) src(%dma_wait3A_78 : memref<10000x64xf32, #tpu.memory_space<hbm>>) dst(%arg9 : memref<112x64xf32, #tpu.memory_space<vmem>>)
    %run_scoped3A_79 = arith.constant 1 : i32
    "tpu.region"() ({
      %run_scoped3A_162 = tpu.sem_alloc : memref<!tpu.dma_semaphore, #tpu.memory_space<semaphore_mem>>
      %dma_start3A_163 = arith.constant 0 : i32
      %dma_start3A_164 = tpu.memref_slice %arg7[%run_scoped3A_79, %dma_start3A_163] : memref<180x112xi32, #tpu.memory_space<vmem>> -> memref<1x112xi32, #tpu.memory_space<vmem>>
      %dma_start3A_165 = tpu.memref_squeeze %dma_start3A_164 : memref<1x112xi32, #tpu.memory_space<vmem>> -> memref<112xi32, #tpu.memory_space<vmem>>
      %dma_start3A_166 = arith.constant 0 : i32
      %dma_start3A_167 = arith.constant 0 : i32
      %dma_start3A_168 = tpu.memref_slice %arg15[%dma_start3A_166, %dma_start3A_167] : memref<10112x64xf32, #tpu.memory_space<vmem_shared>> -> memref<10112x64xf32, #tpu.memory_space<vmem_shared>>
      tpu.enqueue_indirect_dma source(%arg9 : memref<112x64xf32, #tpu.memory_space<vmem>>) target(%dma_start3A_168 : memref<10112x64xf32, #tpu.memory_space<vmem_shared>>) offsets(%dma_start3A_165 : memref<112xi32, #tpu.memory_space<vmem>>) semaphore(%run_scoped3A_162 : memref<!tpu.dma_semaphore, #tpu.memory_space<semaphore_mem>>) {add = true}
      %dma_wait3A_169 = arith.constant 0 : i32
      %dma_wait3A_170 = tpu.memref_slice %arg7[%run_scoped3A_79, %dma_wait3A_169] : memref<180x112xi32, #tpu.memory_space<vmem>> -> memref<1x112xi32, #tpu.memory_space<vmem>>
      %dma_wait3A_171 = tpu.memref_squeeze %dma_wait3A_170 : memref<1x112xi32, #tpu.memory_space<vmem>> -> memref<112xi32, #tpu.memory_space<vmem>>
      %dma_wait3A_172 = arith.constant 0 : i32
      %dma_wait3A_173 = arith.constant 0 : i32
      %dma_wait3A_174 = tpu.memref_slice %arg15[%dma_wait3A_172, %dma_wait3A_173] : memref<10112x64xf32, #tpu.memory_space<vmem_shared>> -> memref<10112x64xf32, #tpu.memory_space<vmem_shared>>
      tpu.wait_indirect_dma semaphore(%run_scoped3A_162 : memref<!tpu.dma_semaphore, #tpu.memory_space<semaphore_mem>>) src(%arg9 : memref<112x64xf32, #tpu.memory_space<vmem>>) dst(%dma_wait3A_174 : memref<10112x64xf32, #tpu.memory_space<vmem_shared>>)
      tpu.yield
    }) : () -> ()
    %dma_start3A_80 = arith.constant 4 : i32
    %dma_start3A_81 = arith.constant 0 : i32
    %dma_start3A_82 = tpu.memref_slice %arg6[%dma_start3A_80, %dma_start3A_81] : memref<180x112xi32, #tpu.memory_space<vmem>> -> memref<1x112xi32, #tpu.memory_space<vmem>>
    %dma_start3A_83 = tpu.memref_squeeze %dma_start3A_82 : memref<1x112xi32, #tpu.memory_space<vmem>> -> memref<112xi32, #tpu.memory_space<vmem>>
    %dma_start3A_84 = arith.constant 0 : i32
    %dma_start3A_85 = arith.constant 0 : i32
    %dma_start3A_86 = tpu.memref_slice %arg2[%arg0, %dma_start3A_84, %dma_start3A_85] : memref<2x10000x64xf32, #tpu.memory_space<hbm>> -> memref<1x10000x64xf32, #tpu.memory_space<hbm>>
    %dma_start3A_87 = tpu.memref_squeeze %dma_start3A_86 : memref<1x10000x64xf32, #tpu.memory_space<hbm>> -> memref<10000x64xf32, #tpu.memory_space<hbm>>
    %dma_start3A_88 = arith.constant 0 : i32
    %dma_start3A_89 = arith.constant 0 : i32
    %dma_start3A_90 = tpu.memref_slice %dma_start3A_87[%dma_start3A_88, %dma_start3A_89] : memref<10000x64xf32, #tpu.memory_space<hbm>> -> memref<10000x64xf32, #tpu.memory_space<hbm>>
    tpu.enqueue_indirect_dma source(%dma_start3A_90 : memref<10000x64xf32, #tpu.memory_space<hbm>>) target(%arg12 : memref<112x64xf32, #tpu.memory_space<vmem>>) offsets(%dma_start3A_83 : memref<112xi32, #tpu.memory_space<vmem>>) semaphore(%arg20 : memref<!tpu.dma_semaphore, #tpu.memory_space<semaphore_mem>>)
    %dma_wait3A_91 = arith.constant 2 : i32
    %dma_wait3A_92 = arith.constant 0 : i32
    %dma_wait3A_93 = tpu.memref_slice %arg6[%dma_wait3A_91, %dma_wait3A_92] : memref<180x112xi32, #tpu.memory_space<vmem>> -> memref<1x112xi32, #tpu.memory_space<vmem>>
    %dma_wait3A_94 = tpu.memref_squeeze %dma_wait3A_93 : memref<1x112xi32, #tpu.memory_space<vmem>> -> memref<112xi32, #tpu.memory_space<vmem>>
    %dma_wait3A_95 = arith.constant 0 : i32
    %dma_wait3A_96 = arith.constant 0 : i32
    %dma_wait3A_97 = tpu.memref_slice %arg2[%arg0, %dma_wait3A_95, %dma_wait3A_96] : memref<2x10000x64xf32, #tpu.memory_space<hbm>> -> memref<1x10000x64xf32, #tpu.memory_space<hbm>>
    %dma_wait3A_98 = tpu.memref_squeeze %dma_wait3A_97 : memref<1x10000x64xf32, #tpu.memory_space<hbm>> -> memref<10000x64xf32, #tpu.memory_space<hbm>>
    %dma_wait3A_99 = arith.constant 0 : i32
    %dma_wait3A_100 = arith.constant 0 : i32
    %dma_wait3A_101 = tpu.memref_slice %dma_wait3A_98[%dma_wait3A_99, %dma_wait3A_100] : memref<10000x64xf32, #tpu.memory_space<hbm>> -> memref<10000x64xf32, #tpu.memory_space<hbm>>
    tpu.wait_indirect_dma semaphore(%arg18 : memref<!tpu.dma_semaphore, #tpu.memory_space<semaphore_mem>>) src(%dma_wait3A_101 : memref<10000x64xf32, #tpu.memory_space<hbm>>) dst(%arg10 : memref<112x64xf32, #tpu.memory_space<vmem>>)
    %run_scoped3A_102 = arith.constant 2 : i32
    "tpu.region"() ({
      %run_scoped3A_162 = tpu.sem_alloc : memref<!tpu.dma_semaphore, #tpu.memory_space<semaphore_mem>>
      %dma_start3A_163 = arith.constant 0 : i32
      %dma_start3A_164 = tpu.memref_slice %arg7[%run_scoped3A_102, %dma_start3A_163] : memref<180x112xi32, #tpu.memory_space<vmem>> -> memref<1x112xi32, #tpu.memory_space<vmem>>
      %dma_start3A_165 = tpu.memref_squeeze %dma_start3A_164 : memref<1x112xi32, #tpu.memory_space<vmem>> -> memref<112xi32, #tpu.memory_space<vmem>>
      %dma_start3A_166 = arith.constant 0 : i32
      %dma_start3A_167 = arith.constant 0 : i32
      %dma_start3A_168 = tpu.memref_slice %arg15[%dma_start3A_166, %dma_start3A_167] : memref<10112x64xf32, #tpu.memory_space<vmem_shared>> -> memref<10112x64xf32, #tpu.memory_space<vmem_shared>>
      tpu.enqueue_indirect_dma source(%arg10 : memref<112x64xf32, #tpu.memory_space<vmem>>) target(%dma_start3A_168 : memref<10112x64xf32, #tpu.memory_space<vmem_shared>>) offsets(%dma_start3A_165 : memref<112xi32, #tpu.memory_space<vmem>>) semaphore(%run_scoped3A_162 : memref<!tpu.dma_semaphore, #tpu.memory_space<semaphore_mem>>) {add = true}
      %dma_wait3A_169 = arith.constant 0 : i32
      %dma_wait3A_170 = tpu.memref_slice %arg7[%run_scoped3A_102, %dma_wait3A_169] : memref<180x112xi32, #tpu.memory_space<vmem>> -> memref<1x112xi32, #tpu.memory_space<vmem>>
      %dma_wait3A_171 = tpu.memref_squeeze %dma_wait3A_170 : memref<1x112xi32, #tpu.memory_space<vmem>> -> memref<112xi32, #tpu.memory_space<vmem>>
      %dma_wait3A_172 = arith.constant 0 : i32
      %dma_wait3A_173 = arith.constant 0 : i32
      %dma_wait3A_174 = tpu.memref_slice %arg15[%dma_wait3A_172, %dma_wait3A_173] : memref<10112x64xf32, #tpu.memory_space<vmem_shared>> -> memref<10112x64xf32, #tpu.memory_space<vmem_shared>>
      tpu.wait_indirect_dma semaphore(%run_scoped3A_162 : memref<!tpu.dma_semaphore, #tpu.memory_space<semaphore_mem>>) src(%arg10 : memref<112x64xf32, #tpu.memory_space<vmem>>) dst(%dma_wait3A_174 : memref<10112x64xf32, #tpu.memory_space<vmem_shared>>)
      tpu.yield
    }) : () -> ()
    %dma_start3A_103 = arith.constant 5 : i32
    %dma_start3A_104 = arith.constant 0 : i32
    %dma_start3A_105 = tpu.memref_slice %arg6[%dma_start3A_103, %dma_start3A_104] : memref<180x112xi32, #tpu.memory_space<vmem>> -> memref<1x112xi32, #tpu.memory_space<vmem>>
    %dma_start3A_106 = tpu.memref_squeeze %dma_start3A_105 : memref<1x112xi32, #tpu.memory_space<vmem>> -> memref<112xi32, #tpu.memory_space<vmem>>
    %dma_start3A_107 = arith.constant 0 : i32
    %dma_start3A_108 = arith.constant 0 : i32
    %dma_start3A_109 = tpu.memref_slice %arg2[%arg0, %dma_start3A_107, %dma_start3A_108] : memref<2x10000x64xf32, #tpu.memory_space<hbm>> -> memref<1x10000x64xf32, #tpu.memory_space<hbm>>
    %dma_start3A_110 = tpu.memref_squeeze %dma_start3A_109 : memref<1x10000x64xf32, #tpu.memory_space<hbm>> -> memref<10000x64xf32, #tpu.memory_space<hbm>>
    %dma_start3A_111 = arith.constant 0 : i32
    %dma_start3A_112 = arith.constant 0 : i32
    %dma_start3A_113 = tpu.memref_slice %dma_start3A_110[%dma_start3A_111, %dma_start3A_112] : memref<10000x64xf32, #tpu.memory_space<hbm>> -> memref<10000x64xf32, #tpu.memory_space<hbm>>
    tpu.enqueue_indirect_dma source(%dma_start3A_113 : memref<10000x64xf32, #tpu.memory_space<hbm>>) target(%arg13 : memref<112x64xf32, #tpu.memory_space<vmem>>) offsets(%dma_start3A_106 : memref<112xi32, #tpu.memory_space<vmem>>) semaphore(%arg21 : memref<!tpu.dma_semaphore, #tpu.memory_space<semaphore_mem>>)
    %scan3A_114 = arith.constant 0 : i32
    %scan3A_115 = arith.constant 0 : i32
    %scan3A_116 = arith.constant 29 : i32
    %scan3A_117 = arith.addi %scan3A_115, %scan3A_116 : i32
    %scan3A_118 = arith.constant 1 : i32
    %scan3A_119 = scf.for %scan3A_162 = %scan3A_115 to %scan3A_117 step %scan3A_118 iter_args(%scan3A_163 = %scan3A_114) -> (i32)  : i32 {
      %mul3A_164 = arith.constant 6 : i32
      %mul3A_165 = arith.muli %scan3A_162, %mul3A_164 : i32
      %add3A_166 = arith.constant 3 : i32
      %add3A_167 = arith.addi %add3A_166, %mul3A_165 : i32
      %add3A_168 = arith.constant 0 : i32
      %add3A_169 = arith.addi %add3A_167, %add3A_168 : i32
      %dma_wait3A_170 = arith.constant 0 : i32
      %dma_wait3A_171 = tpu.memref_slice %arg6[%add3A_169, %dma_wait3A_170] : memref<180x112xi32, #tpu.memory_space<vmem>> -> memref<1x112xi32, #tpu.memory_space<vmem>>
      %dma_wait3A_172 = tpu.memref_squeeze %dma_wait3A_171 : memref<1x112xi32, #tpu.memory_space<vmem>> -> memref<112xi32, #tpu.memory_space<vmem>>
      %dma_wait3A_173 = arith.constant 0 : i32
      %dma_wait3A_174 = arith.constant 0 : i32
      %dma_wait3A_175 = tpu.memref_slice %arg2[%arg0, %dma_wait3A_173, %dma_wait3A_174] : memref<2x10000x64xf32, #tpu.memory_space<hbm>> -> memref<1x10000x64xf32, #tpu.memory_space<hbm>>
      %dma_wait3A_176 = tpu.memref_squeeze %dma_wait3A_175 : memref<1x10000x64xf32, #tpu.memory_space<hbm>> -> memref<10000x64xf32, #tpu.memory_space<hbm>>
      %dma_wait3A_177 = arith.constant 0 : i32
      %dma_wait3A_178 = arith.constant 0 : i32
      %dma_wait3A_179 = tpu.memref_slice %dma_wait3A_176[%dma_wait3A_177, %dma_wait3A_178] : memref<10000x64xf32, #tpu.memory_space<hbm>> -> memref<10000x64xf32, #tpu.memory_space<hbm>>
      tpu.wait_indirect_dma semaphore(%arg19 : memref<!tpu.dma_semaphore, #tpu.memory_space<semaphore_mem>>) src(%dma_wait3A_179 : memref<10000x64xf32, #tpu.memory_space<hbm>>) dst(%arg11 : memref<112x64xf32, #tpu.memory_space<vmem>>)
      "tpu.region"() ({
        %run_scoped3A_313 = tpu.sem_alloc : memref<!tpu.dma_semaphore, #tpu.memory_space<semaphore_mem>>
        %dma_start3A_314 = arith.constant 0 : i32
        %dma_start3A_315 = tpu.memref_slice %arg7[%add3A_169, %dma_start3A_314] : memref<180x112xi32, #tpu.memory_space<vmem>> -> memref<1x112xi32, #tpu.memory_space<vmem>>
        %dma_start3A_316 = tpu.memref_squeeze %dma_start3A_315 : memref<1x112xi32, #tpu.memory_space<vmem>> -> memref<112xi32, #tpu.memory_space<vmem>>
        %dma_start3A_317 = arith.constant 0 : i32
        %dma_start3A_318 = arith.constant 0 : i32
        %dma_start3A_319 = tpu.memref_slice %arg15[%dma_start3A_317, %dma_start3A_318] : memref<10112x64xf32, #tpu.memory_space<vmem_shared>> -> memref<10112x64xf32, #tpu.memory_space<vmem_shared>>
        tpu.enqueue_indirect_dma source(%arg11 : memref<112x64xf32, #tpu.memory_space<vmem>>) target(%dma_start3A_319 : memref<10112x64xf32, #tpu.memory_space<vmem_shared>>) offsets(%dma_start3A_316 : memref<112xi32, #tpu.memory_space<vmem>>) semaphore(%run_scoped3A_313 : memref<!tpu.dma_semaphore, #tpu.memory_space<semaphore_mem>>) {add = true}
        %dma_wait3A_320 = arith.constant 0 : i32
        %dma_wait3A_321 = tpu.memref_slice %arg7[%add3A_169, %dma_wait3A_320] : memref<180x112xi32, #tpu.memory_space<vmem>> -> memref<1x112xi32, #tpu.memory_space<vmem>>
        %dma_wait3A_322 = tpu.memref_squeeze %dma_wait3A_321 : memref<1x112xi32, #tpu.memory_space<vmem>> -> memref<112xi32, #tpu.memory_space<vmem>>
        %dma_wait3A_323 = arith.constant 0 : i32
        %dma_wait3A_324 = arith.constant 0 : i32
        %dma_wait3A_325 = tpu.memref_slice %arg15[%dma_wait3A_323, %dma_wait3A_324] : memref<10112x64xf32, #tpu.memory_space<vmem_shared>> -> memref<10112x64xf32, #tpu.memory_space<vmem_shared>>
        tpu.wait_indirect_dma semaphore(%run_scoped3A_313 : memref<!tpu.dma_semaphore, #tpu.memory_space<semaphore_mem>>) src(%arg11 : memref<112x64xf32, #tpu.memory_space<vmem>>) dst(%dma_wait3A_325 : memref<10112x64xf32, #tpu.memory_space<vmem_shared>>)
        tpu.yield
      }) : () -> ()
      %add3A_180 = arith.constant 3 : i32
      %add3A_181 = arith.addi %add3A_169, %add3A_180 : i32
      %dma_start3A_182 = arith.constant 0 : i32
      %dma_start3A_183 = tpu.memref_slice %arg6[%add3A_181, %dma_start3A_182] : memref<180x112xi32, #tpu.memory_space<vmem>> -> memref<1x112xi32, #tpu.memory_space<vmem>>
      %dma_start3A_184 = tpu.memref_squeeze %dma_start3A_183 : memref<1x112xi32, #tpu.memory_space<vmem>> -> memref<112xi32, #tpu.memory_space<vmem>>
      %dma_start3A_185 = arith.constant 0 : i32
      %dma_start3A_186 = arith.constant 0 : i32
      %dma_start3A_187 = tpu.memref_slice %arg2[%arg0, %dma_start3A_185, %dma_start3A_186] : memref<2x10000x64xf32, #tpu.memory_space<hbm>> -> memref<1x10000x64xf32, #tpu.memory_space<hbm>>
      %dma_start3A_188 = tpu.memref_squeeze %dma_start3A_187 : memref<1x10000x64xf32, #tpu.memory_space<hbm>> -> memref<10000x64xf32, #tpu.memory_space<hbm>>
      %dma_start3A_189 = arith.constant 0 : i32
      %dma_start3A_190 = arith.constant 0 : i32
      %dma_start3A_191 = tpu.memref_slice %dma_start3A_188[%dma_start3A_189, %dma_start3A_190] : memref<10000x64xf32, #tpu.memory_space<hbm>> -> memref<10000x64xf32, #tpu.memory_space<hbm>>
      tpu.enqueue_indirect_dma source(%dma_start3A_191 : memref<10000x64xf32, #tpu.memory_space<hbm>>) target(%arg8 : memref<112x64xf32, #tpu.memory_space<vmem>>) offsets(%dma_start3A_184 : memref<112xi32, #tpu.memory_space<vmem>>) semaphore(%arg16 : memref<!tpu.dma_semaphore, #tpu.memory_space<semaphore_mem>>)
      %add3A_192 = arith.constant 1 : i32
      %add3A_193 = arith.addi %add3A_167, %add3A_192 : i32
      %dma_wait3A_194 = arith.constant 0 : i32
      %dma_wait3A_195 = tpu.memref_slice %arg6[%add3A_193, %dma_wait3A_194] : memref<180x112xi32, #tpu.memory_space<vmem>> -> memref<1x112xi32, #tpu.memory_space<vmem>>
      %dma_wait3A_196 = tpu.memref_squeeze %dma_wait3A_195 : memref<1x112xi32, #tpu.memory_space<vmem>> -> memref<112xi32, #tpu.memory_space<vmem>>
      %dma_wait3A_197 = arith.constant 0 : i32
      %dma_wait3A_198 = arith.constant 0 : i32
      %dma_wait3A_199 = tpu.memref_slice %arg2[%arg0, %dma_wait3A_197, %dma_wait3A_198] : memref<2x10000x64xf32, #tpu.memory_space<hbm>> -> memref<1x10000x64xf32, #tpu.memory_space<hbm>>
      %dma_wait3A_200 = tpu.memref_squeeze %dma_wait3A_199 : memref<1x10000x64xf32, #tpu.memory_space<hbm>> -> memref<10000x64xf32, #tpu.memory_space<hbm>>
      %dma_wait3A_201 = arith.constant 0 : i32
      %dma_wait3A_202 = arith.constant 0 : i32
      %dma_wait3A_203 = tpu.memref_slice %dma_wait3A_200[%dma_wait3A_201, %dma_wait3A_202] : memref<10000x64xf32, #tpu.memory_space<hbm>> -> memref<10000x64xf32, #tpu.memory_space<hbm>>
      tpu.wait_indirect_dma semaphore(%arg20 : memref<!tpu.dma_semaphore, #tpu.memory_space<semaphore_mem>>) src(%dma_wait3A_203 : memref<10000x64xf32, #tpu.memory_space<hbm>>) dst(%arg12 : memref<112x64xf32, #tpu.memory_space<vmem>>)
      "tpu.region"() ({
        %run_scoped3A_313 = tpu.sem_alloc : memref<!tpu.dma_semaphore, #tpu.memory_space<semaphore_mem>>
        %dma_start3A_314 = arith.constant 0 : i32
        %dma_start3A_315 = tpu.memref_slice %arg7[%add3A_193, %dma_start3A_314] : memref<180x112xi32, #tpu.memory_space<vmem>> -> memref<1x112xi32, #tpu.memory_space<vmem>>
        %dma_start3A_316 = tpu.memref_squeeze %dma_start3A_315 : memref<1x112xi32, #tpu.memory_space<vmem>> -> memref<112xi32, #tpu.memory_space<vmem>>
        %dma_start3A_317 = arith.constant 0 : i32
        %dma_start3A_318 = arith.constant 0 : i32
        %dma_start3A_319 = tpu.memref_slice %arg15[%dma_start3A_317, %dma_start3A_318] : memref<10112x64xf32, #tpu.memory_space<vmem_shared>> -> memref<10112x64xf32, #tpu.memory_space<vmem_shared>>
        tpu.enqueue_indirect_dma source(%arg12 : memref<112x64xf32, #tpu.memory_space<vmem>>) target(%dma_start3A_319 : memref<10112x64xf32, #tpu.memory_space<vmem_shared>>) offsets(%dma_start3A_316 : memref<112xi32, #tpu.memory_space<vmem>>) semaphore(%run_scoped3A_313 : memref<!tpu.dma_semaphore, #tpu.memory_space<semaphore_mem>>) {add = true}
        %dma_wait3A_320 = arith.constant 0 : i32
        %dma_wait3A_321 = tpu.memref_slice %arg7[%add3A_193, %dma_wait3A_320] : memref<180x112xi32, #tpu.memory_space<vmem>> -> memref<1x112xi32, #tpu.memory_space<vmem>>
        %dma_wait3A_322 = tpu.memref_squeeze %dma_wait3A_321 : memref<1x112xi32, #tpu.memory_space<vmem>> -> memref<112xi32, #tpu.memory_space<vmem>>
        %dma_wait3A_323 = arith.constant 0 : i32
        %dma_wait3A_324 = arith.constant 0 : i32
        %dma_wait3A_325 = tpu.memref_slice %arg15[%dma_wait3A_323, %dma_wait3A_324] : memref<10112x64xf32, #tpu.memory_space<vmem_shared>> -> memref<10112x64xf32, #tpu.memory_space<vmem_shared>>
        tpu.wait_indirect_dma semaphore(%run_scoped3A_313 : memref<!tpu.dma_semaphore, #tpu.memory_space<semaphore_mem>>) src(%arg12 : memref<112x64xf32, #tpu.memory_space<vmem>>) dst(%dma_wait3A_325 : memref<10112x64xf32, #tpu.memory_space<vmem_shared>>)
        tpu.yield
      }) : () -> ()
      %add3A_204 = arith.constant 3 : i32
      %add3A_205 = arith.addi %add3A_193, %add3A_204 : i32
      %dma_start3A_206 = arith.constant 0 : i32
      %dma_start3A_207 = tpu.memref_slice %arg6[%add3A_205, %dma_start3A_206] : memref<180x112xi32, #tpu.memory_space<vmem>> -> memref<1x112xi32, #tpu.memory_space<vmem>>
      %dma_start3A_208 = tpu.memref_squeeze %dma_start3A_207 : memref<1x112xi32, #tpu.memory_space<vmem>> -> memref<112xi32, #tpu.memory_space<vmem>>
      %dma_start3A_209 = arith.constant 0 : i32
      %dma_start3A_210 = arith.constant 0 : i32
      %dma_start3A_211 = tpu.memref_slice %arg2[%arg0, %dma_start3A_209, %dma_start3A_210] : memref<2x10000x64xf32, #tpu.memory_space<hbm>> -> memref<1x10000x64xf32, #tpu.memory_space<hbm>>
      %dma_start3A_212 = tpu.memref_squeeze %dma_start3A_211 : memref<1x10000x64xf32, #tpu.memory_space<hbm>> -> memref<10000x64xf32, #tpu.memory_space<hbm>>
      %dma_start3A_213 = arith.constant 0 : i32
      %dma_start3A_214 = arith.constant 0 : i32
      %dma_start3A_215 = tpu.memref_slice %dma_start3A_212[%dma_start3A_213, %dma_start3A_214] : memref<10000x64xf32, #tpu.memory_space<hbm>> -> memref<10000x64xf32, #tpu.memory_space<hbm>>
      tpu.enqueue_indirect_dma source(%dma_start3A_215 : memref<10000x64xf32, #tpu.memory_space<hbm>>) target(%arg9 : memref<112x64xf32, #tpu.memory_space<vmem>>) offsets(%dma_start3A_208 : memref<112xi32, #tpu.memory_space<vmem>>) semaphore(%arg17 : memref<!tpu.dma_semaphore, #tpu.memory_space<semaphore_mem>>)
      %add3A_216 = arith.constant 2 : i32
      %add3A_217 = arith.addi %add3A_167, %add3A_216 : i32
      %dma_wait3A_218 = arith.constant 0 : i32
      %dma_wait3A_219 = tpu.memref_slice %arg6[%add3A_217, %dma_wait3A_218] : memref<180x112xi32, #tpu.memory_space<vmem>> -> memref<1x112xi32, #tpu.memory_space<vmem>>
      %dma_wait3A_220 = tpu.memref_squeeze %dma_wait3A_219 : memref<1x112xi32, #tpu.memory_space<vmem>> -> memref<112xi32, #tpu.memory_space<vmem>>
      %dma_wait3A_221 = arith.constant 0 : i32
      %dma_wait3A_222 = arith.constant 0 : i32
      %dma_wait3A_223 = tpu.memref_slice %arg2[%arg0, %dma_wait3A_221, %dma_wait3A_222] : memref<2x10000x64xf32, #tpu.memory_space<hbm>> -> memref<1x10000x64xf32, #tpu.memory_space<hbm>>
      %dma_wait3A_224 = tpu.memref_squeeze %dma_wait3A_223 : memref<1x10000x64xf32, #tpu.memory_space<hbm>> -> memref<10000x64xf32, #tpu.memory_space<hbm>>
      %dma_wait3A_225 = arith.constant 0 : i32
      %dma_wait3A_226 = arith.constant 0 : i32
      %dma_wait3A_227 = tpu.memref_slice %dma_wait3A_224[%dma_wait3A_225, %dma_wait3A_226] : memref<10000x64xf32, #tpu.memory_space<hbm>> -> memref<10000x64xf32, #tpu.memory_space<hbm>>
      tpu.wait_indirect_dma semaphore(%arg21 : memref<!tpu.dma_semaphore, #tpu.memory_space<semaphore_mem>>) src(%dma_wait3A_227 : memref<10000x64xf32, #tpu.memory_space<hbm>>) dst(%arg13 : memref<112x64xf32, #tpu.memory_space<vmem>>)
      "tpu.region"() ({
        %run_scoped3A_313 = tpu.sem_alloc : memref<!tpu.dma_semaphore, #tpu.memory_space<semaphore_mem>>
        %dma_start3A_314 = arith.constant 0 : i32
        %dma_start3A_315 = tpu.memref_slice %arg7[%add3A_217, %dma_start3A_314] : memref<180x112xi32, #tpu.memory_space<vmem>> -> memref<1x112xi32, #tpu.memory_space<vmem>>
        %dma_start3A_316 = tpu.memref_squeeze %dma_start3A_315 : memref<1x112xi32, #tpu.memory_space<vmem>> -> memref<112xi32, #tpu.memory_space<vmem>>
        %dma_start3A_317 = arith.constant 0 : i32
        %dma_start3A_318 = arith.constant 0 : i32
        %dma_start3A_319 = tpu.memref_slice %arg15[%dma_start3A_317, %dma_start3A_318] : memref<10112x64xf32, #tpu.memory_space<vmem_shared>> -> memref<10112x64xf32, #tpu.memory_space<vmem_shared>>
        tpu.enqueue_indirect_dma source(%arg13 : memref<112x64xf32, #tpu.memory_space<vmem>>) target(%dma_start3A_319 : memref<10112x64xf32, #tpu.memory_space<vmem_shared>>) offsets(%dma_start3A_316 : memref<112xi32, #tpu.memory_space<vmem>>) semaphore(%run_scoped3A_313 : memref<!tpu.dma_semaphore, #tpu.memory_space<semaphore_mem>>) {add = true}
        %dma_wait3A_320 = arith.constant 0 : i32
        %dma_wait3A_321 = tpu.memref_slice %arg7[%add3A_217, %dma_wait3A_320] : memref<180x112xi32, #tpu.memory_space<vmem>> -> memref<1x112xi32, #tpu.memory_space<vmem>>
        %dma_wait3A_322 = tpu.memref_squeeze %dma_wait3A_321 : memref<1x112xi32, #tpu.memory_space<vmem>> -> memref<112xi32, #tpu.memory_space<vmem>>
        %dma_wait3A_323 = arith.constant 0 : i32
        %dma_wait3A_324 = arith.constant 0 : i32
        %dma_wait3A_325 = tpu.memref_slice %arg15[%dma_wait3A_323, %dma_wait3A_324] : memref<10112x64xf32, #tpu.memory_space<vmem_shared>> -> memref<10112x64xf32, #tpu.memory_space<vmem_shared>>
        tpu.wait_indirect_dma semaphore(%run_scoped3A_313 : memref<!tpu.dma_semaphore, #tpu.memory_space<semaphore_mem>>) src(%arg13 : memref<112x64xf32, #tpu.memory_space<vmem>>) dst(%dma_wait3A_325 : memref<10112x64xf32, #tpu.memory_space<vmem_shared>>)
        tpu.yield
      }) : () -> ()
      %add3A_228 = arith.constant 3 : i32
      %add3A_229 = arith.addi %add3A_217, %add3A_228 : i32
      %dma_start3A_230 = arith.constant 0 : i32
      %dma_start3A_231 = tpu.memref_slice %arg6[%add3A_229, %dma_start3A_230] : memref<180x112xi32, #tpu.memory_space<vmem>> -> memref<1x112xi32, #tpu.memory_space<vmem>>
      %dma_start3A_232 = tpu.memref_squeeze %dma_start3A_231 : memref<1x112xi32, #tpu.memory_space<vmem>> -> memref<112xi32, #tpu.memory_space<vmem>>
      %dma_start3A_233 = arith.constant 0 : i32
      %dma_start3A_234 = arith.constant 0 : i32
      %dma_start3A_235 = tpu.memref_slice %arg2[%arg0, %dma_start3A_233, %dma_start3A_234] : memref<2x10000x64xf32, #tpu.memory_space<hbm>> -> memref<1x10000x64xf32, #tpu.memory_space<hbm>>
      %dma_start3A_236 = tpu.memref_squeeze %dma_start3A_235 : memref<1x10000x64xf32, #tpu.memory_space<hbm>> -> memref<10000x64xf32, #tpu.memory_space<hbm>>
      %dma_start3A_237 = arith.constant 0 : i32
      %dma_start3A_238 = arith.constant 0 : i32
      %dma_start3A_239 = tpu.memref_slice %dma_start3A_236[%dma_start3A_237, %dma_start3A_238] : memref<10000x64xf32, #tpu.memory_space<hbm>> -> memref<10000x64xf32, #tpu.memory_space<hbm>>
      tpu.enqueue_indirect_dma source(%dma_start3A_239 : memref<10000x64xf32, #tpu.memory_space<hbm>>) target(%arg10 : memref<112x64xf32, #tpu.memory_space<vmem>>) offsets(%dma_start3A_232 : memref<112xi32, #tpu.memory_space<vmem>>) semaphore(%arg18 : memref<!tpu.dma_semaphore, #tpu.memory_space<semaphore_mem>>)
      %add3A_240 = arith.constant 3 : i32
      %add3A_241 = arith.addi %add3A_167, %add3A_240 : i32
      %dma_wait3A_242 = arith.constant 0 : i32
      %dma_wait3A_243 = tpu.memref_slice %arg6[%add3A_241, %dma_wait3A_242] : memref<180x112xi32, #tpu.memory_space<vmem>> -> memref<1x112xi32, #tpu.memory_space<vmem>>
      %dma_wait3A_244 = tpu.memref_squeeze %dma_wait3A_243 : memref<1x112xi32, #tpu.memory_space<vmem>> -> memref<112xi32, #tpu.memory_space<vmem>>
      %dma_wait3A_245 = arith.constant 0 : i32
      %dma_wait3A_246 = arith.constant 0 : i32
      %dma_wait3A_247 = tpu.memref_slice %arg2[%arg0, %dma_wait3A_245, %dma_wait3A_246] : memref<2x10000x64xf32, #tpu.memory_space<hbm>> -> memref<1x10000x64xf32, #tpu.memory_space<hbm>>
      %dma_wait3A_248 = tpu.memref_squeeze %dma_wait3A_247 : memref<1x10000x64xf32, #tpu.memory_space<hbm>> -> memref<10000x64xf32, #tpu.memory_space<hbm>>
      %dma_wait3A_249 = arith.constant 0 : i32
      %dma_wait3A_250 = arith.constant 0 : i32
      %dma_wait3A_251 = tpu.memref_slice %dma_wait3A_248[%dma_wait3A_249, %dma_wait3A_250] : memref<10000x64xf32, #tpu.memory_space<hbm>> -> memref<10000x64xf32, #tpu.memory_space<hbm>>
      tpu.wait_indirect_dma semaphore(%arg16 : memref<!tpu.dma_semaphore, #tpu.memory_space<semaphore_mem>>) src(%dma_wait3A_251 : memref<10000x64xf32, #tpu.memory_space<hbm>>) dst(%arg8 : memref<112x64xf32, #tpu.memory_space<vmem>>)
      "tpu.region"() ({
        %run_scoped3A_313 = tpu.sem_alloc : memref<!tpu.dma_semaphore, #tpu.memory_space<semaphore_mem>>
        %dma_start3A_314 = arith.constant 0 : i32
        %dma_start3A_315 = tpu.memref_slice %arg7[%add3A_241, %dma_start3A_314] : memref<180x112xi32, #tpu.memory_space<vmem>> -> memref<1x112xi32, #tpu.memory_space<vmem>>
        %dma_start3A_316 = tpu.memref_squeeze %dma_start3A_315 : memref<1x112xi32, #tpu.memory_space<vmem>> -> memref<112xi32, #tpu.memory_space<vmem>>
        %dma_start3A_317 = arith.constant 0 : i32
        %dma_start3A_318 = arith.constant 0 : i32
        %dma_start3A_319 = tpu.memref_slice %arg15[%dma_start3A_317, %dma_start3A_318] : memref<10112x64xf32, #tpu.memory_space<vmem_shared>> -> memref<10112x64xf32, #tpu.memory_space<vmem_shared>>
        tpu.enqueue_indirect_dma source(%arg8 : memref<112x64xf32, #tpu.memory_space<vmem>>) target(%dma_start3A_319 : memref<10112x64xf32, #tpu.memory_space<vmem_shared>>) offsets(%dma_start3A_316 : memref<112xi32, #tpu.memory_space<vmem>>) semaphore(%run_scoped3A_313 : memref<!tpu.dma_semaphore, #tpu.memory_space<semaphore_mem>>) {add = true}
        %dma_wait3A_320 = arith.constant 0 : i32
        %dma_wait3A_321 = tpu.memref_slice %arg7[%add3A_241, %dma_wait3A_320] : memref<180x112xi32, #tpu.memory_space<vmem>> -> memref<1x112xi32, #tpu.memory_space<vmem>>
        %dma_wait3A_322 = tpu.memref_squeeze %dma_wait3A_321 : memref<1x112xi32, #tpu.memory_space<vmem>> -> memref<112xi32, #tpu.memory_space<vmem>>
        %dma_wait3A_323 = arith.constant 0 : i32
        %dma_wait3A_324 = arith.constant 0 : i32
        %dma_wait3A_325 = tpu.memref_slice %arg15[%dma_wait3A_323, %dma_wait3A_324] : memref<10112x64xf32, #tpu.memory_space<vmem_shared>> -> memref<10112x64xf32, #tpu.memory_space<vmem_shared>>
        tpu.wait_indirect_dma semaphore(%run_scoped3A_313 : memref<!tpu.dma_semaphore, #tpu.memory_space<semaphore_mem>>) src(%arg8 : memref<112x64xf32, #tpu.memory_space<vmem>>) dst(%dma_wait3A_325 : memref<10112x64xf32, #tpu.memory_space<vmem_shared>>)
        tpu.yield
      }) : () -> ()
      %add3A_252 = arith.constant 3 : i32
      %add3A_253 = arith.addi %add3A_241, %add3A_252 : i32
      %dma_start3A_254 = arith.constant 0 : i32
      %dma_start3A_255 = tpu.memref_slice %arg6[%add3A_253, %dma_start3A_254] : memref<180x112xi32, #tpu.memory_space<vmem>> -> memref<1x112xi32, #tpu.memory_space<vmem>>
      %dma_start3A_256 = tpu.memref_squeeze %dma_start3A_255 : memref<1x112xi32, #tpu.memory_space<vmem>> -> memref<112xi32, #tpu.memory_space<vmem>>
      %dma_start3A_257 = arith.constant 0 : i32
      %dma_start3A_258 = arith.constant 0 : i32
      %dma_start3A_259 = tpu.memref_slice %arg2[%arg0, %dma_start3A_257, %dma_start3A_258] : memref<2x10000x64xf32, #tpu.memory_space<hbm>> -> memref<1x10000x64xf32, #tpu.memory_space<hbm>>
      %dma_start3A_260 = tpu.memref_squeeze %dma_start3A_259 : memref<1x10000x64xf32, #tpu.memory_space<hbm>> -> memref<10000x64xf32, #tpu.memory_space<hbm>>
      %dma_start3A_261 = arith.constant 0 : i32
      %dma_start3A_262 = arith.constant 0 : i32
      %dma_start3A_263 = tpu.memref_slice %dma_start3A_260[%dma_start3A_261, %dma_start3A_262] : memref<10000x64xf32, #tpu.memory_space<hbm>> -> memref<10000x64xf32, #tpu.memory_space<hbm>>
      tpu.enqueue_indirect_dma source(%dma_start3A_263 : memref<10000x64xf32, #tpu.memory_space<hbm>>) target(%arg11 : memref<112x64xf32, #tpu.memory_space<vmem>>) offsets(%dma_start3A_256 : memref<112xi32, #tpu.memory_space<vmem>>) semaphore(%arg19 : memref<!tpu.dma_semaphore, #tpu.memory_space<semaphore_mem>>)
      %add3A_264 = arith.constant 4 : i32
      %add3A_265 = arith.addi %add3A_167, %add3A_264 : i32
      %dma_wait3A_266 = arith.constant 0 : i32
      %dma_wait3A_267 = tpu.memref_slice %arg6[%add3A_265, %dma_wait3A_266] : memref<180x112xi32, #tpu.memory_space<vmem>> -> memref<1x112xi32, #tpu.memory_space<vmem>>
      %dma_wait3A_268 = tpu.memref_squeeze %dma_wait3A_267 : memref<1x112xi32, #tpu.memory_space<vmem>> -> memref<112xi32, #tpu.memory_space<vmem>>
      %dma_wait3A_269 = arith.constant 0 : i32
      %dma_wait3A_270 = arith.constant 0 : i32
      %dma_wait3A_271 = tpu.memref_slice %arg2[%arg0, %dma_wait3A_269, %dma_wait3A_270] : memref<2x10000x64xf32, #tpu.memory_space<hbm>> -> memref<1x10000x64xf32, #tpu.memory_space<hbm>>
      %dma_wait3A_272 = tpu.memref_squeeze %dma_wait3A_271 : memref<1x10000x64xf32, #tpu.memory_space<hbm>> -> memref<10000x64xf32, #tpu.memory_space<hbm>>
      %dma_wait3A_273 = arith.constant 0 : i32
      %dma_wait3A_274 = arith.constant 0 : i32
      %dma_wait3A_275 = tpu.memref_slice %dma_wait3A_272[%dma_wait3A_273, %dma_wait3A_274] : memref<10000x64xf32, #tpu.memory_space<hbm>> -> memref<10000x64xf32, #tpu.memory_space<hbm>>
      tpu.wait_indirect_dma semaphore(%arg17 : memref<!tpu.dma_semaphore, #tpu.memory_space<semaphore_mem>>) src(%dma_wait3A_275 : memref<10000x64xf32, #tpu.memory_space<hbm>>) dst(%arg9 : memref<112x64xf32, #tpu.memory_space<vmem>>)
      "tpu.region"() ({
        %run_scoped3A_313 = tpu.sem_alloc : memref<!tpu.dma_semaphore, #tpu.memory_space<semaphore_mem>>
        %dma_start3A_314 = arith.constant 0 : i32
        %dma_start3A_315 = tpu.memref_slice %arg7[%add3A_265, %dma_start3A_314] : memref<180x112xi32, #tpu.memory_space<vmem>> -> memref<1x112xi32, #tpu.memory_space<vmem>>
        %dma_start3A_316 = tpu.memref_squeeze %dma_start3A_315 : memref<1x112xi32, #tpu.memory_space<vmem>> -> memref<112xi32, #tpu.memory_space<vmem>>
        %dma_start3A_317 = arith.constant 0 : i32
        %dma_start3A_318 = arith.constant 0 : i32
        %dma_start3A_319 = tpu.memref_slice %arg15[%dma_start3A_317, %dma_start3A_318] : memref<10112x64xf32, #tpu.memory_space<vmem_shared>> -> memref<10112x64xf32, #tpu.memory_space<vmem_shared>>
        tpu.enqueue_indirect_dma source(%arg9 : memref<112x64xf32, #tpu.memory_space<vmem>>) target(%dma_start3A_319 : memref<10112x64xf32, #tpu.memory_space<vmem_shared>>) offsets(%dma_start3A_316 : memref<112xi32, #tpu.memory_space<vmem>>) semaphore(%run_scoped3A_313 : memref<!tpu.dma_semaphore, #tpu.memory_space<semaphore_mem>>) {add = true}
        %dma_wait3A_320 = arith.constant 0 : i32
        %dma_wait3A_321 = tpu.memref_slice %arg7[%add3A_265, %dma_wait3A_320] : memref<180x112xi32, #tpu.memory_space<vmem>> -> memref<1x112xi32, #tpu.memory_space<vmem>>
        %dma_wait3A_322 = tpu.memref_squeeze %dma_wait3A_321 : memref<1x112xi32, #tpu.memory_space<vmem>> -> memref<112xi32, #tpu.memory_space<vmem>>
        %dma_wait3A_323 = arith.constant 0 : i32
        %dma_wait3A_324 = arith.constant 0 : i32
        %dma_wait3A_325 = tpu.memref_slice %arg15[%dma_wait3A_323, %dma_wait3A_324] : memref<10112x64xf32, #tpu.memory_space<vmem_shared>> -> memref<10112x64xf32, #tpu.memory_space<vmem_shared>>
        tpu.wait_indirect_dma semaphore(%run_scoped3A_313 : memref<!tpu.dma_semaphore, #tpu.memory_space<semaphore_mem>>) src(%arg9 : memref<112x64xf32, #tpu.memory_space<vmem>>) dst(%dma_wait3A_325 : memref<10112x64xf32, #tpu.memory_space<vmem_shared>>)
        tpu.yield
      }) : () -> ()
      %add3A_276 = arith.constant 3 : i32
      %add3A_277 = arith.addi %add3A_265, %add3A_276 : i32
      %dma_start3A_278 = arith.constant 0 : i32
      %dma_start3A_279 = tpu.memref_slice %arg6[%add3A_277, %dma_start3A_278] : memref<180x112xi32, #tpu.memory_space<vmem>> -> memref<1x112xi32, #tpu.memory_space<vmem>>
      %dma_start3A_280 = tpu.memref_squeeze %dma_start3A_279 : memref<1x112xi32, #tpu.memory_space<vmem>> -> memref<112xi32, #tpu.memory_space<vmem>>
      %dma_start3A_281 = arith.constant 0 : i32
      %dma_start3A_282 = arith.constant 0 : i32
      %dma_start3A_283 = tpu.memref_slice %arg2[%arg0, %dma_start3A_281, %dma_start3A_282] : memref<2x10000x64xf32, #tpu.memory_space<hbm>> -> memref<1x10000x64xf32, #tpu.memory_space<hbm>>
      %dma_start3A_284 = tpu.memref_squeeze %dma_start3A_283 : memref<1x10000x64xf32, #tpu.memory_space<hbm>> -> memref<10000x64xf32, #tpu.memory_space<hbm>>
      %dma_start3A_285 = arith.constant 0 : i32
      %dma_start3A_286 = arith.constant 0 : i32
      %dma_start3A_287 = tpu.memref_slice %dma_start3A_284[%dma_start3A_285, %dma_start3A_286] : memref<10000x64xf32, #tpu.memory_space<hbm>> -> memref<10000x64xf32, #tpu.memory_space<hbm>>
      tpu.enqueue_indirect_dma source(%dma_start3A_287 : memref<10000x64xf32, #tpu.memory_space<hbm>>) target(%arg12 : memref<112x64xf32, #tpu.memory_space<vmem>>) offsets(%dma_start3A_280 : memref<112xi32, #tpu.memory_space<vmem>>) semaphore(%arg20 : memref<!tpu.dma_semaphore, #tpu.memory_space<semaphore_mem>>)
      %add3A_288 = arith.constant 5 : i32
      %add3A_289 = arith.addi %add3A_167, %add3A_288 : i32
      %dma_wait3A_290 = arith.constant 0 : i32
      %dma_wait3A_291 = tpu.memref_slice %arg6[%add3A_289, %dma_wait3A_290] : memref<180x112xi32, #tpu.memory_space<vmem>> -> memref<1x112xi32, #tpu.memory_space<vmem>>
      %dma_wait3A_292 = tpu.memref_squeeze %dma_wait3A_291 : memref<1x112xi32, #tpu.memory_space<vmem>> -> memref<112xi32, #tpu.memory_space<vmem>>
      %dma_wait3A_293 = arith.constant 0 : i32
      %dma_wait3A_294 = arith.constant 0 : i32
      %dma_wait3A_295 = tpu.memref_slice %arg2[%arg0, %dma_wait3A_293, %dma_wait3A_294] : memref<2x10000x64xf32, #tpu.memory_space<hbm>> -> memref<1x10000x64xf32, #tpu.memory_space<hbm>>
      %dma_wait3A_296 = tpu.memref_squeeze %dma_wait3A_295 : memref<1x10000x64xf32, #tpu.memory_space<hbm>> -> memref<10000x64xf32, #tpu.memory_space<hbm>>
      %dma_wait3A_297 = arith.constant 0 : i32
      %dma_wait3A_298 = arith.constant 0 : i32
      %dma_wait3A_299 = tpu.memref_slice %dma_wait3A_296[%dma_wait3A_297, %dma_wait3A_298] : memref<10000x64xf32, #tpu.memory_space<hbm>> -> memref<10000x64xf32, #tpu.memory_space<hbm>>
      tpu.wait_indirect_dma semaphore(%arg18 : memref<!tpu.dma_semaphore, #tpu.memory_space<semaphore_mem>>) src(%dma_wait3A_299 : memref<10000x64xf32, #tpu.memory_space<hbm>>) dst(%arg10 : memref<112x64xf32, #tpu.memory_space<vmem>>)
      "tpu.region"() ({
        %run_scoped3A_313 = tpu.sem_alloc : memref<!tpu.dma_semaphore, #tpu.memory_space<semaphore_mem>>
        %dma_start3A_314 = arith.constant 0 : i32
        %dma_start3A_315 = tpu.memref_slice %arg7[%add3A_289, %dma_start3A_314] : memref<180x112xi32, #tpu.memory_space<vmem>> -> memref<1x112xi32, #tpu.memory_space<vmem>>
        %dma_start3A_316 = tpu.memref_squeeze %dma_start3A_315 : memref<1x112xi32, #tpu.memory_space<vmem>> -> memref<112xi32, #tpu.memory_space<vmem>>
        %dma_start3A_317 = arith.constant 0 : i32
        %dma_start3A_318 = arith.constant 0 : i32
        %dma_start3A_319 = tpu.memref_slice %arg15[%dma_start3A_317, %dma_start3A_318] : memref<10112x64xf32, #tpu.memory_space<vmem_shared>> -> memref<10112x64xf32, #tpu.memory_space<vmem_shared>>
        tpu.enqueue_indirect_dma source(%arg10 : memref<112x64xf32, #tpu.memory_space<vmem>>) target(%dma_start3A_319 : memref<10112x64xf32, #tpu.memory_space<vmem_shared>>) offsets(%dma_start3A_316 : memref<112xi32, #tpu.memory_space<vmem>>) semaphore(%run_scoped3A_313 : memref<!tpu.dma_semaphore, #tpu.memory_space<semaphore_mem>>) {add = true}
        %dma_wait3A_320 = arith.constant 0 : i32
        %dma_wait3A_321 = tpu.memref_slice %arg7[%add3A_289, %dma_wait3A_320] : memref<180x112xi32, #tpu.memory_space<vmem>> -> memref<1x112xi32, #tpu.memory_space<vmem>>
        %dma_wait3A_322 = tpu.memref_squeeze %dma_wait3A_321 : memref<1x112xi32, #tpu.memory_space<vmem>> -> memref<112xi32, #tpu.memory_space<vmem>>
        %dma_wait3A_323 = arith.constant 0 : i32
        %dma_wait3A_324 = arith.constant 0 : i32
        %dma_wait3A_325 = tpu.memref_slice %arg15[%dma_wait3A_323, %dma_wait3A_324] : memref<10112x64xf32, #tpu.memory_space<vmem_shared>> -> memref<10112x64xf32, #tpu.memory_space<vmem_shared>>
        tpu.wait_indirect_dma semaphore(%run_scoped3A_313 : memref<!tpu.dma_semaphore, #tpu.memory_space<semaphore_mem>>) src(%arg10 : memref<112x64xf32, #tpu.memory_space<vmem>>) dst(%dma_wait3A_325 : memref<10112x64xf32, #tpu.memory_space<vmem_shared>>)
        tpu.yield
      }) : () -> ()
      %add3A_300 = arith.constant 3 : i32
      %add3A_301 = arith.addi %add3A_289, %add3A_300 : i32
      %dma_start3A_302 = arith.constant 0 : i32
      %dma_start3A_303 = tpu.memref_slice %arg6[%add3A_301, %dma_start3A_302] : memref<180x112xi32, #tpu.memory_space<vmem>> -> memref<1x112xi32, #tpu.memory_space<vmem>>
      %dma_start3A_304 = tpu.memref_squeeze %dma_start3A_303 : memref<1x112xi32, #tpu.memory_space<vmem>> -> memref<112xi32, #tpu.memory_space<vmem>>
      %dma_start3A_305 = arith.constant 0 : i32
      %dma_start3A_306 = arith.constant 0 : i32
      %dma_start3A_307 = tpu.memref_slice %arg2[%arg0, %dma_start3A_305, %dma_start3A_306] : memref<2x10000x64xf32, #tpu.memory_space<hbm>> -> memref<1x10000x64xf32, #tpu.memory_space<hbm>>
      %dma_start3A_308 = tpu.memref_squeeze %dma_start3A_307 : memref<1x10000x64xf32, #tpu.memory_space<hbm>> -> memref<10000x64xf32, #tpu.memory_space<hbm>>
      %dma_start3A_309 = arith.constant 0 : i32
      %dma_start3A_310 = arith.constant 0 : i32
      %dma_start3A_311 = tpu.memref_slice %dma_start3A_308[%dma_start3A_309, %dma_start3A_310] : memref<10000x64xf32, #tpu.memory_space<hbm>> -> memref<10000x64xf32, #tpu.memory_space<hbm>>
      tpu.enqueue_indirect_dma source(%dma_start3A_311 : memref<10000x64xf32, #tpu.memory_space<hbm>>) target(%arg13 : memref<112x64xf32, #tpu.memory_space<vmem>>) offsets(%dma_start3A_304 : memref<112xi32, #tpu.memory_space<vmem>>) semaphore(%arg21 : memref<!tpu.dma_semaphore, #tpu.memory_space<semaphore_mem>>)
      %scan3A_312 = arith.constant 0 : i32
      scf.yield %scan3A_312 : i32
    }
    %scan3A_120 = arith.constant 29 : i32
    %dma_wait3A_121 = arith.constant 177 : i32
    %dma_wait3A_122 = arith.constant 0 : i32
    %dma_wait3A_123 = tpu.memref_slice %arg6[%dma_wait3A_121, %dma_wait3A_122] : memref<180x112xi32, #tpu.memory_space<vmem>> -> memref<1x112xi32, #tpu.memory_space<vmem>>
    %dma_wait3A_124 = tpu.memref_squeeze %dma_wait3A_123 : memref<1x112xi32, #tpu.memory_space<vmem>> -> memref<112xi32, #tpu.memory_space<vmem>>
    %dma_wait3A_125 = arith.constant 0 : i32
    %dma_wait3A_126 = arith.constant 0 : i32
    %dma_wait3A_127 = tpu.memref_slice %arg2[%arg0, %dma_wait3A_125, %dma_wait3A_126] : memref<2x10000x64xf32, #tpu.memory_space<hbm>> -> memref<1x10000x64xf32, #tpu.memory_space<hbm>>
    %dma_wait3A_128 = tpu.memref_squeeze %dma_wait3A_127 : memref<1x10000x64xf32, #tpu.memory_space<hbm>> -> memref<10000x64xf32, #tpu.memory_space<hbm>>
    %dma_wait3A_129 = arith.constant 0 : i32
    %dma_wait3A_130 = arith.constant 0 : i32
    %dma_wait3A_131 = tpu.memref_slice %dma_wait3A_128[%dma_wait3A_129, %dma_wait3A_130] : memref<10000x64xf32, #tpu.memory_space<hbm>> -> memref<10000x64xf32, #tpu.memory_space<hbm>>
    tpu.wait_indirect_dma semaphore(%arg19 : memref<!tpu.dma_semaphore, #tpu.memory_space<semaphore_mem>>) src(%dma_wait3A_131 : memref<10000x64xf32, #tpu.memory_space<hbm>>) dst(%arg11 : memref<112x64xf32, #tpu.memory_space<vmem>>)
    %run_scoped3A_132 = arith.constant 177 : i32
    "tpu.region"() ({
      %run_scoped3A_162 = tpu.sem_alloc : memref<!tpu.dma_semaphore, #tpu.memory_space<semaphore_mem>>
      %dma_start3A_163 = arith.constant 0 : i32
      %dma_start3A_164 = tpu.memref_slice %arg7[%run_scoped3A_132, %dma_start3A_163] : memref<180x112xi32, #tpu.memory_space<vmem>> -> memref<1x112xi32, #tpu.memory_space<vmem>>
      %dma_start3A_165 = tpu.memref_squeeze %dma_start3A_164 : memref<1x112xi32, #tpu.memory_space<vmem>> -> memref<112xi32, #tpu.memory_space<vmem>>
      %dma_start3A_166 = arith.constant 0 : i32
      %dma_start3A_167 = arith.constant 0 : i32
      %dma_start3A_168 = tpu.memref_slice %arg15[%dma_start3A_166, %dma_start3A_167] : memref<10112x64xf32, #tpu.memory_space<vmem_shared>> -> memref<10112x64xf32, #tpu.memory_space<vmem_shared>>
      tpu.enqueue_indirect_dma source(%arg11 : memref<112x64xf32, #tpu.memory_space<vmem>>) target(%dma_start3A_168 : memref<10112x64xf32, #tpu.memory_space<vmem_shared>>) offsets(%dma_start3A_165 : memref<112xi32, #tpu.memory_space<vmem>>) semaphore(%run_scoped3A_162 : memref<!tpu.dma_semaphore, #tpu.memory_space<semaphore_mem>>) {add = true}
      %dma_wait3A_169 = arith.constant 0 : i32
      %dma_wait3A_170 = tpu.memref_slice %arg7[%run_scoped3A_132, %dma_wait3A_169] : memref<180x112xi32, #tpu.memory_space<vmem>> -> memref<1x112xi32, #tpu.memory_space<vmem>>
      %dma_wait3A_171 = tpu.memref_squeeze %dma_wait3A_170 : memref<1x112xi32, #tpu.memory_space<vmem>> -> memref<112xi32, #tpu.memory_space<vmem>>
      %dma_wait3A_172 = arith.constant 0 : i32
      %dma_wait3A_173 = arith.constant 0 : i32
      %dma_wait3A_174 = tpu.memref_slice %arg15[%dma_wait3A_172, %dma_wait3A_173] : memref<10112x64xf32, #tpu.memory_space<vmem_shared>> -> memref<10112x64xf32, #tpu.memory_space<vmem_shared>>
      tpu.wait_indirect_dma semaphore(%run_scoped3A_162 : memref<!tpu.dma_semaphore, #tpu.memory_space<semaphore_mem>>) src(%arg11 : memref<112x64xf32, #tpu.memory_space<vmem>>) dst(%dma_wait3A_174 : memref<10112x64xf32, #tpu.memory_space<vmem_shared>>)
      tpu.yield
    }) : () -> ()
    %dma_wait3A_133 = arith.constant 178 : i32
    %dma_wait3A_134 = arith.constant 0 : i32
    %dma_wait3A_135 = tpu.memref_slice %arg6[%dma_wait3A_133, %dma_wait3A_134] : memref<180x112xi32, #tpu.memory_space<vmem>> -> memref<1x112xi32, #tpu.memory_space<vmem>>
    %dma_wait3A_136 = tpu.memref_squeeze %dma_wait3A_135 : memref<1x112xi32, #tpu.memory_space<vmem>> -> memref<112xi32, #tpu.memory_space<vmem>>
    %dma_wait3A_137 = arith.constant 0 : i32
    %dma_wait3A_138 = arith.constant 0 : i32
    %dma_wait3A_139 = tpu.memref_slice %arg2[%arg0, %dma_wait3A_137, %dma_wait3A_138] : memref<2x10000x64xf32, #tpu.memory_space<hbm>> -> memref<1x10000x64xf32, #tpu.memory_space<hbm>>
    %dma_wait3A_140 = tpu.memref_squeeze %dma_wait3A_139 : memref<1x10000x64xf32, #tpu.memory_space<hbm>> -> memref<10000x64xf32, #tpu.memory_space<hbm>>
    %dma_wait3A_141 = arith.constant 0 : i32
    %dma_wait3A_142 = arith.constant 0 : i32
    %dma_wait3A_143 = tpu.memref_slice %dma_wait3A_140[%dma_wait3A_141, %dma_wait3A_142] : memref<10000x64xf32, #tpu.memory_space<hbm>> -> memref<10000x64xf32, #tpu.memory_space<hbm>>
    tpu.wait_indirect_dma semaphore(%arg20 : memref<!tpu.dma_semaphore, #tpu.memory_space<semaphore_mem>>) src(%dma_wait3A_143 : memref<10000x64xf32, #tpu.memory_space<hbm>>) dst(%arg12 : memref<112x64xf32, #tpu.memory_space<vmem>>)
    %run_scoped3A_144 = arith.constant 178 : i32
    "tpu.region"() ({
      %run_scoped3A_162 = tpu.sem_alloc : memref<!tpu.dma_semaphore, #tpu.memory_space<semaphore_mem>>
      %dma_start3A_163 = arith.constant 0 : i32
      %dma_start3A_164 = tpu.memref_slice %arg7[%run_scoped3A_144, %dma_start3A_163] : memref<180x112xi32, #tpu.memory_space<vmem>> -> memref<1x112xi32, #tpu.memory_space<vmem>>
      %dma_start3A_165 = tpu.memref_squeeze %dma_start3A_164 : memref<1x112xi32, #tpu.memory_space<vmem>> -> memref<112xi32, #tpu.memory_space<vmem>>
      %dma_start3A_166 = arith.constant 0 : i32
      %dma_start3A_167 = arith.constant 0 : i32
      %dma_start3A_168 = tpu.memref_slice %arg15[%dma_start3A_166, %dma_start3A_167] : memref<10112x64xf32, #tpu.memory_space<vmem_shared>> -> memref<10112x64xf32, #tpu.memory_space<vmem_shared>>
      tpu.enqueue_indirect_dma source(%arg12 : memref<112x64xf32, #tpu.memory_space<vmem>>) target(%dma_start3A_168 : memref<10112x64xf32, #tpu.memory_space<vmem_shared>>) offsets(%dma_start3A_165 : memref<112xi32, #tpu.memory_space<vmem>>) semaphore(%run_scoped3A_162 : memref<!tpu.dma_semaphore, #tpu.memory_space<semaphore_mem>>) {add = true}
      %dma_wait3A_169 = arith.constant 0 : i32
      %dma_wait3A_170 = tpu.memref_slice %arg7[%run_scoped3A_144, %dma_wait3A_169] : memref<180x112xi32, #tpu.memory_space<vmem>> -> memref<1x112xi32, #tpu.memory_space<vmem>>
      %dma_wait3A_171 = tpu.memref_squeeze %dma_wait3A_170 : memref<1x112xi32, #tpu.memory_space<vmem>> -> memref<112xi32, #tpu.memory_space<vmem>>
      %dma_wait3A_172 = arith.constant 0 : i32
      %dma_wait3A_173 = arith.constant 0 : i32
      %dma_wait3A_174 = tpu.memref_slice %arg15[%dma_wait3A_172, %dma_wait3A_173] : memref<10112x64xf32, #tpu.memory_space<vmem_shared>> -> memref<10112x64xf32, #tpu.memory_space<vmem_shared>>
      tpu.wait_indirect_dma semaphore(%run_scoped3A_162 : memref<!tpu.dma_semaphore, #tpu.memory_space<semaphore_mem>>) src(%arg12 : memref<112x64xf32, #tpu.memory_space<vmem>>) dst(%dma_wait3A_174 : memref<10112x64xf32, #tpu.memory_space<vmem_shared>>)
      tpu.yield
    }) : () -> ()
    %dma_wait3A_145 = arith.constant 179 : i32
    %dma_wait3A_146 = arith.constant 0 : i32
    %dma_wait3A_147 = tpu.memref_slice %arg6[%dma_wait3A_145, %dma_wait3A_146] : memref<180x112xi32, #tpu.memory_space<vmem>> -> memref<1x112xi32, #tpu.memory_space<vmem>>
    %dma_wait3A_148 = tpu.memref_squeeze %dma_wait3A_147 : memref<1x112xi32, #tpu.memory_space<vmem>> -> memref<112xi32, #tpu.memory_space<vmem>>
    %dma_wait3A_149 = arith.constant 0 : i32
    %dma_wait3A_150 = arith.constant 0 : i32
    %dma_wait3A_151 = tpu.memref_slice %arg2[%arg0, %dma_wait3A_149, %dma_wait3A_150] : memref<2x10000x64xf32, #tpu.memory_space<hbm>> -> memref<1x10000x64xf32, #tpu.memory_space<hbm>>
    %dma_wait3A_152 = tpu.memref_squeeze %dma_wait3A_151 : memref<1x10000x64xf32, #tpu.memory_space<hbm>> -> memref<10000x64xf32, #tpu.memory_space<hbm>>
    %dma_wait3A_153 = arith.constant 0 : i32
    %dma_wait3A_154 = arith.constant 0 : i32
    %dma_wait3A_155 = tpu.memref_slice %dma_wait3A_152[%dma_wait3A_153, %dma_wait3A_154] : memref<10000x64xf32, #tpu.memory_space<hbm>> -> memref<10000x64xf32, #tpu.memory_space<hbm>>
    tpu.wait_indirect_dma semaphore(%arg21 : memref<!tpu.dma_semaphore, #tpu.memory_space<semaphore_mem>>) src(%dma_wait3A_155 : memref<10000x64xf32, #tpu.memory_space<hbm>>) dst(%arg13 : memref<112x64xf32, #tpu.memory_space<vmem>>)
    %run_scoped3A_156 = arith.constant 179 : i32
    "tpu.region"() ({
      %run_scoped3A_162 = tpu.sem_alloc : memref<!tpu.dma_semaphore, #tpu.memory_space<semaphore_mem>>
      %dma_start3A_163 = arith.constant 0 : i32
      %dma_start3A_164 = tpu.memref_slice %arg7[%run_scoped3A_156, %dma_start3A_163] : memref<180x112xi32, #tpu.memory_space<vmem>> -> memref<1x112xi32, #tpu.memory_space<vmem>>
      %dma_start3A_165 = tpu.memref_squeeze %dma_start3A_164 : memref<1x112xi32, #tpu.memory_space<vmem>> -> memref<112xi32, #tpu.memory_space<vmem>>
      %dma_start3A_166 = arith.constant 0 : i32
      %dma_start3A_167 = arith.constant 0 : i32
      %dma_start3A_168 = tpu.memref_slice %arg15[%dma_start3A_166, %dma_start3A_167] : memref<10112x64xf32, #tpu.memory_space<vmem_shared>> -> memref<10112x64xf32, #tpu.memory_space<vmem_shared>>
      tpu.enqueue_indirect_dma source(%arg13 : memref<112x64xf32, #tpu.memory_space<vmem>>) target(%dma_start3A_168 : memref<10112x64xf32, #tpu.memory_space<vmem_shared>>) offsets(%dma_start3A_165 : memref<112xi32, #tpu.memory_space<vmem>>) semaphore(%run_scoped3A_162 : memref<!tpu.dma_semaphore, #tpu.memory_space<semaphore_mem>>) {add = true}
      %dma_wait3A_169 = arith.constant 0 : i32
      %dma_wait3A_170 = tpu.memref_slice %arg7[%run_scoped3A_156, %dma_wait3A_169] : memref<180x112xi32, #tpu.memory_space<vmem>> -> memref<1x112xi32, #tpu.memory_space<vmem>>
      %dma_wait3A_171 = tpu.memref_squeeze %dma_wait3A_170 : memref<1x112xi32, #tpu.memory_space<vmem>> -> memref<112xi32, #tpu.memory_space<vmem>>
      %dma_wait3A_172 = arith.constant 0 : i32
      %dma_wait3A_173 = arith.constant 0 : i32
      %dma_wait3A_174 = tpu.memref_slice %arg15[%dma_wait3A_172, %dma_wait3A_173] : memref<10112x64xf32, #tpu.memory_space<vmem_shared>> -> memref<10112x64xf32, #tpu.memory_space<vmem_shared>>
      tpu.wait_indirect_dma semaphore(%run_scoped3A_162 : memref<!tpu.dma_semaphore, #tpu.memory_space<semaphore_mem>>) src(%arg13 : memref<112x64xf32, #tpu.memory_space<vmem>>) dst(%dma_wait3A_174 : memref<10112x64xf32, #tpu.memory_space<vmem_shared>>)
      tpu.yield
    }) : () -> ()
    %barrier3A_157 = arith.constant 0 : index
    tpu.barrier barrier_id(%barrier3A_157)
    %mul3A_158 = arith.constant 632 : i32
    %mul3A_159 = arith.muli %arg1, %mul3A_158 : i32
    %mul3A_160 = arith.constant 632 : i32
    %mul3A_161 = arith.muli %arg1, %mul3A_160 : i32
    "tpu.region"() ({
      %run_scoped3A_162 = tpu.sem_alloc : memref<!tpu.dma_semaphore, #tpu.memory_space<semaphore_mem>>
      %dma_start3A_163 = arith.constant 0 : i32
      %dma_start3A_164 = tpu.memref_slice %arg5[%arg0, %mul3A_161, %dma_start3A_163] : memref<2x10112x64xf32, #tpu.memory_space<hbm>> -> memref<1x632x64xf32, #tpu.memory_space<hbm>>
      %dma_start3A_165 = tpu.memref_squeeze %dma_start3A_164 : memref<1x632x64xf32, #tpu.memory_space<hbm>> -> memref<632x64xf32, #tpu.memory_space<hbm>>
      %dma_start3A_166 = arith.constant 0 : i32
      %dma_start3A_167 = tpu.memref_slice %arg15[%mul3A_159, %dma_start3A_166] : memref<10112x64xf32, #tpu.memory_space<vmem_shared>> -> memref<632x64xf32, #tpu.memory_space<vmem_shared>>
      tpu.enqueue_dma source(%dma_start3A_167 : memref<632x64xf32, #tpu.memory_space<vmem_shared>>) target(%dma_start3A_165 : memref<632x64xf32, #tpu.memory_space<hbm>>) target_semaphore(%run_scoped3A_162 : memref<!tpu.dma_semaphore, #tpu.memory_space<semaphore_mem>>)
      %dma_wait3A_168 = arith.constant 0 : i32
      %dma_wait3A_169 = tpu.memref_slice %arg5[%arg0, %mul3A_161, %dma_wait3A_168] : memref<2x10112x64xf32, #tpu.memory_space<hbm>> -> memref<1x632x64xf32, #tpu.memory_space<hbm>>
      %dma_wait3A_170 = tpu.memref_squeeze %dma_wait3A_169 : memref<1x632x64xf32, #tpu.memory_space<hbm>> -> memref<632x64xf32, #tpu.memory_space<hbm>>
      %dma_wait3A_171 = arith.constant 0 : i32
      %dma_wait3A_172 = tpu.memref_slice %arg15[%mul3A_159, %dma_wait3A_171] : memref<10112x64xf32, #tpu.memory_space<vmem_shared>> -> memref<632x64xf32, #tpu.memory_space<vmem_shared>>
      tpu.wait_dma2 semaphore(%run_scoped3A_162 : memref<!tpu.dma_semaphore, #tpu.memory_space<semaphore_mem>>) src(%dma_wait3A_172 : memref<632x64xf32, #tpu.memory_space<vmem_shared>>) dst(%dma_wait3A_170 : memref<632x64xf32, #tpu.memory_space<hbm>>)
      tpu.yield
    }) : () -> ()
    return
  }
}

#map = affine_map<(d0, d1) -> (0, 0, 0)>
module attributes {stable_mosaic.version = 14 : i64} {
  func.func @_agg_body(%arg0: i32, %arg1: i32, %arg2: memref<2x10000x64xf32, #tpu.memory_space<hbm>>, %arg3: memref<16x180x112xi32, #tpu.memory_space<hbm>>, %arg4: memref<16x180x112xi32, #tpu.memory_space<hbm>>, %arg5: memref<2x10112x64xf32, #tpu.memory_space<hbm>>, %arg6: memref<180x112xi32, #tpu.memory_space<vmem>>, %arg7: memref<180x112xi32, #tpu.memory_space<vmem>>, %arg8: memref<112x64xf32, #tpu.memory_space<vmem>>, %arg9: memref<112x64xf32, #tpu.memory_space<vmem>>, %arg10: memref<112x64xf32, #tpu.memory_space<vmem>>, %arg11: memref<112x64xf32, #tpu.memory_space<vmem>>, %arg12: memref<112x64xf32, #tpu.memory_space<vmem>>, %arg13: memref<112x64xf32, #tpu.memory_space<vmem>>, %arg14: memref<112x64xf32, #tpu.memory_space<vmem>>, %arg15: memref<10112x64xf32, #tpu.memory_space<vmem_shared>>, %arg16: memref<!tpu.dma_semaphore, #tpu.memory_space<semaphore_mem>>, %arg17: memref<!tpu.dma_semaphore, #tpu.memory_space<semaphore_mem>>, %arg18: memref<!tpu.dma_semaphore, #tpu.memory_space<semaphore_mem>>, %arg19: memref<!tpu.dma_semaphore, #tpu.memory_space<semaphore_mem>>, %arg20: memref<!tpu.dma_semaphore, #tpu.memory_space<semaphore_mem>>, %arg21: memref<!tpu.dma_semaphore, #tpu.memory_space<semaphore_mem>>) attributes {dimension_semantics = [#tpu.dimension_semantics<core_parallel>, #tpu.dimension_semantics<subcore_parallel>], iteration_bounds = array<i64: 2, 16>, scalar_prefetch = 0 : i64, scratch_operands = 16 : i64, tpu.core_type = #tpu.core_type<sc_vector_subcore>, window_params = [{transform_indices = #map}, {transform_indices = #map}, {transform_indices = #map}, {transform_indices = #map}]} {
    "tpu.region"() ({
      %run_scoped3A_162 = tpu.sem_alloc : memref<!tpu.dma_semaphore, #tpu.memory_space<semaphore_mem>>
      %dma_start3A_163 = arith.constant 0 : i32
      %dma_start3A_164 = arith.constant 0 : i32
      %dma_start3A_165 = tpu.memref_slice %arg3[%arg1, %dma_start3A_163, %dma_start3A_164] : memref<16x180x112xi32, #tpu.memory_space<hbm>> -> memref<1x180x112xi32, #tpu.memory_space<hbm>>
      %dma_start3A_166 = tpu.memref_squeeze %dma_start3A_165 : memref<1x180x112xi32, #tpu.memory_space<hbm>> -> memref<180x112xi32, #tpu.memory_space<hbm>>
      %dma_start3A_167 = arith.constant 0 : i32
      %dma_start3A_168 = arith.constant 0 : i32
      %dma_start3A_169 = tpu.memref_slice %arg3[%arg1, %dma_start3A_167, %dma_start3A_168] : memref<16x180x112xi32, #tpu.memory_space<hbm>> -> memref<1x180x112xi32, #tpu.memory_space<hbm>>
      %dma_start3A_170 = tpu.memref_squeeze %dma_start3A_169 : memref<1x180x112xi32, #tpu.memory_space<hbm>> -> memref<180x112xi32, #tpu.memory_space<hbm>>
      tpu.enqueue_dma source(%dma_start3A_170 : memref<180x112xi32, #tpu.memory_space<hbm>>) target(%arg6 : memref<180x112xi32, #tpu.memory_space<vmem>>) target_semaphore(%run_scoped3A_162 : memref<!tpu.dma_semaphore, #tpu.memory_space<semaphore_mem>>)
      %dma_wait3A_171 = arith.constant 0 : i32
      %dma_wait3A_172 = arith.constant 0 : i32
      %dma_wait3A_173 = tpu.memref_slice %arg3[%arg1, %dma_wait3A_171, %dma_wait3A_172] : memref<16x180x112xi32, #tpu.memory_space<hbm>> -> memref<1x180x112xi32, #tpu.memory_space<hbm>>
      %dma_wait3A_174 = tpu.memref_squeeze %dma_wait3A_173 : memref<1x180x112xi32, #tpu.memory_space<hbm>> -> memref<180x112xi32, #tpu.memory_space<hbm>>
      %dma_wait3A_175 = arith.constant 0 : i32
      %dma_wait3A_176 = arith.constant 0 : i32
      %dma_wait3A_177 = tpu.memref_slice %arg3[%arg1, %dma_wait3A_175, %dma_wait3A_176] : memref<16x180x112xi32, #tpu.memory_space<hbm>> -> memref<1x180x112xi32, #tpu.memory_space<hbm>>
      %dma_wait3A_178 = tpu.memref_squeeze %dma_wait3A_177 : memref<1x180x112xi32, #tpu.memory_space<hbm>> -> memref<180x112xi32, #tpu.memory_space<hbm>>
      tpu.wait_dma2 semaphore(%run_scoped3A_162 : memref<!tpu.dma_semaphore, #tpu.memory_space<semaphore_mem>>) src(%dma_wait3A_178 : memref<180x112xi32, #tpu.memory_space<hbm>>) dst(%arg6 : memref<180x112xi32, #tpu.memory_space<vmem>>)
      tpu.yield
    }) : () -> ()
    "tpu.region"() ({
      %run_scoped3A_162 = tpu.sem_alloc : memref<!tpu.dma_semaphore, #tpu.memory_space<semaphore_mem>>
      %dma_start3A_163 = arith.constant 0 : i32
      %dma_start3A_164 = arith.constant 0 : i32
      %dma_start3A_165 = tpu.memref_slice %arg4[%arg1, %dma_start3A_163, %dma_start3A_164] : memref<16x180x112xi32, #tpu.memory_space<hbm>> -> memref<1x180x112xi32, #tpu.memory_space<hbm>>
      %dma_start3A_166 = tpu.memref_squeeze %dma_start3A_165 : memref<1x180x112xi32, #tpu.memory_space<hbm>> -> memref<180x112xi32, #tpu.memory_space<hbm>>
      %dma_start3A_167 = arith.constant 0 : i32
      %dma_start3A_168 = arith.constant 0 : i32
      %dma_start3A_169 = tpu.memref_slice %arg4[%arg1, %dma_start3A_167, %dma_start3A_168] : memref<16x180x112xi32, #tpu.memory_space<hbm>> -> memref<1x180x112xi32, #tpu.memory_space<hbm>>
      %dma_start3A_170 = tpu.memref_squeeze %dma_start3A_169 : memref<1x180x112xi32, #tpu.memory_space<hbm>> -> memref<180x112xi32, #tpu.memory_space<hbm>>
      tpu.enqueue_dma source(%dma_start3A_170 : memref<180x112xi32, #tpu.memory_space<hbm>>) target(%arg7 : memref<180x112xi32, #tpu.memory_space<vmem>>) target_semaphore(%run_scoped3A_162 : memref<!tpu.dma_semaphore, #tpu.memory_space<semaphore_mem>>)
      %dma_wait3A_171 = arith.constant 0 : i32
      %dma_wait3A_172 = arith.constant 0 : i32
      %dma_wait3A_173 = tpu.memref_slice %arg4[%arg1, %dma_wait3A_171, %dma_wait3A_172] : memref<16x180x112xi32, #tpu.memory_space<hbm>> -> memref<1x180x112xi32, #tpu.memory_space<hbm>>
      %dma_wait3A_174 = tpu.memref_squeeze %dma_wait3A_173 : memref<1x180x112xi32, #tpu.memory_space<hbm>> -> memref<180x112xi32, #tpu.memory_space<hbm>>
      %dma_wait3A_175 = arith.constant 0 : i32
      %dma_wait3A_176 = arith.constant 0 : i32
      %dma_wait3A_177 = tpu.memref_slice %arg4[%arg1, %dma_wait3A_175, %dma_wait3A_176] : memref<16x180x112xi32, #tpu.memory_space<hbm>> -> memref<1x180x112xi32, #tpu.memory_space<hbm>>
      %dma_wait3A_178 = tpu.memref_squeeze %dma_wait3A_177 : memref<1x180x112xi32, #tpu.memory_space<hbm>> -> memref<180x112xi32, #tpu.memory_space<hbm>>
      tpu.wait_dma2 semaphore(%run_scoped3A_162 : memref<!tpu.dma_semaphore, #tpu.memory_space<semaphore_mem>>) src(%dma_wait3A_178 : memref<180x112xi32, #tpu.memory_space<hbm>>) dst(%arg7 : memref<180x112xi32, #tpu.memory_space<vmem>>)
      tpu.yield
    }) : () -> ()
    %dma_start3A = arith.constant 0 : i32
    %dma_start3A_0 = arith.constant 0 : i32
    %dma_start3A_1 = tpu.memref_slice %arg6[%dma_start3A, %dma_start3A_0] : memref<180x112xi32, #tpu.memory_space<vmem>> -> memref<1x112xi32, #tpu.memory_space<vmem>>
    %dma_start3A_2 = tpu.memref_squeeze %dma_start3A_1 : memref<1x112xi32, #tpu.memory_space<vmem>> -> memref<112xi32, #tpu.memory_space<vmem>>
    %dma_start3A_3 = arith.constant 0 : i32
    %dma_start3A_4 = arith.constant 0 : i32
    %dma_start3A_5 = tpu.memref_slice %arg2[%arg0, %dma_start3A_3, %dma_start3A_4] : memref<2x10000x64xf32, #tpu.memory_space<hbm>> -> memref<1x10000x64xf32, #tpu.memory_space<hbm>>
    %dma_start3A_6 = tpu.memref_squeeze %dma_start3A_5 : memref<1x10000x64xf32, #tpu.memory_space<hbm>> -> memref<10000x64xf32, #tpu.memory_space<hbm>>
    %dma_start3A_7 = arith.constant 0 : i32
    %dma_start3A_8 = arith.constant 0 : i32
    %dma_start3A_9 = tpu.memref_slice %dma_start3A_6[%dma_start3A_7, %dma_start3A_8] : memref<10000x64xf32, #tpu.memory_space<hbm>> -> memref<10000x64xf32, #tpu.memory_space<hbm>>
    tpu.enqueue_indirect_dma source(%dma_start3A_9 : memref<10000x64xf32, #tpu.memory_space<hbm>>) target(%arg8 : memref<112x64xf32, #tpu.memory_space<vmem>>) offsets(%dma_start3A_2 : memref<112xi32, #tpu.memory_space<vmem>>) semaphore(%arg16 : memref<!tpu.dma_semaphore, #tpu.memory_space<semaphore_mem>>)
    %dma_start3A_10 = arith.constant 1 : i32
    %dma_start3A_11 = arith.constant 0 : i32
    %dma_start3A_12 = tpu.memref_slice %arg6[%dma_start3A_10, %dma_start3A_11] : memref<180x112xi32, #tpu.memory_space<vmem>> -> memref<1x112xi32, #tpu.memory_space<vmem>>
    %dma_start3A_13 = tpu.memref_squeeze %dma_start3A_12 : memref<1x112xi32, #tpu.memory_space<vmem>> -> memref<112xi32, #tpu.memory_space<vmem>>
    %dma_start3A_14 = arith.constant 0 : i32
    %dma_start3A_15 = arith.constant 0 : i32
    %dma_start3A_16 = tpu.memref_slice %arg2[%arg0, %dma_start3A_14, %dma_start3A_15] : memref<2x10000x64xf32, #tpu.memory_space<hbm>> -> memref<1x10000x64xf32, #tpu.memory_space<hbm>>
    %dma_start3A_17 = tpu.memref_squeeze %dma_start3A_16 : memref<1x10000x64xf32, #tpu.memory_space<hbm>> -> memref<10000x64xf32, #tpu.memory_space<hbm>>
    %dma_start3A_18 = arith.constant 0 : i32
    %dma_start3A_19 = arith.constant 0 : i32
    %dma_start3A_20 = tpu.memref_slice %dma_start3A_17[%dma_start3A_18, %dma_start3A_19] : memref<10000x64xf32, #tpu.memory_space<hbm>> -> memref<10000x64xf32, #tpu.memory_space<hbm>>
    tpu.enqueue_indirect_dma source(%dma_start3A_20 : memref<10000x64xf32, #tpu.memory_space<hbm>>) target(%arg9 : memref<112x64xf32, #tpu.memory_space<vmem>>) offsets(%dma_start3A_13 : memref<112xi32, #tpu.memory_space<vmem>>) semaphore(%arg17 : memref<!tpu.dma_semaphore, #tpu.memory_space<semaphore_mem>>)
    %dma_start3A_21 = arith.constant 2 : i32
    %dma_start3A_22 = arith.constant 0 : i32
    %dma_start3A_23 = tpu.memref_slice %arg6[%dma_start3A_21, %dma_start3A_22] : memref<180x112xi32, #tpu.memory_space<vmem>> -> memref<1x112xi32, #tpu.memory_space<vmem>>
    %dma_start3A_24 = tpu.memref_squeeze %dma_start3A_23 : memref<1x112xi32, #tpu.memory_space<vmem>> -> memref<112xi32, #tpu.memory_space<vmem>>
    %dma_start3A_25 = arith.constant 0 : i32
    %dma_start3A_26 = arith.constant 0 : i32
    %dma_start3A_27 = tpu.memref_slice %arg2[%arg0, %dma_start3A_25, %dma_start3A_26] : memref<2x10000x64xf32, #tpu.memory_space<hbm>> -> memref<1x10000x64xf32, #tpu.memory_space<hbm>>
    %dma_start3A_28 = tpu.memref_squeeze %dma_start3A_27 : memref<1x10000x64xf32, #tpu.memory_space<hbm>> -> memref<10000x64xf32, #tpu.memory_space<hbm>>
    %dma_start3A_29 = arith.constant 0 : i32
    %dma_start3A_30 = arith.constant 0 : i32
    %dma_start3A_31 = tpu.memref_slice %dma_start3A_28[%dma_start3A_29, %dma_start3A_30] : memref<10000x64xf32, #tpu.memory_space<hbm>> -> memref<10000x64xf32, #tpu.memory_space<hbm>>
    tpu.enqueue_indirect_dma source(%dma_start3A_31 : memref<10000x64xf32, #tpu.memory_space<hbm>>) target(%arg10 : memref<112x64xf32, #tpu.memory_space<vmem>>) offsets(%dma_start3A_24 : memref<112xi32, #tpu.memory_space<vmem>>) semaphore(%arg18 : memref<!tpu.dma_semaphore, #tpu.memory_space<semaphore_mem>>)
    %scan3A = arith.constant 0 : i32
    %scan3A_32 = arith.constant 0 : i32
    %scan3A_33 = arith.constant 448 : i32
    %scan3A_34 = arith.addi %scan3A_32, %scan3A_33 : i32
    %scan3A_35 = arith.constant 1 : i32
    %scan3A_36 = scf.for %scan3A_162 = %scan3A_32 to %scan3A_34 step %scan3A_35 iter_args(%scan3A_163 = %scan3A) -> (i32)  : i32 {
      %broadcast_in_dim3A = arith.constant 0.000000e+00 : f32
      %broadcast_in_dim3A_164 = vector.broadcast %broadcast_in_dim3A : f32 to vector<16xf32>
      %jit3A = arith.constant 4 : i32
      %div3A = arith.divsi %scan3A_162, %jit3A : i32
      %sign3A = arith.constant 0 : i32
      %sign3A_165 = arith.cmpi sgt, %scan3A_162, %sign3A : i32
      %sign3A_166 = arith.extui %sign3A_165 : i1 to i32
      %sign3A_167 = arith.constant 0 : i32
      %sign3A_168 = arith.cmpi slt, %scan3A_162, %sign3A_167 : i32
      %sign3A_169 = arith.extui %sign3A_168 : i1 to i32
      %sign3A_170 = arith.subi %sign3A_166, %sign3A_169 : i32
      %sign3A_171 = arith.constant 0 : i32
      %sign3A_172 = arith.cmpi sgt, %jit3A, %sign3A_171 : i32
      %sign3A_173 = arith.extui %sign3A_172 : i1 to i32
      %sign3A_174 = arith.constant 0 : i32
      %sign3A_175 = arith.cmpi slt, %jit3A, %sign3A_174 : i32
      %sign3A_176 = arith.extui %sign3A_175 : i1 to i32
      %sign3A_177 = arith.subi %sign3A_173, %sign3A_176 : i32
      %ne3A = arith.cmpi ne, %sign3A_170, %sign3A_177 : i32
      %rem3A = arith.remsi %scan3A_162, %jit3A : i32
      %ne3A_178 = arith.constant 0 : i32
      %ne3A_179 = arith.cmpi ne, %rem3A, %ne3A_178 : i32
      %and3A = arith.andi %ne3A, %ne3A_179 : i1
      %sub3A = arith.constant 1 : i32
      %sub3A_180 = arith.subi %div3A, %sub3A : i32
      %select_n3A = arith.select %and3A, %sub3A_180, %div3A : i32
      %jit3A_181 = arith.constant 4 : i32
      %eq3A = arith.constant 0 : i32
      %eq3A_182 = arith.cmpi eq, %jit3A_181, %eq3A : i32
      %jit3A_183 = arith.constant 1 : i32
      %select_n3A_184 = arith.select %eq3A_182, %jit3A_183, %jit3A_181 : i32
      %rem3A_185 = arith.remsi %scan3A_162, %select_n3A_184 : i32
      %ne3A_186 = arith.constant 0 : i32
      %ne3A_187 = arith.cmpi ne, %rem3A_185, %ne3A_186 : i32
      %lt3A = arith.constant 0 : i32
      %lt3A_188 = arith.cmpi slt, %rem3A_185, %lt3A : i32
      %lt3A_189 = arith.constant 0 : i32
      %lt3A_190 = arith.cmpi slt, %select_n3A_184, %lt3A_189 : i32
      %ne3A_191 = arith.xori %lt3A_188, %lt3A_190 : i1
      %and3A_192 = arith.andi %ne3A_191, %ne3A_187 : i1
      %add3A_193 = arith.addi %rem3A_185, %select_n3A_184 : i32
      %select_n3A_194 = arith.select %and3A_192, %add3A_193, %rem3A_185 : i32
      %mul3A_195 = arith.constant 16 : i32
      %mul3A_196 = arith.muli %select_n3A_194, %mul3A_195 : i32
      %swap3A = arith.index_cast %select_n3A : i32 to index
      %swap3A_197 = arith.index_cast %mul3A_196 : i32 to index
      %swap3A_198 = tpu.vector_load %arg14[%swap3A, %swap3A_197] {strides = array<i32>} : memref<112x64xf32, #tpu.memory_space<vmem>>, vector<1x16xf32>,
      %swap3A_199 = vector.shape_cast %swap3A_198 : vector<1x16xf32> to vector<16xf32>
      %swap3A_200 = vector.shape_cast %broadcast_in_dim3A_164 : vector<16xf32> to vector<1x16xf32>
      tpu.vector_store %arg14[%swap3A, %swap3A_197], %swap3A_200 {strides = array<i32>} : memref<112x64xf32, #tpu.memory_space<vmem>>, vector<1x16xf32>,
      %scan3A_201 = arith.constant 0 : i32
      scf.yield %scan3A_201 : i32
    }
    %scan3A_37 = arith.constant 448 : i32
    %scan3A_38 = arith.constant 0 : i32
    %scan3A_39 = arith.constant 0 : i32
    %scan3A_40 = arith.constant 5 : i32
    %scan3A_41 = arith.addi %scan3A_39, %scan3A_40 : i32
    %scan3A_42 = arith.constant 1 : i32
    %scan3A_43 = scf.for %scan3A_162 = %scan3A_39 to %scan3A_41 step %scan3A_42 iter_args(%scan3A_163 = %scan3A_38) -> (i32)  : i32 {
      %mul3A_164 = arith.constant 632 : i32
      %mul3A_165 = arith.muli %arg1, %mul3A_164 : i32
      %mul3A_166 = arith.constant 112 : i32
      %mul3A_167 = arith.muli %scan3A_162, %mul3A_166 : i32
      %add3A_168 = arith.addi %mul3A_165, %mul3A_167 : i32
      "tpu.region"() ({
        %run_scoped3A_170 = tpu.sem_alloc : memref<!tpu.dma_semaphore, #tpu.memory_space<semaphore_mem>>
        %dma_start3A_171 = arith.constant 0 : i32
        %dma_start3A_172 = tpu.memref_slice %arg15[%add3A_168, %dma_start3A_171] : memref<10112x64xf32, #tpu.memory_space<vmem_shared>> -> memref<112x64xf32, #tpu.memory_space<vmem_shared>>
        %dma_start3A_173 = arith.constant 0 : i32
        %dma_start3A_174 = tpu.memref_slice %arg15[%add3A_168, %dma_start3A_173] : memref<10112x64xf32, #tpu.memory_space<vmem_shared>> -> memref<112x64xf32, #tpu.memory_space<vmem_shared>>
        tpu.enqueue_dma source(%arg14 : memref<112x64xf32, #tpu.memory_space<vmem>>) target(%dma_start3A_174 : memref<112x64xf32, #tpu.memory_space<vmem_shared>>) target_semaphore(%run_scoped3A_170 : memref<!tpu.dma_semaphore, #tpu.memory_space<semaphore_mem>>)
        %dma_wait3A_175 = arith.constant 0 : i32
        %dma_wait3A_176 = tpu.memref_slice %arg15[%add3A_168, %dma_wait3A_175] : memref<10112x64xf32, #tpu.memory_space<vmem_shared>> -> memref<112x64xf32, #tpu.memory_space<vmem_shared>>
        %dma_wait3A_177 = arith.constant 0 : i32
        %dma_wait3A_178 = tpu.memref_slice %arg15[%add3A_168, %dma_wait3A_177] : memref<10112x64xf32, #tpu.memory_space<vmem_shared>> -> memref<112x64xf32, #tpu.memory_space<vmem_shared>>
        tpu.wait_dma2 semaphore(%run_scoped3A_170 : memref<!tpu.dma_semaphore, #tpu.memory_space<semaphore_mem>>) src(%arg14 : memref<112x64xf32, #tpu.memory_space<vmem>>) dst(%dma_wait3A_178 : memref<112x64xf32, #tpu.memory_space<vmem_shared>>)
        tpu.yield
      }) : () -> ()
      %scan3A_169 = arith.constant 0 : i32
      scf.yield %scan3A_169 : i32
    }
    %scan3A_44 = arith.constant 5 : i32
    %mul3A = arith.constant 632 : i32
    %mul3A_45 = arith.muli %arg1, %mul3A : i32
    %add3A = arith.constant 560 : i32
    %add3A_46 = arith.addi %mul3A_45, %add3A : i32
    "tpu.region"() ({
      %run_scoped3A_162 = tpu.sem_alloc : memref<!tpu.dma_semaphore, #tpu.memory_space<semaphore_mem>>
      %dma_start3A_163 = arith.constant 0 : i32
      %dma_start3A_164 = arith.constant 0 : i32
      %dma_start3A_165 = tpu.memref_slice %arg14[%dma_start3A_163, %dma_start3A_164] : memref<112x64xf32, #tpu.memory_space<vmem>> -> memref<72x64xf32, #tpu.memory_space<vmem>>
      %dma_start3A_166 = arith.constant 0 : i32
      %dma_start3A_167 = tpu.memref_slice %arg15[%add3A_46, %dma_start3A_166] : memref<10112x64xf32, #tpu.memory_space<vmem_shared>> -> memref<72x64xf32, #tpu.memory_space<vmem_shared>>
      %dma_start3A_168 = arith.constant 0 : i32
      %dma_start3A_169 = tpu.memref_slice %arg15[%add3A_46, %dma_start3A_168] : memref<10112x64xf32, #tpu.memory_space<vmem_shared>> -> memref<72x64xf32, #tpu.memory_space<vmem_shared>>
      %dma_start3A_170 = arith.constant 0 : i32
      %dma_start3A_171 = arith.constant 0 : i32
      %dma_start3A_172 = tpu.memref_slice %arg14[%dma_start3A_170, %dma_start3A_171] : memref<112x64xf32, #tpu.memory_space<vmem>> -> memref<72x64xf32, #tpu.memory_space<vmem>>
      tpu.enqueue_dma source(%dma_start3A_172 : memref<72x64xf32, #tpu.memory_space<vmem>>) target(%dma_start3A_169 : memref<72x64xf32, #tpu.memory_space<vmem_shared>>) target_semaphore(%run_scoped3A_162 : memref<!tpu.dma_semaphore, #tpu.memory_space<semaphore_mem>>)
      %dma_wait3A_173 = arith.constant 0 : i32
      %dma_wait3A_174 = arith.constant 0 : i32
      %dma_wait3A_175 = tpu.memref_slice %arg14[%dma_wait3A_173, %dma_wait3A_174] : memref<112x64xf32, #tpu.memory_space<vmem>> -> memref<72x64xf32, #tpu.memory_space<vmem>>
      %dma_wait3A_176 = arith.constant 0 : i32
      %dma_wait3A_177 = tpu.memref_slice %arg15[%add3A_46, %dma_wait3A_176] : memref<10112x64xf32, #tpu.memory_space<vmem_shared>> -> memref<72x64xf32, #tpu.memory_space<vmem_shared>>
      %dma_wait3A_178 = arith.constant 0 : i32
      %dma_wait3A_179 = tpu.memref_slice %arg15[%add3A_46, %dma_wait3A_178] : memref<10112x64xf32, #tpu.memory_space<vmem_shared>> -> memref<72x64xf32, #tpu.memory_space<vmem_shared>>
      %dma_wait3A_180 = arith.constant 0 : i32
      %dma_wait3A_181 = arith.constant 0 : i32
      %dma_wait3A_182 = tpu.memref_slice %arg14[%dma_wait3A_180, %dma_wait3A_181] : memref<112x64xf32, #tpu.memory_space<vmem>> -> memref<72x64xf32, #tpu.memory_space<vmem>>
      tpu.wait_dma2 semaphore(%run_scoped3A_162 : memref<!tpu.dma_semaphore, #tpu.memory_space<semaphore_mem>>) src(%dma_wait3A_182 : memref<72x64xf32, #tpu.memory_space<vmem>>) dst(%dma_wait3A_179 : memref<72x64xf32, #tpu.memory_space<vmem_shared>>)
      tpu.yield
    }) : () -> ()
    %barrier3A = arith.constant 0 : index
    tpu.barrier barrier_id(%barrier3A)
    %dma_wait3A = arith.constant 0 : i32
    %dma_wait3A_47 = arith.constant 0 : i32
    %dma_wait3A_48 = tpu.memref_slice %arg6[%dma_wait3A, %dma_wait3A_47] : memref<180x112xi32, #tpu.memory_space<vmem>> -> memref<1x112xi32, #tpu.memory_space<vmem>>
    %dma_wait3A_49 = tpu.memref_squeeze %dma_wait3A_48 : memref<1x112xi32, #tpu.memory_space<vmem>> -> memref<112xi32, #tpu.memory_space<vmem>>
    %dma_wait3A_50 = arith.constant 0 : i32
    %dma_wait3A_51 = arith.constant 0 : i32
    %dma_wait3A_52 = tpu.memref_slice %arg2[%arg0, %dma_wait3A_50, %dma_wait3A_51] : memref<2x10000x64xf32, #tpu.memory_space<hbm>> -> memref<1x10000x64xf32, #tpu.memory_space<hbm>>
    %dma_wait3A_53 = tpu.memref_squeeze %dma_wait3A_52 : memref<1x10000x64xf32, #tpu.memory_space<hbm>> -> memref<10000x64xf32, #tpu.memory_space<hbm>>
    %dma_wait3A_54 = arith.constant 0 : i32
    %dma_wait3A_55 = arith.constant 0 : i32
    %dma_wait3A_56 = tpu.memref_slice %dma_wait3A_53[%dma_wait3A_54, %dma_wait3A_55] : memref<10000x64xf32, #tpu.memory_space<hbm>> -> memref<10000x64xf32, #tpu.memory_space<hbm>>
    tpu.wait_indirect_dma semaphore(%arg16 : memref<!tpu.dma_semaphore, #tpu.memory_space<semaphore_mem>>) src(%dma_wait3A_56 : memref<10000x64xf32, #tpu.memory_space<hbm>>) dst(%arg8 : memref<112x64xf32, #tpu.memory_space<vmem>>)
    %run_scoped3A = arith.constant 0 : i32
    "tpu.region"() ({
      %run_scoped3A_162 = tpu.sem_alloc : memref<!tpu.dma_semaphore, #tpu.memory_space<semaphore_mem>>
      %dma_start3A_163 = arith.constant 0 : i32
      %dma_start3A_164 = tpu.memref_slice %arg7[%run_scoped3A, %dma_start3A_163] : memref<180x112xi32, #tpu.memory_space<vmem>> -> memref<1x112xi32, #tpu.memory_space<vmem>>
      %dma_start3A_165 = tpu.memref_squeeze %dma_start3A_164 : memref<1x112xi32, #tpu.memory_space<vmem>> -> memref<112xi32, #tpu.memory_space<vmem>>
      %dma_start3A_166 = arith.constant 0 : i32
      %dma_start3A_167 = arith.constant 0 : i32
      %dma_start3A_168 = tpu.memref_slice %arg15[%dma_start3A_166, %dma_start3A_167] : memref<10112x64xf32, #tpu.memory_space<vmem_shared>> -> memref<10112x64xf32, #tpu.memory_space<vmem_shared>>
      tpu.enqueue_indirect_dma source(%arg8 : memref<112x64xf32, #tpu.memory_space<vmem>>) target(%dma_start3A_168 : memref<10112x64xf32, #tpu.memory_space<vmem_shared>>) offsets(%dma_start3A_165 : memref<112xi32, #tpu.memory_space<vmem>>) semaphore(%run_scoped3A_162 : memref<!tpu.dma_semaphore, #tpu.memory_space<semaphore_mem>>) {add = true}
      %dma_wait3A_169 = arith.constant 0 : i32
      %dma_wait3A_170 = tpu.memref_slice %arg7[%run_scoped3A, %dma_wait3A_169] : memref<180x112xi32, #tpu.memory_space<vmem>> -> memref<1x112xi32, #tpu.memory_space<vmem>>
      %dma_wait3A_171 = tpu.memref_squeeze %dma_wait3A_170 : memref<1x112xi32, #tpu.memory_space<vmem>> -> memref<112xi32, #tpu.memory_space<vmem>>
      %dma_wait3A_172 = arith.constant 0 : i32
      %dma_wait3A_173 = arith.constant 0 : i32
      %dma_wait3A_174 = tpu.memref_slice %arg15[%dma_wait3A_172, %dma_wait3A_173] : memref<10112x64xf32, #tpu.memory_space<vmem_shared>> -> memref<10112x64xf32, #tpu.memory_space<vmem_shared>>
      tpu.wait_indirect_dma semaphore(%run_scoped3A_162 : memref<!tpu.dma_semaphore, #tpu.memory_space<semaphore_mem>>) src(%arg8 : memref<112x64xf32, #tpu.memory_space<vmem>>) dst(%dma_wait3A_174 : memref<10112x64xf32, #tpu.memory_space<vmem_shared>>)
      tpu.yield
    }) : () -> ()
    %dma_start3A_57 = arith.constant 3 : i32
    %dma_start3A_58 = arith.constant 0 : i32
    %dma_start3A_59 = tpu.memref_slice %arg6[%dma_start3A_57, %dma_start3A_58] : memref<180x112xi32, #tpu.memory_space<vmem>> -> memref<1x112xi32, #tpu.memory_space<vmem>>
    %dma_start3A_60 = tpu.memref_squeeze %dma_start3A_59 : memref<1x112xi32, #tpu.memory_space<vmem>> -> memref<112xi32, #tpu.memory_space<vmem>>
    %dma_start3A_61 = arith.constant 0 : i32
    %dma_start3A_62 = arith.constant 0 : i32
    %dma_start3A_63 = tpu.memref_slice %arg2[%arg0, %dma_start3A_61, %dma_start3A_62] : memref<2x10000x64xf32, #tpu.memory_space<hbm>> -> memref<1x10000x64xf32, #tpu.memory_space<hbm>>
    %dma_start3A_64 = tpu.memref_squeeze %dma_start3A_63 : memref<1x10000x64xf32, #tpu.memory_space<hbm>> -> memref<10000x64xf32, #tpu.memory_space<hbm>>
    %dma_start3A_65 = arith.constant 0 : i32
    %dma_start3A_66 = arith.constant 0 : i32
    %dma_start3A_67 = tpu.memref_slice %dma_start3A_64[%dma_start3A_65, %dma_start3A_66] : memref<10000x64xf32, #tpu.memory_space<hbm>> -> memref<10000x64xf32, #tpu.memory_space<hbm>>
    tpu.enqueue_indirect_dma source(%dma_start3A_67 : memref<10000x64xf32, #tpu.memory_space<hbm>>) target(%arg11 : memref<112x64xf32, #tpu.memory_space<vmem>>) offsets(%dma_start3A_60 : memref<112xi32, #tpu.memory_space<vmem>>) semaphore(%arg19 : memref<!tpu.dma_semaphore, #tpu.memory_space<semaphore_mem>>)
    %dma_wait3A_68 = arith.constant 1 : i32
    %dma_wait3A_69 = arith.constant 0 : i32
    %dma_wait3A_70 = tpu.memref_slice %arg6[%dma_wait3A_68, %dma_wait3A_69] : memref<180x112xi32, #tpu.memory_space<vmem>> -> memref<1x112xi32, #tpu.memory_space<vmem>>
    %dma_wait3A_71 = tpu.memref_squeeze %dma_wait3A_70 : memref<1x112xi32, #tpu.memory_space<vmem>> -> memref<112xi32, #tpu.memory_space<vmem>>
    %dma_wait3A_72 = arith.constant 0 : i32
    %dma_wait3A_73 = arith.constant 0 : i32
    %dma_wait3A_74 = tpu.memref_slice %arg2[%arg0, %dma_wait3A_72, %dma_wait3A_73] : memref<2x10000x64xf32, #tpu.memory_space<hbm>> -> memref<1x10000x64xf32, #tpu.memory_space<hbm>>
    %dma_wait3A_75 = tpu.memref_squeeze %dma_wait3A_74 : memref<1x10000x64xf32, #tpu.memory_space<hbm>> -> memref<10000x64xf32, #tpu.memory_space<hbm>>
    %dma_wait3A_76 = arith.constant 0 : i32
    %dma_wait3A_77 = arith.constant 0 : i32
    %dma_wait3A_78 = tpu.memref_slice %dma_wait3A_75[%dma_wait3A_76, %dma_wait3A_77] : memref<10000x64xf32, #tpu.memory_space<hbm>> -> memref<10000x64xf32, #tpu.memory_space<hbm>>
    tpu.wait_indirect_dma semaphore(%arg17 : memref<!tpu.dma_semaphore, #tpu.memory_space<semaphore_mem>>) src(%dma_wait3A_78 : memref<10000x64xf32, #tpu.memory_space<hbm>>) dst(%arg9 : memref<112x64xf32, #tpu.memory_space<vmem>>)
    %run_scoped3A_79 = arith.constant 1 : i32
    "tpu.region"() ({
      %run_scoped3A_162 = tpu.sem_alloc : memref<!tpu.dma_semaphore, #tpu.memory_space<semaphore_mem>>
      %dma_start3A_163 = arith.constant 0 : i32
      %dma_start3A_164 = tpu.memref_slice %arg7[%run_scoped3A_79, %dma_start3A_163] : memref<180x112xi32, #tpu.memory_space<vmem>> -> memref<1x112xi32, #tpu.memory_space<vmem>>
      %dma_start3A_165 = tpu.memref_squeeze %dma_start3A_164 : memref<1x112xi32, #tpu.memory_space<vmem>> -> memref<112xi32, #tpu.memory_space<vmem>>
      %dma_start3A_166 = arith.constant 0 : i32
      %dma_start3A_167 = arith.constant 0 : i32
      %dma_start3A_168 = tpu.memref_slice %arg15[%dma_start3A_166, %dma_start3A_167] : memref<10112x64xf32, #tpu.memory_space<vmem_shared>> -> memref<10112x64xf32, #tpu.memory_space<vmem_shared>>
      tpu.enqueue_indirect_dma source(%arg9 : memref<112x64xf32, #tpu.memory_space<vmem>>) target(%dma_start3A_168 : memref<10112x64xf32, #tpu.memory_space<vmem_shared>>) offsets(%dma_start3A_165 : memref<112xi32, #tpu.memory_space<vmem>>) semaphore(%run_scoped3A_162 : memref<!tpu.dma_semaphore, #tpu.memory_space<semaphore_mem>>) {add = true}
      %dma_wait3A_169 = arith.constant 0 : i32
      %dma_wait3A_170 = tpu.memref_slice %arg7[%run_scoped3A_79, %dma_wait3A_169] : memref<180x112xi32, #tpu.memory_space<vmem>> -> memref<1x112xi32, #tpu.memory_space<vmem>>
      %dma_wait3A_171 = tpu.memref_squeeze %dma_wait3A_170 : memref<1x112xi32, #tpu.memory_space<vmem>> -> memref<112xi32, #tpu.memory_space<vmem>>
      %dma_wait3A_172 = arith.constant 0 : i32
      %dma_wait3A_173 = arith.constant 0 : i32
      %dma_wait3A_174 = tpu.memref_slice %arg15[%dma_wait3A_172, %dma_wait3A_173] : memref<10112x64xf32, #tpu.memory_space<vmem_shared>> -> memref<10112x64xf32, #tpu.memory_space<vmem_shared>>
      tpu.wait_indirect_dma semaphore(%run_scoped3A_162 : memref<!tpu.dma_semaphore, #tpu.memory_space<semaphore_mem>>) src(%arg9 : memref<112x64xf32, #tpu.memory_space<vmem>>) dst(%dma_wait3A_174 : memref<10112x64xf32, #tpu.memory_space<vmem_shared>>)
      tpu.yield
    }) : () -> ()
    %dma_start3A_80 = arith.constant 4 : i32
    %dma_start3A_81 = arith.constant 0 : i32
    %dma_start3A_82 = tpu.memref_slice %arg6[%dma_start3A_80, %dma_start3A_81] : memref<180x112xi32, #tpu.memory_space<vmem>> -> memref<1x112xi32, #tpu.memory_space<vmem>>
    %dma_start3A_83 = tpu.memref_squeeze %dma_start3A_82 : memref<1x112xi32, #tpu.memory_space<vmem>> -> memref<112xi32, #tpu.memory_space<vmem>>
    %dma_start3A_84 = arith.constant 0 : i32
    %dma_start3A_85 = arith.constant 0 : i32
    %dma_start3A_86 = tpu.memref_slice %arg2[%arg0, %dma_start3A_84, %dma_start3A_85] : memref<2x10000x64xf32, #tpu.memory_space<hbm>> -> memref<1x10000x64xf32, #tpu.memory_space<hbm>>
    %dma_start3A_87 = tpu.memref_squeeze %dma_start3A_86 : memref<1x10000x64xf32, #tpu.memory_space<hbm>> -> memref<10000x64xf32, #tpu.memory_space<hbm>>
    %dma_start3A_88 = arith.constant 0 : i32
    %dma_start3A_89 = arith.constant 0 : i32
    %dma_start3A_90 = tpu.memref_slice %dma_start3A_87[%dma_start3A_88, %dma_start3A_89] : memref<10000x64xf32, #tpu.memory_space<hbm>> -> memref<10000x64xf32, #tpu.memory_space<hbm>>
    tpu.enqueue_indirect_dma source(%dma_start3A_90 : memref<10000x64xf32, #tpu.memory_space<hbm>>) target(%arg12 : memref<112x64xf32, #tpu.memory_space<vmem>>) offsets(%dma_start3A_83 : memref<112xi32, #tpu.memory_space<vmem>>) semaphore(%arg20 : memref<!tpu.dma_semaphore, #tpu.memory_space<semaphore_mem>>)
    %dma_wait3A_91 = arith.constant 2 : i32
    %dma_wait3A_92 = arith.constant 0 : i32
    %dma_wait3A_93 = tpu.memref_slice %arg6[%dma_wait3A_91, %dma_wait3A_92] : memref<180x112xi32, #tpu.memory_space<vmem>> -> memref<1x112xi32, #tpu.memory_space<vmem>>
    %dma_wait3A_94 = tpu.memref_squeeze %dma_wait3A_93 : memref<1x112xi32, #tpu.memory_space<vmem>> -> memref<112xi32, #tpu.memory_space<vmem>>
    %dma_wait3A_95 = arith.constant 0 : i32
    %dma_wait3A_96 = arith.constant 0 : i32
    %dma_wait3A_97 = tpu.memref_slice %arg2[%arg0, %dma_wait3A_95, %dma_wait3A_96] : memref<2x10000x64xf32, #tpu.memory_space<hbm>> -> memref<1x10000x64xf32, #tpu.memory_space<hbm>>
    %dma_wait3A_98 = tpu.memref_squeeze %dma_wait3A_97 : memref<1x10000x64xf32, #tpu.memory_space<hbm>> -> memref<10000x64xf32, #tpu.memory_space<hbm>>
    %dma_wait3A_99 = arith.constant 0 : i32
    %dma_wait3A_100 = arith.constant 0 : i32
    %dma_wait3A_101 = tpu.memref_slice %dma_wait3A_98[%dma_wait3A_99, %dma_wait3A_100] : memref<10000x64xf32, #tpu.memory_space<hbm>> -> memref<10000x64xf32, #tpu.memory_space<hbm>>
    tpu.wait_indirect_dma semaphore(%arg18 : memref<!tpu.dma_semaphore, #tpu.memory_space<semaphore_mem>>) src(%dma_wait3A_101 : memref<10000x64xf32, #tpu.memory_space<hbm>>) dst(%arg10 : memref<112x64xf32, #tpu.memory_space<vmem>>)
    %run_scoped3A_102 = arith.constant 2 : i32
    "tpu.region"() ({
      %run_scoped3A_162 = tpu.sem_alloc : memref<!tpu.dma_semaphore, #tpu.memory_space<semaphore_mem>>
      %dma_start3A_163 = arith.constant 0 : i32
      %dma_start3A_164 = tpu.memref_slice %arg7[%run_scoped3A_102, %dma_start3A_163] : memref<180x112xi32, #tpu.memory_space<vmem>> -> memref<1x112xi32, #tpu.memory_space<vmem>>
      %dma_start3A_165 = tpu.memref_squeeze %dma_start3A_164 : memref<1x112xi32, #tpu.memory_space<vmem>> -> memref<112xi32, #tpu.memory_space<vmem>>
      %dma_start3A_166 = arith.constant 0 : i32
      %dma_start3A_167 = arith.constant 0 : i32
      %dma_start3A_168 = tpu.memref_slice %arg15[%dma_start3A_166, %dma_start3A_167] : memref<10112x64xf32, #tpu.memory_space<vmem_shared>> -> memref<10112x64xf32, #tpu.memory_space<vmem_shared>>
      tpu.enqueue_indirect_dma source(%arg10 : memref<112x64xf32, #tpu.memory_space<vmem>>) target(%dma_start3A_168 : memref<10112x64xf32, #tpu.memory_space<vmem_shared>>) offsets(%dma_start3A_165 : memref<112xi32, #tpu.memory_space<vmem>>) semaphore(%run_scoped3A_162 : memref<!tpu.dma_semaphore, #tpu.memory_space<semaphore_mem>>) {add = true}
      %dma_wait3A_169 = arith.constant 0 : i32
      %dma_wait3A_170 = tpu.memref_slice %arg7[%run_scoped3A_102, %dma_wait3A_169] : memref<180x112xi32, #tpu.memory_space<vmem>> -> memref<1x112xi32, #tpu.memory_space<vmem>>
      %dma_wait3A_171 = tpu.memref_squeeze %dma_wait3A_170 : memref<1x112xi32, #tpu.memory_space<vmem>> -> memref<112xi32, #tpu.memory_space<vmem>>
      %dma_wait3A_172 = arith.constant 0 : i32
      %dma_wait3A_173 = arith.constant 0 : i32
      %dma_wait3A_174 = tpu.memref_slice %arg15[%dma_wait3A_172, %dma_wait3A_173] : memref<10112x64xf32, #tpu.memory_space<vmem_shared>> -> memref<10112x64xf32, #tpu.memory_space<vmem_shared>>
      tpu.wait_indirect_dma semaphore(%run_scoped3A_162 : memref<!tpu.dma_semaphore, #tpu.memory_space<semaphore_mem>>) src(%arg10 : memref<112x64xf32, #tpu.memory_space<vmem>>) dst(%dma_wait3A_174 : memref<10112x64xf32, #tpu.memory_space<vmem_shared>>)
      tpu.yield
    }) : () -> ()
    %dma_start3A_103 = arith.constant 5 : i32
    %dma_start3A_104 = arith.constant 0 : i32
    %dma_start3A_105 = tpu.memref_slice %arg6[%dma_start3A_103, %dma_start3A_104] : memref<180x112xi32, #tpu.memory_space<vmem>> -> memref<1x112xi32, #tpu.memory_space<vmem>>
    %dma_start3A_106 = tpu.memref_squeeze %dma_start3A_105 : memref<1x112xi32, #tpu.memory_space<vmem>> -> memref<112xi32, #tpu.memory_space<vmem>>
    %dma_start3A_107 = arith.constant 0 : i32
    %dma_start3A_108 = arith.constant 0 : i32
    %dma_start3A_109 = tpu.memref_slice %arg2[%arg0, %dma_start3A_107, %dma_start3A_108] : memref<2x10000x64xf32, #tpu.memory_space<hbm>> -> memref<1x10000x64xf32, #tpu.memory_space<hbm>>
    %dma_start3A_110 = tpu.memref_squeeze %dma_start3A_109 : memref<1x10000x64xf32, #tpu.memory_space<hbm>> -> memref<10000x64xf32, #tpu.memory_space<hbm>>
    %dma_start3A_111 = arith.constant 0 : i32
    %dma_start3A_112 = arith.constant 0 : i32
    %dma_start3A_113 = tpu.memref_slice %dma_start3A_110[%dma_start3A_111, %dma_start3A_112] : memref<10000x64xf32, #tpu.memory_space<hbm>> -> memref<10000x64xf32, #tpu.memory_space<hbm>>
    tpu.enqueue_indirect_dma source(%dma_start3A_113 : memref<10000x64xf32, #tpu.memory_space<hbm>>) target(%arg13 : memref<112x64xf32, #tpu.memory_space<vmem>>) offsets(%dma_start3A_106 : memref<112xi32, #tpu.memory_space<vmem>>) semaphore(%arg21 : memref<!tpu.dma_semaphore, #tpu.memory_space<semaphore_mem>>)
    %scan3A_114 = arith.constant 0 : i32
    %scan3A_115 = arith.constant 0 : i32
    %scan3A_116 = arith.constant 29 : i32
    %scan3A_117 = arith.addi %scan3A_115, %scan3A_116 : i32
    %scan3A_118 = arith.constant 1 : i32
    %scan3A_119 = scf.for %scan3A_162 = %scan3A_115 to %scan3A_117 step %scan3A_118 iter_args(%scan3A_163 = %scan3A_114) -> (i32)  : i32 {
      %mul3A_164 = arith.constant 6 : i32
      %mul3A_165 = arith.muli %scan3A_162, %mul3A_164 : i32
      %add3A_166 = arith.constant 3 : i32
      %add3A_167 = arith.addi %add3A_166, %mul3A_165 : i32
      %add3A_168 = arith.constant 0 : i32
      %add3A_169 = arith.addi %add3A_167, %add3A_168 : i32
      %dma_wait3A_170 = arith.constant 0 : i32
      %dma_wait3A_171 = tpu.memref_slice %arg6[%add3A_169, %dma_wait3A_170] : memref<180x112xi32, #tpu.memory_space<vmem>> -> memref<1x112xi32, #tpu.memory_space<vmem>>
      %dma_wait3A_172 = tpu.memref_squeeze %dma_wait3A_171 : memref<1x112xi32, #tpu.memory_space<vmem>> -> memref<112xi32, #tpu.memory_space<vmem>>
      %dma_wait3A_173 = arith.constant 0 : i32
      %dma_wait3A_174 = arith.constant 0 : i32
      %dma_wait3A_175 = tpu.memref_slice %arg2[%arg0, %dma_wait3A_173, %dma_wait3A_174] : memref<2x10000x64xf32, #tpu.memory_space<hbm>> -> memref<1x10000x64xf32, #tpu.memory_space<hbm>>
      %dma_wait3A_176 = tpu.memref_squeeze %dma_wait3A_175 : memref<1x10000x64xf32, #tpu.memory_space<hbm>> -> memref<10000x64xf32, #tpu.memory_space<hbm>>
      %dma_wait3A_177 = arith.constant 0 : i32
      %dma_wait3A_178 = arith.constant 0 : i32
      %dma_wait3A_179 = tpu.memref_slice %dma_wait3A_176[%dma_wait3A_177, %dma_wait3A_178] : memref<10000x64xf32, #tpu.memory_space<hbm>> -> memref<10000x64xf32, #tpu.memory_space<hbm>>
      tpu.wait_indirect_dma semaphore(%arg19 : memref<!tpu.dma_semaphore, #tpu.memory_space<semaphore_mem>>) src(%dma_wait3A_179 : memref<10000x64xf32, #tpu.memory_space<hbm>>) dst(%arg11 : memref<112x64xf32, #tpu.memory_space<vmem>>)
      "tpu.region"() ({
        %run_scoped3A_313 = tpu.sem_alloc : memref<!tpu.dma_semaphore, #tpu.memory_space<semaphore_mem>>
        %dma_start3A_314 = arith.constant 0 : i32
        %dma_start3A_315 = tpu.memref_slice %arg7[%add3A_169, %dma_start3A_314] : memref<180x112xi32, #tpu.memory_space<vmem>> -> memref<1x112xi32, #tpu.memory_space<vmem>>
        %dma_start3A_316 = tpu.memref_squeeze %dma_start3A_315 : memref<1x112xi32, #tpu.memory_space<vmem>> -> memref<112xi32, #tpu.memory_space<vmem>>
        %dma_start3A_317 = arith.constant 0 : i32
        %dma_start3A_318 = arith.constant 0 : i32
        %dma_start3A_319 = tpu.memref_slice %arg15[%dma_start3A_317, %dma_start3A_318] : memref<10112x64xf32, #tpu.memory_space<vmem_shared>> -> memref<10112x64xf32, #tpu.memory_space<vmem_shared>>
        tpu.enqueue_indirect_dma source(%arg11 : memref<112x64xf32, #tpu.memory_space<vmem>>) target(%dma_start3A_319 : memref<10112x64xf32, #tpu.memory_space<vmem_shared>>) offsets(%dma_start3A_316 : memref<112xi32, #tpu.memory_space<vmem>>) semaphore(%run_scoped3A_313 : memref<!tpu.dma_semaphore, #tpu.memory_space<semaphore_mem>>) {add = true}
        %dma_wait3A_320 = arith.constant 0 : i32
        %dma_wait3A_321 = tpu.memref_slice %arg7[%add3A_169, %dma_wait3A_320] : memref<180x112xi32, #tpu.memory_space<vmem>> -> memref<1x112xi32, #tpu.memory_space<vmem>>
        %dma_wait3A_322 = tpu.memref_squeeze %dma_wait3A_321 : memref<1x112xi32, #tpu.memory_space<vmem>> -> memref<112xi32, #tpu.memory_space<vmem>>
        %dma_wait3A_323 = arith.constant 0 : i32
        %dma_wait3A_324 = arith.constant 0 : i32
        %dma_wait3A_325 = tpu.memref_slice %arg15[%dma_wait3A_323, %dma_wait3A_324] : memref<10112x64xf32, #tpu.memory_space<vmem_shared>> -> memref<10112x64xf32, #tpu.memory_space<vmem_shared>>
        tpu.wait_indirect_dma semaphore(%run_scoped3A_313 : memref<!tpu.dma_semaphore, #tpu.memory_space<semaphore_mem>>) src(%arg11 : memref<112x64xf32, #tpu.memory_space<vmem>>) dst(%dma_wait3A_325 : memref<10112x64xf32, #tpu.memory_space<vmem_shared>>)
        tpu.yield
      }) : () -> ()
      %add3A_180 = arith.constant 3 : i32
      %add3A_181 = arith.addi %add3A_169, %add3A_180 : i32
      %dma_start3A_182 = arith.constant 0 : i32
      %dma_start3A_183 = tpu.memref_slice %arg6[%add3A_181, %dma_start3A_182] : memref<180x112xi32, #tpu.memory_space<vmem>> -> memref<1x112xi32, #tpu.memory_space<vmem>>
      %dma_start3A_184 = tpu.memref_squeeze %dma_start3A_183 : memref<1x112xi32, #tpu.memory_space<vmem>> -> memref<112xi32, #tpu.memory_space<vmem>>
      %dma_start3A_185 = arith.constant 0 : i32
      %dma_start3A_186 = arith.constant 0 : i32
      %dma_start3A_187 = tpu.memref_slice %arg2[%arg0, %dma_start3A_185, %dma_start3A_186] : memref<2x10000x64xf32, #tpu.memory_space<hbm>> -> memref<1x10000x64xf32, #tpu.memory_space<hbm>>
      %dma_start3A_188 = tpu.memref_squeeze %dma_start3A_187 : memref<1x10000x64xf32, #tpu.memory_space<hbm>> -> memref<10000x64xf32, #tpu.memory_space<hbm>>
      %dma_start3A_189 = arith.constant 0 : i32
      %dma_start3A_190 = arith.constant 0 : i32
      %dma_start3A_191 = tpu.memref_slice %dma_start3A_188[%dma_start3A_189, %dma_start3A_190] : memref<10000x64xf32, #tpu.memory_space<hbm>> -> memref<10000x64xf32, #tpu.memory_space<hbm>>
      tpu.enqueue_indirect_dma source(%dma_start3A_191 : memref<10000x64xf32, #tpu.memory_space<hbm>>) target(%arg8 : memref<112x64xf32, #tpu.memory_space<vmem>>) offsets(%dma_start3A_184 : memref<112xi32, #tpu.memory_space<vmem>>) semaphore(%arg16 : memref<!tpu.dma_semaphore, #tpu.memory_space<semaphore_mem>>)
      %add3A_192 = arith.constant 1 : i32
      %add3A_193 = arith.addi %add3A_167, %add3A_192 : i32
      %dma_wait3A_194 = arith.constant 0 : i32
      %dma_wait3A_195 = tpu.memref_slice %arg6[%add3A_193, %dma_wait3A_194] : memref<180x112xi32, #tpu.memory_space<vmem>> -> memref<1x112xi32, #tpu.memory_space<vmem>>
      %dma_wait3A_196 = tpu.memref_squeeze %dma_wait3A_195 : memref<1x112xi32, #tpu.memory_space<vmem>> -> memref<112xi32, #tpu.memory_space<vmem>>
      %dma_wait3A_197 = arith.constant 0 : i32
      %dma_wait3A_198 = arith.constant 0 : i32
      %dma_wait3A_199 = tpu.memref_slice %arg2[%arg0, %dma_wait3A_197, %dma_wait3A_198] : memref<2x10000x64xf32, #tpu.memory_space<hbm>> -> memref<1x10000x64xf32, #tpu.memory_space<hbm>>
      %dma_wait3A_200 = tpu.memref_squeeze %dma_wait3A_199 : memref<1x10000x64xf32, #tpu.memory_space<hbm>> -> memref<10000x64xf32, #tpu.memory_space<hbm>>
      %dma_wait3A_201 = arith.constant 0 : i32
      %dma_wait3A_202 = arith.constant 0 : i32
      %dma_wait3A_203 = tpu.memref_slice %dma_wait3A_200[%dma_wait3A_201, %dma_wait3A_202] : memref<10000x64xf32, #tpu.memory_space<hbm>> -> memref<10000x64xf32, #tpu.memory_space<hbm>>
      tpu.wait_indirect_dma semaphore(%arg20 : memref<!tpu.dma_semaphore, #tpu.memory_space<semaphore_mem>>) src(%dma_wait3A_203 : memref<10000x64xf32, #tpu.memory_space<hbm>>) dst(%arg12 : memref<112x64xf32, #tpu.memory_space<vmem>>)
      "tpu.region"() ({
        %run_scoped3A_313 = tpu.sem_alloc : memref<!tpu.dma_semaphore, #tpu.memory_space<semaphore_mem>>
        %dma_start3A_314 = arith.constant 0 : i32
        %dma_start3A_315 = tpu.memref_slice %arg7[%add3A_193, %dma_start3A_314] : memref<180x112xi32, #tpu.memory_space<vmem>> -> memref<1x112xi32, #tpu.memory_space<vmem>>
        %dma_start3A_316 = tpu.memref_squeeze %dma_start3A_315 : memref<1x112xi32, #tpu.memory_space<vmem>> -> memref<112xi32, #tpu.memory_space<vmem>>
        %dma_start3A_317 = arith.constant 0 : i32
        %dma_start3A_318 = arith.constant 0 : i32
        %dma_start3A_319 = tpu.memref_slice %arg15[%dma_start3A_317, %dma_start3A_318] : memref<10112x64xf32, #tpu.memory_space<vmem_shared>> -> memref<10112x64xf32, #tpu.memory_space<vmem_shared>>
        tpu.enqueue_indirect_dma source(%arg12 : memref<112x64xf32, #tpu.memory_space<vmem>>) target(%dma_start3A_319 : memref<10112x64xf32, #tpu.memory_space<vmem_shared>>) offsets(%dma_start3A_316 : memref<112xi32, #tpu.memory_space<vmem>>) semaphore(%run_scoped3A_313 : memref<!tpu.dma_semaphore, #tpu.memory_space<semaphore_mem>>) {add = true}
        %dma_wait3A_320 = arith.constant 0 : i32
        %dma_wait3A_321 = tpu.memref_slice %arg7[%add3A_193, %dma_wait3A_320] : memref<180x112xi32, #tpu.memory_space<vmem>> -> memref<1x112xi32, #tpu.memory_space<vmem>>
        %dma_wait3A_322 = tpu.memref_squeeze %dma_wait3A_321 : memref<1x112xi32, #tpu.memory_space<vmem>> -> memref<112xi32, #tpu.memory_space<vmem>>
        %dma_wait3A_323 = arith.constant 0 : i32
        %dma_wait3A_324 = arith.constant 0 : i32
        %dma_wait3A_325 = tpu.memref_slice %arg15[%dma_wait3A_323, %dma_wait3A_324] : memref<10112x64xf32, #tpu.memory_space<vmem_shared>> -> memref<10112x64xf32, #tpu.memory_space<vmem_shared>>
        tpu.wait_indirect_dma semaphore(%run_scoped3A_313 : memref<!tpu.dma_semaphore, #tpu.memory_space<semaphore_mem>>) src(%arg12 : memref<112x64xf32, #tpu.memory_space<vmem>>) dst(%dma_wait3A_325 : memref<10112x64xf32, #tpu.memory_space<vmem_shared>>)
        tpu.yield
      }) : () -> ()
      %add3A_204 = arith.constant 3 : i32
      %add3A_205 = arith.addi %add3A_193, %add3A_204 : i32
      %dma_start3A_206 = arith.constant 0 : i32
      %dma_start3A_207 = tpu.memref_slice %arg6[%add3A_205, %dma_start3A_206] : memref<180x112xi32, #tpu.memory_space<vmem>> -> memref<1x112xi32, #tpu.memory_space<vmem>>
      %dma_start3A_208 = tpu.memref_squeeze %dma_start3A_207 : memref<1x112xi32, #tpu.memory_space<vmem>> -> memref<112xi32, #tpu.memory_space<vmem>>
      %dma_start3A_209 = arith.constant 0 : i32
      %dma_start3A_210 = arith.constant 0 : i32
      %dma_start3A_211 = tpu.memref_slice %arg2[%arg0, %dma_start3A_209, %dma_start3A_210] : memref<2x10000x64xf32, #tpu.memory_space<hbm>> -> memref<1x10000x64xf32, #tpu.memory_space<hbm>>
      %dma_start3A_212 = tpu.memref_squeeze %dma_start3A_211 : memref<1x10000x64xf32, #tpu.memory_space<hbm>> -> memref<10000x64xf32, #tpu.memory_space<hbm>>
      %dma_start3A_213 = arith.constant 0 : i32
      %dma_start3A_214 = arith.constant 0 : i32
      %dma_start3A_215 = tpu.memref_slice %dma_start3A_212[%dma_start3A_213, %dma_start3A_214] : memref<10000x64xf32, #tpu.memory_space<hbm>> -> memref<10000x64xf32, #tpu.memory_space<hbm>>
      tpu.enqueue_indirect_dma source(%dma_start3A_215 : memref<10000x64xf32, #tpu.memory_space<hbm>>) target(%arg9 : memref<112x64xf32, #tpu.memory_space<vmem>>) offsets(%dma_start3A_208 : memref<112xi32, #tpu.memory_space<vmem>>) semaphore(%arg17 : memref<!tpu.dma_semaphore, #tpu.memory_space<semaphore_mem>>)
      %add3A_216 = arith.constant 2 : i32
      %add3A_217 = arith.addi %add3A_167, %add3A_216 : i32
      %dma_wait3A_218 = arith.constant 0 : i32
      %dma_wait3A_219 = tpu.memref_slice %arg6[%add3A_217, %dma_wait3A_218] : memref<180x112xi32, #tpu.memory_space<vmem>> -> memref<1x112xi32, #tpu.memory_space<vmem>>
      %dma_wait3A_220 = tpu.memref_squeeze %dma_wait3A_219 : memref<1x112xi32, #tpu.memory_space<vmem>> -> memref<112xi32, #tpu.memory_space<vmem>>
      %dma_wait3A_221 = arith.constant 0 : i32
      %dma_wait3A_222 = arith.constant 0 : i32
      %dma_wait3A_223 = tpu.memref_slice %arg2[%arg0, %dma_wait3A_221, %dma_wait3A_222] : memref<2x10000x64xf32, #tpu.memory_space<hbm>> -> memref<1x10000x64xf32, #tpu.memory_space<hbm>>
      %dma_wait3A_224 = tpu.memref_squeeze %dma_wait3A_223 : memref<1x10000x64xf32, #tpu.memory_space<hbm>> -> memref<10000x64xf32, #tpu.memory_space<hbm>>
      %dma_wait3A_225 = arith.constant 0 : i32
      %dma_wait3A_226 = arith.constant 0 : i32
      %dma_wait3A_227 = tpu.memref_slice %dma_wait3A_224[%dma_wait3A_225, %dma_wait3A_226] : memref<10000x64xf32, #tpu.memory_space<hbm>> -> memref<10000x64xf32, #tpu.memory_space<hbm>>
      tpu.wait_indirect_dma semaphore(%arg21 : memref<!tpu.dma_semaphore, #tpu.memory_space<semaphore_mem>>) src(%dma_wait3A_227 : memref<10000x64xf32, #tpu.memory_space<hbm>>) dst(%arg13 : memref<112x64xf32, #tpu.memory_space<vmem>>)
      "tpu.region"() ({
        %run_scoped3A_313 = tpu.sem_alloc : memref<!tpu.dma_semaphore, #tpu.memory_space<semaphore_mem>>
        %dma_start3A_314 = arith.constant 0 : i32
        %dma_start3A_315 = tpu.memref_slice %arg7[%add3A_217, %dma_start3A_314] : memref<180x112xi32, #tpu.memory_space<vmem>> -> memref<1x112xi32, #tpu.memory_space<vmem>>
        %dma_start3A_316 = tpu.memref_squeeze %dma_start3A_315 : memref<1x112xi32, #tpu.memory_space<vmem>> -> memref<112xi32, #tpu.memory_space<vmem>>
        %dma_start3A_317 = arith.constant 0 : i32
        %dma_start3A_318 = arith.constant 0 : i32
        %dma_start3A_319 = tpu.memref_slice %arg15[%dma_start3A_317, %dma_start3A_318] : memref<10112x64xf32, #tpu.memory_space<vmem_shared>> -> memref<10112x64xf32, #tpu.memory_space<vmem_shared>>
        tpu.enqueue_indirect_dma source(%arg13 : memref<112x64xf32, #tpu.memory_space<vmem>>) target(%dma_start3A_319 : memref<10112x64xf32, #tpu.memory_space<vmem_shared>>) offsets(%dma_start3A_316 : memref<112xi32, #tpu.memory_space<vmem>>) semaphore(%run_scoped3A_313 : memref<!tpu.dma_semaphore, #tpu.memory_space<semaphore_mem>>) {add = true}
        %dma_wait3A_320 = arith.constant 0 : i32
        %dma_wait3A_321 = tpu.memref_slice %arg7[%add3A_217, %dma_wait3A_320] : memref<180x112xi32, #tpu.memory_space<vmem>> -> memref<1x112xi32, #tpu.memory_space<vmem>>
        %dma_wait3A_322 = tpu.memref_squeeze %dma_wait3A_321 : memref<1x112xi32, #tpu.memory_space<vmem>> -> memref<112xi32, #tpu.memory_space<vmem>>
        %dma_wait3A_323 = arith.constant 0 : i32
        %dma_wait3A_324 = arith.constant 0 : i32
        %dma_wait3A_325 = tpu.memref_slice %arg15[%dma_wait3A_323, %dma_wait3A_324] : memref<10112x64xf32, #tpu.memory_space<vmem_shared>> -> memref<10112x64xf32, #tpu.memory_space<vmem_shared>>
        tpu.wait_indirect_dma semaphore(%run_scoped3A_313 : memref<!tpu.dma_semaphore, #tpu.memory_space<semaphore_mem>>) src(%arg13 : memref<112x64xf32, #tpu.memory_space<vmem>>) dst(%dma_wait3A_325 : memref<10112x64xf32, #tpu.memory_space<vmem_shared>>)
        tpu.yield
      }) : () -> ()
      %add3A_228 = arith.constant 3 : i32
      %add3A_229 = arith.addi %add3A_217, %add3A_228 : i32
      %dma_start3A_230 = arith.constant 0 : i32
      %dma_start3A_231 = tpu.memref_slice %arg6[%add3A_229, %dma_start3A_230] : memref<180x112xi32, #tpu.memory_space<vmem>> -> memref<1x112xi32, #tpu.memory_space<vmem>>
      %dma_start3A_232 = tpu.memref_squeeze %dma_start3A_231 : memref<1x112xi32, #tpu.memory_space<vmem>> -> memref<112xi32, #tpu.memory_space<vmem>>
      %dma_start3A_233 = arith.constant 0 : i32
      %dma_start3A_234 = arith.constant 0 : i32
      %dma_start3A_235 = tpu.memref_slice %arg2[%arg0, %dma_start3A_233, %dma_start3A_234] : memref<2x10000x64xf32, #tpu.memory_space<hbm>> -> memref<1x10000x64xf32, #tpu.memory_space<hbm>>
      %dma_start3A_236 = tpu.memref_squeeze %dma_start3A_235 : memref<1x10000x64xf32, #tpu.memory_space<hbm>> -> memref<10000x64xf32, #tpu.memory_space<hbm>>
      %dma_start3A_237 = arith.constant 0 : i32
      %dma_start3A_238 = arith.constant 0 : i32
      %dma_start3A_239 = tpu.memref_slice %dma_start3A_236[%dma_start3A_237, %dma_start3A_238] : memref<10000x64xf32, #tpu.memory_space<hbm>> -> memref<10000x64xf32, #tpu.memory_space<hbm>>
      tpu.enqueue_indirect_dma source(%dma_start3A_239 : memref<10000x64xf32, #tpu.memory_space<hbm>>) target(%arg10 : memref<112x64xf32, #tpu.memory_space<vmem>>) offsets(%dma_start3A_232 : memref<112xi32, #tpu.memory_space<vmem>>) semaphore(%arg18 : memref<!tpu.dma_semaphore, #tpu.memory_space<semaphore_mem>>)
      %add3A_240 = arith.constant 3 : i32
      %add3A_241 = arith.addi %add3A_167, %add3A_240 : i32
      %dma_wait3A_242 = arith.constant 0 : i32
      %dma_wait3A_243 = tpu.memref_slice %arg6[%add3A_241, %dma_wait3A_242] : memref<180x112xi32, #tpu.memory_space<vmem>> -> memref<1x112xi32, #tpu.memory_space<vmem>>
      %dma_wait3A_244 = tpu.memref_squeeze %dma_wait3A_243 : memref<1x112xi32, #tpu.memory_space<vmem>> -> memref<112xi32, #tpu.memory_space<vmem>>
      %dma_wait3A_245 = arith.constant 0 : i32
      %dma_wait3A_246 = arith.constant 0 : i32
      %dma_wait3A_247 = tpu.memref_slice %arg2[%arg0, %dma_wait3A_245, %dma_wait3A_246] : memref<2x10000x64xf32, #tpu.memory_space<hbm>> -> memref<1x10000x64xf32, #tpu.memory_space<hbm>>
      %dma_wait3A_248 = tpu.memref_squeeze %dma_wait3A_247 : memref<1x10000x64xf32, #tpu.memory_space<hbm>> -> memref<10000x64xf32, #tpu.memory_space<hbm>>
      %dma_wait3A_249 = arith.constant 0 : i32
      %dma_wait3A_250 = arith.constant 0 : i32
      %dma_wait3A_251 = tpu.memref_slice %dma_wait3A_248[%dma_wait3A_249, %dma_wait3A_250] : memref<10000x64xf32, #tpu.memory_space<hbm>> -> memref<10000x64xf32, #tpu.memory_space<hbm>>
      tpu.wait_indirect_dma semaphore(%arg16 : memref<!tpu.dma_semaphore, #tpu.memory_space<semaphore_mem>>) src(%dma_wait3A_251 : memref<10000x64xf32, #tpu.memory_space<hbm>>) dst(%arg8 : memref<112x64xf32, #tpu.memory_space<vmem>>)
      "tpu.region"() ({
        %run_scoped3A_313 = tpu.sem_alloc : memref<!tpu.dma_semaphore, #tpu.memory_space<semaphore_mem>>
        %dma_start3A_314 = arith.constant 0 : i32
        %dma_start3A_315 = tpu.memref_slice %arg7[%add3A_241, %dma_start3A_314] : memref<180x112xi32, #tpu.memory_space<vmem>> -> memref<1x112xi32, #tpu.memory_space<vmem>>
        %dma_start3A_316 = tpu.memref_squeeze %dma_start3A_315 : memref<1x112xi32, #tpu.memory_space<vmem>> -> memref<112xi32, #tpu.memory_space<vmem>>
        %dma_start3A_317 = arith.constant 0 : i32
        %dma_start3A_318 = arith.constant 0 : i32
        %dma_start3A_319 = tpu.memref_slice %arg15[%dma_start3A_317, %dma_start3A_318] : memref<10112x64xf32, #tpu.memory_space<vmem_shared>> -> memref<10112x64xf32, #tpu.memory_space<vmem_shared>>
        tpu.enqueue_indirect_dma source(%arg8 : memref<112x64xf32, #tpu.memory_space<vmem>>) target(%dma_start3A_319 : memref<10112x64xf32, #tpu.memory_space<vmem_shared>>) offsets(%dma_start3A_316 : memref<112xi32, #tpu.memory_space<vmem>>) semaphore(%run_scoped3A_313 : memref<!tpu.dma_semaphore, #tpu.memory_space<semaphore_mem>>) {add = true}
        %dma_wait3A_320 = arith.constant 0 : i32
        %dma_wait3A_321 = tpu.memref_slice %arg7[%add3A_241, %dma_wait3A_320] : memref<180x112xi32, #tpu.memory_space<vmem>> -> memref<1x112xi32, #tpu.memory_space<vmem>>
        %dma_wait3A_322 = tpu.memref_squeeze %dma_wait3A_321 : memref<1x112xi32, #tpu.memory_space<vmem>> -> memref<112xi32, #tpu.memory_space<vmem>>
        %dma_wait3A_323 = arith.constant 0 : i32
        %dma_wait3A_324 = arith.constant 0 : i32
        %dma_wait3A_325 = tpu.memref_slice %arg15[%dma_wait3A_323, %dma_wait3A_324] : memref<10112x64xf32, #tpu.memory_space<vmem_shared>> -> memref<10112x64xf32, #tpu.memory_space<vmem_shared>>
        tpu.wait_indirect_dma semaphore(%run_scoped3A_313 : memref<!tpu.dma_semaphore, #tpu.memory_space<semaphore_mem>>) src(%arg8 : memref<112x64xf32, #tpu.memory_space<vmem>>) dst(%dma_wait3A_325 : memref<10112x64xf32, #tpu.memory_space<vmem_shared>>)
        tpu.yield
      }) : () -> ()
      %add3A_252 = arith.constant 3 : i32
      %add3A_253 = arith.addi %add3A_241, %add3A_252 : i32
      %dma_start3A_254 = arith.constant 0 : i32
      %dma_start3A_255 = tpu.memref_slice %arg6[%add3A_253, %dma_start3A_254] : memref<180x112xi32, #tpu.memory_space<vmem>> -> memref<1x112xi32, #tpu.memory_space<vmem>>
      %dma_start3A_256 = tpu.memref_squeeze %dma_start3A_255 : memref<1x112xi32, #tpu.memory_space<vmem>> -> memref<112xi32, #tpu.memory_space<vmem>>
      %dma_start3A_257 = arith.constant 0 : i32
      %dma_start3A_258 = arith.constant 0 : i32
      %dma_start3A_259 = tpu.memref_slice %arg2[%arg0, %dma_start3A_257, %dma_start3A_258] : memref<2x10000x64xf32, #tpu.memory_space<hbm>> -> memref<1x10000x64xf32, #tpu.memory_space<hbm>>
      %dma_start3A_260 = tpu.memref_squeeze %dma_start3A_259 : memref<1x10000x64xf32, #tpu.memory_space<hbm>> -> memref<10000x64xf32, #tpu.memory_space<hbm>>
      %dma_start3A_261 = arith.constant 0 : i32
      %dma_start3A_262 = arith.constant 0 : i32
      %dma_start3A_263 = tpu.memref_slice %dma_start3A_260[%dma_start3A_261, %dma_start3A_262] : memref<10000x64xf32, #tpu.memory_space<hbm>> -> memref<10000x64xf32, #tpu.memory_space<hbm>>
      tpu.enqueue_indirect_dma source(%dma_start3A_263 : memref<10000x64xf32, #tpu.memory_space<hbm>>) target(%arg11 : memref<112x64xf32, #tpu.memory_space<vmem>>) offsets(%dma_start3A_256 : memref<112xi32, #tpu.memory_space<vmem>>) semaphore(%arg19 : memref<!tpu.dma_semaphore, #tpu.memory_space<semaphore_mem>>)
      %add3A_264 = arith.constant 4 : i32
      %add3A_265 = arith.addi %add3A_167, %add3A_264 : i32
      %dma_wait3A_266 = arith.constant 0 : i32
      %dma_wait3A_267 = tpu.memref_slice %arg6[%add3A_265, %dma_wait3A_266] : memref<180x112xi32, #tpu.memory_space<vmem>> -> memref<1x112xi32, #tpu.memory_space<vmem>>
      %dma_wait3A_268 = tpu.memref_squeeze %dma_wait3A_267 : memref<1x112xi32, #tpu.memory_space<vmem>> -> memref<112xi32, #tpu.memory_space<vmem>>
      %dma_wait3A_269 = arith.constant 0 : i32
      %dma_wait3A_270 = arith.constant 0 : i32
      %dma_wait3A_271 = tpu.memref_slice %arg2[%arg0, %dma_wait3A_269, %dma_wait3A_270] : memref<2x10000x64xf32, #tpu.memory_space<hbm>> -> memref<1x10000x64xf32, #tpu.memory_space<hbm>>
      %dma_wait3A_272 = tpu.memref_squeeze %dma_wait3A_271 : memref<1x10000x64xf32, #tpu.memory_space<hbm>> -> memref<10000x64xf32, #tpu.memory_space<hbm>>
      %dma_wait3A_273 = arith.constant 0 : i32
      %dma_wait3A_274 = arith.constant 0 : i32
      %dma_wait3A_275 = tpu.memref_slice %dma_wait3A_272[%dma_wait3A_273, %dma_wait3A_274] : memref<10000x64xf32, #tpu.memory_space<hbm>> -> memref<10000x64xf32, #tpu.memory_space<hbm>>
      tpu.wait_indirect_dma semaphore(%arg17 : memref<!tpu.dma_semaphore, #tpu.memory_space<semaphore_mem>>) src(%dma_wait3A_275 : memref<10000x64xf32, #tpu.memory_space<hbm>>) dst(%arg9 : memref<112x64xf32, #tpu.memory_space<vmem>>)
      "tpu.region"() ({
        %run_scoped3A_313 = tpu.sem_alloc : memref<!tpu.dma_semaphore, #tpu.memory_space<semaphore_mem>>
        %dma_start3A_314 = arith.constant 0 : i32
        %dma_start3A_315 = tpu.memref_slice %arg7[%add3A_265, %dma_start3A_314] : memref<180x112xi32, #tpu.memory_space<vmem>> -> memref<1x112xi32, #tpu.memory_space<vmem>>
        %dma_start3A_316 = tpu.memref_squeeze %dma_start3A_315 : memref<1x112xi32, #tpu.memory_space<vmem>> -> memref<112xi32, #tpu.memory_space<vmem>>
        %dma_start3A_317 = arith.constant 0 : i32
        %dma_start3A_318 = arith.constant 0 : i32
        %dma_start3A_319 = tpu.memref_slice %arg15[%dma_start3A_317, %dma_start3A_318] : memref<10112x64xf32, #tpu.memory_space<vmem_shared>> -> memref<10112x64xf32, #tpu.memory_space<vmem_shared>>
        tpu.enqueue_indirect_dma source(%arg9 : memref<112x64xf32, #tpu.memory_space<vmem>>) target(%dma_start3A_319 : memref<10112x64xf32, #tpu.memory_space<vmem_shared>>) offsets(%dma_start3A_316 : memref<112xi32, #tpu.memory_space<vmem>>) semaphore(%run_scoped3A_313 : memref<!tpu.dma_semaphore, #tpu.memory_space<semaphore_mem>>) {add = true}
        %dma_wait3A_320 = arith.constant 0 : i32
        %dma_wait3A_321 = tpu.memref_slice %arg7[%add3A_265, %dma_wait3A_320] : memref<180x112xi32, #tpu.memory_space<vmem>> -> memref<1x112xi32, #tpu.memory_space<vmem>>
        %dma_wait3A_322 = tpu.memref_squeeze %dma_wait3A_321 : memref<1x112xi32, #tpu.memory_space<vmem>> -> memref<112xi32, #tpu.memory_space<vmem>>
        %dma_wait3A_323 = arith.constant 0 : i32
        %dma_wait3A_324 = arith.constant 0 : i32
        %dma_wait3A_325 = tpu.memref_slice %arg15[%dma_wait3A_323, %dma_wait3A_324] : memref<10112x64xf32, #tpu.memory_space<vmem_shared>> -> memref<10112x64xf32, #tpu.memory_space<vmem_shared>>
        tpu.wait_indirect_dma semaphore(%run_scoped3A_313 : memref<!tpu.dma_semaphore, #tpu.memory_space<semaphore_mem>>) src(%arg9 : memref<112x64xf32, #tpu.memory_space<vmem>>) dst(%dma_wait3A_325 : memref<10112x64xf32, #tpu.memory_space<vmem_shared>>)
        tpu.yield
      }) : () -> ()
      %add3A_276 = arith.constant 3 : i32
      %add3A_277 = arith.addi %add3A_265, %add3A_276 : i32
      %dma_start3A_278 = arith.constant 0 : i32
      %dma_start3A_279 = tpu.memref_slice %arg6[%add3A_277, %dma_start3A_278] : memref<180x112xi32, #tpu.memory_space<vmem>> -> memref<1x112xi32, #tpu.memory_space<vmem>>
      %dma_start3A_280 = tpu.memref_squeeze %dma_start3A_279 : memref<1x112xi32, #tpu.memory_space<vmem>> -> memref<112xi32, #tpu.memory_space<vmem>>
      %dma_start3A_281 = arith.constant 0 : i32
      %dma_start3A_282 = arith.constant 0 : i32
      %dma_start3A_283 = tpu.memref_slice %arg2[%arg0, %dma_start3A_281, %dma_start3A_282] : memref<2x10000x64xf32, #tpu.memory_space<hbm>> -> memref<1x10000x64xf32, #tpu.memory_space<hbm>>
      %dma_start3A_284 = tpu.memref_squeeze %dma_start3A_283 : memref<1x10000x64xf32, #tpu.memory_space<hbm>> -> memref<10000x64xf32, #tpu.memory_space<hbm>>
      %dma_start3A_285 = arith.constant 0 : i32
      %dma_start3A_286 = arith.constant 0 : i32
      %dma_start3A_287 = tpu.memref_slice %dma_start3A_284[%dma_start3A_285, %dma_start3A_286] : memref<10000x64xf32, #tpu.memory_space<hbm>> -> memref<10000x64xf32, #tpu.memory_space<hbm>>
      tpu.enqueue_indirect_dma source(%dma_start3A_287 : memref<10000x64xf32, #tpu.memory_space<hbm>>) target(%arg12 : memref<112x64xf32, #tpu.memory_space<vmem>>) offsets(%dma_start3A_280 : memref<112xi32, #tpu.memory_space<vmem>>) semaphore(%arg20 : memref<!tpu.dma_semaphore, #tpu.memory_space<semaphore_mem>>)
      %add3A_288 = arith.constant 5 : i32
      %add3A_289 = arith.addi %add3A_167, %add3A_288 : i32
      %dma_wait3A_290 = arith.constant 0 : i32
      %dma_wait3A_291 = tpu.memref_slice %arg6[%add3A_289, %dma_wait3A_290] : memref<180x112xi32, #tpu.memory_space<vmem>> -> memref<1x112xi32, #tpu.memory_space<vmem>>
      %dma_wait3A_292 = tpu.memref_squeeze %dma_wait3A_291 : memref<1x112xi32, #tpu.memory_space<vmem>> -> memref<112xi32, #tpu.memory_space<vmem>>
      %dma_wait3A_293 = arith.constant 0 : i32
      %dma_wait3A_294 = arith.constant 0 : i32
      %dma_wait3A_295 = tpu.memref_slice %arg2[%arg0, %dma_wait3A_293, %dma_wait3A_294] : memref<2x10000x64xf32, #tpu.memory_space<hbm>> -> memref<1x10000x64xf32, #tpu.memory_space<hbm>>
      %dma_wait3A_296 = tpu.memref_squeeze %dma_wait3A_295 : memref<1x10000x64xf32, #tpu.memory_space<hbm>> -> memref<10000x64xf32, #tpu.memory_space<hbm>>
      %dma_wait3A_297 = arith.constant 0 : i32
      %dma_wait3A_298 = arith.constant 0 : i32
      %dma_wait3A_299 = tpu.memref_slice %dma_wait3A_296[%dma_wait3A_297, %dma_wait3A_298] : memref<10000x64xf32, #tpu.memory_space<hbm>> -> memref<10000x64xf32, #tpu.memory_space<hbm>>
      tpu.wait_indirect_dma semaphore(%arg18 : memref<!tpu.dma_semaphore, #tpu.memory_space<semaphore_mem>>) src(%dma_wait3A_299 : memref<10000x64xf32, #tpu.memory_space<hbm>>) dst(%arg10 : memref<112x64xf32, #tpu.memory_space<vmem>>)
      "tpu.region"() ({
        %run_scoped3A_313 = tpu.sem_alloc : memref<!tpu.dma_semaphore, #tpu.memory_space<semaphore_mem>>
        %dma_start3A_314 = arith.constant 0 : i32
        %dma_start3A_315 = tpu.memref_slice %arg7[%add3A_289, %dma_start3A_314] : memref<180x112xi32, #tpu.memory_space<vmem>> -> memref<1x112xi32, #tpu.memory_space<vmem>>
        %dma_start3A_316 = tpu.memref_squeeze %dma_start3A_315 : memref<1x112xi32, #tpu.memory_space<vmem>> -> memref<112xi32, #tpu.memory_space<vmem>>
        %dma_start3A_317 = arith.constant 0 : i32
        %dma_start3A_318 = arith.constant 0 : i32
        %dma_start3A_319 = tpu.memref_slice %arg15[%dma_start3A_317, %dma_start3A_318] : memref<10112x64xf32, #tpu.memory_space<vmem_shared>> -> memref<10112x64xf32, #tpu.memory_space<vmem_shared>>
        tpu.enqueue_indirect_dma source(%arg10 : memref<112x64xf32, #tpu.memory_space<vmem>>) target(%dma_start3A_319 : memref<10112x64xf32, #tpu.memory_space<vmem_shared>>) offsets(%dma_start3A_316 : memref<112xi32, #tpu.memory_space<vmem>>) semaphore(%run_scoped3A_313 : memref<!tpu.dma_semaphore, #tpu.memory_space<semaphore_mem>>) {add = true}
        %dma_wait3A_320 = arith.constant 0 : i32
        %dma_wait3A_321 = tpu.memref_slice %arg7[%add3A_289, %dma_wait3A_320] : memref<180x112xi32, #tpu.memory_space<vmem>> -> memref<1x112xi32, #tpu.memory_space<vmem>>
        %dma_wait3A_322 = tpu.memref_squeeze %dma_wait3A_321 : memref<1x112xi32, #tpu.memory_space<vmem>> -> memref<112xi32, #tpu.memory_space<vmem>>
        %dma_wait3A_323 = arith.constant 0 : i32
        %dma_wait3A_324 = arith.constant 0 : i32
        %dma_wait3A_325 = tpu.memref_slice %arg15[%dma_wait3A_323, %dma_wait3A_324] : memref<10112x64xf32, #tpu.memory_space<vmem_shared>> -> memref<10112x64xf32, #tpu.memory_space<vmem_shared>>
        tpu.wait_indirect_dma semaphore(%run_scoped3A_313 : memref<!tpu.dma_semaphore, #tpu.memory_space<semaphore_mem>>) src(%arg10 : memref<112x64xf32, #tpu.memory_space<vmem>>) dst(%dma_wait3A_325 : memref<10112x64xf32, #tpu.memory_space<vmem_shared>>)
        tpu.yield
      }) : () -> ()
      %add3A_300 = arith.constant 3 : i32
      %add3A_301 = arith.addi %add3A_289, %add3A_300 : i32
      %dma_start3A_302 = arith.constant 0 : i32
      %dma_start3A_303 = tpu.memref_slice %arg6[%add3A_301, %dma_start3A_302] : memref<180x112xi32, #tpu.memory_space<vmem>> -> memref<1x112xi32, #tpu.memory_space<vmem>>
      %dma_start3A_304 = tpu.memref_squeeze %dma_start3A_303 : memref<1x112xi32, #tpu.memory_space<vmem>> -> memref<112xi32, #tpu.memory_space<vmem>>
      %dma_start3A_305 = arith.constant 0 : i32
      %dma_start3A_306 = arith.constant 0 : i32
      %dma_start3A_307 = tpu.memref_slice %arg2[%arg0, %dma_start3A_305, %dma_start3A_306] : memref<2x10000x64xf32, #tpu.memory_space<hbm>> -> memref<1x10000x64xf32, #tpu.memory_space<hbm>>
      %dma_start3A_308 = tpu.memref_squeeze %dma_start3A_307 : memref<1x10000x64xf32, #tpu.memory_space<hbm>> -> memref<10000x64xf32, #tpu.memory_space<hbm>>
      %dma_start3A_309 = arith.constant 0 : i32
      %dma_start3A_310 = arith.constant 0 : i32
      %dma_start3A_311 = tpu.memref_slice %dma_start3A_308[%dma_start3A_309, %dma_start3A_310] : memref<10000x64xf32, #tpu.memory_space<hbm>> -> memref<10000x64xf32, #tpu.memory_space<hbm>>
      tpu.enqueue_indirect_dma source(%dma_start3A_311 : memref<10000x64xf32, #tpu.memory_space<hbm>>) target(%arg13 : memref<112x64xf32, #tpu.memory_space<vmem>>) offsets(%dma_start3A_304 : memref<112xi32, #tpu.memory_space<vmem>>) semaphore(%arg21 : memref<!tpu.dma_semaphore, #tpu.memory_space<semaphore_mem>>)
      %scan3A_312 = arith.constant 0 : i32
      scf.yield %scan3A_312 : i32
    }
    %scan3A_120 = arith.constant 29 : i32
    %dma_wait3A_121 = arith.constant 177 : i32
    %dma_wait3A_122 = arith.constant 0 : i32
    %dma_wait3A_123 = tpu.memref_slice %arg6[%dma_wait3A_121, %dma_wait3A_122] : memref<180x112xi32, #tpu.memory_space<vmem>> -> memref<1x112xi32, #tpu.memory_space<vmem>>
    %dma_wait3A_124 = tpu.memref_squeeze %dma_wait3A_123 : memref<1x112xi32, #tpu.memory_space<vmem>> -> memref<112xi32, #tpu.memory_space<vmem>>
    %dma_wait3A_125 = arith.constant 0 : i32
    %dma_wait3A_126 = arith.constant 0 : i32
    %dma_wait3A_127 = tpu.memref_slice %arg2[%arg0, %dma_wait3A_125, %dma_wait3A_126] : memref<2x10000x64xf32, #tpu.memory_space<hbm>> -> memref<1x10000x64xf32, #tpu.memory_space<hbm>>
    %dma_wait3A_128 = tpu.memref_squeeze %dma_wait3A_127 : memref<1x10000x64xf32, #tpu.memory_space<hbm>> -> memref<10000x64xf32, #tpu.memory_space<hbm>>
    %dma_wait3A_129 = arith.constant 0 : i32
    %dma_wait3A_130 = arith.constant 0 : i32
    %dma_wait3A_131 = tpu.memref_slice %dma_wait3A_128[%dma_wait3A_129, %dma_wait3A_130] : memref<10000x64xf32, #tpu.memory_space<hbm>> -> memref<10000x64xf32, #tpu.memory_space<hbm>>
    tpu.wait_indirect_dma semaphore(%arg19 : memref<!tpu.dma_semaphore, #tpu.memory_space<semaphore_mem>>) src(%dma_wait3A_131 : memref<10000x64xf32, #tpu.memory_space<hbm>>) dst(%arg11 : memref<112x64xf32, #tpu.memory_space<vmem>>)
    %run_scoped3A_132 = arith.constant 177 : i32
    "tpu.region"() ({
      %run_scoped3A_162 = tpu.sem_alloc : memref<!tpu.dma_semaphore, #tpu.memory_space<semaphore_mem>>
      %dma_start3A_163 = arith.constant 0 : i32
      %dma_start3A_164 = tpu.memref_slice %arg7[%run_scoped3A_132, %dma_start3A_163] : memref<180x112xi32, #tpu.memory_space<vmem>> -> memref<1x112xi32, #tpu.memory_space<vmem>>
      %dma_start3A_165 = tpu.memref_squeeze %dma_start3A_164 : memref<1x112xi32, #tpu.memory_space<vmem>> -> memref<112xi32, #tpu.memory_space<vmem>>
      %dma_start3A_166 = arith.constant 0 : i32
      %dma_start3A_167 = arith.constant 0 : i32
      %dma_start3A_168 = tpu.memref_slice %arg15[%dma_start3A_166, %dma_start3A_167] : memref<10112x64xf32, #tpu.memory_space<vmem_shared>> -> memref<10112x64xf32, #tpu.memory_space<vmem_shared>>
      tpu.enqueue_indirect_dma source(%arg11 : memref<112x64xf32, #tpu.memory_space<vmem>>) target(%dma_start3A_168 : memref<10112x64xf32, #tpu.memory_space<vmem_shared>>) offsets(%dma_start3A_165 : memref<112xi32, #tpu.memory_space<vmem>>) semaphore(%run_scoped3A_162 : memref<!tpu.dma_semaphore, #tpu.memory_space<semaphore_mem>>) {add = true}
      %dma_wait3A_169 = arith.constant 0 : i32
      %dma_wait3A_170 = tpu.memref_slice %arg7[%run_scoped3A_132, %dma_wait3A_169] : memref<180x112xi32, #tpu.memory_space<vmem>> -> memref<1x112xi32, #tpu.memory_space<vmem>>
      %dma_wait3A_171 = tpu.memref_squeeze %dma_wait3A_170 : memref<1x112xi32, #tpu.memory_space<vmem>> -> memref<112xi32, #tpu.memory_space<vmem>>
      %dma_wait3A_172 = arith.constant 0 : i32
      %dma_wait3A_173 = arith.constant 0 : i32
      %dma_wait3A_174 = tpu.memref_slice %arg15[%dma_wait3A_172, %dma_wait3A_173] : memref<10112x64xf32, #tpu.memory_space<vmem_shared>> -> memref<10112x64xf32, #tpu.memory_space<vmem_shared>>
      tpu.wait_indirect_dma semaphore(%run_scoped3A_162 : memref<!tpu.dma_semaphore, #tpu.memory_space<semaphore_mem>>) src(%arg11 : memref<112x64xf32, #tpu.memory_space<vmem>>) dst(%dma_wait3A_174 : memref<10112x64xf32, #tpu.memory_space<vmem_shared>>)
      tpu.yield
    }) : () -> ()
    %dma_wait3A_133 = arith.constant 178 : i32
    %dma_wait3A_134 = arith.constant 0 : i32
    %dma_wait3A_135 = tpu.memref_slice %arg6[%dma_wait3A_133, %dma_wait3A_134] : memref<180x112xi32, #tpu.memory_space<vmem>> -> memref<1x112xi32, #tpu.memory_space<vmem>>
    %dma_wait3A_136 = tpu.memref_squeeze %dma_wait3A_135 : memref<1x112xi32, #tpu.memory_space<vmem>> -> memref<112xi32, #tpu.memory_space<vmem>>
    %dma_wait3A_137 = arith.constant 0 : i32
    %dma_wait3A_138 = arith.constant 0 : i32
    %dma_wait3A_139 = tpu.memref_slice %arg2[%arg0, %dma_wait3A_137, %dma_wait3A_138] : memref<2x10000x64xf32, #tpu.memory_space<hbm>> -> memref<1x10000x64xf32, #tpu.memory_space<hbm>>
    %dma_wait3A_140 = tpu.memref_squeeze %dma_wait3A_139 : memref<1x10000x64xf32, #tpu.memory_space<hbm>> -> memref<10000x64xf32, #tpu.memory_space<hbm>>
    %dma_wait3A_141 = arith.constant 0 : i32
    %dma_wait3A_142 = arith.constant 0 : i32
    %dma_wait3A_143 = tpu.memref_slice %dma_wait3A_140[%dma_wait3A_141, %dma_wait3A_142] : memref<10000x64xf32, #tpu.memory_space<hbm>> -> memref<10000x64xf32, #tpu.memory_space<hbm>>
    tpu.wait_indirect_dma semaphore(%arg20 : memref<!tpu.dma_semaphore, #tpu.memory_space<semaphore_mem>>) src(%dma_wait3A_143 : memref<10000x64xf32, #tpu.memory_space<hbm>>) dst(%arg12 : memref<112x64xf32, #tpu.memory_space<vmem>>)
    %run_scoped3A_144 = arith.constant 178 : i32
    "tpu.region"() ({
      %run_scoped3A_162 = tpu.sem_alloc : memref<!tpu.dma_semaphore, #tpu.memory_space<semaphore_mem>>
      %dma_start3A_163 = arith.constant 0 : i32
      %dma_start3A_164 = tpu.memref_slice %arg7[%run_scoped3A_144, %dma_start3A_163] : memref<180x112xi32, #tpu.memory_space<vmem>> -> memref<1x112xi32, #tpu.memory_space<vmem>>
      %dma_start3A_165 = tpu.memref_squeeze %dma_start3A_164 : memref<1x112xi32, #tpu.memory_space<vmem>> -> memref<112xi32, #tpu.memory_space<vmem>>
      %dma_start3A_166 = arith.constant 0 : i32
      %dma_start3A_167 = arith.constant 0 : i32
      %dma_start3A_168 = tpu.memref_slice %arg15[%dma_start3A_166, %dma_start3A_167] : memref<10112x64xf32, #tpu.memory_space<vmem_shared>> -> memref<10112x64xf32, #tpu.memory_space<vmem_shared>>
      tpu.enqueue_indirect_dma source(%arg12 : memref<112x64xf32, #tpu.memory_space<vmem>>) target(%dma_start3A_168 : memref<10112x64xf32, #tpu.memory_space<vmem_shared>>) offsets(%dma_start3A_165 : memref<112xi32, #tpu.memory_space<vmem>>) semaphore(%run_scoped3A_162 : memref<!tpu.dma_semaphore, #tpu.memory_space<semaphore_mem>>) {add = true}
      %dma_wait3A_169 = arith.constant 0 : i32
      %dma_wait3A_170 = tpu.memref_slice %arg7[%run_scoped3A_144, %dma_wait3A_169] : memref<180x112xi32, #tpu.memory_space<vmem>> -> memref<1x112xi32, #tpu.memory_space<vmem>>
      %dma_wait3A_171 = tpu.memref_squeeze %dma_wait3A_170 : memref<1x112xi32, #tpu.memory_space<vmem>> -> memref<112xi32, #tpu.memory_space<vmem>>
      %dma_wait3A_172 = arith.constant 0 : i32
      %dma_wait3A_173 = arith.constant 0 : i32
      %dma_wait3A_174 = tpu.memref_slice %arg15[%dma_wait3A_172, %dma_wait3A_173] : memref<10112x64xf32, #tpu.memory_space<vmem_shared>> -> memref<10112x64xf32, #tpu.memory_space<vmem_shared>>
      tpu.wait_indirect_dma semaphore(%run_scoped3A_162 : memref<!tpu.dma_semaphore, #tpu.memory_space<semaphore_mem>>) src(%arg12 : memref<112x64xf32, #tpu.memory_space<vmem>>) dst(%dma_wait3A_174 : memref<10112x64xf32, #tpu.memory_space<vmem_shared>>)
      tpu.yield
    }) : () -> ()
    %dma_wait3A_145 = arith.constant 179 : i32
    %dma_wait3A_146 = arith.constant 0 : i32
    %dma_wait3A_147 = tpu.memref_slice %arg6[%dma_wait3A_145, %dma_wait3A_146] : memref<180x112xi32, #tpu.memory_space<vmem>> -> memref<1x112xi32, #tpu.memory_space<vmem>>
    %dma_wait3A_148 = tpu.memref_squeeze %dma_wait3A_147 : memref<1x112xi32, #tpu.memory_space<vmem>> -> memref<112xi32, #tpu.memory_space<vmem>>
    %dma_wait3A_149 = arith.constant 0 : i32
    %dma_wait3A_150 = arith.constant 0 : i32
    %dma_wait3A_151 = tpu.memref_slice %arg2[%arg0, %dma_wait3A_149, %dma_wait3A_150] : memref<2x10000x64xf32, #tpu.memory_space<hbm>> -> memref<1x10000x64xf32, #tpu.memory_space<hbm>>
    %dma_wait3A_152 = tpu.memref_squeeze %dma_wait3A_151 : memref<1x10000x64xf32, #tpu.memory_space<hbm>> -> memref<10000x64xf32, #tpu.memory_space<hbm>>
    %dma_wait3A_153 = arith.constant 0 : i32
    %dma_wait3A_154 = arith.constant 0 : i32
    %dma_wait3A_155 = tpu.memref_slice %dma_wait3A_152[%dma_wait3A_153, %dma_wait3A_154] : memref<10000x64xf32, #tpu.memory_space<hbm>> -> memref<10000x64xf32, #tpu.memory_space<hbm>>
    tpu.wait_indirect_dma semaphore(%arg21 : memref<!tpu.dma_semaphore, #tpu.memory_space<semaphore_mem>>) src(%dma_wait3A_155 : memref<10000x64xf32, #tpu.memory_space<hbm>>) dst(%arg13 : memref<112x64xf32, #tpu.memory_space<vmem>>)
    %run_scoped3A_156 = arith.constant 179 : i32
    "tpu.region"() ({
      %run_scoped3A_162 = tpu.sem_alloc : memref<!tpu.dma_semaphore, #tpu.memory_space<semaphore_mem>>
      %dma_start3A_163 = arith.constant 0 : i32
      %dma_start3A_164 = tpu.memref_slice %arg7[%run_scoped3A_156, %dma_start3A_163] : memref<180x112xi32, #tpu.memory_space<vmem>> -> memref<1x112xi32, #tpu.memory_space<vmem>>
      %dma_start3A_165 = tpu.memref_squeeze %dma_start3A_164 : memref<1x112xi32, #tpu.memory_space<vmem>> -> memref<112xi32, #tpu.memory_space<vmem>>
      %dma_start3A_166 = arith.constant 0 : i32
      %dma_start3A_167 = arith.constant 0 : i32
      %dma_start3A_168 = tpu.memref_slice %arg15[%dma_start3A_166, %dma_start3A_167] : memref<10112x64xf32, #tpu.memory_space<vmem_shared>> -> memref<10112x64xf32, #tpu.memory_space<vmem_shared>>
      tpu.enqueue_indirect_dma source(%arg13 : memref<112x64xf32, #tpu.memory_space<vmem>>) target(%dma_start3A_168 : memref<10112x64xf32, #tpu.memory_space<vmem_shared>>) offsets(%dma_start3A_165 : memref<112xi32, #tpu.memory_space<vmem>>) semaphore(%run_scoped3A_162 : memref<!tpu.dma_semaphore, #tpu.memory_space<semaphore_mem>>) {add = true}
      %dma_wait3A_169 = arith.constant 0 : i32
      %dma_wait3A_170 = tpu.memref_slice %arg7[%run_scoped3A_156, %dma_wait3A_169] : memref<180x112xi32, #tpu.memory_space<vmem>> -> memref<1x112xi32, #tpu.memory_space<vmem>>
      %dma_wait3A_171 = tpu.memref_squeeze %dma_wait3A_170 : memref<1x112xi32, #tpu.memory_space<vmem>> -> memref<112xi32, #tpu.memory_space<vmem>>
      %dma_wait3A_172 = arith.constant 0 : i32
      %dma_wait3A_173 = arith.constant 0 : i32
      %dma_wait3A_174 = tpu.memref_slice %arg15[%dma_wait3A_172, %dma_wait3A_173] : memref<10112x64xf32, #tpu.memory_space<vmem_shared>> -> memref<10112x64xf32, #tpu.memory_space<vmem_shared>>
      tpu.wait_indirect_dma semaphore(%run_scoped3A_162 : memref<!tpu.dma_semaphore, #tpu.memory_space<semaphore_mem>>) src(%arg13 : memref<112x64xf32, #tpu.memory_space<vmem>>) dst(%dma_wait3A_174 : memref<10112x64xf32, #tpu.memory_space<vmem_shared>>)
      tpu.yield
    }) : () -> ()
    %barrier3A_157 = arith.constant 0 : index
    tpu.barrier barrier_id(%barrier3A_157)
    %mul3A_158 = arith.constant 632 : i32
    %mul3A_159 = arith.muli %arg1, %mul3A_158 : i32
    %mul3A_160 = arith.constant 632 : i32
    %mul3A_161 = arith.muli %arg1, %mul3A_160 : i32
    "tpu.region"() ({
      %run_scoped3A_162 = tpu.sem_alloc : memref<!tpu.dma_semaphore, #tpu.memory_space<semaphore_mem>>
      %dma_start3A_163 = arith.constant 0 : i32
      %dma_start3A_164 = tpu.memref_slice %arg5[%arg0, %mul3A_161, %dma_start3A_163] : memref<2x10112x64xf32, #tpu.memory_space<hbm>> -> memref<1x632x64xf32, #tpu.memory_space<hbm>>
      %dma_start3A_165 = tpu.memref_squeeze %dma_start3A_164 : memref<1x632x64xf32, #tpu.memory_space<hbm>> -> memref<632x64xf32, #tpu.memory_space<hbm>>
      %dma_start3A_166 = arith.constant 0 : i32
      %dma_start3A_167 = tpu.memref_slice %arg15[%mul3A_159, %dma_start3A_166] : memref<10112x64xf32, #tpu.memory_space<vmem_shared>> -> memref<632x64xf32, #tpu.memory_space<vmem_shared>>
      tpu.enqueue_dma source(%dma_start3A_167 : memref<632x64xf32, #tpu.memory_space<vmem_shared>>) target(%dma_start3A_165 : memref<632x64xf32, #tpu.memory_space<hbm>>) target_semaphore(%run_scoped3A_162 : memref<!tpu.dma_semaphore, #tpu.memory_space<semaphore_mem>>)
      %dma_wait3A_168 = arith.constant 0 : i32
      %dma_wait3A_169 = tpu.memref_slice %arg5[%arg0, %mul3A_161, %dma_wait3A_168] : memref<2x10112x64xf32, #tpu.memory_space<hbm>> -> memref<1x632x64xf32, #tpu.memory_space<hbm>>
      %dma_wait3A_170 = tpu.memref_squeeze %dma_wait3A_169 : memref<1x632x64xf32, #tpu.memory_space<hbm>> -> memref<632x64xf32, #tpu.memory_space<hbm>>
      %dma_wait3A_171 = arith.constant 0 : i32
      %dma_wait3A_172 = tpu.memref_slice %arg15[%mul3A_159, %dma_wait3A_171] : memref<10112x64xf32, #tpu.memory_space<vmem_shared>> -> memref<632x64xf32, #tpu.memory_space<vmem_shared>>
      tpu.wait_dma2 semaphore(%run_scoped3A_162 : memref<!tpu.dma_semaphore, #tpu.memory_space<semaphore_mem>>) src(%dma_wait3A_172 : memref<632x64xf32, #tpu.memory_space<vmem_shared>>) dst(%dma_wait3A_170 : memref<632x64xf32, #tpu.memory_space<hbm>>)
      tpu.yield
    }) : () -> ()
    return
  }
}

#map = affine_map<(d0, d1) -> (0, 0, 0)>
module attributes {stable_mosaic.version = 14 : i64} {
  func.func @_agg_body(%arg0: i32, %arg1: i32, %arg2: memref<2x10000x64xf32, #tpu.memory_space<hbm>>, %arg3: memref<16x180x112xi32, #tpu.memory_space<hbm>>, %arg4: memref<16x180x112xi32, #tpu.memory_space<hbm>>, %arg5: memref<2x10112x64xf32, #tpu.memory_space<hbm>>, %arg6: memref<180x112xi32, #tpu.memory_space<vmem>>, %arg7: memref<180x112xi32, #tpu.memory_space<vmem>>, %arg8: memref<112x64xf32, #tpu.memory_space<vmem>>, %arg9: memref<112x64xf32, #tpu.memory_space<vmem>>, %arg10: memref<112x64xf32, #tpu.memory_space<vmem>>, %arg11: memref<112x64xf32, #tpu.memory_space<vmem>>, %arg12: memref<112x64xf32, #tpu.memory_space<vmem>>, %arg13: memref<112x64xf32, #tpu.memory_space<vmem>>, %arg14: memref<112x64xf32, #tpu.memory_space<vmem>>, %arg15: memref<10112x64xf32, #tpu.memory_space<vmem_shared>>, %arg16: memref<!tpu.dma_semaphore, #tpu.memory_space<semaphore_mem>>, %arg17: memref<!tpu.dma_semaphore, #tpu.memory_space<semaphore_mem>>, %arg18: memref<!tpu.dma_semaphore, #tpu.memory_space<semaphore_mem>>, %arg19: memref<!tpu.dma_semaphore, #tpu.memory_space<semaphore_mem>>, %arg20: memref<!tpu.dma_semaphore, #tpu.memory_space<semaphore_mem>>, %arg21: memref<!tpu.dma_semaphore, #tpu.memory_space<semaphore_mem>>) attributes {dimension_semantics = [#tpu.dimension_semantics<core_parallel>, #tpu.dimension_semantics<subcore_parallel>], iteration_bounds = array<i64: 2, 16>, scalar_prefetch = 0 : i64, scratch_operands = 16 : i64, tpu.core_type = #tpu.core_type<sc_vector_subcore>, window_params = [{transform_indices = #map}, {transform_indices = #map}, {transform_indices = #map}, {transform_indices = #map}]} {
    "tpu.region"() ({
      %run_scoped3A_162 = tpu.sem_alloc : memref<!tpu.dma_semaphore, #tpu.memory_space<semaphore_mem>>
      %dma_start3A_163 = arith.constant 0 : i32
      %dma_start3A_164 = arith.constant 0 : i32
      %dma_start3A_165 = tpu.memref_slice %arg3[%arg1, %dma_start3A_163, %dma_start3A_164] : memref<16x180x112xi32, #tpu.memory_space<hbm>> -> memref<1x180x112xi32, #tpu.memory_space<hbm>>
      %dma_start3A_166 = tpu.memref_squeeze %dma_start3A_165 : memref<1x180x112xi32, #tpu.memory_space<hbm>> -> memref<180x112xi32, #tpu.memory_space<hbm>>
      %dma_start3A_167 = arith.constant 0 : i32
      %dma_start3A_168 = arith.constant 0 : i32
      %dma_start3A_169 = tpu.memref_slice %arg3[%arg1, %dma_start3A_167, %dma_start3A_168] : memref<16x180x112xi32, #tpu.memory_space<hbm>> -> memref<1x180x112xi32, #tpu.memory_space<hbm>>
      %dma_start3A_170 = tpu.memref_squeeze %dma_start3A_169 : memref<1x180x112xi32, #tpu.memory_space<hbm>> -> memref<180x112xi32, #tpu.memory_space<hbm>>
      tpu.enqueue_dma source(%dma_start3A_170 : memref<180x112xi32, #tpu.memory_space<hbm>>) target(%arg6 : memref<180x112xi32, #tpu.memory_space<vmem>>) target_semaphore(%run_scoped3A_162 : memref<!tpu.dma_semaphore, #tpu.memory_space<semaphore_mem>>)
      %dma_wait3A_171 = arith.constant 0 : i32
      %dma_wait3A_172 = arith.constant 0 : i32
      %dma_wait3A_173 = tpu.memref_slice %arg3[%arg1, %dma_wait3A_171, %dma_wait3A_172] : memref<16x180x112xi32, #tpu.memory_space<hbm>> -> memref<1x180x112xi32, #tpu.memory_space<hbm>>
      %dma_wait3A_174 = tpu.memref_squeeze %dma_wait3A_173 : memref<1x180x112xi32, #tpu.memory_space<hbm>> -> memref<180x112xi32, #tpu.memory_space<hbm>>
      %dma_wait3A_175 = arith.constant 0 : i32
      %dma_wait3A_176 = arith.constant 0 : i32
      %dma_wait3A_177 = tpu.memref_slice %arg3[%arg1, %dma_wait3A_175, %dma_wait3A_176] : memref<16x180x112xi32, #tpu.memory_space<hbm>> -> memref<1x180x112xi32, #tpu.memory_space<hbm>>
      %dma_wait3A_178 = tpu.memref_squeeze %dma_wait3A_177 : memref<1x180x112xi32, #tpu.memory_space<hbm>> -> memref<180x112xi32, #tpu.memory_space<hbm>>
      tpu.wait_dma2 semaphore(%run_scoped3A_162 : memref<!tpu.dma_semaphore, #tpu.memory_space<semaphore_mem>>) src(%dma_wait3A_178 : memref<180x112xi32, #tpu.memory_space<hbm>>) dst(%arg6 : memref<180x112xi32, #tpu.memory_space<vmem>>)
      tpu.yield
    }) : () -> ()
    "tpu.region"() ({
      %run_scoped3A_162 = tpu.sem_alloc : memref<!tpu.dma_semaphore, #tpu.memory_space<semaphore_mem>>
      %dma_start3A_163 = arith.constant 0 : i32
      %dma_start3A_164 = arith.constant 0 : i32
      %dma_start3A_165 = tpu.memref_slice %arg4[%arg1, %dma_start3A_163, %dma_start3A_164] : memref<16x180x112xi32, #tpu.memory_space<hbm>> -> memref<1x180x112xi32, #tpu.memory_space<hbm>>
      %dma_start3A_166 = tpu.memref_squeeze %dma_start3A_165 : memref<1x180x112xi32, #tpu.memory_space<hbm>> -> memref<180x112xi32, #tpu.memory_space<hbm>>
      %dma_start3A_167 = arith.constant 0 : i32
      %dma_start3A_168 = arith.constant 0 : i32
      %dma_start3A_169 = tpu.memref_slice %arg4[%arg1, %dma_start3A_167, %dma_start3A_168] : memref<16x180x112xi32, #tpu.memory_space<hbm>> -> memref<1x180x112xi32, #tpu.memory_space<hbm>>
      %dma_start3A_170 = tpu.memref_squeeze %dma_start3A_169 : memref<1x180x112xi32, #tpu.memory_space<hbm>> -> memref<180x112xi32, #tpu.memory_space<hbm>>
      tpu.enqueue_dma source(%dma_start3A_170 : memref<180x112xi32, #tpu.memory_space<hbm>>) target(%arg7 : memref<180x112xi32, #tpu.memory_space<vmem>>) target_semaphore(%run_scoped3A_162 : memref<!tpu.dma_semaphore, #tpu.memory_space<semaphore_mem>>)
      %dma_wait3A_171 = arith.constant 0 : i32
      %dma_wait3A_172 = arith.constant 0 : i32
      %dma_wait3A_173 = tpu.memref_slice %arg4[%arg1, %dma_wait3A_171, %dma_wait3A_172] : memref<16x180x112xi32, #tpu.memory_space<hbm>> -> memref<1x180x112xi32, #tpu.memory_space<hbm>>
      %dma_wait3A_174 = tpu.memref_squeeze %dma_wait3A_173 : memref<1x180x112xi32, #tpu.memory_space<hbm>> -> memref<180x112xi32, #tpu.memory_space<hbm>>
      %dma_wait3A_175 = arith.constant 0 : i32
      %dma_wait3A_176 = arith.constant 0 : i32
      %dma_wait3A_177 = tpu.memref_slice %arg4[%arg1, %dma_wait3A_175, %dma_wait3A_176] : memref<16x180x112xi32, #tpu.memory_space<hbm>> -> memref<1x180x112xi32, #tpu.memory_space<hbm>>
      %dma_wait3A_178 = tpu.memref_squeeze %dma_wait3A_177 : memref<1x180x112xi32, #tpu.memory_space<hbm>> -> memref<180x112xi32, #tpu.memory_space<hbm>>
      tpu.wait_dma2 semaphore(%run_scoped3A_162 : memref<!tpu.dma_semaphore, #tpu.memory_space<semaphore_mem>>) src(%dma_wait3A_178 : memref<180x112xi32, #tpu.memory_space<hbm>>) dst(%arg7 : memref<180x112xi32, #tpu.memory_space<vmem>>)
      tpu.yield
    }) : () -> ()
    %dma_start3A = arith.constant 0 : i32
    %dma_start3A_0 = arith.constant 0 : i32
    %dma_start3A_1 = tpu.memref_slice %arg6[%dma_start3A, %dma_start3A_0] : memref<180x112xi32, #tpu.memory_space<vmem>> -> memref<1x112xi32, #tpu.memory_space<vmem>>
    %dma_start3A_2 = tpu.memref_squeeze %dma_start3A_1 : memref<1x112xi32, #tpu.memory_space<vmem>> -> memref<112xi32, #tpu.memory_space<vmem>>
    %dma_start3A_3 = arith.constant 0 : i32
    %dma_start3A_4 = arith.constant 0 : i32
    %dma_start3A_5 = tpu.memref_slice %arg2[%arg0, %dma_start3A_3, %dma_start3A_4] : memref<2x10000x64xf32, #tpu.memory_space<hbm>> -> memref<1x10000x64xf32, #tpu.memory_space<hbm>>
    %dma_start3A_6 = tpu.memref_squeeze %dma_start3A_5 : memref<1x10000x64xf32, #tpu.memory_space<hbm>> -> memref<10000x64xf32, #tpu.memory_space<hbm>>
    %dma_start3A_7 = arith.constant 0 : i32
    %dma_start3A_8 = arith.constant 0 : i32
    %dma_start3A_9 = tpu.memref_slice %dma_start3A_6[%dma_start3A_7, %dma_start3A_8] : memref<10000x64xf32, #tpu.memory_space<hbm>> -> memref<10000x64xf32, #tpu.memory_space<hbm>>
    tpu.enqueue_indirect_dma source(%dma_start3A_9 : memref<10000x64xf32, #tpu.memory_space<hbm>>) target(%arg8 : memref<112x64xf32, #tpu.memory_space<vmem>>) offsets(%dma_start3A_2 : memref<112xi32, #tpu.memory_space<vmem>>) semaphore(%arg16 : memref<!tpu.dma_semaphore, #tpu.memory_space<semaphore_mem>>)
    %dma_start3A_10 = arith.constant 1 : i32
    %dma_start3A_11 = arith.constant 0 : i32
    %dma_start3A_12 = tpu.memref_slice %arg6[%dma_start3A_10, %dma_start3A_11] : memref<180x112xi32, #tpu.memory_space<vmem>> -> memref<1x112xi32, #tpu.memory_space<vmem>>
    %dma_start3A_13 = tpu.memref_squeeze %dma_start3A_12 : memref<1x112xi32, #tpu.memory_space<vmem>> -> memref<112xi32, #tpu.memory_space<vmem>>
    %dma_start3A_14 = arith.constant 0 : i32
    %dma_start3A_15 = arith.constant 0 : i32
    %dma_start3A_16 = tpu.memref_slice %arg2[%arg0, %dma_start3A_14, %dma_start3A_15] : memref<2x10000x64xf32, #tpu.memory_space<hbm>> -> memref<1x10000x64xf32, #tpu.memory_space<hbm>>
    %dma_start3A_17 = tpu.memref_squeeze %dma_start3A_16 : memref<1x10000x64xf32, #tpu.memory_space<hbm>> -> memref<10000x64xf32, #tpu.memory_space<hbm>>
    %dma_start3A_18 = arith.constant 0 : i32
    %dma_start3A_19 = arith.constant 0 : i32
    %dma_start3A_20 = tpu.memref_slice %dma_start3A_17[%dma_start3A_18, %dma_start3A_19] : memref<10000x64xf32, #tpu.memory_space<hbm>> -> memref<10000x64xf32, #tpu.memory_space<hbm>>
    tpu.enqueue_indirect_dma source(%dma_start3A_20 : memref<10000x64xf32, #tpu.memory_space<hbm>>) target(%arg9 : memref<112x64xf32, #tpu.memory_space<vmem>>) offsets(%dma_start3A_13 : memref<112xi32, #tpu.memory_space<vmem>>) semaphore(%arg17 : memref<!tpu.dma_semaphore, #tpu.memory_space<semaphore_mem>>)
    %dma_start3A_21 = arith.constant 2 : i32
    %dma_start3A_22 = arith.constant 0 : i32
    %dma_start3A_23 = tpu.memref_slice %arg6[%dma_start3A_21, %dma_start3A_22] : memref<180x112xi32, #tpu.memory_space<vmem>> -> memref<1x112xi32, #tpu.memory_space<vmem>>
    %dma_start3A_24 = tpu.memref_squeeze %dma_start3A_23 : memref<1x112xi32, #tpu.memory_space<vmem>> -> memref<112xi32, #tpu.memory_space<vmem>>
    %dma_start3A_25 = arith.constant 0 : i32
    %dma_start3A_26 = arith.constant 0 : i32
    %dma_start3A_27 = tpu.memref_slice %arg2[%arg0, %dma_start3A_25, %dma_start3A_26] : memref<2x10000x64xf32, #tpu.memory_space<hbm>> -> memref<1x10000x64xf32, #tpu.memory_space<hbm>>
    %dma_start3A_28 = tpu.memref_squeeze %dma_start3A_27 : memref<1x10000x64xf32, #tpu.memory_space<hbm>> -> memref<10000x64xf32, #tpu.memory_space<hbm>>
    %dma_start3A_29 = arith.constant 0 : i32
    %dma_start3A_30 = arith.constant 0 : i32
    %dma_start3A_31 = tpu.memref_slice %dma_start3A_28[%dma_start3A_29, %dma_start3A_30] : memref<10000x64xf32, #tpu.memory_space<hbm>> -> memref<10000x64xf32, #tpu.memory_space<hbm>>
    tpu.enqueue_indirect_dma source(%dma_start3A_31 : memref<10000x64xf32, #tpu.memory_space<hbm>>) target(%arg10 : memref<112x64xf32, #tpu.memory_space<vmem>>) offsets(%dma_start3A_24 : memref<112xi32, #tpu.memory_space<vmem>>) semaphore(%arg18 : memref<!tpu.dma_semaphore, #tpu.memory_space<semaphore_mem>>)
    %scan3A = arith.constant 0 : i32
    %scan3A_32 = arith.constant 0 : i32
    %scan3A_33 = arith.constant 448 : i32
    %scan3A_34 = arith.addi %scan3A_32, %scan3A_33 : i32
    %scan3A_35 = arith.constant 1 : i32
    %scan3A_36 = scf.for %scan3A_162 = %scan3A_32 to %scan3A_34 step %scan3A_35 iter_args(%scan3A_163 = %scan3A) -> (i32)  : i32 {
      %broadcast_in_dim3A = arith.constant 0.000000e+00 : f32
      %broadcast_in_dim3A_164 = vector.broadcast %broadcast_in_dim3A : f32 to vector<16xf32>
      %jit3A = arith.constant 4 : i32
      %div3A = arith.divsi %scan3A_162, %jit3A : i32
      %sign3A = arith.constant 0 : i32
      %sign3A_165 = arith.cmpi sgt, %scan3A_162, %sign3A : i32
      %sign3A_166 = arith.extui %sign3A_165 : i1 to i32
      %sign3A_167 = arith.constant 0 : i32
      %sign3A_168 = arith.cmpi slt, %scan3A_162, %sign3A_167 : i32
      %sign3A_169 = arith.extui %sign3A_168 : i1 to i32
      %sign3A_170 = arith.subi %sign3A_166, %sign3A_169 : i32
      %sign3A_171 = arith.constant 0 : i32
      %sign3A_172 = arith.cmpi sgt, %jit3A, %sign3A_171 : i32
      %sign3A_173 = arith.extui %sign3A_172 : i1 to i32
      %sign3A_174 = arith.constant 0 : i32
      %sign3A_175 = arith.cmpi slt, %jit3A, %sign3A_174 : i32
      %sign3A_176 = arith.extui %sign3A_175 : i1 to i32
      %sign3A_177 = arith.subi %sign3A_173, %sign3A_176 : i32
      %ne3A = arith.cmpi ne, %sign3A_170, %sign3A_177 : i32
      %rem3A = arith.remsi %scan3A_162, %jit3A : i32
      %ne3A_178 = arith.constant 0 : i32
      %ne3A_179 = arith.cmpi ne, %rem3A, %ne3A_178 : i32
      %and3A = arith.andi %ne3A, %ne3A_179 : i1
      %sub3A = arith.constant 1 : i32
      %sub3A_180 = arith.subi %div3A, %sub3A : i32
      %select_n3A = arith.select %and3A, %sub3A_180, %div3A : i32
      %jit3A_181 = arith.constant 4 : i32
      %eq3A = arith.constant 0 : i32
      %eq3A_182 = arith.cmpi eq, %jit3A_181, %eq3A : i32
      %jit3A_183 = arith.constant 1 : i32
      %select_n3A_184 = arith.select %eq3A_182, %jit3A_183, %jit3A_181 : i32
      %rem3A_185 = arith.remsi %scan3A_162, %select_n3A_184 : i32
      %ne3A_186 = arith.constant 0 : i32
      %ne3A_187 = arith.cmpi ne, %rem3A_185, %ne3A_186 : i32
      %lt3A = arith.constant 0 : i32
      %lt3A_188 = arith.cmpi slt, %rem3A_185, %lt3A : i32
      %lt3A_189 = arith.constant 0 : i32
      %lt3A_190 = arith.cmpi slt, %select_n3A_184, %lt3A_189 : i32
      %ne3A_191 = arith.xori %lt3A_188, %lt3A_190 : i1
      %and3A_192 = arith.andi %ne3A_191, %ne3A_187 : i1
      %add3A_193 = arith.addi %rem3A_185, %select_n3A_184 : i32
      %select_n3A_194 = arith.select %and3A_192, %add3A_193, %rem3A_185 : i32
      %mul3A_195 = arith.constant 16 : i32
      %mul3A_196 = arith.muli %select_n3A_194, %mul3A_195 : i32
      %swap3A = arith.index_cast %select_n3A : i32 to index
      %swap3A_197 = arith.index_cast %mul3A_196 : i32 to index
      %swap3A_198 = tpu.vector_load %arg14[%swap3A, %swap3A_197] {strides = array<i32>} : memref<112x64xf32, #tpu.memory_space<vmem>>, vector<1x16xf32>,
      %swap3A_199 = vector.shape_cast %swap3A_198 : vector<1x16xf32> to vector<16xf32>
      %swap3A_200 = vector.shape_cast %broadcast_in_dim3A_164 : vector<16xf32> to vector<1x16xf32>
      tpu.vector_store %arg14[%swap3A, %swap3A_197], %swap3A_200 {strides = array<i32>} : memref<112x64xf32, #tpu.memory_space<vmem>>, vector<1x16xf32>,
      %scan3A_201 = arith.constant 0 : i32
      scf.yield %scan3A_201 : i32
    }
    %scan3A_37 = arith.constant 448 : i32
    %scan3A_38 = arith.constant 0 : i32
    %scan3A_39 = arith.constant 0 : i32
    %scan3A_40 = arith.constant 5 : i32
    %scan3A_41 = arith.addi %scan3A_39, %scan3A_40 : i32
    %scan3A_42 = arith.constant 1 : i32
    %scan3A_43 = scf.for %scan3A_162 = %scan3A_39 to %scan3A_41 step %scan3A_42 iter_args(%scan3A_163 = %scan3A_38) -> (i32)  : i32 {
      %mul3A_164 = arith.constant 632 : i32
      %mul3A_165 = arith.muli %arg1, %mul3A_164 : i32
      %mul3A_166 = arith.constant 112 : i32
      %mul3A_167 = arith.muli %scan3A_162, %mul3A_166 : i32
      %add3A_168 = arith.addi %mul3A_165, %mul3A_167 : i32
      "tpu.region"() ({
        %run_scoped3A_170 = tpu.sem_alloc : memref<!tpu.dma_semaphore, #tpu.memory_space<semaphore_mem>>
        %dma_start3A_171 = arith.constant 0 : i32
        %dma_start3A_172 = tpu.memref_slice %arg15[%add3A_168, %dma_start3A_171] : memref<10112x64xf32, #tpu.memory_space<vmem_shared>> -> memref<112x64xf32, #tpu.memory_space<vmem_shared>>
        %dma_start3A_173 = arith.constant 0 : i32
        %dma_start3A_174 = tpu.memref_slice %arg15[%add3A_168, %dma_start3A_173] : memref<10112x64xf32, #tpu.memory_space<vmem_shared>> -> memref<112x64xf32, #tpu.memory_space<vmem_shared>>
        tpu.enqueue_dma source(%arg14 : memref<112x64xf32, #tpu.memory_space<vmem>>) target(%dma_start3A_174 : memref<112x64xf32, #tpu.memory_space<vmem_shared>>) target_semaphore(%run_scoped3A_170 : memref<!tpu.dma_semaphore, #tpu.memory_space<semaphore_mem>>)
        %dma_wait3A_175 = arith.constant 0 : i32
        %dma_wait3A_176 = tpu.memref_slice %arg15[%add3A_168, %dma_wait3A_175] : memref<10112x64xf32, #tpu.memory_space<vmem_shared>> -> memref<112x64xf32, #tpu.memory_space<vmem_shared>>
        %dma_wait3A_177 = arith.constant 0 : i32
        %dma_wait3A_178 = tpu.memref_slice %arg15[%add3A_168, %dma_wait3A_177] : memref<10112x64xf32, #tpu.memory_space<vmem_shared>> -> memref<112x64xf32, #tpu.memory_space<vmem_shared>>
        tpu.wait_dma2 semaphore(%run_scoped3A_170 : memref<!tpu.dma_semaphore, #tpu.memory_space<semaphore_mem>>) src(%arg14 : memref<112x64xf32, #tpu.memory_space<vmem>>) dst(%dma_wait3A_178 : memref<112x64xf32, #tpu.memory_space<vmem_shared>>)
        tpu.yield
      }) : () -> ()
      %scan3A_169 = arith.constant 0 : i32
      scf.yield %scan3A_169 : i32
    }
    %scan3A_44 = arith.constant 5 : i32
    %mul3A = arith.constant 632 : i32
    %mul3A_45 = arith.muli %arg1, %mul3A : i32
    %add3A = arith.constant 560 : i32
    %add3A_46 = arith.addi %mul3A_45, %add3A : i32
    "tpu.region"() ({
      %run_scoped3A_162 = tpu.sem_alloc : memref<!tpu.dma_semaphore, #tpu.memory_space<semaphore_mem>>
      %dma_start3A_163 = arith.constant 0 : i32
      %dma_start3A_164 = arith.constant 0 : i32
      %dma_start3A_165 = tpu.memref_slice %arg14[%dma_start3A_163, %dma_start3A_164] : memref<112x64xf32, #tpu.memory_space<vmem>> -> memref<72x64xf32, #tpu.memory_space<vmem>>
      %dma_start3A_166 = arith.constant 0 : i32
      %dma_start3A_167 = tpu.memref_slice %arg15[%add3A_46, %dma_start3A_166] : memref<10112x64xf32, #tpu.memory_space<vmem_shared>> -> memref<72x64xf32, #tpu.memory_space<vmem_shared>>
      %dma_start3A_168 = arith.constant 0 : i32
      %dma_start3A_169 = tpu.memref_slice %arg15[%add3A_46, %dma_start3A_168] : memref<10112x64xf32, #tpu.memory_space<vmem_shared>> -> memref<72x64xf32, #tpu.memory_space<vmem_shared>>
      %dma_start3A_170 = arith.constant 0 : i32
      %dma_start3A_171 = arith.constant 0 : i32
      %dma_start3A_172 = tpu.memref_slice %arg14[%dma_start3A_170, %dma_start3A_171] : memref<112x64xf32, #tpu.memory_space<vmem>> -> memref<72x64xf32, #tpu.memory_space<vmem>>
      tpu.enqueue_dma source(%dma_start3A_172 : memref<72x64xf32, #tpu.memory_space<vmem>>) target(%dma_start3A_169 : memref<72x64xf32, #tpu.memory_space<vmem_shared>>) target_semaphore(%run_scoped3A_162 : memref<!tpu.dma_semaphore, #tpu.memory_space<semaphore_mem>>)
      %dma_wait3A_173 = arith.constant 0 : i32
      %dma_wait3A_174 = arith.constant 0 : i32
      %dma_wait3A_175 = tpu.memref_slice %arg14[%dma_wait3A_173, %dma_wait3A_174] : memref<112x64xf32, #tpu.memory_space<vmem>> -> memref<72x64xf32, #tpu.memory_space<vmem>>
      %dma_wait3A_176 = arith.constant 0 : i32
      %dma_wait3A_177 = tpu.memref_slice %arg15[%add3A_46, %dma_wait3A_176] : memref<10112x64xf32, #tpu.memory_space<vmem_shared>> -> memref<72x64xf32, #tpu.memory_space<vmem_shared>>
      %dma_wait3A_178 = arith.constant 0 : i32
      %dma_wait3A_179 = tpu.memref_slice %arg15[%add3A_46, %dma_wait3A_178] : memref<10112x64xf32, #tpu.memory_space<vmem_shared>> -> memref<72x64xf32, #tpu.memory_space<vmem_shared>>
      %dma_wait3A_180 = arith.constant 0 : i32
      %dma_wait3A_181 = arith.constant 0 : i32
      %dma_wait3A_182 = tpu.memref_slice %arg14[%dma_wait3A_180, %dma_wait3A_181] : memref<112x64xf32, #tpu.memory_space<vmem>> -> memref<72x64xf32, #tpu.memory_space<vmem>>
      tpu.wait_dma2 semaphore(%run_scoped3A_162 : memref<!tpu.dma_semaphore, #tpu.memory_space<semaphore_mem>>) src(%dma_wait3A_182 : memref<72x64xf32, #tpu.memory_space<vmem>>) dst(%dma_wait3A_179 : memref<72x64xf32, #tpu.memory_space<vmem_shared>>)
      tpu.yield
    }) : () -> ()
    %barrier3A = arith.constant 0 : index
    tpu.barrier barrier_id(%barrier3A)
    %dma_wait3A = arith.constant 0 : i32
    %dma_wait3A_47 = arith.constant 0 : i32
    %dma_wait3A_48 = tpu.memref_slice %arg6[%dma_wait3A, %dma_wait3A_47] : memref<180x112xi32, #tpu.memory_space<vmem>> -> memref<1x112xi32, #tpu.memory_space<vmem>>
    %dma_wait3A_49 = tpu.memref_squeeze %dma_wait3A_48 : memref<1x112xi32, #tpu.memory_space<vmem>> -> memref<112xi32, #tpu.memory_space<vmem>>
    %dma_wait3A_50 = arith.constant 0 : i32
    %dma_wait3A_51 = arith.constant 0 : i32
    %dma_wait3A_52 = tpu.memref_slice %arg2[%arg0, %dma_wait3A_50, %dma_wait3A_51] : memref<2x10000x64xf32, #tpu.memory_space<hbm>> -> memref<1x10000x64xf32, #tpu.memory_space<hbm>>
    %dma_wait3A_53 = tpu.memref_squeeze %dma_wait3A_52 : memref<1x10000x64xf32, #tpu.memory_space<hbm>> -> memref<10000x64xf32, #tpu.memory_space<hbm>>
    %dma_wait3A_54 = arith.constant 0 : i32
    %dma_wait3A_55 = arith.constant 0 : i32
    %dma_wait3A_56 = tpu.memref_slice %dma_wait3A_53[%dma_wait3A_54, %dma_wait3A_55] : memref<10000x64xf32, #tpu.memory_space<hbm>> -> memref<10000x64xf32, #tpu.memory_space<hbm>>
    tpu.wait_indirect_dma semaphore(%arg16 : memref<!tpu.dma_semaphore, #tpu.memory_space<semaphore_mem>>) src(%dma_wait3A_56 : memref<10000x64xf32, #tpu.memory_space<hbm>>) dst(%arg8 : memref<112x64xf32, #tpu.memory_space<vmem>>)
    %run_scoped3A = arith.constant 0 : i32
    "tpu.region"() ({
      %run_scoped3A_162 = tpu.sem_alloc : memref<!tpu.dma_semaphore, #tpu.memory_space<semaphore_mem>>
      %dma_start3A_163 = arith.constant 0 : i32
      %dma_start3A_164 = tpu.memref_slice %arg7[%run_scoped3A, %dma_start3A_163] : memref<180x112xi32, #tpu.memory_space<vmem>> -> memref<1x112xi32, #tpu.memory_space<vmem>>
      %dma_start3A_165 = tpu.memref_squeeze %dma_start3A_164 : memref<1x112xi32, #tpu.memory_space<vmem>> -> memref<112xi32, #tpu.memory_space<vmem>>
      %dma_start3A_166 = arith.constant 0 : i32
      %dma_start3A_167 = arith.constant 0 : i32
      %dma_start3A_168 = tpu.memref_slice %arg15[%dma_start3A_166, %dma_start3A_167] : memref<10112x64xf32, #tpu.memory_space<vmem_shared>> -> memref<10112x64xf32, #tpu.memory_space<vmem_shared>>
      tpu.enqueue_indirect_dma source(%arg8 : memref<112x64xf32, #tpu.memory_space<vmem>>) target(%dma_start3A_168 : memref<10112x64xf32, #tpu.memory_space<vmem_shared>>) offsets(%dma_start3A_165 : memref<112xi32, #tpu.memory_space<vmem>>) semaphore(%run_scoped3A_162 : memref<!tpu.dma_semaphore, #tpu.memory_space<semaphore_mem>>) {add = true}
      %dma_wait3A_169 = arith.constant 0 : i32
      %dma_wait3A_170 = tpu.memref_slice %arg7[%run_scoped3A, %dma_wait3A_169] : memref<180x112xi32, #tpu.memory_space<vmem>> -> memref<1x112xi32, #tpu.memory_space<vmem>>
      %dma_wait3A_171 = tpu.memref_squeeze %dma_wait3A_170 : memref<1x112xi32, #tpu.memory_space<vmem>> -> memref<112xi32, #tpu.memory_space<vmem>>
      %dma_wait3A_172 = arith.constant 0 : i32
      %dma_wait3A_173 = arith.constant 0 : i32
      %dma_wait3A_174 = tpu.memref_slice %arg15[%dma_wait3A_172, %dma_wait3A_173] : memref<10112x64xf32, #tpu.memory_space<vmem_shared>> -> memref<10112x64xf32, #tpu.memory_space<vmem_shared>>
      tpu.wait_indirect_dma semaphore(%run_scoped3A_162 : memref<!tpu.dma_semaphore, #tpu.memory_space<semaphore_mem>>) src(%arg8 : memref<112x64xf32, #tpu.memory_space<vmem>>) dst(%dma_wait3A_174 : memref<10112x64xf32, #tpu.memory_space<vmem_shared>>)
      tpu.yield
    }) : () -> ()
    %dma_start3A_57 = arith.constant 3 : i32
    %dma_start3A_58 = arith.constant 0 : i32
    %dma_start3A_59 = tpu.memref_slice %arg6[%dma_start3A_57, %dma_start3A_58] : memref<180x112xi32, #tpu.memory_space<vmem>> -> memref<1x112xi32, #tpu.memory_space<vmem>>
    %dma_start3A_60 = tpu.memref_squeeze %dma_start3A_59 : memref<1x112xi32, #tpu.memory_space<vmem>> -> memref<112xi32, #tpu.memory_space<vmem>>
    %dma_start3A_61 = arith.constant 0 : i32
    %dma_start3A_62 = arith.constant 0 : i32
    %dma_start3A_63 = tpu.memref_slice %arg2[%arg0, %dma_start3A_61, %dma_start3A_62] : memref<2x10000x64xf32, #tpu.memory_space<hbm>> -> memref<1x10000x64xf32, #tpu.memory_space<hbm>>
    %dma_start3A_64 = tpu.memref_squeeze %dma_start3A_63 : memref<1x10000x64xf32, #tpu.memory_space<hbm>> -> memref<10000x64xf32, #tpu.memory_space<hbm>>
    %dma_start3A_65 = arith.constant 0 : i32
    %dma_start3A_66 = arith.constant 0 : i32
    %dma_start3A_67 = tpu.memref_slice %dma_start3A_64[%dma_start3A_65, %dma_start3A_66] : memref<10000x64xf32, #tpu.memory_space<hbm>> -> memref<10000x64xf32, #tpu.memory_space<hbm>>
    tpu.enqueue_indirect_dma source(%dma_start3A_67 : memref<10000x64xf32, #tpu.memory_space<hbm>>) target(%arg11 : memref<112x64xf32, #tpu.memory_space<vmem>>) offsets(%dma_start3A_60 : memref<112xi32, #tpu.memory_space<vmem>>) semaphore(%arg19 : memref<!tpu.dma_semaphore, #tpu.memory_space<semaphore_mem>>)
    %dma_wait3A_68 = arith.constant 1 : i32
    %dma_wait3A_69 = arith.constant 0 : i32
    %dma_wait3A_70 = tpu.memref_slice %arg6[%dma_wait3A_68, %dma_wait3A_69] : memref<180x112xi32, #tpu.memory_space<vmem>> -> memref<1x112xi32, #tpu.memory_space<vmem>>
    %dma_wait3A_71 = tpu.memref_squeeze %dma_wait3A_70 : memref<1x112xi32, #tpu.memory_space<vmem>> -> memref<112xi32, #tpu.memory_space<vmem>>
    %dma_wait3A_72 = arith.constant 0 : i32
    %dma_wait3A_73 = arith.constant 0 : i32
    %dma_wait3A_74 = tpu.memref_slice %arg2[%arg0, %dma_wait3A_72, %dma_wait3A_73] : memref<2x10000x64xf32, #tpu.memory_space<hbm>> -> memref<1x10000x64xf32, #tpu.memory_space<hbm>>
    %dma_wait3A_75 = tpu.memref_squeeze %dma_wait3A_74 : memref<1x10000x64xf32, #tpu.memory_space<hbm>> -> memref<10000x64xf32, #tpu.memory_space<hbm>>
    %dma_wait3A_76 = arith.constant 0 : i32
    %dma_wait3A_77 = arith.constant 0 : i32
    %dma_wait3A_78 = tpu.memref_slice %dma_wait3A_75[%dma_wait3A_76, %dma_wait3A_77] : memref<10000x64xf32, #tpu.memory_space<hbm>> -> memref<10000x64xf32, #tpu.memory_space<hbm>>
    tpu.wait_indirect_dma semaphore(%arg17 : memref<!tpu.dma_semaphore, #tpu.memory_space<semaphore_mem>>) src(%dma_wait3A_78 : memref<10000x64xf32, #tpu.memory_space<hbm>>) dst(%arg9 : memref<112x64xf32, #tpu.memory_space<vmem>>)
    %run_scoped3A_79 = arith.constant 1 : i32
    "tpu.region"() ({
      %run_scoped3A_162 = tpu.sem_alloc : memref<!tpu.dma_semaphore, #tpu.memory_space<semaphore_mem>>
      %dma_start3A_163 = arith.constant 0 : i32
      %dma_start3A_164 = tpu.memref_slice %arg7[%run_scoped3A_79, %dma_start3A_163] : memref<180x112xi32, #tpu.memory_space<vmem>> -> memref<1x112xi32, #tpu.memory_space<vmem>>
      %dma_start3A_165 = tpu.memref_squeeze %dma_start3A_164 : memref<1x112xi32, #tpu.memory_space<vmem>> -> memref<112xi32, #tpu.memory_space<vmem>>
      %dma_start3A_166 = arith.constant 0 : i32
      %dma_start3A_167 = arith.constant 0 : i32
      %dma_start3A_168 = tpu.memref_slice %arg15[%dma_start3A_166, %dma_start3A_167] : memref<10112x64xf32, #tpu.memory_space<vmem_shared>> -> memref<10112x64xf32, #tpu.memory_space<vmem_shared>>
      tpu.enqueue_indirect_dma source(%arg9 : memref<112x64xf32, #tpu.memory_space<vmem>>) target(%dma_start3A_168 : memref<10112x64xf32, #tpu.memory_space<vmem_shared>>) offsets(%dma_start3A_165 : memref<112xi32, #tpu.memory_space<vmem>>) semaphore(%run_scoped3A_162 : memref<!tpu.dma_semaphore, #tpu.memory_space<semaphore_mem>>) {add = true}
      %dma_wait3A_169 = arith.constant 0 : i32
      %dma_wait3A_170 = tpu.memref_slice %arg7[%run_scoped3A_79, %dma_wait3A_169] : memref<180x112xi32, #tpu.memory_space<vmem>> -> memref<1x112xi32, #tpu.memory_space<vmem>>
      %dma_wait3A_171 = tpu.memref_squeeze %dma_wait3A_170 : memref<1x112xi32, #tpu.memory_space<vmem>> -> memref<112xi32, #tpu.memory_space<vmem>>
      %dma_wait3A_172 = arith.constant 0 : i32
      %dma_wait3A_173 = arith.constant 0 : i32
      %dma_wait3A_174 = tpu.memref_slice %arg15[%dma_wait3A_172, %dma_wait3A_173] : memref<10112x64xf32, #tpu.memory_space<vmem_shared>> -> memref<10112x64xf32, #tpu.memory_space<vmem_shared>>
      tpu.wait_indirect_dma semaphore(%run_scoped3A_162 : memref<!tpu.dma_semaphore, #tpu.memory_space<semaphore_mem>>) src(%arg9 : memref<112x64xf32, #tpu.memory_space<vmem>>) dst(%dma_wait3A_174 : memref<10112x64xf32, #tpu.memory_space<vmem_shared>>)
      tpu.yield
    }) : () -> ()
    %dma_start3A_80 = arith.constant 4 : i32
    %dma_start3A_81 = arith.constant 0 : i32
    %dma_start3A_82 = tpu.memref_slice %arg6[%dma_start3A_80, %dma_start3A_81] : memref<180x112xi32, #tpu.memory_space<vmem>> -> memref<1x112xi32, #tpu.memory_space<vmem>>
    %dma_start3A_83 = tpu.memref_squeeze %dma_start3A_82 : memref<1x112xi32, #tpu.memory_space<vmem>> -> memref<112xi32, #tpu.memory_space<vmem>>
    %dma_start3A_84 = arith.constant 0 : i32
    %dma_start3A_85 = arith.constant 0 : i32
    %dma_start3A_86 = tpu.memref_slice %arg2[%arg0, %dma_start3A_84, %dma_start3A_85] : memref<2x10000x64xf32, #tpu.memory_space<hbm>> -> memref<1x10000x64xf32, #tpu.memory_space<hbm>>
    %dma_start3A_87 = tpu.memref_squeeze %dma_start3A_86 : memref<1x10000x64xf32, #tpu.memory_space<hbm>> -> memref<10000x64xf32, #tpu.memory_space<hbm>>
    %dma_start3A_88 = arith.constant 0 : i32
    %dma_start3A_89 = arith.constant 0 : i32
    %dma_start3A_90 = tpu.memref_slice %dma_start3A_87[%dma_start3A_88, %dma_start3A_89] : memref<10000x64xf32, #tpu.memory_space<hbm>> -> memref<10000x64xf32, #tpu.memory_space<hbm>>
    tpu.enqueue_indirect_dma source(%dma_start3A_90 : memref<10000x64xf32, #tpu.memory_space<hbm>>) target(%arg12 : memref<112x64xf32, #tpu.memory_space<vmem>>) offsets(%dma_start3A_83 : memref<112xi32, #tpu.memory_space<vmem>>) semaphore(%arg20 : memref<!tpu.dma_semaphore, #tpu.memory_space<semaphore_mem>>)
    %dma_wait3A_91 = arith.constant 2 : i32
    %dma_wait3A_92 = arith.constant 0 : i32
    %dma_wait3A_93 = tpu.memref_slice %arg6[%dma_wait3A_91, %dma_wait3A_92] : memref<180x112xi32, #tpu.memory_space<vmem>> -> memref<1x112xi32, #tpu.memory_space<vmem>>
    %dma_wait3A_94 = tpu.memref_squeeze %dma_wait3A_93 : memref<1x112xi32, #tpu.memory_space<vmem>> -> memref<112xi32, #tpu.memory_space<vmem>>
    %dma_wait3A_95 = arith.constant 0 : i32
    %dma_wait3A_96 = arith.constant 0 : i32
    %dma_wait3A_97 = tpu.memref_slice %arg2[%arg0, %dma_wait3A_95, %dma_wait3A_96] : memref<2x10000x64xf32, #tpu.memory_space<hbm>> -> memref<1x10000x64xf32, #tpu.memory_space<hbm>>
    %dma_wait3A_98 = tpu.memref_squeeze %dma_wait3A_97 : memref<1x10000x64xf32, #tpu.memory_space<hbm>> -> memref<10000x64xf32, #tpu.memory_space<hbm>>
    %dma_wait3A_99 = arith.constant 0 : i32
    %dma_wait3A_100 = arith.constant 0 : i32
    %dma_wait3A_101 = tpu.memref_slice %dma_wait3A_98[%dma_wait3A_99, %dma_wait3A_100] : memref<10000x64xf32, #tpu.memory_space<hbm>> -> memref<10000x64xf32, #tpu.memory_space<hbm>>
    tpu.wait_indirect_dma semaphore(%arg18 : memref<!tpu.dma_semaphore, #tpu.memory_space<semaphore_mem>>) src(%dma_wait3A_101 : memref<10000x64xf32, #tpu.memory_space<hbm>>) dst(%arg10 : memref<112x64xf32, #tpu.memory_space<vmem>>)
    %run_scoped3A_102 = arith.constant 2 : i32
    "tpu.region"() ({
      %run_scoped3A_162 = tpu.sem_alloc : memref<!tpu.dma_semaphore, #tpu.memory_space<semaphore_mem>>
      %dma_start3A_163 = arith.constant 0 : i32
      %dma_start3A_164 = tpu.memref_slice %arg7[%run_scoped3A_102, %dma_start3A_163] : memref<180x112xi32, #tpu.memory_space<vmem>> -> memref<1x112xi32, #tpu.memory_space<vmem>>
      %dma_start3A_165 = tpu.memref_squeeze %dma_start3A_164 : memref<1x112xi32, #tpu.memory_space<vmem>> -> memref<112xi32, #tpu.memory_space<vmem>>
      %dma_start3A_166 = arith.constant 0 : i32
      %dma_start3A_167 = arith.constant 0 : i32
      %dma_start3A_168 = tpu.memref_slice %arg15[%dma_start3A_166, %dma_start3A_167] : memref<10112x64xf32, #tpu.memory_space<vmem_shared>> -> memref<10112x64xf32, #tpu.memory_space<vmem_shared>>
      tpu.enqueue_indirect_dma source(%arg10 : memref<112x64xf32, #tpu.memory_space<vmem>>) target(%dma_start3A_168 : memref<10112x64xf32, #tpu.memory_space<vmem_shared>>) offsets(%dma_start3A_165 : memref<112xi32, #tpu.memory_space<vmem>>) semaphore(%run_scoped3A_162 : memref<!tpu.dma_semaphore, #tpu.memory_space<semaphore_mem>>) {add = true}
      %dma_wait3A_169 = arith.constant 0 : i32
      %dma_wait3A_170 = tpu.memref_slice %arg7[%run_scoped3A_102, %dma_wait3A_169] : memref<180x112xi32, #tpu.memory_space<vmem>> -> memref<1x112xi32, #tpu.memory_space<vmem>>
      %dma_wait3A_171 = tpu.memref_squeeze %dma_wait3A_170 : memref<1x112xi32, #tpu.memory_space<vmem>> -> memref<112xi32, #tpu.memory_space<vmem>>
      %dma_wait3A_172 = arith.constant 0 : i32
      %dma_wait3A_173 = arith.constant 0 : i32
      %dma_wait3A_174 = tpu.memref_slice %arg15[%dma_wait3A_172, %dma_wait3A_173] : memref<10112x64xf32, #tpu.memory_space<vmem_shared>> -> memref<10112x64xf32, #tpu.memory_space<vmem_shared>>
      tpu.wait_indirect_dma semaphore(%run_scoped3A_162 : memref<!tpu.dma_semaphore, #tpu.memory_space<semaphore_mem>>) src(%arg10 : memref<112x64xf32, #tpu.memory_space<vmem>>) dst(%dma_wait3A_174 : memref<10112x64xf32, #tpu.memory_space<vmem_shared>>)
      tpu.yield
    }) : () -> ()
    %dma_start3A_103 = arith.constant 5 : i32
    %dma_start3A_104 = arith.constant 0 : i32
    %dma_start3A_105 = tpu.memref_slice %arg6[%dma_start3A_103, %dma_start3A_104] : memref<180x112xi32, #tpu.memory_space<vmem>> -> memref<1x112xi32, #tpu.memory_space<vmem>>
    %dma_start3A_106 = tpu.memref_squeeze %dma_start3A_105 : memref<1x112xi32, #tpu.memory_space<vmem>> -> memref<112xi32, #tpu.memory_space<vmem>>
    %dma_start3A_107 = arith.constant 0 : i32
    %dma_start3A_108 = arith.constant 0 : i32
    %dma_start3A_109 = tpu.memref_slice %arg2[%arg0, %dma_start3A_107, %dma_start3A_108] : memref<2x10000x64xf32, #tpu.memory_space<hbm>> -> memref<1x10000x64xf32, #tpu.memory_space<hbm>>
    %dma_start3A_110 = tpu.memref_squeeze %dma_start3A_109 : memref<1x10000x64xf32, #tpu.memory_space<hbm>> -> memref<10000x64xf32, #tpu.memory_space<hbm>>
    %dma_start3A_111 = arith.constant 0 : i32
    %dma_start3A_112 = arith.constant 0 : i32
    %dma_start3A_113 = tpu.memref_slice %dma_start3A_110[%dma_start3A_111, %dma_start3A_112] : memref<10000x64xf32, #tpu.memory_space<hbm>> -> memref<10000x64xf32, #tpu.memory_space<hbm>>
    tpu.enqueue_indirect_dma source(%dma_start3A_113 : memref<10000x64xf32, #tpu.memory_space<hbm>>) target(%arg13 : memref<112x64xf32, #tpu.memory_space<vmem>>) offsets(%dma_start3A_106 : memref<112xi32, #tpu.memory_space<vmem>>) semaphore(%arg21 : memref<!tpu.dma_semaphore, #tpu.memory_space<semaphore_mem>>)
    %scan3A_114 = arith.constant 0 : i32
    %scan3A_115 = arith.constant 0 : i32
    %scan3A_116 = arith.constant 29 : i32
    %scan3A_117 = arith.addi %scan3A_115, %scan3A_116 : i32
    %scan3A_118 = arith.constant 1 : i32
    %scan3A_119 = scf.for %scan3A_162 = %scan3A_115 to %scan3A_117 step %scan3A_118 iter_args(%scan3A_163 = %scan3A_114) -> (i32)  : i32 {
      %mul3A_164 = arith.constant 6 : i32
      %mul3A_165 = arith.muli %scan3A_162, %mul3A_164 : i32
      %add3A_166 = arith.constant 3 : i32
      %add3A_167 = arith.addi %add3A_166, %mul3A_165 : i32
      %add3A_168 = arith.constant 0 : i32
      %add3A_169 = arith.addi %add3A_167, %add3A_168 : i32
      %dma_wait3A_170 = arith.constant 0 : i32
      %dma_wait3A_171 = tpu.memref_slice %arg6[%add3A_169, %dma_wait3A_170] : memref<180x112xi32, #tpu.memory_space<vmem>> -> memref<1x112xi32, #tpu.memory_space<vmem>>
      %dma_wait3A_172 = tpu.memref_squeeze %dma_wait3A_171 : memref<1x112xi32, #tpu.memory_space<vmem>> -> memref<112xi32, #tpu.memory_space<vmem>>
      %dma_wait3A_173 = arith.constant 0 : i32
      %dma_wait3A_174 = arith.constant 0 : i32
      %dma_wait3A_175 = tpu.memref_slice %arg2[%arg0, %dma_wait3A_173, %dma_wait3A_174] : memref<2x10000x64xf32, #tpu.memory_space<hbm>> -> memref<1x10000x64xf32, #tpu.memory_space<hbm>>
      %dma_wait3A_176 = tpu.memref_squeeze %dma_wait3A_175 : memref<1x10000x64xf32, #tpu.memory_space<hbm>> -> memref<10000x64xf32, #tpu.memory_space<hbm>>
      %dma_wait3A_177 = arith.constant 0 : i32
      %dma_wait3A_178 = arith.constant 0 : i32
      %dma_wait3A_179 = tpu.memref_slice %dma_wait3A_176[%dma_wait3A_177, %dma_wait3A_178] : memref<10000x64xf32, #tpu.memory_space<hbm>> -> memref<10000x64xf32, #tpu.memory_space<hbm>>
      tpu.wait_indirect_dma semaphore(%arg19 : memref<!tpu.dma_semaphore, #tpu.memory_space<semaphore_mem>>) src(%dma_wait3A_179 : memref<10000x64xf32, #tpu.memory_space<hbm>>) dst(%arg11 : memref<112x64xf32, #tpu.memory_space<vmem>>)
      "tpu.region"() ({
        %run_scoped3A_313 = tpu.sem_alloc : memref<!tpu.dma_semaphore, #tpu.memory_space<semaphore_mem>>
        %dma_start3A_314 = arith.constant 0 : i32
        %dma_start3A_315 = tpu.memref_slice %arg7[%add3A_169, %dma_start3A_314] : memref<180x112xi32, #tpu.memory_space<vmem>> -> memref<1x112xi32, #tpu.memory_space<vmem>>
        %dma_start3A_316 = tpu.memref_squeeze %dma_start3A_315 : memref<1x112xi32, #tpu.memory_space<vmem>> -> memref<112xi32, #tpu.memory_space<vmem>>
        %dma_start3A_317 = arith.constant 0 : i32
        %dma_start3A_318 = arith.constant 0 : i32
        %dma_start3A_319 = tpu.memref_slice %arg15[%dma_start3A_317, %dma_start3A_318] : memref<10112x64xf32, #tpu.memory_space<vmem_shared>> -> memref<10112x64xf32, #tpu.memory_space<vmem_shared>>
        tpu.enqueue_indirect_dma source(%arg11 : memref<112x64xf32, #tpu.memory_space<vmem>>) target(%dma_start3A_319 : memref<10112x64xf32, #tpu.memory_space<vmem_shared>>) offsets(%dma_start3A_316 : memref<112xi32, #tpu.memory_space<vmem>>) semaphore(%run_scoped3A_313 : memref<!tpu.dma_semaphore, #tpu.memory_space<semaphore_mem>>) {add = true}
        %dma_wait3A_320 = arith.constant 0 : i32
        %dma_wait3A_321 = tpu.memref_slice %arg7[%add3A_169, %dma_wait3A_320] : memref<180x112xi32, #tpu.memory_space<vmem>> -> memref<1x112xi32, #tpu.memory_space<vmem>>
        %dma_wait3A_322 = tpu.memref_squeeze %dma_wait3A_321 : memref<1x112xi32, #tpu.memory_space<vmem>> -> memref<112xi32, #tpu.memory_space<vmem>>
        %dma_wait3A_323 = arith.constant 0 : i32
        %dma_wait3A_324 = arith.constant 0 : i32
        %dma_wait3A_325 = tpu.memref_slice %arg15[%dma_wait3A_323, %dma_wait3A_324] : memref<10112x64xf32, #tpu.memory_space<vmem_shared>> -> memref<10112x64xf32, #tpu.memory_space<vmem_shared>>
        tpu.wait_indirect_dma semaphore(%run_scoped3A_313 : memref<!tpu.dma_semaphore, #tpu.memory_space<semaphore_mem>>) src(%arg11 : memref<112x64xf32, #tpu.memory_space<vmem>>) dst(%dma_wait3A_325 : memref<10112x64xf32, #tpu.memory_space<vmem_shared>>)
        tpu.yield
      }) : () -> ()
      %add3A_180 = arith.constant 3 : i32
      %add3A_181 = arith.addi %add3A_169, %add3A_180 : i32
      %dma_start3A_182 = arith.constant 0 : i32
      %dma_start3A_183 = tpu.memref_slice %arg6[%add3A_181, %dma_start3A_182] : memref<180x112xi32, #tpu.memory_space<vmem>> -> memref<1x112xi32, #tpu.memory_space<vmem>>
      %dma_start3A_184 = tpu.memref_squeeze %dma_start3A_183 : memref<1x112xi32, #tpu.memory_space<vmem>> -> memref<112xi32, #tpu.memory_space<vmem>>
      %dma_start3A_185 = arith.constant 0 : i32
      %dma_start3A_186 = arith.constant 0 : i32
      %dma_start3A_187 = tpu.memref_slice %arg2[%arg0, %dma_start3A_185, %dma_start3A_186] : memref<2x10000x64xf32, #tpu.memory_space<hbm>> -> memref<1x10000x64xf32, #tpu.memory_space<hbm>>
      %dma_start3A_188 = tpu.memref_squeeze %dma_start3A_187 : memref<1x10000x64xf32, #tpu.memory_space<hbm>> -> memref<10000x64xf32, #tpu.memory_space<hbm>>
      %dma_start3A_189 = arith.constant 0 : i32
      %dma_start3A_190 = arith.constant 0 : i32
      %dma_start3A_191 = tpu.memref_slice %dma_start3A_188[%dma_start3A_189, %dma_start3A_190] : memref<10000x64xf32, #tpu.memory_space<hbm>> -> memref<10000x64xf32, #tpu.memory_space<hbm>>
      tpu.enqueue_indirect_dma source(%dma_start3A_191 : memref<10000x64xf32, #tpu.memory_space<hbm>>) target(%arg8 : memref<112x64xf32, #tpu.memory_space<vmem>>) offsets(%dma_start3A_184 : memref<112xi32, #tpu.memory_space<vmem>>) semaphore(%arg16 : memref<!tpu.dma_semaphore, #tpu.memory_space<semaphore_mem>>)
      %add3A_192 = arith.constant 1 : i32
      %add3A_193 = arith.addi %add3A_167, %add3A_192 : i32
      %dma_wait3A_194 = arith.constant 0 : i32
      %dma_wait3A_195 = tpu.memref_slice %arg6[%add3A_193, %dma_wait3A_194] : memref<180x112xi32, #tpu.memory_space<vmem>> -> memref<1x112xi32, #tpu.memory_space<vmem>>
      %dma_wait3A_196 = tpu.memref_squeeze %dma_wait3A_195 : memref<1x112xi32, #tpu.memory_space<vmem>> -> memref<112xi32, #tpu.memory_space<vmem>>
      %dma_wait3A_197 = arith.constant 0 : i32
      %dma_wait3A_198 = arith.constant 0 : i32
      %dma_wait3A_199 = tpu.memref_slice %arg2[%arg0, %dma_wait3A_197, %dma_wait3A_198] : memref<2x10000x64xf32, #tpu.memory_space<hbm>> -> memref<1x10000x64xf32, #tpu.memory_space<hbm>>
      %dma_wait3A_200 = tpu.memref_squeeze %dma_wait3A_199 : memref<1x10000x64xf32, #tpu.memory_space<hbm>> -> memref<10000x64xf32, #tpu.memory_space<hbm>>
      %dma_wait3A_201 = arith.constant 0 : i32
      %dma_wait3A_202 = arith.constant 0 : i32
      %dma_wait3A_203 = tpu.memref_slice %dma_wait3A_200[%dma_wait3A_201, %dma_wait3A_202] : memref<10000x64xf32, #tpu.memory_space<hbm>> -> memref<10000x64xf32, #tpu.memory_space<hbm>>
      tpu.wait_indirect_dma semaphore(%arg20 : memref<!tpu.dma_semaphore, #tpu.memory_space<semaphore_mem>>) src(%dma_wait3A_203 : memref<10000x64xf32, #tpu.memory_space<hbm>>) dst(%arg12 : memref<112x64xf32, #tpu.memory_space<vmem>>)
      "tpu.region"() ({
        %run_scoped3A_313 = tpu.sem_alloc : memref<!tpu.dma_semaphore, #tpu.memory_space<semaphore_mem>>
        %dma_start3A_314 = arith.constant 0 : i32
        %dma_start3A_315 = tpu.memref_slice %arg7[%add3A_193, %dma_start3A_314] : memref<180x112xi32, #tpu.memory_space<vmem>> -> memref<1x112xi32, #tpu.memory_space<vmem>>
        %dma_start3A_316 = tpu.memref_squeeze %dma_start3A_315 : memref<1x112xi32, #tpu.memory_space<vmem>> -> memref<112xi32, #tpu.memory_space<vmem>>
        %dma_start3A_317 = arith.constant 0 : i32
        %dma_start3A_318 = arith.constant 0 : i32
        %dma_start3A_319 = tpu.memref_slice %arg15[%dma_start3A_317, %dma_start3A_318] : memref<10112x64xf32, #tpu.memory_space<vmem_shared>> -> memref<10112x64xf32, #tpu.memory_space<vmem_shared>>
        tpu.enqueue_indirect_dma source(%arg12 : memref<112x64xf32, #tpu.memory_space<vmem>>) target(%dma_start3A_319 : memref<10112x64xf32, #tpu.memory_space<vmem_shared>>) offsets(%dma_start3A_316 : memref<112xi32, #tpu.memory_space<vmem>>) semaphore(%run_scoped3A_313 : memref<!tpu.dma_semaphore, #tpu.memory_space<semaphore_mem>>) {add = true}
        %dma_wait3A_320 = arith.constant 0 : i32
        %dma_wait3A_321 = tpu.memref_slice %arg7[%add3A_193, %dma_wait3A_320] : memref<180x112xi32, #tpu.memory_space<vmem>> -> memref<1x112xi32, #tpu.memory_space<vmem>>
        %dma_wait3A_322 = tpu.memref_squeeze %dma_wait3A_321 : memref<1x112xi32, #tpu.memory_space<vmem>> -> memref<112xi32, #tpu.memory_space<vmem>>
        %dma_wait3A_323 = arith.constant 0 : i32
        %dma_wait3A_324 = arith.constant 0 : i32
        %dma_wait3A_325 = tpu.memref_slice %arg15[%dma_wait3A_323, %dma_wait3A_324] : memref<10112x64xf32, #tpu.memory_space<vmem_shared>> -> memref<10112x64xf32, #tpu.memory_space<vmem_shared>>
        tpu.wait_indirect_dma semaphore(%run_scoped3A_313 : memref<!tpu.dma_semaphore, #tpu.memory_space<semaphore_mem>>) src(%arg12 : memref<112x64xf32, #tpu.memory_space<vmem>>) dst(%dma_wait3A_325 : memref<10112x64xf32, #tpu.memory_space<vmem_shared>>)
        tpu.yield
      }) : () -> ()
      %add3A_204 = arith.constant 3 : i32
      %add3A_205 = arith.addi %add3A_193, %add3A_204 : i32
      %dma_start3A_206 = arith.constant 0 : i32
      %dma_start3A_207 = tpu.memref_slice %arg6[%add3A_205, %dma_start3A_206] : memref<180x112xi32, #tpu.memory_space<vmem>> -> memref<1x112xi32, #tpu.memory_space<vmem>>
      %dma_start3A_208 = tpu.memref_squeeze %dma_start3A_207 : memref<1x112xi32, #tpu.memory_space<vmem>> -> memref<112xi32, #tpu.memory_space<vmem>>
      %dma_start3A_209 = arith.constant 0 : i32
      %dma_start3A_210 = arith.constant 0 : i32
      %dma_start3A_211 = tpu.memref_slice %arg2[%arg0, %dma_start3A_209, %dma_start3A_210] : memref<2x10000x64xf32, #tpu.memory_space<hbm>> -> memref<1x10000x64xf32, #tpu.memory_space<hbm>>
      %dma_start3A_212 = tpu.memref_squeeze %dma_start3A_211 : memref<1x10000x64xf32, #tpu.memory_space<hbm>> -> memref<10000x64xf32, #tpu.memory_space<hbm>>
      %dma_start3A_213 = arith.constant 0 : i32
      %dma_start3A_214 = arith.constant 0 : i32
      %dma_start3A_215 = tpu.memref_slice %dma_start3A_212[%dma_start3A_213, %dma_start3A_214] : memref<10000x64xf32, #tpu.memory_space<hbm>> -> memref<10000x64xf32, #tpu.memory_space<hbm>>
      tpu.enqueue_indirect_dma source(%dma_start3A_215 : memref<10000x64xf32, #tpu.memory_space<hbm>>) target(%arg9 : memref<112x64xf32, #tpu.memory_space<vmem>>) offsets(%dma_start3A_208 : memref<112xi32, #tpu.memory_space<vmem>>) semaphore(%arg17 : memref<!tpu.dma_semaphore, #tpu.memory_space<semaphore_mem>>)
      %add3A_216 = arith.constant 2 : i32
      %add3A_217 = arith.addi %add3A_167, %add3A_216 : i32
      %dma_wait3A_218 = arith.constant 0 : i32
      %dma_wait3A_219 = tpu.memref_slice %arg6[%add3A_217, %dma_wait3A_218] : memref<180x112xi32, #tpu.memory_space<vmem>> -> memref<1x112xi32, #tpu.memory_space<vmem>>
      %dma_wait3A_220 = tpu.memref_squeeze %dma_wait3A_219 : memref<1x112xi32, #tpu.memory_space<vmem>> -> memref<112xi32, #tpu.memory_space<vmem>>
      %dma_wait3A_221 = arith.constant 0 : i32
      %dma_wait3A_222 = arith.constant 0 : i32
      %dma_wait3A_223 = tpu.memref_slice %arg2[%arg0, %dma_wait3A_221, %dma_wait3A_222] : memref<2x10000x64xf32, #tpu.memory_space<hbm>> -> memref<1x10000x64xf32, #tpu.memory_space<hbm>>
      %dma_wait3A_224 = tpu.memref_squeeze %dma_wait3A_223 : memref<1x10000x64xf32, #tpu.memory_space<hbm>> -> memref<10000x64xf32, #tpu.memory_space<hbm>>
      %dma_wait3A_225 = arith.constant 0 : i32
      %dma_wait3A_226 = arith.constant 0 : i32
      %dma_wait3A_227 = tpu.memref_slice %dma_wait3A_224[%dma_wait3A_225, %dma_wait3A_226] : memref<10000x64xf32, #tpu.memory_space<hbm>> -> memref<10000x64xf32, #tpu.memory_space<hbm>>
      tpu.wait_indirect_dma semaphore(%arg21 : memref<!tpu.dma_semaphore, #tpu.memory_space<semaphore_mem>>) src(%dma_wait3A_227 : memref<10000x64xf32, #tpu.memory_space<hbm>>) dst(%arg13 : memref<112x64xf32, #tpu.memory_space<vmem>>)
      "tpu.region"() ({
        %run_scoped3A_313 = tpu.sem_alloc : memref<!tpu.dma_semaphore, #tpu.memory_space<semaphore_mem>>
        %dma_start3A_314 = arith.constant 0 : i32
        %dma_start3A_315 = tpu.memref_slice %arg7[%add3A_217, %dma_start3A_314] : memref<180x112xi32, #tpu.memory_space<vmem>> -> memref<1x112xi32, #tpu.memory_space<vmem>>
        %dma_start3A_316 = tpu.memref_squeeze %dma_start3A_315 : memref<1x112xi32, #tpu.memory_space<vmem>> -> memref<112xi32, #tpu.memory_space<vmem>>
        %dma_start3A_317 = arith.constant 0 : i32
        %dma_start3A_318 = arith.constant 0 : i32
        %dma_start3A_319 = tpu.memref_slice %arg15[%dma_start3A_317, %dma_start3A_318] : memref<10112x64xf32, #tpu.memory_space<vmem_shared>> -> memref<10112x64xf32, #tpu.memory_space<vmem_shared>>
        tpu.enqueue_indirect_dma source(%arg13 : memref<112x64xf32, #tpu.memory_space<vmem>>) target(%dma_start3A_319 : memref<10112x64xf32, #tpu.memory_space<vmem_shared>>) offsets(%dma_start3A_316 : memref<112xi32, #tpu.memory_space<vmem>>) semaphore(%run_scoped3A_313 : memref<!tpu.dma_semaphore, #tpu.memory_space<semaphore_mem>>) {add = true}
        %dma_wait3A_320 = arith.constant 0 : i32
        %dma_wait3A_321 = tpu.memref_slice %arg7[%add3A_217, %dma_wait3A_320] : memref<180x112xi32, #tpu.memory_space<vmem>> -> memref<1x112xi32, #tpu.memory_space<vmem>>
        %dma_wait3A_322 = tpu.memref_squeeze %dma_wait3A_321 : memref<1x112xi32, #tpu.memory_space<vmem>> -> memref<112xi32, #tpu.memory_space<vmem>>
        %dma_wait3A_323 = arith.constant 0 : i32
        %dma_wait3A_324 = arith.constant 0 : i32
        %dma_wait3A_325 = tpu.memref_slice %arg15[%dma_wait3A_323, %dma_wait3A_324] : memref<10112x64xf32, #tpu.memory_space<vmem_shared>> -> memref<10112x64xf32, #tpu.memory_space<vmem_shared>>
        tpu.wait_indirect_dma semaphore(%run_scoped3A_313 : memref<!tpu.dma_semaphore, #tpu.memory_space<semaphore_mem>>) src(%arg13 : memref<112x64xf32, #tpu.memory_space<vmem>>) dst(%dma_wait3A_325 : memref<10112x64xf32, #tpu.memory_space<vmem_shared>>)
        tpu.yield
      }) : () -> ()
      %add3A_228 = arith.constant 3 : i32
      %add3A_229 = arith.addi %add3A_217, %add3A_228 : i32
      %dma_start3A_230 = arith.constant 0 : i32
      %dma_start3A_231 = tpu.memref_slice %arg6[%add3A_229, %dma_start3A_230] : memref<180x112xi32, #tpu.memory_space<vmem>> -> memref<1x112xi32, #tpu.memory_space<vmem>>
      %dma_start3A_232 = tpu.memref_squeeze %dma_start3A_231 : memref<1x112xi32, #tpu.memory_space<vmem>> -> memref<112xi32, #tpu.memory_space<vmem>>
      %dma_start3A_233 = arith.constant 0 : i32
      %dma_start3A_234 = arith.constant 0 : i32
      %dma_start3A_235 = tpu.memref_slice %arg2[%arg0, %dma_start3A_233, %dma_start3A_234] : memref<2x10000x64xf32, #tpu.memory_space<hbm>> -> memref<1x10000x64xf32, #tpu.memory_space<hbm>>
      %dma_start3A_236 = tpu.memref_squeeze %dma_start3A_235 : memref<1x10000x64xf32, #tpu.memory_space<hbm>> -> memref<10000x64xf32, #tpu.memory_space<hbm>>
      %dma_start3A_237 = arith.constant 0 : i32
      %dma_start3A_238 = arith.constant 0 : i32
      %dma_start3A_239 = tpu.memref_slice %dma_start3A_236[%dma_start3A_237, %dma_start3A_238] : memref<10000x64xf32, #tpu.memory_space<hbm>> -> memref<10000x64xf32, #tpu.memory_space<hbm>>
      tpu.enqueue_indirect_dma source(%dma_start3A_239 : memref<10000x64xf32, #tpu.memory_space<hbm>>) target(%arg10 : memref<112x64xf32, #tpu.memory_space<vmem>>) offsets(%dma_start3A_232 : memref<112xi32, #tpu.memory_space<vmem>>) semaphore(%arg18 : memref<!tpu.dma_semaphore, #tpu.memory_space<semaphore_mem>>)
      %add3A_240 = arith.constant 3 : i32
      %add3A_241 = arith.addi %add3A_167, %add3A_240 : i32
      %dma_wait3A_242 = arith.constant 0 : i32
      %dma_wait3A_243 = tpu.memref_slice %arg6[%add3A_241, %dma_wait3A_242] : memref<180x112xi32, #tpu.memory_space<vmem>> -> memref<1x112xi32, #tpu.memory_space<vmem>>
      %dma_wait3A_244 = tpu.memref_squeeze %dma_wait3A_243 : memref<1x112xi32, #tpu.memory_space<vmem>> -> memref<112xi32, #tpu.memory_space<vmem>>
      %dma_wait3A_245 = arith.constant 0 : i32
      %dma_wait3A_246 = arith.constant 0 : i32
      %dma_wait3A_247 = tpu.memref_slice %arg2[%arg0, %dma_wait3A_245, %dma_wait3A_246] : memref<2x10000x64xf32, #tpu.memory_space<hbm>> -> memref<1x10000x64xf32, #tpu.memory_space<hbm>>
      %dma_wait3A_248 = tpu.memref_squeeze %dma_wait3A_247 : memref<1x10000x64xf32, #tpu.memory_space<hbm>> -> memref<10000x64xf32, #tpu.memory_space<hbm>>
      %dma_wait3A_249 = arith.constant 0 : i32
      %dma_wait3A_250 = arith.constant 0 : i32
      %dma_wait3A_251 = tpu.memref_slice %dma_wait3A_248[%dma_wait3A_249, %dma_wait3A_250] : memref<10000x64xf32, #tpu.memory_space<hbm>> -> memref<10000x64xf32, #tpu.memory_space<hbm>>
      tpu.wait_indirect_dma semaphore(%arg16 : memref<!tpu.dma_semaphore, #tpu.memory_space<semaphore_mem>>) src(%dma_wait3A_251 : memref<10000x64xf32, #tpu.memory_space<hbm>>) dst(%arg8 : memref<112x64xf32, #tpu.memory_space<vmem>>)
      "tpu.region"() ({
        %run_scoped3A_313 = tpu.sem_alloc : memref<!tpu.dma_semaphore, #tpu.memory_space<semaphore_mem>>
        %dma_start3A_314 = arith.constant 0 : i32
        %dma_start3A_315 = tpu.memref_slice %arg7[%add3A_241, %dma_start3A_314] : memref<180x112xi32, #tpu.memory_space<vmem>> -> memref<1x112xi32, #tpu.memory_space<vmem>>
        %dma_start3A_316 = tpu.memref_squeeze %dma_start3A_315 : memref<1x112xi32, #tpu.memory_space<vmem>> -> memref<112xi32, #tpu.memory_space<vmem>>
        %dma_start3A_317 = arith.constant 0 : i32
        %dma_start3A_318 = arith.constant 0 : i32
        %dma_start3A_319 = tpu.memref_slice %arg15[%dma_start3A_317, %dma_start3A_318] : memref<10112x64xf32, #tpu.memory_space<vmem_shared>> -> memref<10112x64xf32, #tpu.memory_space<vmem_shared>>
        tpu.enqueue_indirect_dma source(%arg8 : memref<112x64xf32, #tpu.memory_space<vmem>>) target(%dma_start3A_319 : memref<10112x64xf32, #tpu.memory_space<vmem_shared>>) offsets(%dma_start3A_316 : memref<112xi32, #tpu.memory_space<vmem>>) semaphore(%run_scoped3A_313 : memref<!tpu.dma_semaphore, #tpu.memory_space<semaphore_mem>>) {add = true}
        %dma_wait3A_320 = arith.constant 0 : i32
        %dma_wait3A_321 = tpu.memref_slice %arg7[%add3A_241, %dma_wait3A_320] : memref<180x112xi32, #tpu.memory_space<vmem>> -> memref<1x112xi32, #tpu.memory_space<vmem>>
        %dma_wait3A_322 = tpu.memref_squeeze %dma_wait3A_321 : memref<1x112xi32, #tpu.memory_space<vmem>> -> memref<112xi32, #tpu.memory_space<vmem>>
        %dma_wait3A_323 = arith.constant 0 : i32
        %dma_wait3A_324 = arith.constant 0 : i32
        %dma_wait3A_325 = tpu.memref_slice %arg15[%dma_wait3A_323, %dma_wait3A_324] : memref<10112x64xf32, #tpu.memory_space<vmem_shared>> -> memref<10112x64xf32, #tpu.memory_space<vmem_shared>>
        tpu.wait_indirect_dma semaphore(%run_scoped3A_313 : memref<!tpu.dma_semaphore, #tpu.memory_space<semaphore_mem>>) src(%arg8 : memref<112x64xf32, #tpu.memory_space<vmem>>) dst(%dma_wait3A_325 : memref<10112x64xf32, #tpu.memory_space<vmem_shared>>)
        tpu.yield
      }) : () -> ()
      %add3A_252 = arith.constant 3 : i32
      %add3A_253 = arith.addi %add3A_241, %add3A_252 : i32
      %dma_start3A_254 = arith.constant 0 : i32
      %dma_start3A_255 = tpu.memref_slice %arg6[%add3A_253, %dma_start3A_254] : memref<180x112xi32, #tpu.memory_space<vmem>> -> memref<1x112xi32, #tpu.memory_space<vmem>>
      %dma_start3A_256 = tpu.memref_squeeze %dma_start3A_255 : memref<1x112xi32, #tpu.memory_space<vmem>> -> memref<112xi32, #tpu.memory_space<vmem>>
      %dma_start3A_257 = arith.constant 0 : i32
      %dma_start3A_258 = arith.constant 0 : i32
      %dma_start3A_259 = tpu.memref_slice %arg2[%arg0, %dma_start3A_257, %dma_start3A_258] : memref<2x10000x64xf32, #tpu.memory_space<hbm>> -> memref<1x10000x64xf32, #tpu.memory_space<hbm>>
      %dma_start3A_260 = tpu.memref_squeeze %dma_start3A_259 : memref<1x10000x64xf32, #tpu.memory_space<hbm>> -> memref<10000x64xf32, #tpu.memory_space<hbm>>
      %dma_start3A_261 = arith.constant 0 : i32
      %dma_start3A_262 = arith.constant 0 : i32
      %dma_start3A_263 = tpu.memref_slice %dma_start3A_260[%dma_start3A_261, %dma_start3A_262] : memref<10000x64xf32, #tpu.memory_space<hbm>> -> memref<10000x64xf32, #tpu.memory_space<hbm>>
      tpu.enqueue_indirect_dma source(%dma_start3A_263 : memref<10000x64xf32, #tpu.memory_space<hbm>>) target(%arg11 : memref<112x64xf32, #tpu.memory_space<vmem>>) offsets(%dma_start3A_256 : memref<112xi32, #tpu.memory_space<vmem>>) semaphore(%arg19 : memref<!tpu.dma_semaphore, #tpu.memory_space<semaphore_mem>>)
      %add3A_264 = arith.constant 4 : i32
      %add3A_265 = arith.addi %add3A_167, %add3A_264 : i32
      %dma_wait3A_266 = arith.constant 0 : i32
      %dma_wait3A_267 = tpu.memref_slice %arg6[%add3A_265, %dma_wait3A_266] : memref<180x112xi32, #tpu.memory_space<vmem>> -> memref<1x112xi32, #tpu.memory_space<vmem>>
      %dma_wait3A_268 = tpu.memref_squeeze %dma_wait3A_267 : memref<1x112xi32, #tpu.memory_space<vmem>> -> memref<112xi32, #tpu.memory_space<vmem>>
      %dma_wait3A_269 = arith.constant 0 : i32
      %dma_wait3A_270 = arith.constant 0 : i32
      %dma_wait3A_271 = tpu.memref_slice %arg2[%arg0, %dma_wait3A_269, %dma_wait3A_270] : memref<2x10000x64xf32, #tpu.memory_space<hbm>> -> memref<1x10000x64xf32, #tpu.memory_space<hbm>>
      %dma_wait3A_272 = tpu.memref_squeeze %dma_wait3A_271 : memref<1x10000x64xf32, #tpu.memory_space<hbm>> -> memref<10000x64xf32, #tpu.memory_space<hbm>>
      %dma_wait3A_273 = arith.constant 0 : i32
      %dma_wait3A_274 = arith.constant 0 : i32
      %dma_wait3A_275 = tpu.memref_slice %dma_wait3A_272[%dma_wait3A_273, %dma_wait3A_274] : memref<10000x64xf32, #tpu.memory_space<hbm>> -> memref<10000x64xf32, #tpu.memory_space<hbm>>
      tpu.wait_indirect_dma semaphore(%arg17 : memref<!tpu.dma_semaphore, #tpu.memory_space<semaphore_mem>>) src(%dma_wait3A_275 : memref<10000x64xf32, #tpu.memory_space<hbm>>) dst(%arg9 : memref<112x64xf32, #tpu.memory_space<vmem>>)
      "tpu.region"() ({
        %run_scoped3A_313 = tpu.sem_alloc : memref<!tpu.dma_semaphore, #tpu.memory_space<semaphore_mem>>
        %dma_start3A_314 = arith.constant 0 : i32
        %dma_start3A_315 = tpu.memref_slice %arg7[%add3A_265, %dma_start3A_314] : memref<180x112xi32, #tpu.memory_space<vmem>> -> memref<1x112xi32, #tpu.memory_space<vmem>>
        %dma_start3A_316 = tpu.memref_squeeze %dma_start3A_315 : memref<1x112xi32, #tpu.memory_space<vmem>> -> memref<112xi32, #tpu.memory_space<vmem>>
        %dma_start3A_317 = arith.constant 0 : i32
        %dma_start3A_318 = arith.constant 0 : i32
        %dma_start3A_319 = tpu.memref_slice %arg15[%dma_start3A_317, %dma_start3A_318] : memref<10112x64xf32, #tpu.memory_space<vmem_shared>> -> memref<10112x64xf32, #tpu.memory_space<vmem_shared>>
        tpu.enqueue_indirect_dma source(%arg9 : memref<112x64xf32, #tpu.memory_space<vmem>>) target(%dma_start3A_319 : memref<10112x64xf32, #tpu.memory_space<vmem_shared>>) offsets(%dma_start3A_316 : memref<112xi32, #tpu.memory_space<vmem>>) semaphore(%run_scoped3A_313 : memref<!tpu.dma_semaphore, #tpu.memory_space<semaphore_mem>>) {add = true}
        %dma_wait3A_320 = arith.constant 0 : i32
        %dma_wait3A_321 = tpu.memref_slice %arg7[%add3A_265, %dma_wait3A_320] : memref<180x112xi32, #tpu.memory_space<vmem>> -> memref<1x112xi32, #tpu.memory_space<vmem>>
        %dma_wait3A_322 = tpu.memref_squeeze %dma_wait3A_321 : memref<1x112xi32, #tpu.memory_space<vmem>> -> memref<112xi32, #tpu.memory_space<vmem>>
        %dma_wait3A_323 = arith.constant 0 : i32
        %dma_wait3A_324 = arith.constant 0 : i32
        %dma_wait3A_325 = tpu.memref_slice %arg15[%dma_wait3A_323, %dma_wait3A_324] : memref<10112x64xf32, #tpu.memory_space<vmem_shared>> -> memref<10112x64xf32, #tpu.memory_space<vmem_shared>>
        tpu.wait_indirect_dma semaphore(%run_scoped3A_313 : memref<!tpu.dma_semaphore, #tpu.memory_space<semaphore_mem>>) src(%arg9 : memref<112x64xf32, #tpu.memory_space<vmem>>) dst(%dma_wait3A_325 : memref<10112x64xf32, #tpu.memory_space<vmem_shared>>)
        tpu.yield
      }) : () -> ()
      %add3A_276 = arith.constant 3 : i32
      %add3A_277 = arith.addi %add3A_265, %add3A_276 : i32
      %dma_start3A_278 = arith.constant 0 : i32
      %dma_start3A_279 = tpu.memref_slice %arg6[%add3A_277, %dma_start3A_278] : memref<180x112xi32, #tpu.memory_space<vmem>> -> memref<1x112xi32, #tpu.memory_space<vmem>>
      %dma_start3A_280 = tpu.memref_squeeze %dma_start3A_279 : memref<1x112xi32, #tpu.memory_space<vmem>> -> memref<112xi32, #tpu.memory_space<vmem>>
      %dma_start3A_281 = arith.constant 0 : i32
      %dma_start3A_282 = arith.constant 0 : i32
      %dma_start3A_283 = tpu.memref_slice %arg2[%arg0, %dma_start3A_281, %dma_start3A_282] : memref<2x10000x64xf32, #tpu.memory_space<hbm>> -> memref<1x10000x64xf32, #tpu.memory_space<hbm>>
      %dma_start3A_284 = tpu.memref_squeeze %dma_start3A_283 : memref<1x10000x64xf32, #tpu.memory_space<hbm>> -> memref<10000x64xf32, #tpu.memory_space<hbm>>
      %dma_start3A_285 = arith.constant 0 : i32
      %dma_start3A_286 = arith.constant 0 : i32
      %dma_start3A_287 = tpu.memref_slice %dma_start3A_284[%dma_start3A_285, %dma_start3A_286] : memref<10000x64xf32, #tpu.memory_space<hbm>> -> memref<10000x64xf32, #tpu.memory_space<hbm>>
      tpu.enqueue_indirect_dma source(%dma_start3A_287 : memref<10000x64xf32, #tpu.memory_space<hbm>>) target(%arg12 : memref<112x64xf32, #tpu.memory_space<vmem>>) offsets(%dma_start3A_280 : memref<112xi32, #tpu.memory_space<vmem>>) semaphore(%arg20 : memref<!tpu.dma_semaphore, #tpu.memory_space<semaphore_mem>>)
      %add3A_288 = arith.constant 5 : i32
      %add3A_289 = arith.addi %add3A_167, %add3A_288 : i32
      %dma_wait3A_290 = arith.constant 0 : i32
      %dma_wait3A_291 = tpu.memref_slice %arg6[%add3A_289, %dma_wait3A_290] : memref<180x112xi32, #tpu.memory_space<vmem>> -> memref<1x112xi32, #tpu.memory_space<vmem>>
      %dma_wait3A_292 = tpu.memref_squeeze %dma_wait3A_291 : memref<1x112xi32, #tpu.memory_space<vmem>> -> memref<112xi32, #tpu.memory_space<vmem>>
      %dma_wait3A_293 = arith.constant 0 : i32
      %dma_wait3A_294 = arith.constant 0 : i32
      %dma_wait3A_295 = tpu.memref_slice %arg2[%arg0, %dma_wait3A_293, %dma_wait3A_294] : memref<2x10000x64xf32, #tpu.memory_space<hbm>> -> memref<1x10000x64xf32, #tpu.memory_space<hbm>>
      %dma_wait3A_296 = tpu.memref_squeeze %dma_wait3A_295 : memref<1x10000x64xf32, #tpu.memory_space<hbm>> -> memref<10000x64xf32, #tpu.memory_space<hbm>>
      %dma_wait3A_297 = arith.constant 0 : i32
      %dma_wait3A_298 = arith.constant 0 : i32
      %dma_wait3A_299 = tpu.memref_slice %dma_wait3A_296[%dma_wait3A_297, %dma_wait3A_298] : memref<10000x64xf32, #tpu.memory_space<hbm>> -> memref<10000x64xf32, #tpu.memory_space<hbm>>
      tpu.wait_indirect_dma semaphore(%arg18 : memref<!tpu.dma_semaphore, #tpu.memory_space<semaphore_mem>>) src(%dma_wait3A_299 : memref<10000x64xf32, #tpu.memory_space<hbm>>) dst(%arg10 : memref<112x64xf32, #tpu.memory_space<vmem>>)
      "tpu.region"() ({
        %run_scoped3A_313 = tpu.sem_alloc : memref<!tpu.dma_semaphore, #tpu.memory_space<semaphore_mem>>
        %dma_start3A_314 = arith.constant 0 : i32
        %dma_start3A_315 = tpu.memref_slice %arg7[%add3A_289, %dma_start3A_314] : memref<180x112xi32, #tpu.memory_space<vmem>> -> memref<1x112xi32, #tpu.memory_space<vmem>>
        %dma_start3A_316 = tpu.memref_squeeze %dma_start3A_315 : memref<1x112xi32, #tpu.memory_space<vmem>> -> memref<112xi32, #tpu.memory_space<vmem>>
        %dma_start3A_317 = arith.constant 0 : i32
        %dma_start3A_318 = arith.constant 0 : i32
        %dma_start3A_319 = tpu.memref_slice %arg15[%dma_start3A_317, %dma_start3A_318] : memref<10112x64xf32, #tpu.memory_space<vmem_shared>> -> memref<10112x64xf32, #tpu.memory_space<vmem_shared>>
        tpu.enqueue_indirect_dma source(%arg10 : memref<112x64xf32, #tpu.memory_space<vmem>>) target(%dma_start3A_319 : memref<10112x64xf32, #tpu.memory_space<vmem_shared>>) offsets(%dma_start3A_316 : memref<112xi32, #tpu.memory_space<vmem>>) semaphore(%run_scoped3A_313 : memref<!tpu.dma_semaphore, #tpu.memory_space<semaphore_mem>>) {add = true}
        %dma_wait3A_320 = arith.constant 0 : i32
        %dma_wait3A_321 = tpu.memref_slice %arg7[%add3A_289, %dma_wait3A_320] : memref<180x112xi32, #tpu.memory_space<vmem>> -> memref<1x112xi32, #tpu.memory_space<vmem>>
        %dma_wait3A_322 = tpu.memref_squeeze %dma_wait3A_321 : memref<1x112xi32, #tpu.memory_space<vmem>> -> memref<112xi32, #tpu.memory_space<vmem>>
        %dma_wait3A_323 = arith.constant 0 : i32
        %dma_wait3A_324 = arith.constant 0 : i32
        %dma_wait3A_325 = tpu.memref_slice %arg15[%dma_wait3A_323, %dma_wait3A_324] : memref<10112x64xf32, #tpu.memory_space<vmem_shared>> -> memref<10112x64xf32, #tpu.memory_space<vmem_shared>>
        tpu.wait_indirect_dma semaphore(%run_scoped3A_313 : memref<!tpu.dma_semaphore, #tpu.memory_space<semaphore_mem>>) src(%arg10 : memref<112x64xf32, #tpu.memory_space<vmem>>) dst(%dma_wait3A_325 : memref<10112x64xf32, #tpu.memory_space<vmem_shared>>)
        tpu.yield
      }) : () -> ()
      %add3A_300 = arith.constant 3 : i32
      %add3A_301 = arith.addi %add3A_289, %add3A_300 : i32
      %dma_start3A_302 = arith.constant 0 : i32
      %dma_start3A_303 = tpu.memref_slice %arg6[%add3A_301, %dma_start3A_302] : memref<180x112xi32, #tpu.memory_space<vmem>> -> memref<1x112xi32, #tpu.memory_space<vmem>>
      %dma_start3A_304 = tpu.memref_squeeze %dma_start3A_303 : memref<1x112xi32, #tpu.memory_space<vmem>> -> memref<112xi32, #tpu.memory_space<vmem>>
      %dma_start3A_305 = arith.constant 0 : i32
      %dma_start3A_306 = arith.constant 0 : i32
      %dma_start3A_307 = tpu.memref_slice %arg2[%arg0, %dma_start3A_305, %dma_start3A_306] : memref<2x10000x64xf32, #tpu.memory_space<hbm>> -> memref<1x10000x64xf32, #tpu.memory_space<hbm>>
      %dma_start3A_308 = tpu.memref_squeeze %dma_start3A_307 : memref<1x10000x64xf32, #tpu.memory_space<hbm>> -> memref<10000x64xf32, #tpu.memory_space<hbm>>
      %dma_start3A_309 = arith.constant 0 : i32
      %dma_start3A_310 = arith.constant 0 : i32
      %dma_start3A_311 = tpu.memref_slice %dma_start3A_308[%dma_start3A_309, %dma_start3A_310] : memref<10000x64xf32, #tpu.memory_space<hbm>> -> memref<10000x64xf32, #tpu.memory_space<hbm>>
      tpu.enqueue_indirect_dma source(%dma_start3A_311 : memref<10000x64xf32, #tpu.memory_space<hbm>>) target(%arg13 : memref<112x64xf32, #tpu.memory_space<vmem>>) offsets(%dma_start3A_304 : memref<112xi32, #tpu.memory_space<vmem>>) semaphore(%arg21 : memref<!tpu.dma_semaphore, #tpu.memory_space<semaphore_mem>>)
      %scan3A_312 = arith.constant 0 : i32
      scf.yield %scan3A_312 : i32
    }
    %scan3A_120 = arith.constant 29 : i32
    %dma_wait3A_121 = arith.constant 177 : i32
    %dma_wait3A_122 = arith.constant 0 : i32
    %dma_wait3A_123 = tpu.memref_slice %arg6[%dma_wait3A_121, %dma_wait3A_122] : memref<180x112xi32, #tpu.memory_space<vmem>> -> memref<1x112xi32, #tpu.memory_space<vmem>>
    %dma_wait3A_124 = tpu.memref_squeeze %dma_wait3A_123 : memref<1x112xi32, #tpu.memory_space<vmem>> -> memref<112xi32, #tpu.memory_space<vmem>>
    %dma_wait3A_125 = arith.constant 0 : i32
    %dma_wait3A_126 = arith.constant 0 : i32
    %dma_wait3A_127 = tpu.memref_slice %arg2[%arg0, %dma_wait3A_125, %dma_wait3A_126] : memref<2x10000x64xf32, #tpu.memory_space<hbm>> -> memref<1x10000x64xf32, #tpu.memory_space<hbm>>
    %dma_wait3A_128 = tpu.memref_squeeze %dma_wait3A_127 : memref<1x10000x64xf32, #tpu.memory_space<hbm>> -> memref<10000x64xf32, #tpu.memory_space<hbm>>
    %dma_wait3A_129 = arith.constant 0 : i32
    %dma_wait3A_130 = arith.constant 0 : i32
    %dma_wait3A_131 = tpu.memref_slice %dma_wait3A_128[%dma_wait3A_129, %dma_wait3A_130] : memref<10000x64xf32, #tpu.memory_space<hbm>> -> memref<10000x64xf32, #tpu.memory_space<hbm>>
    tpu.wait_indirect_dma semaphore(%arg19 : memref<!tpu.dma_semaphore, #tpu.memory_space<semaphore_mem>>) src(%dma_wait3A_131 : memref<10000x64xf32, #tpu.memory_space<hbm>>) dst(%arg11 : memref<112x64xf32, #tpu.memory_space<vmem>>)
    %run_scoped3A_132 = arith.constant 177 : i32
    "tpu.region"() ({
      %run_scoped3A_162 = tpu.sem_alloc : memref<!tpu.dma_semaphore, #tpu.memory_space<semaphore_mem>>
      %dma_start3A_163 = arith.constant 0 : i32
      %dma_start3A_164 = tpu.memref_slice %arg7[%run_scoped3A_132, %dma_start3A_163] : memref<180x112xi32, #tpu.memory_space<vmem>> -> memref<1x112xi32, #tpu.memory_space<vmem>>
      %dma_start3A_165 = tpu.memref_squeeze %dma_start3A_164 : memref<1x112xi32, #tpu.memory_space<vmem>> -> memref<112xi32, #tpu.memory_space<vmem>>
      %dma_start3A_166 = arith.constant 0 : i32
      %dma_start3A_167 = arith.constant 0 : i32
      %dma_start3A_168 = tpu.memref_slice %arg15[%dma_start3A_166, %dma_start3A_167] : memref<10112x64xf32, #tpu.memory_space<vmem_shared>> -> memref<10112x64xf32, #tpu.memory_space<vmem_shared>>
      tpu.enqueue_indirect_dma source(%arg11 : memref<112x64xf32, #tpu.memory_space<vmem>>) target(%dma_start3A_168 : memref<10112x64xf32, #tpu.memory_space<vmem_shared>>) offsets(%dma_start3A_165 : memref<112xi32, #tpu.memory_space<vmem>>) semaphore(%run_scoped3A_162 : memref<!tpu.dma_semaphore, #tpu.memory_space<semaphore_mem>>) {add = true}
      %dma_wait3A_169 = arith.constant 0 : i32
      %dma_wait3A_170 = tpu.memref_slice %arg7[%run_scoped3A_132, %dma_wait3A_169] : memref<180x112xi32, #tpu.memory_space<vmem>> -> memref<1x112xi32, #tpu.memory_space<vmem>>
      %dma_wait3A_171 = tpu.memref_squeeze %dma_wait3A_170 : memref<1x112xi32, #tpu.memory_space<vmem>> -> memref<112xi32, #tpu.memory_space<vmem>>
      %dma_wait3A_172 = arith.constant 0 : i32
      %dma_wait3A_173 = arith.constant 0 : i32
      %dma_wait3A_174 = tpu.memref_slice %arg15[%dma_wait3A_172, %dma_wait3A_173] : memref<10112x64xf32, #tpu.memory_space<vmem_shared>> -> memref<10112x64xf32, #tpu.memory_space<vmem_shared>>
      tpu.wait_indirect_dma semaphore(%run_scoped3A_162 : memref<!tpu.dma_semaphore, #tpu.memory_space<semaphore_mem>>) src(%arg11 : memref<112x64xf32, #tpu.memory_space<vmem>>) dst(%dma_wait3A_174 : memref<10112x64xf32, #tpu.memory_space<vmem_shared>>)
      tpu.yield
    }) : () -> ()
    %dma_wait3A_133 = arith.constant 178 : i32
    %dma_wait3A_134 = arith.constant 0 : i32
    %dma_wait3A_135 = tpu.memref_slice %arg6[%dma_wait3A_133, %dma_wait3A_134] : memref<180x112xi32, #tpu.memory_space<vmem>> -> memref<1x112xi32, #tpu.memory_space<vmem>>
    %dma_wait3A_136 = tpu.memref_squeeze %dma_wait3A_135 : memref<1x112xi32, #tpu.memory_space<vmem>> -> memref<112xi32, #tpu.memory_space<vmem>>
    %dma_wait3A_137 = arith.constant 0 : i32
    %dma_wait3A_138 = arith.constant 0 : i32
    %dma_wait3A_139 = tpu.memref_slice %arg2[%arg0, %dma_wait3A_137, %dma_wait3A_138] : memref<2x10000x64xf32, #tpu.memory_space<hbm>> -> memref<1x10000x64xf32, #tpu.memory_space<hbm>>
    %dma_wait3A_140 = tpu.memref_squeeze %dma_wait3A_139 : memref<1x10000x64xf32, #tpu.memory_space<hbm>> -> memref<10000x64xf32, #tpu.memory_space<hbm>>
    %dma_wait3A_141 = arith.constant 0 : i32
    %dma_wait3A_142 = arith.constant 0 : i32
    %dma_wait3A_143 = tpu.memref_slice %dma_wait3A_140[%dma_wait3A_141, %dma_wait3A_142] : memref<10000x64xf32, #tpu.memory_space<hbm>> -> memref<10000x64xf32, #tpu.memory_space<hbm>>
    tpu.wait_indirect_dma semaphore(%arg20 : memref<!tpu.dma_semaphore, #tpu.memory_space<semaphore_mem>>) src(%dma_wait3A_143 : memref<10000x64xf32, #tpu.memory_space<hbm>>) dst(%arg12 : memref<112x64xf32, #tpu.memory_space<vmem>>)
    %run_scoped3A_144 = arith.constant 178 : i32
    "tpu.region"() ({
      %run_scoped3A_162 = tpu.sem_alloc : memref<!tpu.dma_semaphore, #tpu.memory_space<semaphore_mem>>
      %dma_start3A_163 = arith.constant 0 : i32
      %dma_start3A_164 = tpu.memref_slice %arg7[%run_scoped3A_144, %dma_start3A_163] : memref<180x112xi32, #tpu.memory_space<vmem>> -> memref<1x112xi32, #tpu.memory_space<vmem>>
      %dma_start3A_165 = tpu.memref_squeeze %dma_start3A_164 : memref<1x112xi32, #tpu.memory_space<vmem>> -> memref<112xi32, #tpu.memory_space<vmem>>
      %dma_start3A_166 = arith.constant 0 : i32
      %dma_start3A_167 = arith.constant 0 : i32
      %dma_start3A_168 = tpu.memref_slice %arg15[%dma_start3A_166, %dma_start3A_167] : memref<10112x64xf32, #tpu.memory_space<vmem_shared>> -> memref<10112x64xf32, #tpu.memory_space<vmem_shared>>
      tpu.enqueue_indirect_dma source(%arg12 : memref<112x64xf32, #tpu.memory_space<vmem>>) target(%dma_start3A_168 : memref<10112x64xf32, #tpu.memory_space<vmem_shared>>) offsets(%dma_start3A_165 : memref<112xi32, #tpu.memory_space<vmem>>) semaphore(%run_scoped3A_162 : memref<!tpu.dma_semaphore, #tpu.memory_space<semaphore_mem>>) {add = true}
      %dma_wait3A_169 = arith.constant 0 : i32
      %dma_wait3A_170 = tpu.memref_slice %arg7[%run_scoped3A_144, %dma_wait3A_169] : memref<180x112xi32, #tpu.memory_space<vmem>> -> memref<1x112xi32, #tpu.memory_space<vmem>>
      %dma_wait3A_171 = tpu.memref_squeeze %dma_wait3A_170 : memref<1x112xi32, #tpu.memory_space<vmem>> -> memref<112xi32, #tpu.memory_space<vmem>>
      %dma_wait3A_172 = arith.constant 0 : i32
      %dma_wait3A_173 = arith.constant 0 : i32
      %dma_wait3A_174 = tpu.memref_slice %arg15[%dma_wait3A_172, %dma_wait3A_173] : memref<10112x64xf32, #tpu.memory_space<vmem_shared>> -> memref<10112x64xf32, #tpu.memory_space<vmem_shared>>
      tpu.wait_indirect_dma semaphore(%run_scoped3A_162 : memref<!tpu.dma_semaphore, #tpu.memory_space<semaphore_mem>>) src(%arg12 : memref<112x64xf32, #tpu.memory_space<vmem>>) dst(%dma_wait3A_174 : memref<10112x64xf32, #tpu.memory_space<vmem_shared>>)
      tpu.yield
    }) : () -> ()
    %dma_wait3A_145 = arith.constant 179 : i32
    %dma_wait3A_146 = arith.constant 0 : i32
    %dma_wait3A_147 = tpu.memref_slice %arg6[%dma_wait3A_145, %dma_wait3A_146] : memref<180x112xi32, #tpu.memory_space<vmem>> -> memref<1x112xi32, #tpu.memory_space<vmem>>
    %dma_wait3A_148 = tpu.memref_squeeze %dma_wait3A_147 : memref<1x112xi32, #tpu.memory_space<vmem>> -> memref<112xi32, #tpu.memory_space<vmem>>
    %dma_wait3A_149 = arith.constant 0 : i32
    %dma_wait3A_150 = arith.constant 0 : i32
    %dma_wait3A_151 = tpu.memref_slice %arg2[%arg0, %dma_wait3A_149, %dma_wait3A_150] : memref<2x10000x64xf32, #tpu.memory_space<hbm>> -> memref<1x10000x64xf32, #tpu.memory_space<hbm>>
    %dma_wait3A_152 = tpu.memref_squeeze %dma_wait3A_151 : memref<1x10000x64xf32, #tpu.memory_space<hbm>> -> memref<10000x64xf32, #tpu.memory_space<hbm>>
    %dma_wait3A_153 = arith.constant 0 : i32
    %dma_wait3A_154 = arith.constant 0 : i32
    %dma_wait3A_155 = tpu.memref_slice %dma_wait3A_152[%dma_wait3A_153, %dma_wait3A_154] : memref<10000x64xf32, #tpu.memory_space<hbm>> -> memref<10000x64xf32, #tpu.memory_space<hbm>>
    tpu.wait_indirect_dma semaphore(%arg21 : memref<!tpu.dma_semaphore, #tpu.memory_space<semaphore_mem>>) src(%dma_wait3A_155 : memref<10000x64xf32, #tpu.memory_space<hbm>>) dst(%arg13 : memref<112x64xf32, #tpu.memory_space<vmem>>)
    %run_scoped3A_156 = arith.constant 179 : i32
    "tpu.region"() ({
      %run_scoped3A_162 = tpu.sem_alloc : memref<!tpu.dma_semaphore, #tpu.memory_space<semaphore_mem>>
      %dma_start3A_163 = arith.constant 0 : i32
      %dma_start3A_164 = tpu.memref_slice %arg7[%run_scoped3A_156, %dma_start3A_163] : memref<180x112xi32, #tpu.memory_space<vmem>> -> memref<1x112xi32, #tpu.memory_space<vmem>>
      %dma_start3A_165 = tpu.memref_squeeze %dma_start3A_164 : memref<1x112xi32, #tpu.memory_space<vmem>> -> memref<112xi32, #tpu.memory_space<vmem>>
      %dma_start3A_166 = arith.constant 0 : i32
      %dma_start3A_167 = arith.constant 0 : i32
      %dma_start3A_168 = tpu.memref_slice %arg15[%dma_start3A_166, %dma_start3A_167] : memref<10112x64xf32, #tpu.memory_space<vmem_shared>> -> memref<10112x64xf32, #tpu.memory_space<vmem_shared>>
      tpu.enqueue_indirect_dma source(%arg13 : memref<112x64xf32, #tpu.memory_space<vmem>>) target(%dma_start3A_168 : memref<10112x64xf32, #tpu.memory_space<vmem_shared>>) offsets(%dma_start3A_165 : memref<112xi32, #tpu.memory_space<vmem>>) semaphore(%run_scoped3A_162 : memref<!tpu.dma_semaphore, #tpu.memory_space<semaphore_mem>>) {add = true}
      %dma_wait3A_169 = arith.constant 0 : i32
      %dma_wait3A_170 = tpu.memref_slice %arg7[%run_scoped3A_156, %dma_wait3A_169] : memref<180x112xi32, #tpu.memory_space<vmem>> -> memref<1x112xi32, #tpu.memory_space<vmem>>
      %dma_wait3A_171 = tpu.memref_squeeze %dma_wait3A_170 : memref<1x112xi32, #tpu.memory_space<vmem>> -> memref<112xi32, #tpu.memory_space<vmem>>
      %dma_wait3A_172 = arith.constant 0 : i32
      %dma_wait3A_173 = arith.constant 0 : i32
      %dma_wait3A_174 = tpu.memref_slice %arg15[%dma_wait3A_172, %dma_wait3A_173] : memref<10112x64xf32, #tpu.memory_space<vmem_shared>> -> memref<10112x64xf32, #tpu.memory_space<vmem_shared>>
      tpu.wait_indirect_dma semaphore(%run_scoped3A_162 : memref<!tpu.dma_semaphore, #tpu.memory_space<semaphore_mem>>) src(%arg13 : memref<112x64xf32, #tpu.memory_space<vmem>>) dst(%dma_wait3A_174 : memref<10112x64xf32, #tpu.memory_space<vmem_shared>>)
      tpu.yield
    }) : () -> ()
    %barrier3A_157 = arith.constant 0 : index
    tpu.barrier barrier_id(%barrier3A_157)
    %mul3A_158 = arith.constant 632 : i32
    %mul3A_159 = arith.muli %arg1, %mul3A_158 : i32
    %mul3A_160 = arith.constant 632 : i32
    %mul3A_161 = arith.muli %arg1, %mul3A_160 : i32
    "tpu.region"() ({
      %run_scoped3A_162 = tpu.sem_alloc : memref<!tpu.dma_semaphore, #tpu.memory_space<semaphore_mem>>
      %dma_start3A_163 = arith.constant 0 : i32
      %dma_start3A_164 = tpu.memref_slice %arg5[%arg0, %mul3A_161, %dma_start3A_163] : memref<2x10112x64xf32, #tpu.memory_space<hbm>> -> memref<1x632x64xf32, #tpu.memory_space<hbm>>
      %dma_start3A_165 = tpu.memref_squeeze %dma_start3A_164 : memref<1x632x64xf32, #tpu.memory_space<hbm>> -> memref<632x64xf32, #tpu.memory_space<hbm>>
      %dma_start3A_166 = arith.constant 0 : i32
      %dma_start3A_167 = tpu.memref_slice %arg15[%mul3A_159, %dma_start3A_166] : memref<10112x64xf32, #tpu.memory_space<vmem_shared>> -> memref<632x64xf32, #tpu.memory_space<vmem_shared>>
      tpu.enqueue_dma source(%dma_start3A_167 : memref<632x64xf32, #tpu.memory_space<vmem_shared>>) target(%dma_start3A_165 : memref<632x64xf32, #tpu.memory_space<hbm>>) target_semaphore(%run_scoped3A_162 : memref<!tpu.dma_semaphore, #tpu.memory_space<semaphore_mem>>)
      %dma_wait3A_168 = arith.constant 0 : i32
      %dma_wait3A_169 = tpu.memref_slice %arg5[%arg0, %mul3A_161, %dma_wait3A_168] : memref<2x10112x64xf32, #tpu.memory_space<hbm>> -> memref<1x632x64xf32, #tpu.memory_space<hbm>>
      %dma_wait3A_170 = tpu.memref_squeeze %dma_wait3A_169 : memref<1x632x64xf32, #tpu.memory_space<hbm>> -> memref<632x64xf32, #tpu.memory_space<hbm>>
      %dma_wait3A_171 = arith.constant 0 : i32
      %dma_wait3A_172 = tpu.memref_slice %arg15[%mul3A_159, %dma_wait3A_171] : memref<10112x64xf32, #tpu.memory_space<vmem_shared>> -> memref<632x64xf32, #tpu.memory_space<vmem_shared>>
      tpu.wait_dma2 semaphore(%run_scoped3A_162 : memref<!tpu.dma_semaphore, #tpu.memory_space<semaphore_mem>>) src(%dma_wait3A_172 : memref<632x64xf32, #tpu.memory_space<vmem_shared>>) dst(%dma_wait3A_170 : memref<632x64xf32, #tpu.memory_space<hbm>>)
      tpu.yield
    }) : () -> ()
    return
  }
}

module attributes {stable_mosaic.version = 14 : i64} {
  func.func @_mm_body(%arg0: i32, %arg1: memref<1024x128xf32, #tpu.memory_space<vmem>>, %arg2: memref<128x128xf32, #tpu.memory_space<vmem>>, %arg3: memref<1024x128xf32, #tpu.memory_space<vmem>>) attributes {dimension_semantics = [#tpu.dimension_semantics<arbitrary>], iteration_bounds = array<i64: 10>, scalar_prefetch = 0 : i64, scratch_operands = 0 : i64, tpu.core_type = #tpu.core_type<tc>, window_params = [{transform_indices = @transform_0, window_bounds = array<i64: 1024, 128>}, {pipeline_mode = #tpu.pipeline_mode<synchronous>, transform_indices = @transform_1, window_bounds = array<i64: 128, 128>}, {transform_indices = @transform_2, window_bounds = array<i64: 1024, 128>}]} {
    %get3A = arith.constant 0 : index
    %get3A_0 = arith.constant 0 : index
    %get3A_1 = vector.load %arg1[%get3A, %get3A_0] : memref<1024x128xf32, #tpu.memory_space<vmem>>, vector<1024x128xf32>
    %get3A_2 = arith.constant 0 : index
    %get3A_3 = arith.constant 0 : index
    %get3A_4 = vector.load %arg2[%get3A_2, %get3A_3] : memref<128x128xf32, #tpu.memory_space<vmem>>, vector<128x128xf32>
    %dot_general3A = arith.constant dense<0.000000e+00> : vector<1024x128xf32>
    %dot_general3A_5 = tpu.matmul %get3A_1, %get3A_4, %dot_general3A {dimension_numbers = #tpu.dot_dimension_numbers<[1], [0], [0], [1], [0, 0, 1, 1], [], []>, transpose_lhs_hint = false} : vector<1024x128xf32>, vector<128x128xf32>, vector<1024x128xf32> -> vector<1024x128xf32>
    %swap3A = arith.constant 0 : index
    %swap3A_6 = arith.constant 0 : index
    %swap3A_7 = vector.load %arg3[%swap3A, %swap3A_6] : memref<1024x128xf32, #tpu.memory_space<vmem>>, vector<1024x128xf32>
    tpu.vector_store %arg3[%swap3A, %swap3A_6], %dot_general3A_5 {strides = array<i32>} : memref<1024x128xf32, #tpu.memory_space<vmem>>, vector<1024x128xf32>,
    return
  }
  func.func @transform_0(%arg0: i32) -> (i32, i32) {
    %c0_i32 = arith.constant 0 : i32
    %c0_i32_0 = arith.constant 0 : i32
    return %arg0, %c0_i32 : i32, i32
  }
  func.func @transform_1(%arg0: i32) -> (i32, i32) {
    %c0_i32 = arith.constant 0 : i32
    %c0_i32_0 = arith.constant 0 : i32
    %c0_i32_1 = arith.constant 0 : i32
    return %c0_i32, %c0_i32_0 : i32, i32
  }
  func.func @transform_2(%arg0: i32) -> (i32, i32) {
    %c0_i32 = arith.constant 0 : i32
    %c0_i32_0 = arith.constant 0 : i32
    return %arg0, %c0_i32 : i32, i32
  }
}

module attributes {stable_mosaic.version = 14 : i64} {
  func.func @_tc1_body(%arg0: i32, %arg1: memref<2x1024xf32, #tpu.memory_space<vmem>>, %arg2: memref<1024x128xf32, #tpu.memory_space<vmem>>, %arg3: memref<1024x1xf32, #tpu.memory_space<vmem>>, %arg4: memref<2x1024x64xf32, #tpu.memory_space<vmem>>) attributes {dimension_semantics = [#tpu.dimension_semantics<arbitrary>], iteration_bounds = array<i64: 10>, scalar_prefetch = 0 : i64, scratch_operands = 0 : i64, tpu.core_type = #tpu.core_type<tc>, window_params = [{transform_indices = @transform_0, window_bounds = array<i64: 2, 1024>}, {transform_indices = @transform_1, window_bounds = array<i64: 1024, 128>}, {transform_indices = @transform_2, window_bounds = array<i64: 1024, 1>}, {transform_indices = @transform_3, window_bounds = array<i64: 2, 1024, 64>}]} {
    %get3A = arith.constant 0 : index
    %get3A_0 = arith.constant 0 : index
    %get3A_1 = vector.load %arg1[%get3A, %get3A_0] : memref<2x1024xf32, #tpu.memory_space<vmem>>, vector<1x1024xf32>
    %get3A_2 = vector.shape_cast %get3A_1 : vector<1x1024xf32> to vector<1024xf32>
    %get3A_3 = arith.constant 1 : index
    %get3A_4 = arith.constant 0 : index
    %get3A_5 = vector.load %arg1[%get3A_3, %get3A_4] : memref<2x1024xf32, #tpu.memory_space<vmem>>, vector<1x1024xf32>
    %get3A_6 = vector.shape_cast %get3A_5 : vector<1x1024xf32> to vector<1024xf32>
    %add3A = arith.addf %get3A_2, %get3A_6 : vector<1024xf32>
    %add3A_7 = arith.constant 1.000000e+00 : f32
    %add3A_8 = vector.broadcast %add3A_7 : f32 to vector<1024xf32>
    %add3A_9 = arith.addf %add3A, %add3A_8 : vector<1024xf32>
    %rsqrt3A = math.rsqrt %add3A_9 : vector<1024xf32>
    %broadcast_in_dim3A = vector.shape_cast %rsqrt3A : vector<1024xf32> to vector<1024x1xf32>
    %swap3A = arith.constant 0 : index
    %swap3A_10 = arith.constant 0 : index
    %swap3A_11 = vector.load %arg3[%swap3A, %swap3A_10] : memref<1024x1xf32, #tpu.memory_space<vmem>>, vector<1024x1xf32>
    tpu.vector_store %arg3[%swap3A, %swap3A_10], %broadcast_in_dim3A {strides = array<i32>} : memref<1024x1xf32, #tpu.memory_space<vmem>>, vector<1024x1xf32>,
    %get3A_12 = arith.constant 0 : index
    %get3A_13 = arith.constant 0 : index
    %get3A_14 = vector.load %arg2[%get3A_12, %get3A_13] : memref<1024x128xf32, #tpu.memory_space<vmem>>, vector<1024x128xf32>
    %broadcast_in_dim3A_15 = vector.shape_cast %rsqrt3A : vector<1024xf32> to vector<1024x1xf32>
    %mul3A = vector.broadcast %broadcast_in_dim3A_15 : vector<1024x1xf32> to vector<1024x128xf32>
    %mul3A_16 = arith.mulf %get3A_14, %mul3A : vector<1024x128xf32>
    %slice3A = vector.extract_strided_slice %mul3A_16 {offsets = [0, 0], sizes = [1024, 64], strides = [1, 1]} : vector<1024x128xf32> to vector<1024x64xf32>
    %swap3A_17 = arith.constant 0 : index
    %swap3A_18 = arith.constant 0 : index
    %swap3A_19 = arith.constant 0 : index
    %swap3A_20 = vector.load %arg4[%swap3A_17, %swap3A_18, %swap3A_19] : memref<2x1024x64xf32, #tpu.memory_space<vmem>>, vector<1x1024x64xf32>
    %swap3A_21 = vector.shape_cast %swap3A_20 : vector<1x1024x64xf32> to vector<1024x64xf32>
    %swap3A_22 = vector.shape_cast %slice3A : vector<1024x64xf32> to vector<1x1024x64xf32>
    tpu.vector_store %arg4[%swap3A_17, %swap3A_18, %swap3A_19], %swap3A_22 {strides = array<i32>} : memref<2x1024x64xf32, #tpu.memory_space<vmem>>, vector<1x1024x64xf32>,
    %slice3A_23 = vector.extract_strided_slice %mul3A_16 {offsets = [0, 64], sizes = [1024, 64], strides = [1, 1]} : vector<1024x128xf32> to vector<1024x64xf32>
    %swap3A_24 = arith.constant 1 : index
    %swap3A_25 = arith.constant 0 : index
    %swap3A_26 = arith.constant 0 : index
    %swap3A_27 = vector.load %arg4[%swap3A_24, %swap3A_25, %swap3A_26] : memref<2x1024x64xf32, #tpu.memory_space<vmem>>, vector<1x1024x64xf32>
    %swap3A_28 = vector.shape_cast %swap3A_27 : vector<1x1024x64xf32> to vector<1024x64xf32>
    %swap3A_29 = vector.shape_cast %slice3A_23 : vector<1024x64xf32> to vector<1x1024x64xf32>
    tpu.vector_store %arg4[%swap3A_24, %swap3A_25, %swap3A_26], %swap3A_29 {strides = array<i32>} : memref<2x1024x64xf32, #tpu.memory_space<vmem>>, vector<1x1024x64xf32>,
    return
  }
  func.func @transform_0(%arg0: i32) -> (i32, i32) {
    %c0_i32 = arith.constant 0 : i32
    %c0_i32_0 = arith.constant 0 : i32
    return %c0_i32, %arg0 : i32, i32
  }
  func.func @transform_1(%arg0: i32) -> (i32, i32) {
    %c0_i32 = arith.constant 0 : i32
    %c0_i32_0 = arith.constant 0 : i32
    return %arg0, %c0_i32 : i32, i32
  }
  func.func @transform_2(%arg0: i32) -> (i32, i32) {
    %c0_i32 = arith.constant 0 : i32
    %c0_i32_0 = arith.constant 0 : i32
    return %arg0, %c0_i32 : i32, i32
  }
  func.func @transform_3(%arg0: i32) -> (i32, i32, i32) {
    %c0_i32 = arith.constant 0 : i32
    %c0_i32_0 = arith.constant 0 : i32
    %c0_i32_1 = arith.constant 0 : i32
    return %c0_i32, %arg0, %c0_i32_0 : i32, i32, i32
  }
}

module attributes {stable_mosaic.version = 14 : i64} {
  func.func @_tcmid_body(%arg0: i32, %arg1: memref<2x1024x64xf32, #tpu.memory_space<vmem>>, %arg2: memref<2x1024x64xf32, #tpu.memory_space<vmem>>, %arg3: memref<1024x1xf32, #tpu.memory_space<vmem>>, %arg4: memref<1x128xf32, #tpu.memory_space<vmem>>, %arg5: memref<128x128xf32, #tpu.memory_space<vmem>>, %arg6: memref<2x1024x64xf32, #tpu.memory_space<vmem>>) attributes {dimension_semantics = [#tpu.dimension_semantics<arbitrary>], iteration_bounds = array<i64: 10>, scalar_prefetch = 0 : i64, scratch_operands = 0 : i64, tpu.core_type = #tpu.core_type<tc>, window_params = [{transform_indices = @transform_0, window_bounds = array<i64: 2, 1024, 64>}, {transform_indices = @transform_1, window_bounds = array<i64: 2, 1024, 64>}, {transform_indices = @transform_2, window_bounds = array<i64: 1024, 1>}, {pipeline_mode = #tpu.pipeline_mode<synchronous>, transform_indices = @transform_3, window_bounds = array<i64: 1, 128>}, {pipeline_mode = #tpu.pipeline_mode<synchronous>, transform_indices = @transform_4, window_bounds = array<i64: 128, 128>}, {transform_indices = @transform_5, window_bounds = array<i64: 2, 1024, 64>}]} {
    %get3A = arith.constant 0 : index
    %get3A_0 = arith.constant 0 : index
    %get3A_1 = arith.constant 0 : index
    %get3A_2 = vector.load %arg1[%get3A, %get3A_0, %get3A_1] : memref<2x1024x64xf32, #tpu.memory_space<vmem>>, vector<1x1024x64xf32>
    %get3A_3 = vector.shape_cast %get3A_2 : vector<1x1024x64xf32> to vector<1024x64xf32>
    %get3A_4 = arith.constant 0 : index
    %get3A_5 = arith.constant 0 : index
    %get3A_6 = arith.constant 0 : index
    %get3A_7 = vector.load %arg2[%get3A_4, %get3A_5, %get3A_6] : memref<2x1024x64xf32, #tpu.memory_space<vmem>>, vector<1x1024x64xf32>
    %get3A_8 = vector.shape_cast %get3A_7 : vector<1x1024x64xf32> to vector<1024x64xf32>
    %add3A = arith.addf %get3A_3, %get3A_8 : vector<1024x64xf32>
    %get3A_9 = arith.constant 1 : index
    %get3A_10 = arith.constant 0 : index
    %get3A_11 = arith.constant 0 : index
    %get3A_12 = vector.load %arg1[%get3A_9, %get3A_10, %get3A_11] : memref<2x1024x64xf32, #tpu.memory_space<vmem>>, vector<1x1024x64xf32>
    %get3A_13 = vector.shape_cast %get3A_12 : vector<1x1024x64xf32> to vector<1024x64xf32>
    %get3A_14 = arith.constant 1 : index
    %get3A_15 = arith.constant 0 : index
    %get3A_16 = arith.constant 0 : index
    %get3A_17 = vector.load %arg2[%get3A_14, %get3A_15, %get3A_16] : memref<2x1024x64xf32, #tpu.memory_space<vmem>>, vector<1x1024x64xf32>
    %get3A_18 = vector.shape_cast %get3A_17 : vector<1x1024x64xf32> to vector<1024x64xf32>
    %add3A_19 = arith.addf %get3A_13, %get3A_18 : vector<1024x64xf32>
    %concatenate3A = tpu.concatenate %add3A, %add3A_19 in 1 : vector<1024x64xf32>, vector<1024x64xf32> -> vector<1024x128xf32>
    %get3A_20 = arith.constant 0 : index
    %get3A_21 = arith.constant 0 : index
    %get3A_22 = vector.load %arg3[%get3A_20, %get3A_21] : memref<1024x1xf32, #tpu.memory_space<vmem>>, vector<1024x1xf32>
    %mul3A = vector.broadcast %get3A_22 : vector<1024x1xf32> to vector<1024x128xf32>
    %mul3A_23 = arith.mulf %concatenate3A, %mul3A : vector<1024x128xf32>
    %get3A_24 = arith.constant 0 : index
    %get3A_25 = arith.constant 0 : index
    %get3A_26 = vector.load %arg4[%get3A_24, %get3A_25] : memref<1x128xf32, #tpu.memory_space<vmem>>, vector<1x128xf32>
    %add3A_27 = vector.broadcast %get3A_26 : vector<1x128xf32> to vector<1024x128xf32>
    %add3A_28 = arith.addf %mul3A_23, %add3A_27 : vector<1024x128xf32>
    %max3A = arith.constant 0.000000e+00 : f32
    %max3A_29 = vector.broadcast %max3A : f32 to vector<1024x128xf32>
    %max3A_30 = arith.maximumf %add3A_28, %max3A_29 : vector<1024x128xf32>
    %get3A_31 = arith.constant 0 : index
    %get3A_32 = arith.constant 0 : index
    %get3A_33 = vector.load %arg5[%get3A_31, %get3A_32] : memref<128x128xf32, #tpu.memory_space<vmem>>, vector<128x128xf32>
    %dot_general3A = arith.constant dense<0.000000e+00> : vector<1024x128xf32>
    %dot_general3A_34 = tpu.matmul %max3A_30, %get3A_33, %dot_general3A {dimension_numbers = #tpu.dot_dimension_numbers<[1], [0], [0], [1], [0, 0, 1, 1], [], []>, transpose_lhs_hint = false} : vector<1024x128xf32>, vector<128x128xf32>, vector<1024x128xf32> -> vector<1024x128xf32>
    %get3A_35 = arith.constant 0 : index
    %get3A_36 = arith.constant 0 : index
    %get3A_37 = vector.load %arg3[%get3A_35, %get3A_36] : memref<1024x1xf32, #tpu.memory_space<vmem>>, vector<1024x1xf32>
    %mul3A_38 = vector.broadcast %get3A_37 : vector<1024x1xf32> to vector<1024x128xf32>
    %mul3A_39 = arith.mulf %dot_general3A_34, %mul3A_38 : vector<1024x128xf32>
    %slice3A = vector.extract_strided_slice %mul3A_39 {offsets = [0, 0], sizes = [1024, 64], strides = [1, 1]} : vector<1024x128xf32> to vector<1024x64xf32>
    %swap3A = arith.constant 0 : index
    %swap3A_40 = arith.constant 0 : index
    %swap3A_41 = arith.constant 0 : index
    %swap3A_42 = vector.load %arg6[%swap3A, %swap3A_40, %swap3A_41] : memref<2x1024x64xf32, #tpu.memory_space<vmem>>, vector<1x1024x64xf32>
    %swap3A_43 = vector.shape_cast %swap3A_42 : vector<1x1024x64xf32> to vector<1024x64xf32>
    %swap3A_44 = vector.shape_cast %slice3A : vector<1024x64xf32> to vector<1x1024x64xf32>
    tpu.vector_store %arg6[%swap3A, %swap3A_40, %swap3A_41], %swap3A_44 {strides = array<i32>} : memref<2x1024x64xf32, #tpu.memory_space<vmem>>, vector<1x1024x64xf32>,
    %slice3A_45 = vector.extract_strided_slice %mul3A_39 {offsets = [0, 64], sizes = [1024, 64], strides = [1, 1]} : vector<1024x128xf32> to vector<1024x64xf32>
    %swap3A_46 = arith.constant 1 : index
    %swap3A_47 = arith.constant 0 : index
    %swap3A_48 = arith.constant 0 : index
    %swap3A_49 = vector.load %arg6[%swap3A_46, %swap3A_47, %swap3A_48] : memref<2x1024x64xf32, #tpu.memory_space<vmem>>, vector<1x1024x64xf32>
    %swap3A_50 = vector.shape_cast %swap3A_49 : vector<1x1024x64xf32> to vector<1024x64xf32>
    %swap3A_51 = vector.shape_cast %slice3A_45 : vector<1024x64xf32> to vector<1x1024x64xf32>
    tpu.vector_store %arg6[%swap3A_46, %swap3A_47, %swap3A_48], %swap3A_51 {strides = array<i32>} : memref<2x1024x64xf32, #tpu.memory_space<vmem>>, vector<1x1024x64xf32>,
    return
  }
  func.func @transform_0(%arg0: i32) -> (i32, i32, i32) {
    %c0_i32 = arith.constant 0 : i32
    %c0_i32_0 = arith.constant 0 : i32
    %c0_i32_1 = arith.constant 0 : i32
    return %c0_i32, %arg0, %c0_i32_0 : i32, i32, i32
  }
  func.func @transform_1(%arg0: i32) -> (i32, i32, i32) {
    %c0_i32 = arith.constant 0 : i32
    %c0_i32_0 = arith.constant 0 : i32
    %c0_i32_1 = arith.constant 0 : i32
    return %c0_i32, %arg0, %c0_i32_0 : i32, i32, i32
  }
  func.func @transform_2(%arg0: i32) -> (i32, i32) {
    %c0_i32 = arith.constant 0 : i32
    %c0_i32_0 = arith.constant 0 : i32
    return %arg0, %c0_i32 : i32, i32
  }
  func.func @transform_3(%arg0: i32) -> (i32, i32) {
    %c0_i32 = arith.constant 0 : i32
    %c0_i32_0 = arith.constant 0 : i32
    %c0_i32_1 = arith.constant 0 : i32
    return %c0_i32, %c0_i32_0 : i32, i32
  }
  func.func @transform_4(%arg0: i32) -> (i32, i32) {
    %c0_i32 = arith.constant 0 : i32
    %c0_i32_0 = arith.constant 0 : i32
    %c0_i32_1 = arith.constant 0 : i32
    return %c0_i32, %c0_i32_0 : i32, i32
  }
  func.func @transform_5(%arg0: i32) -> (i32, i32, i32) {
    %c0_i32 = arith.constant 0 : i32
    %c0_i32_0 = arith.constant 0 : i32
    %c0_i32_1 = arith.constant 0 : i32
    return %c0_i32, %arg0, %c0_i32_0 : i32, i32, i32
  }
}

module attributes {stable_mosaic.version = 14 : i64} {
  func.func @_tcfin_body(%arg0: i32, %arg1: memref<2x1024x64xf32, #tpu.memory_space<vmem>>, %arg2: memref<2x1024x64xf32, #tpu.memory_space<vmem>>, %arg3: memref<1024x1xf32, #tpu.memory_space<vmem>>, %arg4: memref<1x128xf32, #tpu.memory_space<vmem>>, %arg5: memref<128x1xf32, #tpu.memory_space<vmem>>, %arg6: memref<1x1xf32, #tpu.memory_space<vmem>>, %arg7: memref<1024x1xf32, #tpu.memory_space<vmem>>) attributes {dimension_semantics = [#tpu.dimension_semantics<arbitrary>], iteration_bounds = array<i64: 10>, scalar_prefetch = 0 : i64, scratch_operands = 0 : i64, tpu.core_type = #tpu.core_type<tc>, window_params = [{transform_indices = @transform_0, window_bounds = array<i64: 2, 1024, 64>}, {transform_indices = @transform_1, window_bounds = array<i64: 2, 1024, 64>}, {transform_indices = @transform_2, window_bounds = array<i64: 1024, 1>}, {pipeline_mode = #tpu.pipeline_mode<synchronous>, transform_indices = @transform_3, window_bounds = array<i64: 1, 128>}, {pipeline_mode = #tpu.pipeline_mode<synchronous>, transform_indices = @transform_4, window_bounds = array<i64: 128, 1>}, {pipeline_mode = #tpu.pipeline_mode<synchronous>, transform_indices = @transform_5, window_bounds = array<i64: 1, 1>}, {transform_indices = @transform_6, window_bounds = array<i64: 1024, 1>}]} {
    %get3A = arith.constant 0 : index
    %get3A_0 = arith.constant 0 : index
    %get3A_1 = arith.constant 0 : index
    %get3A_2 = vector.load %arg1[%get3A, %get3A_0, %get3A_1] : memref<2x1024x64xf32, #tpu.memory_space<vmem>>, vector<1x1024x64xf32>
    %get3A_3 = vector.shape_cast %get3A_2 : vector<1x1024x64xf32> to vector<1024x64xf32>
    %get3A_4 = arith.constant 0 : index
    %get3A_5 = arith.constant 0 : index
    %get3A_6 = arith.constant 0 : index
    %get3A_7 = vector.load %arg2[%get3A_4, %get3A_5, %get3A_6] : memref<2x1024x64xf32, #tpu.memory_space<vmem>>, vector<1x1024x64xf32>
    %get3A_8 = vector.shape_cast %get3A_7 : vector<1x1024x64xf32> to vector<1024x64xf32>
    %add3A = arith.addf %get3A_3, %get3A_8 : vector<1024x64xf32>
    %get3A_9 = arith.constant 1 : index
    %get3A_10 = arith.constant 0 : index
    %get3A_11 = arith.constant 0 : index
    %get3A_12 = vector.load %arg1[%get3A_9, %get3A_10, %get3A_11] : memref<2x1024x64xf32, #tpu.memory_space<vmem>>, vector<1x1024x64xf32>
    %get3A_13 = vector.shape_cast %get3A_12 : vector<1x1024x64xf32> to vector<1024x64xf32>
    %get3A_14 = arith.constant 1 : index
    %get3A_15 = arith.constant 0 : index
    %get3A_16 = arith.constant 0 : index
    %get3A_17 = vector.load %arg2[%get3A_14, %get3A_15, %get3A_16] : memref<2x1024x64xf32, #tpu.memory_space<vmem>>, vector<1x1024x64xf32>
    %get3A_18 = vector.shape_cast %get3A_17 : vector<1x1024x64xf32> to vector<1024x64xf32>
    %add3A_19 = arith.addf %get3A_13, %get3A_18 : vector<1024x64xf32>
    %concatenate3A = tpu.concatenate %add3A, %add3A_19 in 1 : vector<1024x64xf32>, vector<1024x64xf32> -> vector<1024x128xf32>
    %get3A_20 = arith.constant 0 : index
    %get3A_21 = arith.constant 0 : index
    %get3A_22 = vector.load %arg3[%get3A_20, %get3A_21] : memref<1024x1xf32, #tpu.memory_space<vmem>>, vector<1024x1xf32>
    %mul3A = vector.broadcast %get3A_22 : vector<1024x1xf32> to vector<1024x128xf32>
    %mul3A_23 = arith.mulf %concatenate3A, %mul3A : vector<1024x128xf32>
    %get3A_24 = arith.constant 0 : index
    %get3A_25 = arith.constant 0 : index
    %get3A_26 = vector.load %arg4[%get3A_24, %get3A_25] : memref<1x128xf32, #tpu.memory_space<vmem>>, vector<1x128xf32>
    %add3A_27 = vector.broadcast %get3A_26 : vector<1x128xf32> to vector<1024x128xf32>
    %add3A_28 = arith.addf %mul3A_23, %add3A_27 : vector<1024x128xf32>
    %get3A_29 = arith.constant 0 : index
    %get3A_30 = arith.constant 0 : index
    %get3A_31 = vector.load %arg5[%get3A_29, %get3A_30] : memref<128x1xf32, #tpu.memory_space<vmem>>, vector<128x1xf32>
    %dot_general3A = arith.constant dense<0.000000e+00> : vector<1024x1xf32>
    %dot_general3A_32 = tpu.matmul %add3A_28, %get3A_31, %dot_general3A {dimension_numbers = #tpu.dot_dimension_numbers<[1], [0], [0], [1], [0, 0, 1, 1], [], []>, transpose_lhs_hint = false} : vector<1024x128xf32>, vector<128x1xf32>, vector<1024x1xf32> -> vector<1024x1xf32>
    %get3A_33 = arith.constant 0 : index
    %get3A_34 = arith.constant 0 : index
    %get3A_35 = vector.load %arg6[%get3A_33, %get3A_34] : memref<1x1xf32, #tpu.memory_space<vmem>>, vector<1x1xf32>
    %add3A_36 = vector.broadcast %get3A_35 : vector<1x1xf32> to vector<1024x1xf32>
    %add3A_37 = arith.addf %dot_general3A_32, %add3A_36 : vector<1024x1xf32>
    %swap3A = arith.constant 0 : index
    %swap3A_38 = arith.constant 0 : index
    %swap3A_39 = vector.load %arg7[%swap3A, %swap3A_38] : memref<1024x1xf32, #tpu.memory_space<vmem>>, vector<1024x1xf32>
    tpu.vector_store %arg7[%swap3A, %swap3A_38], %add3A_37 {strides = array<i32>} : memref<1024x1xf32, #tpu.memory_space<vmem>>, vector<1024x1xf32>,
    return
  }
  func.func @transform_0(%arg0: i32) -> (i32, i32, i32) {
    %c0_i32 = arith.constant 0 : i32
    %c0_i32_0 = arith.constant 0 : i32
    %c0_i32_1 = arith.constant 0 : i32
    return %c0_i32, %arg0, %c0_i32_0 : i32, i32, i32
  }
  func.func @transform_1(%arg0: i32) -> (i32, i32, i32) {
    %c0_i32 = arith.constant 0 : i32
    %c0_i32_0 = arith.constant 0 : i32
    %c0_i32_1 = arith.constant 0 : i32
    return %c0_i32, %arg0, %c0_i32_0 : i32, i32, i32
  }
  func.func @transform_2(%arg0: i32) -> (i32, i32) {
    %c0_i32 = arith.constant 0 : i32
    %c0_i32_0 = arith.constant 0 : i32
    return %arg0, %c0_i32 : i32, i32
  }
  func.func @transform_3(%arg0: i32) -> (i32, i32) {
    %c0_i32 = arith.constant 0 : i32
    %c0_i32_0 = arith.constant 0 : i32
    %c0_i32_1 = arith.constant 0 : i32
    return %c0_i32, %c0_i32_0 : i32, i32
  }
  func.func @transform_4(%arg0: i32) -> (i32, i32) {
    %c0_i32 = arith.constant 0 : i32
    %c0_i32_0 = arith.constant 0 : i32
    %c0_i32_1 = arith.constant 0 : i32
    return %c0_i32, %c0_i32_0 : i32, i32
  }
  func.func @transform_5(%arg0: i32) -> (i32, i32) {
    %c0_i32 = arith.constant 0 : i32
    %c0_i32_0 = arith.constant 0 : i32
    %c0_i32_1 = arith.constant 0 : i32
    return %c0_i32, %c0_i32_0 : i32, i32
  }
  func.func @transform_6(%arg0: i32) -> (i32, i32) {
    %c0_i32 = arith.constant 0 : i32
    %c0_i32_0 = arith.constant 0 : i32
    return %arg0, %c0_i32 : i32, i32
  }
}

</mosaic_0001>

<sc_bundles>
// kernel: _run.11.cloned.1.call-start
scs
__scs_entry_jumppad:
0x0: {  	(pc) =	sbr.rel $0x88, $3  }
0x1: {  	(tag) =	ssettag $0x0;
	lr =	simm.s32 $0x1  }
0x2: {  	[smem:$0x3F95] =	sst lr;
	_ =	strace $0xD0000000  }
0x3: {  	_ = 	snop  }
0x4: {  	_ = 	snop  }
0x5: {  	_ = 	snop  }
0x6: {  	_ = 	snop  }
0x7: {  	_ = 	snop  }
__scs_overlays_trampoline_lowered:
0x8: {  	[smem:$0x3FA4] =	sst s0  }
0x9: {  	[smem:$0x3FA5] =	sst s1  }
0xa: {  	[smem:$0x3FA6] =	sst s2  }
0xb: {  	[smem:$0x3FA7] =	sst s3  }
0xc: {  	[smem:$0x3FA8] =	sst s4  }
0xd: {  	[smem:$0x3FA9] =	sst s5  }
0xe: {  	[smem:$0x3FAA] =	sst s6  }
0xf: {  	[smem:$0x3FAB] =	sst s7  }
0x10: {  	[smem:$0x3FAC] =	sst s8  }
0x11: {  	[smem:$0x3FAD] =	sst s9;
	s0 =	simm.s32 @!p0 $0x0  }
0x12: {  	s1 =	sld [smem:$0x3F93];
	s0 =	simm.s32 @p0 $0x1  }
0x13: {  	[smem:$0x3FAE] =	sst s0;
	s0 =	simm.s32 @!p1 $0x0  }
0x14: {  	s2 =	sld [smem:$0x3F92];
	s0 =	simm.s32 @p1 $0x1  }
0x15: {  	[smem:$0x3FAF] =	sst s0;
	s0 =	simm.s32 @!p2 $0x0  }
0x16: {  	s3 =	sld [smem:$0x3FDB];
	s0 =	simm.s32 @p2 $0x1  }
0x17: {  	s4 =	simm.s32 $0x1BF5;
	[smem:$0x3FB1] =	sst s0  }
0x18: {  	s0 =	sld [smem:$0x3F94];
	_ =	swait.ge [sflag:s4], $0x0  }
0x19: {  	s7 =	sld [smem:$0x3F95]  }
0x1a: {  	s8 =	sadd.s32 $0xFFFFE003, lr  }
0x1b: {  	s9 =	sadd.s32 $0xFFFFFEF7, lr;
	s5 =	simm.s32 $0xFFFFFFFF;
	p2 =	slt.u32 s8, $0xFFFFF086  }
0x1c: {  	p1 =	slt.u32 s9, $0xF7A;
	s5 =	simm.s32 @!p2 $0x0  }
0x1d: {  	s5 =	simm.s32 @p1 $0x1;
	p0 =	seq.s32 s7, s2  }
0x1e: {  	s7 =	smul.u32 @!p0 $0xF7A, s2;
	p2 =	seq.s32 @!p0 s5, $0x0  }
0x1f: {  	s9 =	smul.u32 $0xF7A, s1;
	s8 =	simm.s32 @!p0 $0x1BF5;
	p2 =	por !p2, p0  }
0x20: {  	[sflag:s8] =	ssyncset.s32 @!p0 $0xFFFFF086;
	s6 =	sadd.s32 @!p0 s3, s7;
	s7 =	simm.s32 @!p0 $0x108  }
0x21: {  	s3 =	sadd.s32 s3, s9;
	s6 =	sadd.s32 @!p0 $0x88, s6;
	s7 =	simm.s32 @p2 $0x1082  }
0x22: {  	[simem:s7], [sflag:s8] =	dma.local @!p0 [hbm:s6], $0xF7A  }
0x23: {  	s9 =	sor.u32 $0xD0000000, s2;
	s6 =	simm.s32 $0x108;
	_ =	swait.ge @!p0 [sflag:s8], $0x0  }
0x24: {  	s3 =	sadd.s32 $0x88, s3;
	s6 =	simm.s32 @!p1 $0x1082;
	[sflag:s4] =	ssyncset.s32 $0xFFFFF086  }
0x25: {  	[simem:s6], [sflag:s4] =	dma.local [hbm:s3], $0xF7A  }
0x26: {  	[smem:$0x3F95] =	sst s1;
	(tag) =	ssettag s2;
	_ =	strace s9  }
0x27: {  	s1 =	sld [smem:$0x3FA5]  }
0x28: {  	s2 =	sld [smem:$0x3FA6]  }
0x29: {  	s4 =	sld [smem:$0x3FA8]  }
0x2a: {  	p0 =	seq.s32 s5, $0x0;
	s5 =	sld [smem:$0x3FA9]  }
0x2b: {  	s6 =	sld [smem:$0x3FAA]  }
0x2c: {  	s7 =	sld [smem:$0x3FAB]  }
0x2d: {  	s3 =	simm.s32 $0x108;
	s8 =	sld [smem:$0x3FAC]  }
0x2e: {  	s3 =	simm.s32 @!p0 $0x1082;
	s9 =	sld [smem:$0x3FAD]  }
0x2f: {  	lr =	sadd.s32 s0, s3;
	s0 =	sld [smem:$0x3FA4]  }
0x30: {  	s3 =	sld [smem:$0x3FA7]  }
0x31: {  	[smem:$0x3FB0] =	sst s10  }
0x32: {  	s10 =	sld [smem:$0x3FAE];
	_ =	sdelay $0x3  }
0x33: {  	p0 =	seq.s32 s10, $0x1;
	s10 =	sld [smem:$0x3FB0];
	_ =	sdelay $0x3  }
0x34: {  	[smem:$0x3FB0] =	sst s10  }
0x35: {  	s10 =	sld [smem:$0x3FAF];
	_ =	sdelay $0x3  }
0x36: {  	p1 =	seq.s32 s10, $0x1;
	s10 =	sld [smem:$0x3FB0];
	_ =	sdelay $0x3  }
0x37: {  	[smem:$0x3FB0] =	sst s10  }
0x38: {  	s10 =	sld [smem:$0x3FB1]  }
0x39: {  	_ = 	snop;
	(pc) =	sbr.ind lr, $3  }
0x3a: {  	_ = 	snop  }
0x3b: {  	_ = 	snop  }
0x3c: {  	p2 =	seq.s32 s10, $0x1;
	s10 =	sld [smem:$0x3FB0]  }
0x3d: {  	_ =	shalt  }
0x3e: {  	_ =	shalt  }
0x3f: {  	_ =	shalt  }
0x40: {  	_ =	shalt  }
0x41: {  	_ =	shalt  }
0x42: {  	_ =	shalt  }
0x43: {  	_ =	shalt  }
0x44: {  	_ =	shalt  }
0x45: {  	_ =	shalt  }
0x46: {  	_ =	shalt  }
0x47: {  	_ =	shalt  }
0x48: {  	_ =	shalt  }
0x49: {  	_ =	shalt  }
0x4a: {  	_ =	shalt  }
0x4b: {  	_ =	shalt  }
0x4c: {  	_ =	shalt  }
0x4d: {  	_ =	shalt  }
0x4e: {  	_ =	shalt  }
0x4f: {  	_ =	shalt  }
0x50: {  	_ =	shalt  }
0x51: {  	_ =	shalt  }
0x52: {  	_ =	shalt  }
0x53: {  	_ =	shalt  }
0x54: {  	_ =	shalt  }
0x55: {  	_ =	shalt  }
0x56: {  	_ =	shalt  }
0x57: {  	_ =	shalt  }
0x58: {  	_ =	shalt  }
0x59: {  	_ =	shalt  }
0x5a: {  	_ =	shalt  }
0x5b: {  	_ =	shalt  }
0x5c: {  	_ =	shalt  }
0x5d: {  	_ =	shalt  }
0x5e: {  	_ =	shalt  }
0x5f: {  	_ =	shalt  }
0x60: {  	_ =	shalt  }
0x61: {  	_ =	shalt  }
0x62: {  	_ =	shalt  }
0x63: {  	_ =	shalt  }
0x64: {  	_ =	shalt  }
0x65: {  	_ =	shalt  }
0x66: {  	_ =	shalt  }
0x67: {  	_ =	shalt  }
0x68: {  	_ =	shalt  }
0x69: {  	_ =	shalt  }
0x6a: {  	_ =	shalt  }
0x6b: {  	_ =	shalt  }
0x6c: {  	_ =	shalt  }
0x6d: {  	_ =	shalt  }
0x6e: {  	_ =	shalt  }
0x6f: {  	_ =	shalt  }
0x70: {  	_ =	shalt  }
0x71: {  	_ =	shalt  }
0x72: {  	_ =	shalt  }
0x73: {  	_ =	shalt  }
0x74: {  	_ =	shalt  }
0x75: {  	_ =	shalt  }
0x76: {  	_ =	shalt  }
0x77: {  	_ =	shalt  }
0x78: {  	_ =	shalt  }
0x79: {  	_ =	shalt  }
0x7a: {  	_ =	shalt  }
0x7b: {  	_ =	shalt  }
0x7c: {  	_ =	shalt  }
0x7d: {  	_ =	shalt  }
0x7e: {  	_ =	shalt  }
0x7f: {  	_ =	shalt  }
0x80: {  	_ =	shalt  }
0x81: {  	_ =	shalt  }
0x82: {  	_ =	shalt  }
0x83: {  	_ =	shalt  }
0x84: {  	_ =	shalt  }
0x85: {  	_ =	shalt  }
0x86: {  	_ =	shalt  }
0x87: {  	_ =	shalt  }
.Lfunc_end0:
.L_simem_size_0:
called_computation_lowered:
.L_overlay_start_0:
0x88: {  	s2 =	sld [smem:$0x3FD9]  }
0x89: {  	s3 =	sld [smem:$0x3FFE];
	_ =	sdelay $0x1  }
0x8a: {  	s1 =	srdreg.scid  }
0x8b: {  	s0 =	sand.u32 $0x1, s1  }
0x8c: {  	s16 =	sshll.u32 s0, $0xA;
	s2 =	sadd.s32 s3, s2  }
0x8d: {  	s2 =	sadd.s32 s2, s16  }
0x8e: {  	[smem:$0x3FBC] =	sst s2  }
0x8f: {  	_ = 	snop  }
0x90: {  	(tm) =	ssettm $0x1  }
0x91: {  	s17 =	sld [smem:$0x3FFB];
	_ =	sdelay $0x3  }
0x92: {  	_ =	strace s17  }
0x93: {  	s2 =	sld [smem:$0x3FFC];
	_ =	sdelay $0x3  }
0x94: {  	_ =	strace s2  }
0x95: {  	s2 =	sld [smem:$0x3FFD];
	_ =	sdelay $0x3  }
0x96: {  	_ =	strace s2  }
0x97: {  	_ =	strace $0x8FFFFFFF  }
0x98: {  	s18 =	sld [smem:$0x3FDB];
	_ =	sdelay $0x1  }
0x99: {  	s19 =	simm.s32 $_scs_section_size  }
0x9a: {  	s4 =	simm.s32 $_size__tile_overlayer_lowered;
	s5 =	simm.s32 $_tile_overlayer_lowered  }
0x9b: {  	s22 =	simm.s32 $0x1BFF;
	s21 =	sshll.u32 s5, $0x1;
	s2 =	sadd.s32 s19, s18  }
0x9c: {  	s6 =	simm.s32 $0x0;
	s20 =	sshll.u32 s4, $0x1;
	s4 =	sadd.s32 s21, s2  }
0x9d: {  	[timem:s6], [sflag:s22] =	dma.local [hbm:s4], s20  }
0x9e: {  	_ =	swait.ge [sflag:s22], s20  }
0x9f: {  	s3 =	ssub.s32 $0x0, s20;
	[sflag:s22] =	ssyncset.done $0x0  }
0xa0: {  	[sflag:s22] =	ssyncadd.s32 s3;
	_ =	sdelay $0x1  }
0xa1: {  	s23 =	simm.s32 $0x1B8B  }
0xa2: {  	_ =	swait.ge [sflag:s23], $0x1  }
0xa3: {  	[sflag:s23] =	ssyncset.done $0x0  }
0xa4: {  	s25 =	simm.s32 $0x1B8E;
	s24 =	sld [smem:$0x3FFE];
	[sflag:s23] =	ssyncadd.s32 $0xFFFFFFFF  }
0xa5: {  	s26 =	simm.s32 $execute0_lowered;
	[smem:$0x3FD2] =	sst s25  }
0xa6: {  	s4 =	sshll.u32 s26, $0x1;
	_ =	strace $0x80000046;
	[dreg:$0x1] =	wrdreg $0xFFFFFFFF  }
0xa7: {  	s28 =	simm.s32 $_size_execute0_lowered;
	s2 =	sadd.s32 s2, s4;
	[dreg:$0x0] =	wrdreg $0x0  }
0xa8: {  	s4 =	sshll.u32 s28, $0x1;
	[dreg:$0x2] =	wrdreg s2  }
0xa9: {  	[dreg:$0x3] =	wrdreg s4  }
0xaa: {  	[dreg:$0x4] =	wrdreg $0xC0  }
0xab: {  	_ =	task [dreg:s6], $0x5FFFF  }
0xac: {  	[dreg:$0x1] =	wrdreg $0xFFFFFFFF  }
0xad: {  	[dreg:$0x0] =	wrdreg $0x60  }
0xae: {  	[dreg:$0x2] =	wrdreg s24  }
0xaf: {  	[dreg:$0x3] =	wrdreg $0x2A500  }
0xb0: {  	[dreg:$0x4] =	wrdreg $0x9  }
0xb1: {  	_ =	task.clear_ibuf [dreg:s6], $0x5FFFF;
	_ =	strace $0x90000046  }
0xb2: {  	s29 =	simm.s32 $0x9;
	_ =	strace $0x80000048  }
0xb3: {  	_ =	swait.ge [sflag:s29], $0x1  }
0xb4: {  	[sflag:s29] =	ssyncadd.s32 $0xFFFFFFFF  }
0xb5: {  	_ =	strace $0x90000048  }
0xb6: {  	_ =	sfence  }
0xb7: {  	s30 =	sld [smem:$0x0];
	_ =	sdelay $0x2  }
0xb8: {  	s31 =	sshll.u32 s1, $0xD;
	s1 =	sshrl.u32 s1, $0x2  }
0xb9: {  	s3 =	sand.u32 $0x4000, s31;
	s1 =	sadd.s32 s1, s30  }
0xba: {  	s0 =	sor.u32 s3, s0;
	s1 =	sshll.u32 s1, $0x11  }
0xbb: {  	s0 =	sor.u32 s1, s0  }
0xbc: {  	s0 =	sadd.s32 $0x8F2B, s0  }
0xbd: {  	[sflag:s0] =	ssyncadd.remote.s32 $0x1  }
0xbe: {  	_ =	sfence.sel $0xFFFF  }
0xbf: {  	[dreg:$0x0] =	wrdreg $0xFFFFFFFF;
	(pc) =	sbr.abs _section_cstart, $3  }
0xc0: {  	[dreg:$0x1] =	wrdreg $0xFFFFFFFF  }
0xc1: {  	_ =	task.clear_ibuf [dreg:s6], $0x2FFFF;
	_ =	strace $0x9FFFFFFF  }
0xc2: {  	(tm) =	ssettm $0x7FFFFFFF  }
0xc3: {  	_ =	shalt  }
tec
execute0_lowered:
.L_overlay_start_1:
0x0: {  	(tag) =	ssettag $0x1  }
0x1: {  	s4 =	rddreg [dreg:$0x0]  }
0x2: {  	s2 =	rddreg [dreg:$0x1];
	s3 =	srdreg.scid  }
0x3: {  	s1 =	stileid.u32;
	s0 =	rddreg [dreg:$0x2];
	s10 =	simm.s32 $0x70  }
0x4: {  	s11 =	simm.s32 $0x2760;
	s5 =	sand.u32 $0x1, s3;
	s6 =	smul.u32 $0x280, s1  }
0x5: {  	s3 =	simm.s32 $0x0;
	s7 =	sshll.u32 s1, $0x1;
	s8 =	smul.u32 $0x2800, s5  }
0x6: {  	s12 =	simm.s32 $0x0;
	[smem:$0x7FF] =	sst s3;
	s7 =	sor.u32 s5, s7  }
0x7: {  	s5 =	ssub.s32 $0x2, s5;
	s7 =	smul.u32 $0x4EC, s7;
	s8 =	sadd.s32 s6, s8  }
0x8: {  	_ =	strace $0x80000047;
	s9 =	sshrl.u32 s5, $0x1;
	s8 =	sshrl.u32 s8, $0x3  }
0x9: {  	s9 =	ssub.s32 s5, s9;
	s7 =	sadd.s32 s7, s4;
	s8 =	sadd.s32 s8, s4  }
0xa: {  	s4 =	sadd.s32 s6, s2;
	s5 =	sadd.s32 $0x3000, s7;
	s7 =	smax.u32 s9, $0x1  }
0xb: {  	v0 =	vimm.f32 $0.0e+00;
	v1 =	vimm.f32 $1.000000000e+00;
	s9 =	simm.s32 $0x1;
	s6 =	sadd.s32 $0xCE00, s8;
	s8 =	simm.s32 $0x27D0  }
.LBB2_1:
0xc: {  	[tilespmem:$0x27D0] =	vst v0  }
0xd: {  	[tilespmem:$0x27E0] =	vst v0  }
0xe: {  	[tilespmem:$0x27F0] =	vst v0  }
0xf: {  	[tilespmem:$0x2800] =	vst v0  }
0x10: {  	[tilespmem:$0x2810] =	vst v0  }
0x11: {  	[tilespmem:$0x2820] =	vst v0  }
0x12: {  	[tilespmem:$0x2830] =	vst v0  }
0x13: {  	[tilespmem:$0x2840] =	vst v0  }
0x14: {  	[tilespmem:$0x2850] =	vst v0  }
0x15: {  	[tilespmem:$0x2860] =	vst v0  }
0x16: {  	[tilespmem:$0x2870] =	vst v0  }
0x17: {  	[tilespmem:$0x2880] =	vst v0  }
0x18: {  	[tilespmem:$0x2890] =	vst v0  }
0x19: {  	[tilespmem:$0x28A0] =	vst v0  }
0x1a: {  	[tilespmem:$0x28B0] =	vst v0  }
0x1b: {  	[tilespmem:$0x28C0] =	vst v0  }
0x1c: {  	[tilespmem:$0x28D0] =	vst v0  }
0x1d: {  	[tilespmem:$0x28E0] =	vst v0  }
0x1e: {  	[tilespmem:$0x28F0] =	vst v0  }
0x1f: {  	[tilespmem:$0x2900] =	vst v0  }
0x20: {  	[tilespmem:$0x2910] =	vst v0  }
0x21: {  	[tilespmem:$0x2920] =	vst v0  }
0x22: {  	[tilespmem:$0x2930] =	vst v0  }
0x23: {  	[tilespmem:$0x2940] =	vst v0  }
0x24: {  	[tilespmem:$0x2950] =	vst v0  }
0x25: {  	[tilespmem:$0x2960] =	vst v0  }
0x26: {  	[tilespmem:$0x2970] =	vst v0  }
0x27: {  	[tilespmem:$0x2980] =	vst v0  }
0x28: {  	[tilespmem:$0x2990] =	vst v0  }
0x29: {  	[tilespmem:$0x29A0] =	vst v0  }
0x2a: {  	[tilespmem:$0x29B0] =	vst v0  }
0x2b: {  	[tilespmem:$0x29C0] =	vst v0  }
0x2c: {  	[tilespmem:$0x29D0] =	vst v0  }
0x2d: {  	[tilespmem:$0x29E0] =	vst v0  }
0x2e: {  	[tilespmem:$0x29F0] =	vst v0  }
0x2f: {  	[tilespmem:$0x2A00] =	vst v0  }
0x30: {  	[tilespmem:$0x2A10] =	vst v0  }
0x31: {  	[tilespmem:$0x2A20] =	vst v0  }
0x32: {  	[tilespmem:$0x2A30] =	vst v0  }
0x33: {  	[tilespmem:$0x2A40] =	vst v0  }
0x34: {  	[tilespmem:$0x2760] =	vst v1  }
0x35: {  	[tilespmem:$0x2770] =	vst v1  }
0x36: {  	[tilespmem:$0x2780] =	vst v1  }
0x37: {  	[tilespmem:$0x2790] =	vst v1  }
0x38: {  	[tilespmem:$0x27A0] =	vst v1  }
0x39: {  	[tilespmem:$0x27B0] =	vst v1  }
0x3a: {  	[tilespmem:$0x27C0] =	vst v1  }
0x3b: {  	[spmem:s4] =	stream.linear.scatter [tilespmem:s8], [sflag:$0x1], $0x280, $0x38;
	[tilespmem:$0x2CD0] =	vst v63  }
0x3c: {  	_ =	swait.ge [sflag:s9], $0x280  }
0x3d: {  	[sflag:s9] =	ssyncset.done $0x0  }
0x3e: {  	[sflag:s9] =	ssyncadd.s32 $0xFFFFFD80  }
0x3f: {  	[tilespmem:s3], [sflag:$0x1] =	stream.linear.gather [hbm4b:s5+s3], $0x2760, $0x38;
	[tilespmem:$0x2CD0] =	vst v63  }
0x40: {  	_ =	swait.ge [sflag:s9], $0x2760  }
0x41: {  	[sflag:s9] =	ssyncset.done $0x0  }
0x42: {  	[sflag:s9] =	ssyncadd.s32 $0xFFFFD8A0  }
0x43: {  	s13 =	simm.s32 $0x0;
	[bflag:$0x0] =	sbarrier.arrive $0xFFFF  }
0x44: {  	[spmem:s2] =	stream.indirect.scatter.add.f32 [tilespmem:s11], [sflag:$0x1], $0x1, s13, s10, $0xb8;
	[tilespmem:$0x2CD0] =	vst v63  }
0x45: {  	_ =	swait.ge [sflag:s9], $0x70  }
0x46: {  	s13 =	simm.s32 $0x1C0;
	[sflag:s9] =	ssyncset.done $0x0  }
.LBB2_2:
0x47: {  	s14 =	sshra.s32 s13, $0x2;
	[sflag:s9] =	ssyncadd.s32 $0xFFFFFF90;
	p0 =	sne.s32 s13, $0x9BC0  }
0x48: {  	[spmem:s2] =	stream.indirect.scatter.add.f32 [tilespmem:s11], [sflag:$0x1], $0x1, s14, s10, $0xb8;
	[tilespmem:$0x2CD0] =	vst v63  }
.Ltmp0:
0x49: {  	_ = 	snop;
	(pc) =	sbr.rel @p0 .LBB2_2-.Ltmp0, $4  }
0x4a: {  	_ = 	snop  }
0x4b: {  	s13 =	sadd.s32 $0x1C0, s13  }
0x4c: {  	_ =	swait.ge [sflag:s9], $0x70  }
0x4d: {  	[sflag:s9] =	ssyncset.done $0x0  }
0x4e: {  	[sflag:s9] =	ssyncadd.s32 $0xFFFFFF90  }
0x4f: {  	[bflag:$0x0] =	sbarrier.arrive $0xFFFF  }
0x50: {  	[tilespmem:s8], [sflag:$0x1] =	stream.linear.gather [spmem:s4], $0x280, $0x38;
	[tilespmem:$0x2CD0] =	vst v63  }
0x51: {  	s12 =	sadd.s32 $0x1, s12;
	_ =	swait.ge [sflag:s9], $0x280  }
0x52: {  	p0 =	sne.s32 s12, s7;
	[sflag:s9] =	ssyncset.done $0x0  }
.Ltmp1:
0x53: {  	[sflag:s9] =	ssyncadd.s32 $0xFFFFFD80;
	(pc) =	sbr.rel @p0 .LBB2_1-.Ltmp1, $4  }
0x54: {  	[hbm4b:s6+s3] =	stream.linear.scatter [tilespmem:s8], [sflag:$0x1], $0x280, $0x38;
	[tilespmem:$0x2CD0] =	vst v63  }
0x55: {  	_ =	swait.ge [sflag:s9], $0x280  }
0x56: {  	[sflag:s9] =	ssyncset.done $0x0  }
0x57: {  	[sflag:s9] =	ssyncadd.s32 $0xFFFFFD80  }
0x58: {  	_ =	sfence.sel $0x180000  }
0x59: {  	[bflag:$0x0] =	sbarrier.arrive $0xFFFF  }
0x5a: {  	p0 =	sne.s32 s1, $0x0;
	_ =	strace $0x90000047  }
0x5b: {  	s0 =	sadd.s32 @!p0 $0x100000, s0;
	[bflag:$0x2] =	sbarrier.arrive $0xFFFF  }
0x5c: {  	[sflag:s0] =	ssyncadd.tile.s32 @!p0 $0x1;
	_ =	shalt  }
.Lfunc_end2:
_tile_overlayer_lowered:
.L_overlay_start_2:
0x5d: {  	(tag) =	ssettag $0x2  }
0x5e: {  	s0 =	rddreg [dreg:$0x0];
	s2 =	stileid.u32  }
0x5f: {  	s1 =	rddreg [dreg:$0x1];
	p0 =	sne.s32 s2, $0x0  }
0x60: {  	s3 =	rddreg [dreg:$0x2];
	[bflag:$0x3] =	sbarrier.arrive $0xFFFF;
	s2 =	simm.s32 @!p0 $0x1C01  }
0x61: {  	[timem:s3], [sflag:s2] =	dma.local @!p0 [hbm:s0], s1  }
0x62: {  	s0 =	simm.s32 @!p0 $0x1  }
0x63: {  	_ =	swait.ge @!p0 [sflag:s0], s1  }
0x64: {  	s1 =	ssub.s32 @!p0 $0x0, s1;
	[sflag:s0] =	ssyncset.done @!p0 $0x0  }
0x65: {  	[sflag:s0] =	ssyncadd.s32 @!p0 s1  }
0x66: {  	[bflag:$0x3] =	sbarrier.arrive $0xFFFF  }
0x67: {  	_ =	shalt  }

// kernel: _run.14.cloned.1.call-start
scs
__scs_entry_jumppad:
0x0: {  	(pc) =	sbr.rel $0x88, $3  }
0x1: {  	(tag) =	ssettag $0x0;
	lr =	simm.s32 $0x1  }
0x2: {  	[smem:$0x3F95] =	sst lr;
	_ =	strace $0xD0000000  }
0x3: {  	_ = 	snop  }
0x4: {  	_ = 	snop  }
0x5: {  	_ = 	snop  }
0x6: {  	_ = 	snop  }
0x7: {  	_ = 	snop  }
__scs_overlays_trampoline_lowered:
0x8: {  	[smem:$0x3FA4] =	sst s0  }
0x9: {  	[smem:$0x3FA5] =	sst s1  }
0xa: {  	[smem:$0x3FA6] =	sst s2  }
0xb: {  	[smem:$0x3FA7] =	sst s3  }
0xc: {  	[smem:$0x3FA8] =	sst s4  }
0xd: {  	[smem:$0x3FA9] =	sst s5  }
0xe: {  	[smem:$0x3FAA] =	sst s6  }
0xf: {  	[smem:$0x3FAB] =	sst s7  }
0x10: {  	[smem:$0x3FAC] =	sst s8  }
0x11: {  	[smem:$0x3FAD] =	sst s9;
	s0 =	simm.s32 @!p0 $0x0  }
0x12: {  	s1 =	sld [smem:$0x3F93];
	s0 =	simm.s32 @p0 $0x1  }
0x13: {  	[smem:$0x3FAE] =	sst s0;
	s0 =	simm.s32 @!p1 $0x0  }
0x14: {  	s2 =	sld [smem:$0x3F92];
	s0 =	simm.s32 @p1 $0x1  }
0x15: {  	[smem:$0x3FAF] =	sst s0;
	s0 =	simm.s32 @!p2 $0x0  }
0x16: {  	s3 =	sld [smem:$0x3FDB];
	s0 =	simm.s32 @p2 $0x1  }
0x17: {  	s4 =	simm.s32 $0x1BF5;
	[smem:$0x3FB1] =	sst s0  }
0x18: {  	s0 =	sld [smem:$0x3F94];
	_ =	swait.ge [sflag:s4], $0x0  }
0x19: {  	s7 =	sld [smem:$0x3F95]  }
0x1a: {  	s8 =	sadd.s32 $0xFFFFE003, lr  }
0x1b: {  	s9 =	sadd.s32 $0xFFFFFEF7, lr;
	s5 =	simm.s32 $0xFFFFFFFF;
	p2 =	slt.u32 s8, $0xFFFFF086  }
0x1c: {  	p1 =	slt.u32 s9, $0xF7A;
	s5 =	simm.s32 @!p2 $0x0  }
0x1d: {  	s5 =	simm.s32 @p1 $0x1;
	p0 =	seq.s32 s7, s2  }
0x1e: {  	s7 =	smul.u32 @!p0 $0xF7A, s2;
	p2 =	seq.s32 @!p0 s5, $0x0  }
0x1f: {  	s9 =	smul.u32 $0xF7A, s1;
	s8 =	simm.s32 @!p0 $0x1BF5;
	p2 =	por !p2, p0  }
0x20: {  	[sflag:s8] =	ssyncset.s32 @!p0 $0xFFFFF086;
	s6 =	sadd.s32 @!p0 s3, s7;
	s7 =	simm.s32 @!p0 $0x108  }
0x21: {  	s3 =	sadd.s32 s3, s9;
	s6 =	sadd.s32 @!p0 $0x88, s6;
	s7 =	simm.s32 @p2 $0x1082  }
0x22: {  	[simem:s7], [sflag:s8] =	dma.local @!p0 [hbm:s6], $0xF7A  }
0x23: {  	s9 =	sor.u32 $0xD0000000, s2;
	s6 =	simm.s32 $0x108;
	_ =	swait.ge @!p0 [sflag:s8], $0x0  }
0x24: {  	s3 =	sadd.s32 $0x88, s3;
	s6 =	simm.s32 @!p1 $0x1082;
	[sflag:s4] =	ssyncset.s32 $0xFFFFF086  }
0x25: {  	[simem:s6], [sflag:s4] =	dma.local [hbm:s3], $0xF7A  }
0x26: {  	[smem:$0x3F95] =	sst s1;
	(tag) =	ssettag s2;
	_ =	strace s9  }
0x27: {  	s1 =	sld [smem:$0x3FA5]  }
0x28: {  	s2 =	sld [smem:$0x3FA6]  }
0x29: {  	s4 =	sld [smem:$0x3FA8]  }
0x2a: {  	p0 =	seq.s32 s5, $0x0;
	s5 =	sld [smem:$0x3FA9]  }
0x2b: {  	s6 =	sld [smem:$0x3FAA]  }
0x2c: {  	s7 =	sld [smem:$0x3FAB]  }
0x2d: {  	s3 =	simm.s32 $0x108;
	s8 =	sld [smem:$0x3FAC]  }
0x2e: {  	s3 =	simm.s32 @!p0 $0x1082;
	s9 =	sld [smem:$0x3FAD]  }
0x2f: {  	lr =	sadd.s32 s0, s3;
	s0 =	sld [smem:$0x3FA4]  }
0x30: {  	s3 =	sld [smem:$0x3FA7]  }
0x31: {  	[smem:$0x3FB0] =	sst s10  }
0x32: {  	s10 =	sld [smem:$0x3FAE];
	_ =	sdelay $0x3  }
0x33: {  	p0 =	seq.s32 s10, $0x1;
	s10 =	sld [smem:$0x3FB0];
	_ =	sdelay $0x3  }
0x34: {  	[smem:$0x3FB0] =	sst s10  }
0x35: {  	s10 =	sld [smem:$0x3FAF];
	_ =	sdelay $0x3  }
0x36: {  	p1 =	seq.s32 s10, $0x1;
	s10 =	sld [smem:$0x3FB0];
	_ =	sdelay $0x3  }
0x37: {  	[smem:$0x3FB0] =	sst s10  }
0x38: {  	s10 =	sld [smem:$0x3FB1]  }
0x39: {  	_ = 	snop;
	(pc) =	sbr.ind lr, $3  }
0x3a: {  	_ = 	snop  }
0x3b: {  	_ = 	snop  }
0x3c: {  	p2 =	seq.s32 s10, $0x1;
	s10 =	sld [smem:$0x3FB0]  }
0x3d: {  	_ =	shalt  }
0x3e: {  	_ =	shalt  }
0x3f: {  	_ =	shalt  }
0x40: {  	_ =	shalt  }
0x41: {  	_ =	shalt  }
0x42: {  	_ =	shalt  }
0x43: {  	_ =	shalt  }
0x44: {  	_ =	shalt  }
0x45: {  	_ =	shalt  }
0x46: {  	_ =	shalt  }
0x47: {  	_ =	shalt  }
0x48: {  	_ =	shalt  }
0x49: {  	_ =	shalt  }
0x4a: {  	_ =	shalt  }
0x4b: {  	_ =	shalt  }
0x4c: {  	_ =	shalt  }
0x4d: {  	_ =	shalt  }
0x4e: {  	_ =	shalt  }
0x4f: {  	_ =	shalt  }
0x50: {  	_ =	shalt  }
0x51: {  	_ =	shalt  }
0x52: {  	_ =	shalt  }
0x53: {  	_ =	shalt  }
0x54: {  	_ =	shalt  }
0x55: {  	_ =	shalt  }
0x56: {  	_ =	shalt  }
0x57: {  	_ =	shalt  }
0x58: {  	_ =	shalt  }
0x59: {  	_ =	shalt  }
0x5a: {  	_ =	shalt  }
0x5b: {  	_ =	shalt  }
0x5c: {  	_ =	shalt  }
0x5d: {  	_ =	shalt  }
0x5e: {  	_ =	shalt  }
0x5f: {  	_ =	shalt  }
0x60: {  	_ =	shalt  }
0x61: {  	_ =	shalt  }
0x62: {  	_ =	shalt  }
0x63: {  	_ =	shalt  }
0x64: {  	_ =	shalt  }
0x65: {  	_ =	shalt  }
0x66: {  	_ =	shalt  }
0x67: {  	_ =	shalt  }
0x68: {  	_ =	shalt  }
0x69: {  	_ =	shalt  }
0x6a: {  	_ =	shalt  }
0x6b: {  	_ =	shalt  }
0x6c: {  	_ =	shalt  }
0x6d: {  	_ =	shalt  }
0x6e: {  	_ =	shalt  }
0x6f: {  	_ =	shalt  }
0x70: {  	_ =	shalt  }
0x71: {  	_ =	shalt  }
0x72: {  	_ =	shalt  }
0x73: {  	_ =	shalt  }
0x74: {  	_ =	shalt  }
0x75: {  	_ =	shalt  }
0x76: {  	_ =	shalt  }
0x77: {  	_ =	shalt  }
0x78: {  	_ =	shalt  }
0x79: {  	_ =	shalt  }
0x7a: {  	_ =	shalt  }
0x7b: {  	_ =	shalt  }
0x7c: {  	_ =	shalt  }
0x7d: {  	_ =	shalt  }
0x7e: {  	_ =	shalt  }
0x7f: {  	_ =	shalt  }
0x80: {  	_ =	shalt  }
0x81: {  	_ =	shalt  }
0x82: {  	_ =	shalt  }
0x83: {  	_ =	shalt  }
0x84: {  	_ =	shalt  }
0x85: {  	_ =	shalt  }
0x86: {  	_ =	shalt  }
0x87: {  	_ =	shalt  }
.Lfunc_end0:
.L_simem_size_0:
called_computation.1_lowered:
.L_overlay_start_0:
0x88: {  	s2 =	sld [smem:$0x3FD9]  }
0x89: {  	s3 =	sld [smem:$0x3FFE];
	_ =	sdelay $0x1  }
0x8a: {  	s1 =	srdreg.scid  }
0x8b: {  	s0 =	sand.u32 $0x1, s1  }
0x8c: {  	s16 =	sshll.u32 s0, $0xA;
	s2 =	sadd.s32 s3, s2  }
0x8d: {  	s2 =	sadd.s32 s2, s16  }
0x8e: {  	[smem:$0x3FBC] =	sst s2  }
0x8f: {  	_ = 	snop  }
0x90: {  	(tm) =	ssettm $0x1  }
0x91: {  	s17 =	sld [smem:$0x3FFB];
	_ =	sdelay $0x3  }
0x92: {  	_ =	strace s17  }
0x93: {  	s2 =	sld [smem:$0x3FFC];
	_ =	sdelay $0x3  }
0x94: {  	_ =	strace s2  }
0x95: {  	s2 =	sld [smem:$0x3FFD];
	_ =	sdelay $0x3  }
0x96: {  	_ =	strace s2  }
0x97: {  	_ =	strace $0x8FFFFFFF  }
0x98: {  	s18 =	sld [smem:$0x3FDB];
	_ =	sdelay $0x1  }
0x99: {  	s19 =	simm.s32 $_scs_section_size  }
0x9a: {  	s4 =	simm.s32 $_size__tile_overlayer_lowered;
	s5 =	simm.s32 $_tile_overlayer_lowered  }
0x9b: {  	s22 =	simm.s32 $0x1BFF;
	s21 =	sshll.u32 s5, $0x1;
	s2 =	sadd.s32 s19, s18  }
0x9c: {  	s6 =	simm.s32 $0x0;
	s20 =	sshll.u32 s4, $0x1;
	s4 =	sadd.s32 s21, s2  }
0x9d: {  	[timem:s6], [sflag:s22] =	dma.local [hbm:s4], s20  }
0x9e: {  	_ =	swait.ge [sflag:s22], s20  }
0x9f: {  	s3 =	ssub.s32 $0x0, s20;
	[sflag:s22] =	ssyncset.done $0x0  }
0xa0: {  	[sflag:s22] =	ssyncadd.s32 s3;
	_ =	sdelay $0x1  }
0xa1: {  	s23 =	simm.s32 $0x1B8B  }
0xa2: {  	_ =	swait.ge [sflag:s23], $0x1  }
0xa3: {  	[sflag:s23] =	ssyncset.done $0x0  }
0xa4: {  	s25 =	simm.s32 $0x1B8E;
	s24 =	sld [smem:$0x3FFE];
	[sflag:s23] =	ssyncadd.s32 $0xFFFFFFFF  }
0xa5: {  	s26 =	simm.s32 $execute0_lowered;
	[smem:$0x3FD2] =	sst s25  }
0xa6: {  	s4 =	sshll.u32 s26, $0x1;
	_ =	strace $0x80000049;
	[dreg:$0x1] =	wrdreg $0xFFFFFFFF  }
0xa7: {  	s28 =	simm.s32 $_size_execute0_lowered;
	s2 =	sadd.s32 s2, s4;
	[dreg:$0x0] =	wrdreg $0x0  }
0xa8: {  	s4 =	sshll.u32 s28, $0x1;
	[dreg:$0x2] =	wrdreg s2  }
0xa9: {  	[dreg:$0x3] =	wrdreg s4  }
0xaa: {  	[dreg:$0x4] =	wrdreg $0xC0  }
0xab: {  	_ =	task [dreg:s6], $0x5FFFF  }
0xac: {  	[dreg:$0x1] =	wrdreg $0xFFFFFFFF  }
0xad: {  	[dreg:$0x0] =	wrdreg $0x60  }
0xae: {  	[dreg:$0x2] =	wrdreg s24  }
0xaf: {  	[dreg:$0x3] =	wrdreg $0x161800  }
0xb0: {  	[dreg:$0x4] =	wrdreg $0x9  }
0xb1: {  	_ =	task.clear_ibuf [dreg:s6], $0x5FFFF;
	_ =	strace $0x90000049  }
0xb2: {  	s29 =	simm.s32 $0x9;
	_ =	strace $0x8000004B  }
0xb3: {  	_ =	swait.ge [sflag:s29], $0x1  }
0xb4: {  	[sflag:s29] =	ssyncadd.s32 $0xFFFFFFFF  }
0xb5: {  	_ =	strace $0x9000004B  }
0xb6: {  	_ =	sfence  }
0xb7: {  	s30 =	sld [smem:$0x0];
	_ =	sdelay $0x2  }
0xb8: {  	s31 =	sshll.u32 s1, $0xD;
	s1 =	sshrl.u32 s1, $0x2  }
0xb9: {  	s3 =	sand.u32 $0x4000, s31;
	s1 =	sadd.s32 s1, s30  }
0xba: {  	s0 =	sor.u32 s3, s0;
	s1 =	sshll.u32 s1, $0x11  }
0xbb: {  	s0 =	sor.u32 s1, s0  }
0xbc: {  	s0 =	sadd.s32 $0x8F2B, s0  }
0xbd: {  	[sflag:s0] =	ssyncadd.remote.s32 $0x1  }
0xbe: {  	_ =	sfence.sel $0xFFFF  }
0xbf: {  	[dreg:$0x0] =	wrdreg $0xFFFFFFFF;
	(pc) =	sbr.abs _section_cstart, $3  }
0xc0: {  	[dreg:$0x1] =	wrdreg $0xFFFFFFFF  }
0xc1: {  	_ =	task.clear_ibuf [dreg:s6], $0x2FFFF;
	_ =	strace $0x9FFFFFFF  }
0xc2: {  	(tm) =	ssettm $0x7FFFFFFF  }
0xc3: {  	_ =	shalt  }
tec
execute0_lowered:
.L_overlay_start_1:
0x0: {  	(tag) =	ssettag $0x1  }
0x1: {  	s0 =	rddreg [dreg:$0x0];
	s2 =	srdreg.scid  }
0x2: {  	s1 =	rddreg [dreg:$0x1];
	s3 =	simm.s32 $0x0;
	s7 =	stileid.u32  }
0x3: {  	s15 =	simm.s32 $0x7;
	s16 =	simm.s32 $0x4EC0;
	s17 =	simm.s32 $0x70  }
0x4: {  	s18 =	simm.s32 $0x9D80;
	s19 =	simm.s32 $0xB980;
	s21 =	simm.s32 $0xD580  }
0x5: {  	s22 =	simm.s32 $0x14580;
	s28 =	simm.s32 $0x2;
	s8 =	smul.u32 $0x9E00, s7  }
0x6: {  	s31 =	simm.s32 $0x10D80;
	s29 =	simm.s32 $0x4;
	s6 =	smul.u32 $0x9D8, s7  }
0x7: {  	s30 =	simm.s32 $0x5;
	s2 =	sand.u32 $0x1, s2;
	s7 =	smul.u32 $0x27800, s7  }
0x8: {  	s20 =	simm.s32 $0x6;
	[smem:$0x7FF] =	sst s3;
	s4 =	smul.u32 $0x13880, s2  }
0x9: {  	s5 =	smul.u32 $0x9E000, s2;
	_ =	strace $0x8000004A;
	s2 =	ssub.s32 $0x2, s2  }
0xa: {  	s6 =	sadd.s32 s6, s0;
	s9 =	sshrl.u32 s2, $0x1;
	s23 =	sshrl.u32 s7, $0x2  }
0xb: {  	s26 =	sadd.s32 s8, s1;
	s4 =	sadd.s32 s4, s0;
	s24 =	sadd.s32 $0xD800, s6  }
0xc: {  	s5 =	sadd.s32 s8, s5;
	s6 =	sadd.s32 $0x17600, s6;
	[dreg:$0x3] =	wrdreg s24  }
0xd: {  	s2 =	ssub.s32 s2, s9;
	s5 =	sshrl.u32 s5, $0x3;
	[dreg:$0x4] =	wrdreg s6  }
0xe: {  	s6 =	sadd.s32 s23, s1;
	s7 =	sadd.s32 $0x6F600, s4;
	s10 =	smax.u32 s2, $0x1  }
0xf: {  	s23 =	simm.s32 $0x1;
	s2 =	simm.s32 $0x12980;
	s24 =	simm.s32 $0x0  }
0x10: {  	s0 =	sadd.s32 s5, s0;
	s25 =	sadd.s32 $0x8C00, s6;
	s11 =	sadd.s32 $0x1C00, s6  }
0x11: {  	s12 =	sadd.s32 $0x3800, s6;
	s13 =	sadd.s32 $0x5400, s6;
	s14 =	sadd.s32 $0x7000, s6  }
0x12: {  	[dreg:$0x5] =	wrdreg s25;
	s0 =	sadd.s32 $0x96800, s0;
	s25 =	sshrl.u32 s26, $0x3  }
0x13: {  	v0 =	vimm.f32 $0.0e+00;
	s26 =	simm.s32 $0xF180;
	[dreg:$0x6] =	wrdreg s0;
	s0 =	simm.s32 $0x3  }
.LBB2_1:
0x14: {  	s4 =	rddreg [dreg:$0x3]  }
0x15: {  	[tilespmem:s3], [sflag:$0x7] =	stream.linear.gather [hbm4b:s4+s3], $0x4EC0, $0x38;
	[tilespmem:$0x1FF80] =	vst v63  }
0x16: {  	_ =	swait.ge [sflag:s15], $0x4EC0  }
0x17: {  	[sflag:s15] =	ssyncset.done $0x0  }
0x18: {  	s5 =	rddreg [dreg:$0x4];
	[sflag:s15] =	ssyncadd.s32 $0xFFFFB140  }
0x19: {  	[tilespmem:s16], [sflag:$0x7] =	stream.linear.gather [hbm4b:s5+s3], $0x4EC0, $0x38;
	[tilespmem:$0x1FF80] =	vst v63  }
0x1a: {  	_ =	swait.ge [sflag:s15], $0x4EC0  }
0x1b: {  	[sflag:s15] =	ssyncset.done $0x0  }
0x1c: {  	[sflag:s15] =	ssyncadd.s32 $0xFFFFB140  }
0x1d: {  	[tilespmem:s18], [sflag:$0x1] =	stream.indirect.gather [hbm4b:s7+s17], $0x40, s3, s17, $0xb8;
	[tilespmem:$0x1FF80] =	vst v63  }
0x1e: {  	_ = 	snop  }
0x1f: {  	[tilespmem:s19], [sflag:$0x2] =	stream.indirect.gather [hbm4b:s7+s17], $0x40, s17, s17, $0xb8;
	[tilespmem:$0x1FF80] =	vst v63  }
0x20: {  	s8 =	simm.s32 $0xE0;
	s9 =	sand.u32 $0x7F00, s3  }
0x21: {  	[tilespmem:s21], [sflag:$0x3] =	stream.indirect.gather [hbm4b:s7+s17], $0x40, s8, s17, $0xb8;
	[tilespmem:$0x1FF80] =	vst v63  }
0x22: {  	s5 =	sand.u32 $0x30, s3;
	s8 =	sshrl.u32 s9, $0x2  }
0x23: {  	s4 =	simm.s32 $0x40;
	s8 =	sor.u32 s5, s8;
	s5 =	simm.s32 $0x0  }
.LBB2_2:
0x24: {  	p0 =	sne.s32 s4, $0x6FC0  }
0x25: {  	[tilespmem:s8+$0x14580] =	vst v0;
	s5 =	sadd.s32 $0x10, s5;
	s8 =	smov.u32 s4;
	s4 =	sadd.s32 $0x40, s4  }
.Ltmp0:
0x26: {  	(pc) =	sbr.rel @p0 .LBB2_2-.Ltmp0, $4  }
0x27: {  	_ = 	snop  }
0x28: {  	s8 =	sand.u32 $0x7F00, s8  }
0x29: {  	s9 =	sand.u32 $0x30, s5;
	s8 =	sshrl.u32 s8, $0x2  }
0x2a: {  	s8 =	sor.u32 s9, s8  }
0x2b: {  	[tilespmem:s8+$0x14580] =	vst v0  }
0x2c: {  	[spmem:s6] =	stream.linear.scatter [tilespmem:s22], [sflag:$0x7], $0x1C00, $0x38;
	[tilespmem:$0x1FF80] =	vst v63  }
0x2d: {  	_ =	swait.ge [sflag:s15], $0x1C00  }
0x2e: {  	[sflag:s15] =	ssyncset.done $0x0  }
0x2f: {  	[sflag:s15] =	ssyncadd.s32 $0xFFFFE400  }
0x30: {  	[spmem:s11] =	stream.linear.scatter [tilespmem:s22], [sflag:$0x7], $0x1C00, $0x38;
	[tilespmem:$0x1FF80] =	vst v63  }
0x31: {  	_ =	swait.ge [sflag:s15], $0x1C00  }
0x32: {  	[sflag:s15] =	ssyncset.done $0x0  }
0x33: {  	[sflag:s15] =	ssyncadd.s32 $0xFFFFE400  }
0x34: {  	[spmem:s12] =	stream.linear.scatter [tilespmem:s22], [sflag:$0x7], $0x1C00, $0x38;
	[tilespmem:$0x1FF80] =	vst v63  }
0x35: {  	_ =	swait.ge [sflag:s15], $0x1C00  }
0x36: {  	[sflag:s15] =	ssyncset.done $0x0  }
0x37: {  	[sflag:s15] =	ssyncadd.s32 $0xFFFFE400  }
0x38: {  	[spmem:s13] =	stream.linear.scatter [tilespmem:s22], [sflag:$0x7], $0x1C00, $0x38;
	[tilespmem:$0x1FF80] =	vst v63  }
0x39: {  	_ =	swait.ge [sflag:s15], $0x1C00  }
0x3a: {  	[sflag:s15] =	ssyncset.done $0x0  }
0x3b: {  	[sflag:s15] =	ssyncadd.s32 $0xFFFFE400  }
0x3c: {  	[spmem:s14] =	stream.linear.scatter [tilespmem:s22], [sflag:$0x7], $0x1C00, $0x38;
	[tilespmem:$0x1FF80] =	vst v63  }
0x3d: {  	_ =	swait.ge [sflag:s15], $0x1C00  }
0x3e: {  	[sflag:s15] =	ssyncset.done $0x0  }
0x3f: {  	s4 =	rddreg [dreg:$0x5];
	[sflag:s15] =	ssyncadd.s32 $0xFFFFE400  }
0x40: {  	[spmem:s4] =	stream.linear.scatter [tilespmem:s22], [sflag:$0x7], $0x1200, $0x38;
	[tilespmem:$0x1FF80] =	vst v63  }
0x41: {  	_ =	swait.ge [sflag:s15], $0x1200  }
0x42: {  	[sflag:s15] =	ssyncset.done $0x0  }
0x43: {  	[sflag:s15] =	ssyncadd.s32 $0xFFFFEE00  }
0x44: {  	[bflag:$0x0] =	sbarrier.arrive $0xFFFF  }
0x45: {  	_ =	swait.ge [sflag:s23], $0x1C00  }
0x46: {  	[sflag:s23] =	ssyncset.done $0x0  }
0x47: {  	[sflag:s23] =	ssyncadd.s32 $0xFFFFE400  }
0x48: {  	[spmem:s1] =	stream.indirect.scatter.add.f32 [tilespmem:s18], [sflag:$0x7], $0x40, s16, s17, $0xb8;
	[tilespmem:$0x1FF80] =	vst v63  }
0x49: {  	_ =	swait.ge [sflag:s15], $0x1C00  }
0x4a: {  	[sflag:s15] =	ssyncset.done $0x0  }
0x4b: {  	s9 =	simm.s32 $0x150;
	[sflag:s15] =	ssyncadd.s32 $0xFFFFE400  }
0x4c: {  	[tilespmem:s26], [sflag:$0x4] =	stream.indirect.gather [hbm4b:s7+s17], $0x40, s9, s17, $0xb8;
	[tilespmem:$0x1FF80] =	vst v63  }
0x4d: {  	_ =	swait.ge [sflag:s28], $0x1C00  }
0x4e: {  	[sflag:s28] =	ssyncset.done $0x0  }
0x4f: {  	s5 =	simm.s32 $0x4F30;
	[sflag:s28] =	ssyncadd.s32 $0xFFFFE400  }
0x50: {  	[spmem:s1] =	stream.indirect.scatter.add.f32 [tilespmem:s19], [sflag:$0x7], $0x40, s5, s17, $0xb8;
	[tilespmem:$0x1FF80] =	vst v63  }
0x51: {  	_ =	swait.ge [sflag:s15], $0x1C00  }
0x52: {  	[sflag:s15] =	ssyncset.done $0x0  }
0x53: {  	s8 =	simm.s32 $0x1C0;
	[sflag:s15] =	ssyncadd.s32 $0xFFFFE400  }
0x54: {  	[tilespmem:s31], [sflag:$0x5] =	stream.indirect.gather [hbm4b:s7+s17], $0x40, s8, s17, $0xb8;
	[tilespmem:$0x1FF80] =	vst v63  }
0x55: {  	_ =	swait.ge [sflag:s0], $0x1C00  }
0x56: {  	[sflag:s0] =	ssyncset.done $0x0  }
0x57: {  	s9 =	simm.s32 $0x4FA0;
	[sflag:s0] =	ssyncadd.s32 $0xFFFFE400  }
0x58: {  	[spmem:s1] =	stream.indirect.scatter.add.f32 [tilespmem:s21], [sflag:$0x7], $0x40, s9, s17, $0xb8;
	[tilespmem:$0x1FF80] =	vst v63  }
0x59: {  	_ =	swait.ge [sflag:s15], $0x1C00  }
0x5a: {  	[sflag:s15] =	ssyncset.done $0x0  }
0x5b: {  	s5 =	simm.s32 $0x230;
	[sflag:s15] =	ssyncadd.s32 $0xFFFFE400  }
0x5c: {  	[tilespmem:s2], [sflag:$0x6] =	stream.indirect.gather [hbm4b:s7+s17], $0x40, s5, s17, $0xb8;
	[tilespmem:$0x1FF80] =	vst v63  }
0x5d: {  	_ =	swait.ge [sflag:s29], $0x1C00  }
0x5e: {  	[sflag:s29] =	ssyncset.done $0x0  }
0x5f: {  	s8 =	simm.s32 $0x5010;
	[sflag:s29] =	ssyncadd.s32 $0xFFFFE400  }
0x60: {  	[spmem:s1] =	stream.indirect.scatter.add.f32 [tilespmem:s26], [sflag:$0x7], $0x40, s8, s17, $0xb8;
	[tilespmem:$0x1FF80] =	vst v63  }
0x61: {  	_ =	swait.ge [sflag:s15], $0x1C00  }
0x62: {  	[sflag:s15] =	ssyncset.done $0x0  }
0x63: {  	s9 =	simm.s32 $0x2A0;
	[sflag:s15] =	ssyncadd.s32 $0xFFFFE400  }
0x64: {  	[tilespmem:s18], [sflag:$0x1] =	stream.indirect.gather [hbm4b:s7+s17], $0x40, s9, s17, $0xb8;
	[tilespmem:$0x1FF80] =	vst v63  }
0x65: {  	_ =	swait.ge [sflag:s30], $0x1C00  }
0x66: {  	[sflag:s30] =	ssyncset.done $0x0  }
0x67: {  	s5 =	simm.s32 $0x5080;
	[sflag:s30] =	ssyncadd.s32 $0xFFFFE400  }
0x68: {  	[spmem:s1] =	stream.indirect.scatter.add.f32 [tilespmem:s31], [sflag:$0x7], $0x40, s5, s17, $0xb8;
	[tilespmem:$0x1FF80] =	vst v63  }
0x69: {  	_ =	swait.ge [sflag:s15], $0x1C00  }
0x6a: {  	[sflag:s15] =	ssyncset.done $0x0  }
0x6b: {  	s8 =	simm.s32 $0x310;
	[sflag:s15] =	ssyncadd.s32 $0xFFFFE400  }
0x6c: {  	[tilespmem:s19], [sflag:$0x2] =	stream.indirect.gather [hbm4b:s7+s17], $0x40, s8, s17, $0xb8;
	[tilespmem:$0x1FF80] =	vst v63  }
0x6d: {  	_ =	swait.ge [sflag:s20], $0x1C00  }
0x6e: {  	[sflag:s20] =	ssyncset.done $0x0  }
0x6f: {  	s9 =	simm.s32 $0x50F0;
	[sflag:s20] =	ssyncadd.s32 $0xFFFFE400  }
0x70: {  	[spmem:s1] =	stream.indirect.scatter.add.f32 [tilespmem:s2], [sflag:$0x7], $0x40, s9, s17, $0xb8;
	[tilespmem:$0x1FF80] =	vst v63  }
0x71: {  	_ =	swait.ge [sflag:s15], $0x1C00  }
0x72: {  	[sflag:s15] =	ssyncset.done $0x0  }
0x73: {  	s5 =	simm.s32 $0x380;
	[sflag:s15] =	ssyncadd.s32 $0xFFFFE400  }
0x74: {  	[tilespmem:s21], [sflag:$0x3] =	stream.indirect.gather [hbm4b:s7+s17], $0x40, s5, s17, $0xb8;
	[tilespmem:$0x1FF80] =	vst v63  }
0x75: {  	_ =	swait.ge [sflag:s23], $0x1C00  }
0x76: {  	[sflag:s23] =	ssyncset.done $0x0  }
0x77: {  	s8 =	simm.s32 $0x5160;
	[sflag:s23] =	ssyncadd.s32 $0xFFFFE400  }
0x78: {  	[spmem:s1] =	stream.indirect.scatter.add.f32 [tilespmem:s18], [sflag:$0x7], $0x40, s8, s17, $0xb8;
	[tilespmem:$0x1FF80] =	vst v63  }
0x79: {  	_ =	swait.ge [sflag:s15], $0x1C00  }
0x7a: {  	[sflag:s15] =	ssyncset.done $0x0  }
0x7b: {  	s9 =	simm.s32 $0x3F0;
	[sflag:s15] =	ssyncadd.s32 $0xFFFFE400  }
0x7c: {  	[tilespmem:s26], [sflag:$0x4] =	stream.indirect.gather [hbm4b:s7+s17], $0x40, s9, s17, $0xb8;
	[tilespmem:$0x1FF80] =	vst v63  }
0x7d: {  	_ =	swait.ge [sflag:s28], $0x1C00  }
0x7e: {  	[sflag:s28] =	ssyncset.done $0x0  }
0x7f: {  	s5 =	simm.s32 $0x51D0;
	[sflag:s28] =	ssyncadd.s32 $0xFFFFE400  }
0x80: {  	[spmem:s1] =	stream.indirect.scatter.add.f32 [tilespmem:s19], [sflag:$0x7], $0x40, s5, s17, $0xb8;
	[tilespmem:$0x1FF80] =	vst v63  }
0x81: {  	_ =	swait.ge [sflag:s15], $0x1C00  }
0x82: {  	[sflag:s15] =	ssyncset.done $0x0  }
0x83: {  	s8 =	simm.s32 $0x460;
	[sflag:s15] =	ssyncadd.s32 $0xFFFFE400  }
0x84: {  	[tilespmem:s31], [sflag:$0x5] =	stream.indirect.gather [hbm4b:s7+s17], $0x40, s8, s17, $0xb8;
	[tilespmem:$0x1FF80] =	vst v63  }
0x85: {  	_ =	swait.ge [sflag:s0], $0x1C00  }
0x86: {  	[sflag:s0] =	ssyncset.done $0x0  }
0x87: {  	s9 =	simm.s32 $0x5240;
	[sflag:s0] =	ssyncadd.s32 $0xFFFFE400  }
0x88: {  	[spmem:s1] =	stream.indirect.scatter.add.f32 [tilespmem:s21], [sflag:$0x7], $0x40, s9, s17, $0xb8;
	[tilespmem:$0x1FF80] =	vst v63  }
0x89: {  	_ =	swait.ge [sflag:s15], $0x1C00  }
0x8a: {  	[sflag:s15] =	ssyncset.done $0x0  }
0x8b: {  	s4 =	simm.s32 $0xA80;
	s5 =	simm.s32 $0x4D0;
	[sflag:s15] =	ssyncadd.s32 $0xFFFFE400  }
.LBB2_4:
0x8c: {  	[tilespmem:s2], [sflag:$0x6] =	stream.indirect.gather [hbm4b:s7+s17], $0x40, s5, s17, $0xb8;
	[tilespmem:$0x1FF80] =	vst v63  }
0x8d: {  	s5 =	smov.u32 s4  }
0x8e: {  	p0 =	sne.s32 s4, $0x12600;
	s4 =	sadd.s32 $0xA80, s4;
	_ =	swait.ge [sflag:s29], $0x1C00  }
0x8f: {  	s5 =	sshra.s32 s5, $0x2;
	[sflag:s29] =	ssyncset.done $0x0  }
0x90: {  	s8 =	sadd.s32 $0x5010, s5;
	[sflag:s29] =	ssyncadd.s32 $0xFFFFE400  }
0x91: {  	[spmem:s1] =	stream.indirect.scatter.add.f32 [tilespmem:s26], [sflag:$0x7], $0x40, s8, s17, $0xb8;
	[tilespmem:$0x1FF80] =	vst v63  }
0x92: {  	_ =	swait.ge [sflag:s15], $0x1C00  }
0x93: {  	[sflag:s15] =	ssyncset.done $0x0  }
0x94: {  	s8 =	sadd.s32 $0x2A0, s5;
	[sflag:s15] =	ssyncadd.s32 $0xFFFFE400  }
0x95: {  	[tilespmem:s18], [sflag:$0x1] =	stream.indirect.gather [hbm4b:s7+s17], $0x40, s8, s17, $0xb8;
	[tilespmem:$0x1FF80] =	vst v63  }
0x96: {  	_ =	swait.ge [sflag:s30], $0x1C00  }
0x97: {  	[sflag:s30] =	ssyncset.done $0x0  }
0x98: {  	s8 =	sadd.s32 $0x5080, s5;
	[sflag:s30] =	ssyncadd.s32 $0xFFFFE400  }
0x99: {  	[spmem:s1] =	stream.indirect.scatter.add.f32 [tilespmem:s31], [sflag:$0x7], $0x40, s8, s17, $0xb8;
	[tilespmem:$0x1FF80] =	vst v63  }
0x9a: {  	_ =	swait.ge [sflag:s15], $0x1C00  }
0x9b: {  	[sflag:s15] =	ssyncset.done $0x0  }
0x9c: {  	s8 =	sadd.s32 $0x310, s5;
	[sflag:s15] =	ssyncadd.s32 $0xFFFFE400  }
0x9d: {  	[tilespmem:s19], [sflag:$0x2] =	stream.indirect.gather [hbm4b:s7+s17], $0x40, s8, s17, $0xb8;
	[tilespmem:$0x1FF80] =	vst v63  }
0x9e: {  	_ =	swait.ge [sflag:s20], $0x1C00  }
0x9f: {  	[sflag:s20] =	ssyncset.done $0x0  }
0xa0: {  	s8 =	sadd.s32 $0x50F0, s5;
	[sflag:s20] =	ssyncadd.s32 $0xFFFFE400  }
0xa1: {  	[spmem:s1] =	stream.indirect.scatter.add.f32 [tilespmem:s2], [sflag:$0x7], $0x40, s8, s17, $0xb8;
	[tilespmem:$0x1FF80] =	vst v63  }
0xa2: {  	_ =	swait.ge [sflag:s15], $0x1C00  }
0xa3: {  	[sflag:s15] =	ssyncset.done $0x0  }
0xa4: {  	s8 =	sadd.s32 $0x380, s5;
	[sflag:s15] =	ssyncadd.s32 $0xFFFFE400  }
0xa5: {  	[tilespmem:s21], [sflag:$0x3] =	stream.indirect.gather [hbm4b:s7+s17], $0x40, s8, s17, $0xb8;
	[tilespmem:$0x1FF80] =	vst v63  }
0xa6: {  	_ =	swait.ge [sflag:s23], $0x1C00  }
0xa7: {  	[sflag:s23] =	ssyncset.done $0x0  }
0xa8: {  	s8 =	sadd.s32 $0x5160, s5;
	[sflag:s23] =	ssyncadd.s32 $0xFFFFE400  }
0xa9: {  	[spmem:s1] =	stream.indirect.scatter.add.f32 [tilespmem:s18], [sflag:$0x7], $0x40, s8, s17, $0xb8;
	[tilespmem:$0x1FF80] =	vst v63  }
0xaa: {  	_ =	swait.ge [sflag:s15], $0x1C00  }
0xab: {  	[sflag:s15] =	ssyncset.done $0x0  }
0xac: {  	s8 =	sadd.s32 $0x3F0, s5;
	[sflag:s15] =	ssyncadd.s32 $0xFFFFE400  }
0xad: {  	[tilespmem:s26], [sflag:$0x4] =	stream.indirect.gather [hbm4b:s7+s17], $0x40, s8, s17, $0xb8;
	[tilespmem:$0x1FF80] =	vst v63  }
0xae: {  	_ =	swait.ge [sflag:s28], $0x1C00  }
0xaf: {  	[sflag:s28] =	ssyncset.done $0x0  }
0xb0: {  	s8 =	sadd.s32 $0x51D0, s5;
	[sflag:s28] =	ssyncadd.s32 $0xFFFFE400  }
0xb1: {  	[spmem:s1] =	stream.indirect.scatter.add.f32 [tilespmem:s19], [sflag:$0x7], $0x40, s8, s17, $0xb8;
	[tilespmem:$0x1FF80] =	vst v63  }
0xb2: {  	_ =	swait.ge [sflag:s15], $0x1C00  }
0xb3: {  	[sflag:s15] =	ssyncset.done $0x0  }
0xb4: {  	s8 =	sadd.s32 $0x460, s5;
	[sflag:s15] =	ssyncadd.s32 $0xFFFFE400  }
0xb5: {  	[tilespmem:s31], [sflag:$0x5] =	stream.indirect.gather [hbm4b:s7+s17], $0x40, s8, s17, $0xb8;
	[tilespmem:$0x1FF80] =	vst v63  }
0xb6: {  	_ =	swait.ge [sflag:s0], $0x1C00  }
0xb7: {  	[sflag:s0] =	ssyncset.done $0x0  }
.Ltmp1:
0xb8: {  	s8 =	sadd.s32 $0x5240, s5;
	[sflag:s0] =	ssyncadd.s32 $0xFFFFE400;
	(pc) =	sbr.rel @p0 .LBB2_4-.Ltmp1, $4  }
0xb9: {  	[spmem:s1] =	stream.indirect.scatter.add.f32 [tilespmem:s21], [sflag:$0x7], $0x40, s8, s17, $0xb8;
	[tilespmem:$0x1FF80] =	vst v63  }
0xba: {  	_ =	swait.ge [sflag:s15], $0x1C00  }
0xbb: {  	[sflag:s15] =	ssyncset.done $0x0  }
0xbc: {  	s5 =	sadd.s32 $0x4D0, s5;
	[sflag:s15] =	ssyncadd.s32 $0xFFFFE400  }
0xbd: {  	[tilespmem:s2], [sflag:$0x6] =	stream.indirect.gather [hbm4b:s7+s17], $0x40, s5, s17, $0xb8;
	[tilespmem:$0x1FF80] =	vst v63  }
0xbe: {  	_ =	swait.ge [sflag:s29], $0x1C00  }
0xbf: {  	[sflag:s29] =	ssyncset.done $0x0  }
0xc0: {  	s4 =	simm.s32 $0x9C30;
	[sflag:s29] =	ssyncadd.s32 $0xFFFFE400  }
0xc1: {  	[spmem:s1] =	stream.indirect.scatter.add.f32 [tilespmem:s26], [sflag:$0x7], $0x40, s4, s17, $0xb8;
	[tilespmem:$0x1FF80] =	vst v63  }
0xc2: {  	_ =	swait.ge [sflag:s15], $0x1C00  }
0xc3: {  	[sflag:s15] =	ssyncset.done $0x0  }
0xc4: {  	[sflag:s15] =	ssyncadd.s32 $0xFFFFE400  }
0xc5: {  	_ =	swait.ge [sflag:s30], $0x1C00  }
0xc6: {  	[sflag:s30] =	ssyncset.done $0x0  }
0xc7: {  	s9 =	simm.s32 $0x9CA0;
	[sflag:s30] =	ssyncadd.s32 $0xFFFFE400  }
0xc8: {  	[spmem:s1] =	stream.indirect.scatter.add.f32 [tilespmem:s31], [sflag:$0x7], $0x40, s9, s17, $0xb8;
	[tilespmem:$0x1FF80] =	vst v63  }
0xc9: {  	_ =	swait.ge [sflag:s15], $0x1C00  }
0xca: {  	[sflag:s15] =	ssyncset.done $0x0  }
0xcb: {  	[sflag:s15] =	ssyncadd.s32 $0xFFFFE400  }
0xcc: {  	_ =	swait.ge [sflag:s20], $0x1C00  }
0xcd: {  	[sflag:s20] =	ssyncset.done $0x0  }
0xce: {  	s5 =	simm.s32 $0x9D10;
	[sflag:s20] =	ssyncadd.s32 $0xFFFFE400  }
0xcf: {  	[spmem:s1] =	stream.indirect.scatter.add.f32 [tilespmem:s2], [sflag:$0x7], $0x40, s5, s17, $0xb8;
	[tilespmem:$0x1FF80] =	vst v63  }
0xd0: {  	_ =	swait.ge [sflag:s15], $0x1C00  }
0xd1: {  	[sflag:s15] =	ssyncset.done $0x0  }
0xd2: {  	s8 =	stileid.u32;
	s24 =	sadd.s32 $0x1, s24;
	[sflag:s15] =	ssyncadd.s32 $0xFFFFE400  }
0xd3: {  	p0 =	sne.s32 s24, s10;
	s4 =	sshll.u32 s8, $0x6;
	[bflag:$0x0] =	sbarrier.arrive $0xFFFF  }
.Ltmp2:
0xd4: {  	s4 =	sor.u32 $0x1C07, s4;
	s9 =	rddreg [dreg:$0x6];
	(pc) =	sbr.rel @p0 .LBB2_1-.Ltmp2, $4  }
0xd5: {  	[hbm:s9], [sflag:s4] =	dma.local [spmem:s25], $0x13C0  }
0xd6: {  	_ =	swait.ge [sflag:s15], $0x13C0  }
0xd7: {  	[sflag:s15] =	ssyncset.done $0x0  }
0xd8: {  	[sflag:s15] =	ssyncadd.s32 $0xFFFFEC40  }
0xd9: {  	_ =	sfence.sel $0x180000  }
0xda: {  	[bflag:$0x0] =	sbarrier.arrive $0xFFFF  }
0xdb: {  	_ =	strace $0x9000004A  }
0xdc: {  	s0 =	stileid.u32;
	[bflag:$0x2] =	sbarrier.arrive $0xFFFF  }
0xdd: {  	p0 =	sne.s32 s0, $0x0;
	s0 =	rddreg [dreg:$0x2]  }
0xde: {  	s0 =	sadd.s32 @!p0 $0x100000, s0  }
0xdf: {  	[sflag:s0] =	ssyncadd.tile.s32 @!p0 $0x1;
	_ =	shalt  }
.Lfunc_end2:
_tile_overlayer_lowered:
.L_overlay_start_2:
0xe0: {  	(tag) =	ssettag $0x2  }
0xe1: {  	s0 =	rddreg [dreg:$0x0];
	s2 =	stileid.u32  }
0xe2: {  	s1 =	rddreg [dreg:$0x1];
	p0 =	sne.s32 s2, $0x0  }
0xe3: {  	s3 =	rddreg [dreg:$0x2];
	[bflag:$0x3] =	sbarrier.arrive $0xFFFF;
	s2 =	simm.s32 @!p0 $0x1C07  }
0xe4: {  	[timem:s3], [sflag:s2] =	dma.local @!p0 [hbm:s0], s1  }
0xe5: {  	s0 =	simm.s32 @!p0 $0x7  }
0xe6: {  	_ =	swait.ge @!p0 [sflag:s0], s1  }
0xe7: {  	s1 =	ssub.s32 @!p0 $0x0, s1;
	[sflag:s0] =	ssyncset.done @!p0 $0x0  }
0xe8: {  	[sflag:s0] =	ssyncadd.s32 @!p0 s1  }
0xe9: {  	[bflag:$0x3] =	sbarrier.arrive $0xFFFF  }
0xea: {  	_ =	shalt  }

// kernel: _run.17.cloned.1.call-start
scs
__scs_entry_jumppad:
0x0: {  	(pc) =	sbr.rel $0x88, $3  }
0x1: {  	(tag) =	ssettag $0x0;
	lr =	simm.s32 $0x1  }
0x2: {  	[smem:$0x3F95] =	sst lr;
	_ =	strace $0xD0000000  }
0x3: {  	_ = 	snop  }
0x4: {  	_ = 	snop  }
0x5: {  	_ = 	snop  }
0x6: {  	_ = 	snop  }
0x7: {  	_ = 	snop  }
__scs_overlays_trampoline_lowered:
0x8: {  	[smem:$0x3FA4] =	sst s0  }
0x9: {  	[smem:$0x3FA5] =	sst s1  }
0xa: {  	[smem:$0x3FA6] =	sst s2  }
0xb: {  	[smem:$0x3FA7] =	sst s3  }
0xc: {  	[smem:$0x3FA8] =	sst s4  }
0xd: {  	[smem:$0x3FA9] =	sst s5  }
0xe: {  	[smem:$0x3FAA] =	sst s6  }
0xf: {  	[smem:$0x3FAB] =	sst s7  }
0x10: {  	[smem:$0x3FAC] =	sst s8  }
0x11: {  	[smem:$0x3FAD] =	sst s9;
	s0 =	simm.s32 @!p0 $0x0  }
0x12: {  	s1 =	sld [smem:$0x3F93];
	s0 =	simm.s32 @p0 $0x1  }
0x13: {  	[smem:$0x3FAE] =	sst s0;
	s0 =	simm.s32 @!p1 $0x0  }
0x14: {  	s2 =	sld [smem:$0x3F92];
	s0 =	simm.s32 @p1 $0x1  }
0x15: {  	[smem:$0x3FAF] =	sst s0;
	s0 =	simm.s32 @!p2 $0x0  }
0x16: {  	s3 =	sld [smem:$0x3FDB];
	s0 =	simm.s32 @p2 $0x1  }
0x17: {  	s4 =	simm.s32 $0x1BF5;
	[smem:$0x3FB1] =	sst s0  }
0x18: {  	s0 =	sld [smem:$0x3F94];
	_ =	swait.ge [sflag:s4], $0x0  }
0x19: {  	s7 =	sld [smem:$0x3F95]  }
0x1a: {  	s8 =	sadd.s32 $0xFFFFE003, lr  }
0x1b: {  	s9 =	sadd.s32 $0xFFFFFEF7, lr;
	s5 =	simm.s32 $0xFFFFFFFF;
	p2 =	slt.u32 s8, $0xFFFFF086  }
0x1c: {  	p1 =	slt.u32 s9, $0xF7A;
	s5 =	simm.s32 @!p2 $0x0  }
0x1d: {  	s5 =	simm.s32 @p1 $0x1;
	p0 =	seq.s32 s7, s2  }
0x1e: {  	s7 =	smul.u32 @!p0 $0xF7A, s2;
	p2 =	seq.s32 @!p0 s5, $0x0  }
0x1f: {  	s9 =	smul.u32 $0xF7A, s1;
	s8 =	simm.s32 @!p0 $0x1BF5;
	p2 =	por !p2, p0  }
0x20: {  	[sflag:s8] =	ssyncset.s32 @!p0 $0xFFFFF086;
	s6 =	sadd.s32 @!p0 s3, s7;
	s7 =	simm.s32 @!p0 $0x108  }
0x21: {  	s3 =	sadd.s32 s3, s9;
	s6 =	sadd.s32 @!p0 $0x88, s6;
	s7 =	simm.s32 @p2 $0x1082  }
0x22: {  	[simem:s7], [sflag:s8] =	dma.local @!p0 [hbm:s6], $0xF7A  }
0x23: {  	s9 =	sor.u32 $0xD0000000, s2;
	s6 =	simm.s32 $0x108;
	_ =	swait.ge @!p0 [sflag:s8], $0x0  }
0x24: {  	s3 =	sadd.s32 $0x88, s3;
	s6 =	simm.s32 @!p1 $0x1082;
	[sflag:s4] =	ssyncset.s32 $0xFFFFF086  }
0x25: {  	[simem:s6], [sflag:s4] =	dma.local [hbm:s3], $0xF7A  }
0x26: {  	[smem:$0x3F95] =	sst s1;
	(tag) =	ssettag s2;
	_ =	strace s9  }
0x27: {  	s1 =	sld [smem:$0x3FA5]  }
0x28: {  	s2 =	sld [smem:$0x3FA6]  }
0x29: {  	s4 =	sld [smem:$0x3FA8]  }
0x2a: {  	p0 =	seq.s32 s5, $0x0;
	s5 =	sld [smem:$0x3FA9]  }
0x2b: {  	s6 =	sld [smem:$0x3FAA]  }
0x2c: {  	s7 =	sld [smem:$0x3FAB]  }
0x2d: {  	s3 =	simm.s32 $0x108;
	s8 =	sld [smem:$0x3FAC]  }
0x2e: {  	s3 =	simm.s32 @!p0 $0x1082;
	s9 =	sld [smem:$0x3FAD]  }
0x2f: {  	lr =	sadd.s32 s0, s3;
	s0 =	sld [smem:$0x3FA4]  }
0x30: {  	s3 =	sld [smem:$0x3FA7]  }
0x31: {  	[smem:$0x3FB0] =	sst s10  }
0x32: {  	s10 =	sld [smem:$0x3FAE];
	_ =	sdelay $0x3  }
0x33: {  	p0 =	seq.s32 s10, $0x1;
	s10 =	sld [smem:$0x3FB0];
	_ =	sdelay $0x3  }
0x34: {  	[smem:$0x3FB0] =	sst s10  }
0x35: {  	s10 =	sld [smem:$0x3FAF];
	_ =	sdelay $0x3  }
0x36: {  	p1 =	seq.s32 s10, $0x1;
	s10 =	sld [smem:$0x3FB0];
	_ =	sdelay $0x3  }
0x37: {  	[smem:$0x3FB0] =	sst s10  }
0x38: {  	s10 =	sld [smem:$0x3FB1]  }
0x39: {  	_ = 	snop;
	(pc) =	sbr.ind lr, $3  }
0x3a: {  	_ = 	snop  }
0x3b: {  	_ = 	snop  }
0x3c: {  	p2 =	seq.s32 s10, $0x1;
	s10 =	sld [smem:$0x3FB0]  }
0x3d: {  	_ =	shalt  }
0x3e: {  	_ =	shalt  }
0x3f: {  	_ =	shalt  }
0x40: {  	_ =	shalt  }
0x41: {  	_ =	shalt  }
0x42: {  	_ =	shalt  }
0x43: {  	_ =	shalt  }
0x44: {  	_ =	shalt  }
0x45: {  	_ =	shalt  }
0x46: {  	_ =	shalt  }
0x47: {  	_ =	shalt  }
0x48: {  	_ =	shalt  }
0x49: {  	_ =	shalt  }
0x4a: {  	_ =	shalt  }
0x4b: {  	_ =	shalt  }
0x4c: {  	_ =	shalt  }
0x4d: {  	_ =	shalt  }
0x4e: {  	_ =	shalt  }
0x4f: {  	_ =	shalt  }
0x50: {  	_ =	shalt  }
0x51: {  	_ =	shalt  }
0x52: {  	_ =	shalt  }
0x53: {  	_ =	shalt  }
0x54: {  	_ =	shalt  }
0x55: {  	_ =	shalt  }
0x56: {  	_ =	shalt  }
0x57: {  	_ =	shalt  }
0x58: {  	_ =	shalt  }
0x59: {  	_ =	shalt  }
0x5a: {  	_ =	shalt  }
0x5b: {  	_ =	shalt  }
0x5c: {  	_ =	shalt  }
0x5d: {  	_ =	shalt  }
0x5e: {  	_ =	shalt  }
0x5f: {  	_ =	shalt  }
0x60: {  	_ =	shalt  }
0x61: {  	_ =	shalt  }
0x62: {  	_ =	shalt  }
0x63: {  	_ =	shalt  }
0x64: {  	_ =	shalt  }
0x65: {  	_ =	shalt  }
0x66: {  	_ =	shalt  }
0x67: {  	_ =	shalt  }
0x68: {  	_ =	shalt  }
0x69: {  	_ =	shalt  }
0x6a: {  	_ =	shalt  }
0x6b: {  	_ =	shalt  }
0x6c: {  	_ =	shalt  }
0x6d: {  	_ =	shalt  }
0x6e: {  	_ =	shalt  }
0x6f: {  	_ =	shalt  }
0x70: {  	_ =	shalt  }
0x71: {  	_ =	shalt  }
0x72: {  	_ =	shalt  }
0x73: {  	_ =	shalt  }
0x74: {  	_ =	shalt  }
0x75: {  	_ =	shalt  }
0x76: {  	_ =	shalt  }
0x77: {  	_ =	shalt  }
0x78: {  	_ =	shalt  }
0x79: {  	_ =	shalt  }
0x7a: {  	_ =	shalt  }
0x7b: {  	_ =	shalt  }
0x7c: {  	_ =	shalt  }
0x7d: {  	_ =	shalt  }
0x7e: {  	_ =	shalt  }
0x7f: {  	_ =	shalt  }
0x80: {  	_ =	shalt  }
0x81: {  	_ =	shalt  }
0x82: {  	_ =	shalt  }
0x83: {  	_ =	shalt  }
0x84: {  	_ =	shalt  }
0x85: {  	_ =	shalt  }
0x86: {  	_ =	shalt  }
0x87: {  	_ =	shalt  }
.Lfunc_end0:
.L_simem_size_0:
called_computation.2_lowered:
.L_overlay_start_0:
0x88: {  	s2 =	sld [smem:$0x3FD9]  }
0x89: {  	s3 =	sld [smem:$0x3FFE];
	_ =	sdelay $0x1  }
0x8a: {  	s1 =	srdreg.scid  }
0x8b: {  	s0 =	sand.u32 $0x1, s1  }
0x8c: {  	s16 =	sshll.u32 s0, $0xA;
	s2 =	sadd.s32 s3, s2  }
0x8d: {  	s2 =	sadd.s32 s2, s16  }
0x8e: {  	[smem:$0x3FBC] =	sst s2  }
0x8f: {  	_ = 	snop  }
0x90: {  	(tm) =	ssettm $0x1  }
0x91: {  	s17 =	sld [smem:$0x3FFB];
	_ =	sdelay $0x3  }
0x92: {  	_ =	strace s17  }
0x93: {  	s2 =	sld [smem:$0x3FFC];
	_ =	sdelay $0x3  }
0x94: {  	_ =	strace s2  }
0x95: {  	s2 =	sld [smem:$0x3FFD];
	_ =	sdelay $0x3  }
0x96: {  	_ =	strace s2  }
0x97: {  	_ =	strace $0x8FFFFFFF  }
0x98: {  	s18 =	sld [smem:$0x3FDB];
	_ =	sdelay $0x1  }
0x99: {  	s19 =	simm.s32 $_scs_section_size  }
0x9a: {  	s4 =	simm.s32 $_size__tile_overlayer_lowered;
	s5 =	simm.s32 $_tile_overlayer_lowered  }
0x9b: {  	s22 =	simm.s32 $0x1BFF;
	s21 =	sshll.u32 s5, $0x1;
	s2 =	sadd.s32 s19, s18  }
0x9c: {  	s6 =	simm.s32 $0x0;
	s20 =	sshll.u32 s4, $0x1;
	s4 =	sadd.s32 s21, s2  }
0x9d: {  	[timem:s6], [sflag:s22] =	dma.local [hbm:s4], s20  }
0x9e: {  	_ =	swait.ge [sflag:s22], s20  }
0x9f: {  	s3 =	ssub.s32 $0x0, s20;
	[sflag:s22] =	ssyncset.done $0x0  }
0xa0: {  	[sflag:s22] =	ssyncadd.s32 s3;
	_ =	sdelay $0x1  }
0xa1: {  	s23 =	simm.s32 $0x1B8B  }
0xa2: {  	_ =	swait.ge [sflag:s23], $0x1  }
0xa3: {  	[sflag:s23] =	ssyncset.done $0x0  }
0xa4: {  	s25 =	simm.s32 $0x1B8E;
	s24 =	sld [smem:$0x3FFE];
	[sflag:s23] =	ssyncadd.s32 $0xFFFFFFFF  }
0xa5: {  	s26 =	simm.s32 $execute0_lowered;
	[smem:$0x3FD2] =	sst s25  }
0xa6: {  	s4 =	sshll.u32 s26, $0x1;
	_ =	strace $0x8000004C;
	[dreg:$0x1] =	wrdreg $0xFFFFFFFF  }
0xa7: {  	s28 =	simm.s32 $_size_execute0_lowered;
	s2 =	sadd.s32 s2, s4;
	[dreg:$0x0] =	wrdreg $0x0  }
0xa8: {  	s4 =	sshll.u32 s28, $0x1;
	[dreg:$0x2] =	wrdreg s2  }
0xa9: {  	[dreg:$0x3] =	wrdreg s4  }
0xaa: {  	[dreg:$0x4] =	wrdreg $0xC0  }
0xab: {  	_ =	task [dreg:s6], $0x5FFFF  }
0xac: {  	[dreg:$0x1] =	wrdreg $0xFFFFFFFF  }
0xad: {  	[dreg:$0x0] =	wrdreg $0x60  }
0xae: {  	[dreg:$0x2] =	wrdreg s24  }
0xaf: {  	[dreg:$0x3] =	wrdreg $0x161800  }
0xb0: {  	[dreg:$0x4] =	wrdreg $0x9  }
0xb1: {  	_ =	task.clear_ibuf [dreg:s6], $0x5FFFF;
	_ =	strace $0x9000004C  }
0xb2: {  	s29 =	simm.s32 $0x9;
	_ =	strace $0x8000004E  }
0xb3: {  	_ =	swait.ge [sflag:s29], $0x1  }
0xb4: {  	[sflag:s29] =	ssyncadd.s32 $0xFFFFFFFF  }
0xb5: {  	_ =	strace $0x9000004E  }
0xb6: {  	_ =	sfence  }
0xb7: {  	s30 =	sld [smem:$0x0];
	_ =	sdelay $0x2  }
0xb8: {  	s31 =	sshll.u32 s1, $0xD;
	s1 =	sshrl.u32 s1, $0x2  }
0xb9: {  	s3 =	sand.u32 $0x4000, s31;
	s1 =	sadd.s32 s1, s30  }
0xba: {  	s0 =	sor.u32 s3, s0;
	s1 =	sshll.u32 s1, $0x11  }
0xbb: {  	s0 =	sor.u32 s1, s0  }
0xbc: {  	s0 =	sadd.s32 $0x8F2B, s0  }
0xbd: {  	[sflag:s0] =	ssyncadd.remote.s32 $0x1  }
0xbe: {  	_ =	sfence.sel $0xFFFF  }
0xbf: {  	[dreg:$0x0] =	wrdreg $0xFFFFFFFF;
	(pc) =	sbr.abs _section_cstart, $3  }
0xc0: {  	[dreg:$0x1] =	wrdreg $0xFFFFFFFF  }
0xc1: {  	_ =	task.clear_ibuf [dreg:s6], $0x2FFFF;
	_ =	strace $0x9FFFFFFF  }
0xc2: {  	(tm) =	ssettm $0x7FFFFFFF  }
0xc3: {  	_ =	shalt  }
tec
execute0_lowered:
.L_overlay_start_1:
0x0: {  	(tag) =	ssettag $0x1  }
0x1: {  	s0 =	rddreg [dreg:$0x0];
	s2 =	srdreg.scid  }
0x2: {  	s1 =	rddreg [dreg:$0x1];
	s3 =	simm.s32 $0x0;
	s7 =	stileid.u32  }
0x3: {  	s15 =	simm.s32 $0x7;
	s16 =	simm.s32 $0x4EC0;
	s17 =	simm.s32 $0x70  }
0x4: {  	s18 =	simm.s32 $0x9D80;
	s19 =	simm.s32 $0xB980;
	s21 =	simm.s32 $0xD580  }
0x5: {  	s22 =	simm.s32 $0x14580;
	s28 =	simm.s32 $0x2;
	s8 =	smul.u32 $0x9E00, s7  }
0x6: {  	s31 =	simm.s32 $0x10D80;
	s29 =	simm.s32 $0x4;
	s6 =	smul.u32 $0x9D8, s7  }
0x7: {  	s30 =	simm.s32 $0x5;
	s2 =	sand.u32 $0x1, s2;
	s7 =	smul.u32 $0x27800, s7  }
0x8: {  	s20 =	simm.s32 $0x6;
	[smem:$0x7FF] =	sst s3;
	s4 =	smul.u32 $0x13880, s2  }
0x9: {  	s5 =	smul.u32 $0x9E000, s2;
	_ =	strace $0x8000004D;
	s2 =	ssub.s32 $0x2, s2  }
0xa: {  	s6 =	sadd.s32 s6, s0;
	s9 =	sshrl.u32 s2, $0x1;
	s23 =	sshrl.u32 s7, $0x2  }
0xb: {  	s26 =	sadd.s32 s8, s1;
	s4 =	sadd.s32 s4, s0;
	s24 =	sadd.s32 $0xD800, s6  }
0xc: {  	s5 =	sadd.s32 s8, s5;
	s6 =	sadd.s32 $0x17600, s6;
	[dreg:$0x3] =	wrdreg s24  }
0xd: {  	s2 =	ssub.s32 s2, s9;
	s5 =	sshrl.u32 s5, $0x3;
	[dreg:$0x4] =	wrdreg s6  }
0xe: {  	s6 =	sadd.s32 s23, s1;
	s7 =	sadd.s32 $0x6F600, s4;
	s10 =	smax.u32 s2, $0x1  }
0xf: {  	s23 =	simm.s32 $0x1;
	s2 =	simm.s32 $0x12980;
	s24 =	simm.s32 $0x0  }
0x10: {  	s0 =	sadd.s32 s5, s0;
	s25 =	sadd.s32 $0x8C00, s6;
	s11 =	sadd.s32 $0x1C00, s6  }
0x11: {  	s12 =	sadd.s32 $0x3800, s6;
	s13 =	sadd.s32 $0x5400, s6;
	s14 =	sadd.s32 $0x7000, s6  }
0x12: {  	[dreg:$0x5] =	wrdreg s25;
	s0 =	sadd.s32 $0x96800, s0;
	s25 =	sshrl.u32 s26, $0x3  }
0x13: {  	v0 =	vimm.f32 $0.0e+00;
	s26 =	simm.s32 $0xF180;
	[dreg:$0x6] =	wrdreg s0;
	s0 =	simm.s32 $0x3  }
.LBB2_1:
0x14: {  	s4 =	rddreg [dreg:$0x3]  }
0x15: {  	[tilespmem:s3], [sflag:$0x7] =	stream.linear.gather [hbm4b:s4+s3], $0x4EC0, $0x38;
	[tilespmem:$0x1FF80] =	vst v63  }
0x16: {  	_ =	swait.ge [sflag:s15], $0x4EC0  }
0x17: {  	[sflag:s15] =	ssyncset.done $0x0  }
0x18: {  	s5 =	rddreg [dreg:$0x4];
	[sflag:s15] =	ssyncadd.s32 $0xFFFFB140  }
0x19: {  	[tilespmem:s16], [sflag:$0x7] =	stream.linear.gather [hbm4b:s5+s3], $0x4EC0, $0x38;
	[tilespmem:$0x1FF80] =	vst v63  }
0x1a: {  	_ =	swait.ge [sflag:s15], $0x4EC0  }
0x1b: {  	[sflag:s15] =	ssyncset.done $0x0  }
0x1c: {  	[sflag:s15] =	ssyncadd.s32 $0xFFFFB140  }
0x1d: {  	[tilespmem:s18], [sflag:$0x1] =	stream.indirect.gather [hbm4b:s7+s17], $0x40, s3, s17, $0xb8;
	[tilespmem:$0x1FF80] =	vst v63  }
0x1e: {  	_ = 	snop  }
0x1f: {  	[tilespmem:s19], [sflag:$0x2] =	stream.indirect.gather [hbm4b:s7+s17], $0x40, s17, s17, $0xb8;
	[tilespmem:$0x1FF80] =	vst v63  }
0x20: {  	s8 =	simm.s32 $0xE0;
	s9 =	sand.u32 $0x7F00, s3  }
0x21: {  	[tilespmem:s21], [sflag:$0x3] =	stream.indirect.gather [hbm4b:s7+s17], $0x40, s8, s17, $0xb8;
	[tilespmem:$0x1FF80] =	vst v63  }
0x22: {  	s5 =	sand.u32 $0x30, s3;
	s8 =	sshrl.u32 s9, $0x2  }
0x23: {  	s4 =	simm.s32 $0x40;
	s8 =	sor.u32 s5, s8;
	s5 =	simm.s32 $0x0  }
.LBB2_2:
0x24: {  	p0 =	sne.s32 s4, $0x6FC0  }
0x25: {  	[tilespmem:s8+$0x14580] =	vst v0;
	s5 =	sadd.s32 $0x10, s5;
	s8 =	smov.u32 s4;
	s4 =	sadd.s32 $0x40, s4  }
.Ltmp0:
0x26: {  	(pc) =	sbr.rel @p0 .LBB2_2-.Ltmp0, $4  }
0x27: {  	_ = 	snop  }
0x28: {  	s8 =	sand.u32 $0x7F00, s8  }
0x29: {  	s9 =	sand.u32 $0x30, s5;
	s8 =	sshrl.u32 s8, $0x2  }
0x2a: {  	s8 =	sor.u32 s9, s8  }
0x2b: {  	[tilespmem:s8+$0x14580] =	vst v0  }
0x2c: {  	[spmem:s6] =	stream.linear.scatter [tilespmem:s22], [sflag:$0x7], $0x1C00, $0x38;
	[tilespmem:$0x1FF80] =	vst v63  }
0x2d: {  	_ =	swait.ge [sflag:s15], $0x1C00  }
0x2e: {  	[sflag:s15] =	ssyncset.done $0x0  }
0x2f: {  	[sflag:s15] =	ssyncadd.s32 $0xFFFFE400  }
0x30: {  	[spmem:s11] =	stream.linear.scatter [tilespmem:s22], [sflag:$0x7], $0x1C00, $0x38;
	[tilespmem:$0x1FF80] =	vst v63  }
0x31: {  	_ =	swait.ge [sflag:s15], $0x1C00  }
0x32: {  	[sflag:s15] =	ssyncset.done $0x0  }
0x33: {  	[sflag:s15] =	ssyncadd.s32 $0xFFFFE400  }
0x34: {  	[spmem:s12] =	stream.linear.scatter [tilespmem:s22], [sflag:$0x7], $0x1C00, $0x38;
	[tilespmem:$0x1FF80] =	vst v63  }
0x35: {  	_ =	swait.ge [sflag:s15], $0x1C00  }
0x36: {  	[sflag:s15] =	ssyncset.done $0x0  }
0x37: {  	[sflag:s15] =	ssyncadd.s32 $0xFFFFE400  }
0x38: {  	[spmem:s13] =	stream.linear.scatter [tilespmem:s22], [sflag:$0x7], $0x1C00, $0x38;
	[tilespmem:$0x1FF80] =	vst v63  }
0x39: {  	_ =	swait.ge [sflag:s15], $0x1C00  }
0x3a: {  	[sflag:s15] =	ssyncset.done $0x0  }
0x3b: {  	[sflag:s15] =	ssyncadd.s32 $0xFFFFE400  }
0x3c: {  	[spmem:s14] =	stream.linear.scatter [tilespmem:s22], [sflag:$0x7], $0x1C00, $0x38;
	[tilespmem:$0x1FF80] =	vst v63  }
0x3d: {  	_ =	swait.ge [sflag:s15], $0x1C00  }
0x3e: {  	[sflag:s15] =	ssyncset.done $0x0  }
0x3f: {  	s4 =	rddreg [dreg:$0x5];
	[sflag:s15] =	ssyncadd.s32 $0xFFFFE400  }
0x40: {  	[spmem:s4] =	stream.linear.scatter [tilespmem:s22], [sflag:$0x7], $0x1200, $0x38;
	[tilespmem:$0x1FF80] =	vst v63  }
0x41: {  	_ =	swait.ge [sflag:s15], $0x1200  }
0x42: {  	[sflag:s15] =	ssyncset.done $0x0  }
0x43: {  	[sflag:s15] =	ssyncadd.s32 $0xFFFFEE00  }
0x44: {  	[bflag:$0x0] =	sbarrier.arrive $0xFFFF  }
0x45: {  	_ =	swait.ge [sflag:s23], $0x1C00  }
0x46: {  	[sflag:s23] =	ssyncset.done $0x0  }
0x47: {  	[sflag:s23] =	ssyncadd.s32 $0xFFFFE400  }
0x48: {  	[spmem:s1] =	stream.indirect.scatter.add.f32 [tilespmem:s18], [sflag:$0x7], $0x40, s16, s17, $0xb8;
	[tilespmem:$0x1FF80] =	vst v63  }
0x49: {  	_ =	swait.ge [sflag:s15], $0x1C00  }
0x4a: {  	[sflag:s15] =	ssyncset.done $0x0  }
0x4b: {  	s9 =	simm.s32 $0x150;
	[sflag:s15] =	ssyncadd.s32 $0xFFFFE400  }
0x4c: {  	[tilespmem:s26], [sflag:$0x4] =	stream.indirect.gather [hbm4b:s7+s17], $0x40, s9, s17, $0xb8;
	[tilespmem:$0x1FF80] =	vst v63  }
0x4d: {  	_ =	swait.ge [sflag:s28], $0x1C00  }
0x4e: {  	[sflag:s28] =	ssyncset.done $0x0  }
0x4f: {  	s5 =	simm.s32 $0x4F30;
	[sflag:s28] =	ssyncadd.s32 $0xFFFFE400  }
0x50: {  	[spmem:s1] =	stream.indirect.scatter.add.f32 [tilespmem:s19], [sflag:$0x7], $0x40, s5, s17, $0xb8;
	[tilespmem:$0x1FF80] =	vst v63  }
0x51: {  	_ =	swait.ge [sflag:s15], $0x1C00  }
0x52: {  	[sflag:s15] =	ssyncset.done $0x0  }
0x53: {  	s8 =	simm.s32 $0x1C0;
	[sflag:s15] =	ssyncadd.s32 $0xFFFFE400  }
0x54: {  	[tilespmem:s31], [sflag:$0x5] =	stream.indirect.gather [hbm4b:s7+s17], $0x40, s8, s17, $0xb8;
	[tilespmem:$0x1FF80] =	vst v63  }
0x55: {  	_ =	swait.ge [sflag:s0], $0x1C00  }
0x56: {  	[sflag:s0] =	ssyncset.done $0x0  }
0x57: {  	s9 =	simm.s32 $0x4FA0;
	[sflag:s0] =	ssyncadd.s32 $0xFFFFE400  }
0x58: {  	[spmem:s1] =	stream.indirect.scatter.add.f32 [tilespmem:s21], [sflag:$0x7], $0x40, s9, s17, $0xb8;
	[tilespmem:$0x1FF80] =	vst v63  }
0x59: {  	_ =	swait.ge [sflag:s15], $0x1C00  }
0x5a: {  	[sflag:s15] =	ssyncset.done $0x0  }
0x5b: {  	s5 =	simm.s32 $0x230;
	[sflag:s15] =	ssyncadd.s32 $0xFFFFE400  }
0x5c: {  	[tilespmem:s2], [sflag:$0x6] =	stream.indirect.gather [hbm4b:s7+s17], $0x40, s5, s17, $0xb8;
	[tilespmem:$0x1FF80] =	vst v63  }
0x5d: {  	_ =	swait.ge [sflag:s29], $0x1C00  }
0x5e: {  	[sflag:s29] =	ssyncset.done $0x0  }
0x5f: {  	s8 =	simm.s32 $0x5010;
	[sflag:s29] =	ssyncadd.s32 $0xFFFFE400  }
0x60: {  	[spmem:s1] =	stream.indirect.scatter.add.f32 [tilespmem:s26], [sflag:$0x7], $0x40, s8, s17, $0xb8;
	[tilespmem:$0x1FF80] =	vst v63  }
0x61: {  	_ =	swait.ge [sflag:s15], $0x1C00  }
0x62: {  	[sflag:s15] =	ssyncset.done $0x0  }
0x63: {  	s9 =	simm.s32 $0x2A0;
	[sflag:s15] =	ssyncadd.s32 $0xFFFFE400  }
0x64: {  	[tilespmem:s18], [sflag:$0x1] =	stream.indirect.gather [hbm4b:s7+s17], $0x40, s9, s17, $0xb8;
	[tilespmem:$0x1FF80] =	vst v63  }
0x65: {  	_ =	swait.ge [sflag:s30], $0x1C00  }
0x66: {  	[sflag:s30] =	ssyncset.done $0x0  }
0x67: {  	s5 =	simm.s32 $0x5080;
	[sflag:s30] =	ssyncadd.s32 $0xFFFFE400  }
0x68: {  	[spmem:s1] =	stream.indirect.scatter.add.f32 [tilespmem:s31], [sflag:$0x7], $0x40, s5, s17, $0xb8;
	[tilespmem:$0x1FF80] =	vst v63  }
0x69: {  	_ =	swait.ge [sflag:s15], $0x1C00  }
0x6a: {  	[sflag:s15] =	ssyncset.done $0x0  }
0x6b: {  	s8 =	simm.s32 $0x310;
	[sflag:s15] =	ssyncadd.s32 $0xFFFFE400  }
0x6c: {  	[tilespmem:s19], [sflag:$0x2] =	stream.indirect.gather [hbm4b:s7+s17], $0x40, s8, s17, $0xb8;
	[tilespmem:$0x1FF80] =	vst v63  }
0x6d: {  	_ =	swait.ge [sflag:s20], $0x1C00  }
0x6e: {  	[sflag:s20] =	ssyncset.done $0x0  }
0x6f: {  	s9 =	simm.s32 $0x50F0;
	[sflag:s20] =	ssyncadd.s32 $0xFFFFE400  }
0x70: {  	[spmem:s1] =	stream.indirect.scatter.add.f32 [tilespmem:s2], [sflag:$0x7], $0x40, s9, s17, $0xb8;
	[tilespmem:$0x1FF80] =	vst v63  }
0x71: {  	_ =	swait.ge [sflag:s15], $0x1C00  }
0x72: {  	[sflag:s15] =	ssyncset.done $0x0  }
0x73: {  	s5 =	simm.s32 $0x380;
	[sflag:s15] =	ssyncadd.s32 $0xFFFFE400  }
0x74: {  	[tilespmem:s21], [sflag:$0x3] =	stream.indirect.gather [hbm4b:s7+s17], $0x40, s5, s17, $0xb8;
	[tilespmem:$0x1FF80] =	vst v63  }
0x75: {  	_ =	swait.ge [sflag:s23], $0x1C00  }
0x76: {  	[sflag:s23] =	ssyncset.done $0x0  }
0x77: {  	s8 =	simm.s32 $0x5160;
	[sflag:s23] =	ssyncadd.s32 $0xFFFFE400  }
0x78: {  	[spmem:s1] =	stream.indirect.scatter.add.f32 [tilespmem:s18], [sflag:$0x7], $0x40, s8, s17, $0xb8;
	[tilespmem:$0x1FF80] =	vst v63  }
0x79: {  	_ =	swait.ge [sflag:s15], $0x1C00  }
0x7a: {  	[sflag:s15] =	ssyncset.done $0x0  }
0x7b: {  	s9 =	simm.s32 $0x3F0;
	[sflag:s15] =	ssyncadd.s32 $0xFFFFE400  }
0x7c: {  	[tilespmem:s26], [sflag:$0x4] =	stream.indirect.gather [hbm4b:s7+s17], $0x40, s9, s17, $0xb8;
	[tilespmem:$0x1FF80] =	vst v63  }
0x7d: {  	_ =	swait.ge [sflag:s28], $0x1C00  }
0x7e: {  	[sflag:s28] =	ssyncset.done $0x0  }
0x7f: {  	s5 =	simm.s32 $0x51D0;
	[sflag:s28] =	ssyncadd.s32 $0xFFFFE400  }
0x80: {  	[spmem:s1] =	stream.indirect.scatter.add.f32 [tilespmem:s19], [sflag:$0x7], $0x40, s5, s17, $0xb8;
	[tilespmem:$0x1FF80] =	vst v63  }
0x81: {  	_ =	swait.ge [sflag:s15], $0x1C00  }
0x82: {  	[sflag:s15] =	ssyncset.done $0x0  }
0x83: {  	s8 =	simm.s32 $0x460;
	[sflag:s15] =	ssyncadd.s32 $0xFFFFE400  }
0x84: {  	[tilespmem:s31], [sflag:$0x5] =	stream.indirect.gather [hbm4b:s7+s17], $0x40, s8, s17, $0xb8;
	[tilespmem:$0x1FF80] =	vst v63  }
0x85: {  	_ =	swait.ge [sflag:s0], $0x1C00  }
0x86: {  	[sflag:s0] =	ssyncset.done $0x0  }
0x87: {  	s9 =	simm.s32 $0x5240;
	[sflag:s0] =	ssyncadd.s32 $0xFFFFE400  }
0x88: {  	[spmem:s1] =	stream.indirect.scatter.add.f32 [tilespmem:s21], [sflag:$0x7], $0x40, s9, s17, $0xb8;
	[tilespmem:$0x1FF80] =	vst v63  }
0x89: {  	_ =	swait.ge [sflag:s15], $0x1C00  }
0x8a: {  	[sflag:s15] =	ssyncset.done $0x0  }
0x8b: {  	s4 =	simm.s32 $0xA80;
	s5 =	simm.s32 $0x4D0;
	[sflag:s15] =	ssyncadd.s32 $0xFFFFE400  }
.LBB2_4:
0x8c: {  	[tilespmem:s2], [sflag:$0x6] =	stream.indirect.gather [hbm4b:s7+s17], $0x40, s5, s17, $0xb8;
	[tilespmem:$0x1FF80] =	vst v63  }
0x8d: {  	s5 =	smov.u32 s4  }
0x8e: {  	p0 =	sne.s32 s4, $0x12600;
	s4 =	sadd.s32 $0xA80, s4;
	_ =	swait.ge [sflag:s29], $0x1C00  }
0x8f: {  	s5 =	sshra.s32 s5, $0x2;
	[sflag:s29] =	ssyncset.done $0x0  }
0x90: {  	s8 =	sadd.s32 $0x5010, s5;
	[sflag:s29] =	ssyncadd.s32 $0xFFFFE400  }
0x91: {  	[spmem:s1] =	stream.indirect.scatter.add.f32 [tilespmem:s26], [sflag:$0x7], $0x40, s8, s17, $0xb8;
	[tilespmem:$0x1FF80] =	vst v63  }
0x92: {  	_ =	swait.ge [sflag:s15], $0x1C00  }
0x93: {  	[sflag:s15] =	ssyncset.done $0x0  }
0x94: {  	s8 =	sadd.s32 $0x2A0, s5;
	[sflag:s15] =	ssyncadd.s32 $0xFFFFE400  }
0x95: {  	[tilespmem:s18], [sflag:$0x1] =	stream.indirect.gather [hbm4b:s7+s17], $0x40, s8, s17, $0xb8;
	[tilespmem:$0x1FF80] =	vst v63  }
0x96: {  	_ =	swait.ge [sflag:s30], $0x1C00  }
0x97: {  	[sflag:s30] =	ssyncset.done $0x0  }
0x98: {  	s8 =	sadd.s32 $0x5080, s5;
	[sflag:s30] =	ssyncadd.s32 $0xFFFFE400  }
0x99: {  	[spmem:s1] =	stream.indirect.scatter.add.f32 [tilespmem:s31], [sflag:$0x7], $0x40, s8, s17, $0xb8;
	[tilespmem:$0x1FF80] =	vst v63  }
0x9a: {  	_ =	swait.ge [sflag:s15], $0x1C00  }
0x9b: {  	[sflag:s15] =	ssyncset.done $0x0  }
0x9c: {  	s8 =	sadd.s32 $0x310, s5;
	[sflag:s15] =	ssyncadd.s32 $0xFFFFE400  }
0x9d: {  	[tilespmem:s19], [sflag:$0x2] =	stream.indirect.gather [hbm4b:s7+s17], $0x40, s8, s17, $0xb8;
	[tilespmem:$0x1FF80] =	vst v63  }
0x9e: {  	_ =	swait.ge [sflag:s20], $0x1C00  }
0x9f: {  	[sflag:s20] =	ssyncset.done $0x0  }
0xa0: {  	s8 =	sadd.s32 $0x50F0, s5;
	[sflag:s20] =	ssyncadd.s32 $0xFFFFE400  }
0xa1: {  	[spmem:s1] =	stream.indirect.scatter.add.f32 [tilespmem:s2], [sflag:$0x7], $0x40, s8, s17, $0xb8;
	[tilespmem:$0x1FF80] =	vst v63  }
0xa2: {  	_ =	swait.ge [sflag:s15], $0x1C00  }
0xa3: {  	[sflag:s15] =	ssyncset.done $0x0  }
0xa4: {  	s8 =	sadd.s32 $0x380, s5;
	[sflag:s15] =	ssyncadd.s32 $0xFFFFE400  }
0xa5: {  	[tilespmem:s21], [sflag:$0x3] =	stream.indirect.gather [hbm4b:s7+s17], $0x40, s8, s17, $0xb8;
	[tilespmem:$0x1FF80] =	vst v63  }
0xa6: {  	_ =	swait.ge [sflag:s23], $0x1C00  }
0xa7: {  	[sflag:s23] =	ssyncset.done $0x0  }
0xa8: {  	s8 =	sadd.s32 $0x5160, s5;
	[sflag:s23] =	ssyncadd.s32 $0xFFFFE400  }
0xa9: {  	[spmem:s1] =	stream.indirect.scatter.add.f32 [tilespmem:s18], [sflag:$0x7], $0x40, s8, s17, $0xb8;
	[tilespmem:$0x1FF80] =	vst v63  }
0xaa: {  	_ =	swait.ge [sflag:s15], $0x1C00  }
0xab: {  	[sflag:s15] =	ssyncset.done $0x0  }
0xac: {  	s8 =	sadd.s32 $0x3F0, s5;
	[sflag:s15] =	ssyncadd.s32 $0xFFFFE400  }
0xad: {  	[tilespmem:s26], [sflag:$0x4] =	stream.indirect.gather [hbm4b:s7+s17], $0x40, s8, s17, $0xb8;
	[tilespmem:$0x1FF80] =	vst v63  }
0xae: {  	_ =	swait.ge [sflag:s28], $0x1C00  }
0xaf: {  	[sflag:s28] =	ssyncset.done $0x0  }
0xb0: {  	s8 =	sadd.s32 $0x51D0, s5;
	[sflag:s28] =	ssyncadd.s32 $0xFFFFE400  }
0xb1: {  	[spmem:s1] =	stream.indirect.scatter.add.f32 [tilespmem:s19], [sflag:$0x7], $0x40, s8, s17, $0xb8;
	[tilespmem:$0x1FF80] =	vst v63  }
0xb2: {  	_ =	swait.ge [sflag:s15], $0x1C00  }
0xb3: {  	[sflag:s15] =	ssyncset.done $0x0  }
0xb4: {  	s8 =	sadd.s32 $0x460, s5;
	[sflag:s15] =	ssyncadd.s32 $0xFFFFE400  }
0xb5: {  	[tilespmem:s31], [sflag:$0x5] =	stream.indirect.gather [hbm4b:s7+s17], $0x40, s8, s17, $0xb8;
	[tilespmem:$0x1FF80] =	vst v63  }
0xb6: {  	_ =	swait.ge [sflag:s0], $0x1C00  }
0xb7: {  	[sflag:s0] =	ssyncset.done $0x0  }
.Ltmp1:
0xb8: {  	s8 =	sadd.s32 $0x5240, s5;
	[sflag:s0] =	ssyncadd.s32 $0xFFFFE400;
	(pc) =	sbr.rel @p0 .LBB2_4-.Ltmp1, $4  }
0xb9: {  	[spmem:s1] =	stream.indirect.scatter.add.f32 [tilespmem:s21], [sflag:$0x7], $0x40, s8, s17, $0xb8;
	[tilespmem:$0x1FF80] =	vst v63  }
0xba: {  	_ =	swait.ge [sflag:s15], $0x1C00  }
0xbb: {  	[sflag:s15] =	ssyncset.done $0x0  }
0xbc: {  	s5 =	sadd.s32 $0x4D0, s5;
	[sflag:s15] =	ssyncadd.s32 $0xFFFFE400  }
0xbd: {  	[tilespmem:s2], [sflag:$0x6] =	stream.indirect.gather [hbm4b:s7+s17], $0x40, s5, s17, $0xb8;
	[tilespmem:$0x1FF80] =	vst v63  }
0xbe: {  	_ =	swait.ge [sflag:s29], $0x1C00  }
0xbf: {  	[sflag:s29] =	ssyncset.done $0x0  }
0xc0: {  	s4 =	simm.s32 $0x9C30;
	[sflag:s29] =	ssyncadd.s32 $0xFFFFE400  }
0xc1: {  	[spmem:s1] =	stream.indirect.scatter.add.f32 [tilespmem:s26], [sflag:$0x7], $0x40, s4, s17, $0xb8;
	[tilespmem:$0x1FF80] =	vst v63  }
0xc2: {  	_ =	swait.ge [sflag:s15], $0x1C00  }
0xc3: {  	[sflag:s15] =	ssyncset.done $0x0  }
0xc4: {  	[sflag:s15] =	ssyncadd.s32 $0xFFFFE400  }
0xc5: {  	_ =	swait.ge [sflag:s30], $0x1C00  }
0xc6: {  	[sflag:s30] =	ssyncset.done $0x0  }
0xc7: {  	s9 =	simm.s32 $0x9CA0;
	[sflag:s30] =	ssyncadd.s32 $0xFFFFE400  }
0xc8: {  	[spmem:s1] =	stream.indirect.scatter.add.f32 [tilespmem:s31], [sflag:$0x7], $0x40, s9, s17, $0xb8;
	[tilespmem:$0x1FF80] =	vst v63  }
0xc9: {  	_ =	swait.ge [sflag:s15], $0x1C00  }
0xca: {  	[sflag:s15] =	ssyncset.done $0x0  }
0xcb: {  	[sflag:s15] =	ssyncadd.s32 $0xFFFFE400  }
0xcc: {  	_ =	swait.ge [sflag:s20], $0x1C00  }
0xcd: {  	[sflag:s20] =	ssyncset.done $0x0  }
0xce: {  	s5 =	simm.s32 $0x9D10;
	[sflag:s20] =	ssyncadd.s32 $0xFFFFE400  }
0xcf: {  	[spmem:s1] =	stream.indirect.scatter.add.f32 [tilespmem:s2], [sflag:$0x7], $0x40, s5, s17, $0xb8;
	[tilespmem:$0x1FF80] =	vst v63  }
0xd0: {  	_ =	swait.ge [sflag:s15], $0x1C00  }
0xd1: {  	[sflag:s15] =	ssyncset.done $0x0  }
0xd2: {  	s8 =	stileid.u32;
	s24 =	sadd.s32 $0x1, s24;
	[sflag:s15] =	ssyncadd.s32 $0xFFFFE400  }
0xd3: {  	p0 =	sne.s32 s24, s10;
	s4 =	sshll.u32 s8, $0x6;
	[bflag:$0x0] =	sbarrier.arrive $0xFFFF  }
.Ltmp2:
0xd4: {  	s4 =	sor.u32 $0x1C07, s4;
	s9 =	rddreg [dreg:$0x6];
	(pc) =	sbr.rel @p0 .LBB2_1-.Ltmp2, $4  }
0xd5: {  	[hbm:s9], [sflag:s4] =	dma.local [spmem:s25], $0x13C0  }
0xd6: {  	_ =	swait.ge [sflag:s15], $0x13C0  }
0xd7: {  	[sflag:s15] =	ssyncset.done $0x0  }
0xd8: {  	[sflag:s15] =	ssyncadd.s32 $0xFFFFEC40  }
0xd9: {  	_ =	sfence.sel $0x180000  }
0xda: {  	[bflag:$0x0] =	sbarrier.arrive $0xFFFF  }
0xdb: {  	_ =	strace $0x9000004D  }
0xdc: {  	s0 =	stileid.u32;
	[bflag:$0x2] =	sbarrier.arrive $0xFFFF  }
0xdd: {  	p0 =	sne.s32 s0, $0x0;
	s0 =	rddreg [dreg:$0x2]  }
0xde: {  	s0 =	sadd.s32 @!p0 $0x100000, s0  }
0xdf: {  	[sflag:s0] =	ssyncadd.tile.s32 @!p0 $0x1;
	_ =	shalt  }
.Lfunc_end2:
_tile_overlayer_lowered:
.L_overlay_start_2:
0xe0: {  	(tag) =	ssettag $0x2  }
0xe1: {  	s0 =	rddreg [dreg:$0x0];
	s2 =	stileid.u32  }
0xe2: {  	s1 =	rddreg [dreg:$0x1];
	p0 =	sne.s32 s2, $0x0  }
0xe3: {  	s3 =	rddreg [dreg:$0x2];
	[bflag:$0x3] =	sbarrier.arrive $0xFFFF;
	s2 =	simm.s32 @!p0 $0x1C07  }
0xe4: {  	[timem:s3], [sflag:s2] =	dma.local @!p0 [hbm:s0], s1  }
0xe5: {  	s0 =	simm.s32 @!p0 $0x7  }
0xe6: {  	_ =	swait.ge @!p0 [sflag:s0], s1  }
0xe7: {  	s1 =	ssub.s32 @!p0 $0x0, s1;
	[sflag:s0] =	ssyncset.done @!p0 $0x0  }
0xe8: {  	[sflag:s0] =	ssyncadd.s32 @!p0 s1  }
0xe9: {  	[bflag:$0x3] =	sbarrier.arrive $0xFFFF  }
0xea: {  	_ =	shalt  }

// kernel: _run.20.cloned.1.call-start
scs
__scs_entry_jumppad:
0x0: {  	(pc) =	sbr.rel $0x88, $3  }
0x1: {  	(tag) =	ssettag $0x0;
	lr =	simm.s32 $0x1  }
0x2: {  	[smem:$0x3F95] =	sst lr;
	_ =	strace $0xD0000000  }
0x3: {  	_ = 	snop  }
0x4: {  	_ = 	snop  }
0x5: {  	_ = 	snop  }
0x6: {  	_ = 	snop  }
0x7: {  	_ = 	snop  }
__scs_overlays_trampoline_lowered:
0x8: {  	[smem:$0x3FA4] =	sst s0  }
0x9: {  	[smem:$0x3FA5] =	sst s1  }
0xa: {  	[smem:$0x3FA6] =	sst s2  }
0xb: {  	[smem:$0x3FA7] =	sst s3  }
0xc: {  	[smem:$0x3FA8] =	sst s4  }
0xd: {  	[smem:$0x3FA9] =	sst s5  }
0xe: {  	[smem:$0x3FAA] =	sst s6  }
0xf: {  	[smem:$0x3FAB] =	sst s7  }
0x10: {  	[smem:$0x3FAC] =	sst s8  }
0x11: {  	[smem:$0x3FAD] =	sst s9;
	s0 =	simm.s32 @!p0 $0x0  }
0x12: {  	s1 =	sld [smem:$0x3F93];
	s0 =	simm.s32 @p0 $0x1  }
0x13: {  	[smem:$0x3FAE] =	sst s0;
	s0 =	simm.s32 @!p1 $0x0  }
0x14: {  	s2 =	sld [smem:$0x3F92];
	s0 =	simm.s32 @p1 $0x1  }
0x15: {  	[smem:$0x3FAF] =	sst s0;
	s0 =	simm.s32 @!p2 $0x0  }
0x16: {  	s3 =	sld [smem:$0x3FDB];
	s0 =	simm.s32 @p2 $0x1  }
0x17: {  	s4 =	simm.s32 $0x1BF5;
	[smem:$0x3FB1] =	sst s0  }
0x18: {  	s0 =	sld [smem:$0x3F94];
	_ =	swait.ge [sflag:s4], $0x0  }
0x19: {  	s7 =	sld [smem:$0x3F95]  }
0x1a: {  	s8 =	sadd.s32 $0xFFFFE003, lr  }
0x1b: {  	s9 =	sadd.s32 $0xFFFFFEF7, lr;
	s5 =	simm.s32 $0xFFFFFFFF;
	p2 =	slt.u32 s8, $0xFFFFF086  }
0x1c: {  	p1 =	slt.u32 s9, $0xF7A;
	s5 =	simm.s32 @!p2 $0x0  }
0x1d: {  	s5 =	simm.s32 @p1 $0x1;
	p0 =	seq.s32 s7, s2  }
0x1e: {  	s7 =	smul.u32 @!p0 $0xF7A, s2;
	p2 =	seq.s32 @!p0 s5, $0x0  }
0x1f: {  	s9 =	smul.u32 $0xF7A, s1;
	s8 =	simm.s32 @!p0 $0x1BF5;
	p2 =	por !p2, p0  }
0x20: {  	[sflag:s8] =	ssyncset.s32 @!p0 $0xFFFFF086;
	s6 =	sadd.s32 @!p0 s3, s7;
	s7 =	simm.s32 @!p0 $0x108  }
0x21: {  	s3 =	sadd.s32 s3, s9;
	s6 =	sadd.s32 @!p0 $0x88, s6;
	s7 =	simm.s32 @p2 $0x1082  }
0x22: {  	[simem:s7], [sflag:s8] =	dma.local @!p0 [hbm:s6], $0xF7A  }
0x23: {  	s9 =	sor.u32 $0xD0000000, s2;
	s6 =	simm.s32 $0x108;
	_ =	swait.ge @!p0 [sflag:s8], $0x0  }
0x24: {  	s3 =	sadd.s32 $0x88, s3;
	s6 =	simm.s32 @!p1 $0x1082;
	[sflag:s4] =	ssyncset.s32 $0xFFFFF086  }
0x25: {  	[simem:s6], [sflag:s4] =	dma.local [hbm:s3], $0xF7A  }
0x26: {  	[smem:$0x3F95] =	sst s1;
	(tag) =	ssettag s2;
	_ =	strace s9  }
0x27: {  	s1 =	sld [smem:$0x3FA5]  }
0x28: {  	s2 =	sld [smem:$0x3FA6]  }
0x29: {  	s4 =	sld [smem:$0x3FA8]  }
0x2a: {  	p0 =	seq.s32 s5, $0x0;
	s5 =	sld [smem:$0x3FA9]  }
0x2b: {  	s6 =	sld [smem:$0x3FAA]  }
0x2c: {  	s7 =	sld [smem:$0x3FAB]  }
0x2d: {  	s3 =	simm.s32 $0x108;
	s8 =	sld [smem:$0x3FAC]  }
0x2e: {  	s3 =	simm.s32 @!p0 $0x1082;
	s9 =	sld [smem:$0x3FAD]  }
0x2f: {  	lr =	sadd.s32 s0, s3;
	s0 =	sld [smem:$0x3FA4]  }
0x30: {  	s3 =	sld [smem:$0x3FA7]  }
0x31: {  	[smem:$0x3FB0] =	sst s10  }
0x32: {  	s10 =	sld [smem:$0x3FAE];
	_ =	sdelay $0x3  }
0x33: {  	p0 =	seq.s32 s10, $0x1;
	s10 =	sld [smem:$0x3FB0];
	_ =	sdelay $0x3  }
0x34: {  	[smem:$0x3FB0] =	sst s10  }
0x35: {  	s10 =	sld [smem:$0x3FAF];
	_ =	sdelay $0x3  }
0x36: {  	p1 =	seq.s32 s10, $0x1;
	s10 =	sld [smem:$0x3FB0];
	_ =	sdelay $0x3  }
0x37: {  	[smem:$0x3FB0] =	sst s10  }
0x38: {  	s10 =	sld [smem:$0x3FB1]  }
0x39: {  	_ = 	snop;
	(pc) =	sbr.ind lr, $3  }
0x3a: {  	_ = 	snop  }
0x3b: {  	_ = 	snop  }
0x3c: {  	p2 =	seq.s32 s10, $0x1;
	s10 =	sld [smem:$0x3FB0]  }
0x3d: {  	_ =	shalt  }
0x3e: {  	_ =	shalt  }
0x3f: {  	_ =	shalt  }
0x40: {  	_ =	shalt  }
0x41: {  	_ =	shalt  }
0x42: {  	_ =	shalt  }
0x43: {  	_ =	shalt  }
0x44: {  	_ =	shalt  }
0x45: {  	_ =	shalt  }
0x46: {  	_ =	shalt  }
0x47: {  	_ =	shalt  }
0x48: {  	_ =	shalt  }
0x49: {  	_ =	shalt  }
0x4a: {  	_ =	shalt  }
0x4b: {  	_ =	shalt  }
0x4c: {  	_ =	shalt  }
0x4d: {  	_ =	shalt  }
0x4e: {  	_ =	shalt  }
0x4f: {  	_ =	shalt  }
0x50: {  	_ =	shalt  }
0x51: {  	_ =	shalt  }
0x52: {  	_ =	shalt  }
0x53: {  	_ =	shalt  }
0x54: {  	_ =	shalt  }
0x55: {  	_ =	shalt  }
0x56: {  	_ =	shalt  }
0x57: {  	_ =	shalt  }
0x58: {  	_ =	shalt  }
0x59: {  	_ =	shalt  }
0x5a: {  	_ =	shalt  }
0x5b: {  	_ =	shalt  }
0x5c: {  	_ =	shalt  }
0x5d: {  	_ =	shalt  }
0x5e: {  	_ =	shalt  }
0x5f: {  	_ =	shalt  }
0x60: {  	_ =	shalt  }
0x61: {  	_ =	shalt  }
0x62: {  	_ =	shalt  }
0x63: {  	_ =	shalt  }
0x64: {  	_ =	shalt  }
0x65: {  	_ =	shalt  }
0x66: {  	_ =	shalt  }
0x67: {  	_ =	shalt  }
0x68: {  	_ =	shalt  }
0x69: {  	_ =	shalt  }
0x6a: {  	_ =	shalt  }
0x6b: {  	_ =	shalt  }
0x6c: {  	_ =	shalt  }
0x6d: {  	_ =	shalt  }
0x6e: {  	_ =	shalt  }
0x6f: {  	_ =	shalt  }
0x70: {  	_ =	shalt  }
0x71: {  	_ =	shalt  }
0x72: {  	_ =	shalt  }
0x73: {  	_ =	shalt  }
0x74: {  	_ =	shalt  }
0x75: {  	_ =	shalt  }
0x76: {  	_ =	shalt  }
0x77: {  	_ =	shalt  }
0x78: {  	_ =	shalt  }
0x79: {  	_ =	shalt  }
0x7a: {  	_ =	shalt  }
0x7b: {  	_ =	shalt  }
0x7c: {  	_ =	shalt  }
0x7d: {  	_ =	shalt  }
0x7e: {  	_ =	shalt  }
0x7f: {  	_ =	shalt  }
0x80: {  	_ =	shalt  }
0x81: {  	_ =	shalt  }
0x82: {  	_ =	shalt  }
0x83: {  	_ =	shalt  }
0x84: {  	_ =	shalt  }
0x85: {  	_ =	shalt  }
0x86: {  	_ =	shalt  }
0x87: {  	_ =	shalt  }
.Lfunc_end0:
.L_simem_size_0:
called_computation.3_lowered:
.L_overlay_start_0:
0x88: {  	s2 =	sld [smem:$0x3FD9]  }
0x89: {  	s3 =	sld [smem:$0x3FFE];
	_ =	sdelay $0x1  }
0x8a: {  	s1 =	srdreg.scid  }
0x8b: {  	s0 =	sand.u32 $0x1, s1  }
0x8c: {  	s16 =	sshll.u32 s0, $0xA;
	s2 =	sadd.s32 s3, s2  }
0x8d: {  	s2 =	sadd.s32 s2, s16  }
0x8e: {  	[smem:$0x3FBC] =	sst s2  }
0x8f: {  	_ = 	snop  }
0x90: {  	(tm) =	ssettm $0x1  }
0x91: {  	s17 =	sld [smem:$0x3FFB];
	_ =	sdelay $0x3  }
0x92: {  	_ =	strace s17  }
0x93: {  	s2 =	sld [smem:$0x3FFC];
	_ =	sdelay $0x3  }
0x94: {  	_ =	strace s2  }
0x95: {  	s2 =	sld [smem:$0x3FFD];
	_ =	sdelay $0x3  }
0x96: {  	_ =	strace s2  }
0x97: {  	_ =	strace $0x8FFFFFFF  }
0x98: {  	s18 =	sld [smem:$0x3FDB];
	_ =	sdelay $0x1  }
0x99: {  	s19 =	simm.s32 $_scs_section_size  }
0x9a: {  	s4 =	simm.s32 $_size__tile_overlayer_lowered;
	s5 =	simm.s32 $_tile_overlayer_lowered  }
0x9b: {  	s22 =	simm.s32 $0x1BFF;
	s21 =	sshll.u32 s5, $0x1;
	s2 =	sadd.s32 s19, s18  }
0x9c: {  	s6 =	simm.s32 $0x0;
	s20 =	sshll.u32 s4, $0x1;
	s4 =	sadd.s32 s21, s2  }
0x9d: {  	[timem:s6], [sflag:s22] =	dma.local [hbm:s4], s20  }
0x9e: {  	_ =	swait.ge [sflag:s22], s20  }
0x9f: {  	s3 =	ssub.s32 $0x0, s20;
	[sflag:s22] =	ssyncset.done $0x0  }
0xa0: {  	[sflag:s22] =	ssyncadd.s32 s3;
	_ =	sdelay $0x1  }
0xa1: {  	s23 =	simm.s32 $0x1B8B  }
0xa2: {  	_ =	swait.ge [sflag:s23], $0x1  }
0xa3: {  	[sflag:s23] =	ssyncset.done $0x0  }
0xa4: {  	s25 =	simm.s32 $0x1B8E;
	s24 =	sld [smem:$0x3FFE];
	[sflag:s23] =	ssyncadd.s32 $0xFFFFFFFF  }
0xa5: {  	s26 =	simm.s32 $execute0_lowered;
	[smem:$0x3FD2] =	sst s25  }
0xa6: {  	s4 =	sshll.u32 s26, $0x1;
	_ =	strace $0x8000004F;
	[dreg:$0x1] =	wrdreg $0xFFFFFFFF  }
0xa7: {  	s28 =	simm.s32 $_size_execute0_lowered;
	s2 =	sadd.s32 s2, s4;
	[dreg:$0x0] =	wrdreg $0x0  }
0xa8: {  	s4 =	sshll.u32 s28, $0x1;
	[dreg:$0x2] =	wrdreg s2  }
0xa9: {  	[dreg:$0x3] =	wrdreg s4  }
0xaa: {  	[dreg:$0x4] =	wrdreg $0xC0  }
0xab: {  	_ =	task [dreg:s6], $0x5FFFF  }
0xac: {  	[dreg:$0x1] =	wrdreg $0xFFFFFFFF  }
0xad: {  	[dreg:$0x0] =	wrdreg $0x60  }
0xae: {  	[dreg:$0x2] =	wrdreg s24  }
0xaf: {  	[dreg:$0x3] =	wrdreg $0x161800  }
0xb0: {  	[dreg:$0x4] =	wrdreg $0x9  }
0xb1: {  	_ =	task.clear_ibuf [dreg:s6], $0x5FFFF;
	_ =	strace $0x9000004F  }
0xb2: {  	s29 =	simm.s32 $0x9;
	_ =	strace $0x80000051  }
0xb3: {  	_ =	swait.ge [sflag:s29], $0x1  }
0xb4: {  	[sflag:s29] =	ssyncadd.s32 $0xFFFFFFFF  }
0xb5: {  	_ =	strace $0x90000051  }
0xb6: {  	_ =	sfence  }
0xb7: {  	s30 =	sld [smem:$0x0];
	_ =	sdelay $0x2  }
0xb8: {  	s31 =	sshll.u32 s1, $0xD;
	s1 =	sshrl.u32 s1, $0x2  }
0xb9: {  	s3 =	sand.u32 $0x4000, s31;
	s1 =	sadd.s32 s1, s30  }
0xba: {  	s0 =	sor.u32 s3, s0;
	s1 =	sshll.u32 s1, $0x11  }
0xbb: {  	s0 =	sor.u32 s1, s0  }
0xbc: {  	s0 =	sadd.s32 $0x8F2B, s0  }
0xbd: {  	[sflag:s0] =	ssyncadd.remote.s32 $0x1  }
0xbe: {  	_ =	sfence.sel $0xFFFF  }
0xbf: {  	[dreg:$0x0] =	wrdreg $0xFFFFFFFF;
	(pc) =	sbr.abs _section_cstart, $3  }
0xc0: {  	[dreg:$0x1] =	wrdreg $0xFFFFFFFF  }
0xc1: {  	_ =	task.clear_ibuf [dreg:s6], $0x2FFFF;
	_ =	strace $0x9FFFFFFF  }
0xc2: {  	(tm) =	ssettm $0x7FFFFFFF  }
0xc3: {  	_ =	shalt  }
tec
execute0_lowered:
.L_overlay_start_1:
0x0: {  	(tag) =	ssettag $0x1  }
0x1: {  	s0 =	rddreg [dreg:$0x0];
	s2 =	srdreg.scid  }
0x2: {  	s1 =	rddreg [dreg:$0x1];
	s3 =	simm.s32 $0x0;
	s7 =	stileid.u32  }
0x3: {  	s15 =	simm.s32 $0x7;
	s16 =	simm.s32 $0x4EC0;
	s17 =	simm.s32 $0x70  }
0x4: {  	s18 =	simm.s32 $0x9D80;
	s19 =	simm.s32 $0xB980;
	s21 =	simm.s32 $0xD580  }
0x5: {  	s22 =	simm.s32 $0x14580;
	s28 =	simm.s32 $0x2;
	s8 =	smul.u32 $0x9E00, s7  }
0x6: {  	s31 =	simm.s32 $0x10D80;
	s29 =	simm.s32 $0x4;
	s6 =	smul.u32 $0x9D8, s7  }
0x7: {  	s30 =	simm.s32 $0x5;
	s2 =	sand.u32 $0x1, s2;
	s7 =	smul.u32 $0x27800, s7  }
0x8: {  	s20 =	simm.s32 $0x6;
	[smem:$0x7FF] =	sst s3;
	s4 =	smul.u32 $0x13880, s2  }
0x9: {  	s5 =	smul.u32 $0x9E000, s2;
	_ =	strace $0x80000050;
	s2 =	ssub.s32 $0x2, s2  }
0xa: {  	s6 =	sadd.s32 s6, s0;
	s9 =	sshrl.u32 s2, $0x1;
	s23 =	sshrl.u32 s7, $0x2  }
0xb: {  	s26 =	sadd.s32 s8, s1;
	s4 =	sadd.s32 s4, s0;
	s24 =	sadd.s32 $0xD800, s6  }
0xc: {  	s5 =	sadd.s32 s8, s5;
	s6 =	sadd.s32 $0x17600, s6;
	[dreg:$0x3] =	wrdreg s24  }
0xd: {  	s2 =	ssub.s32 s2, s9;
	s5 =	sshrl.u32 s5, $0x3;
	[dreg:$0x4] =	wrdreg s6  }
0xe: {  	s6 =	sadd.s32 s23, s1;
	s7 =	sadd.s32 $0x21400, s4;
	s10 =	smax.u32 s2, $0x1  }
0xf: {  	s23 =	simm.s32 $0x1;
	s2 =	simm.s32 $0x12980;
	s24 =	simm.s32 $0x0  }
0x10: {  	s0 =	sadd.s32 s5, s0;
	s25 =	sadd.s32 $0x8C00, s6;
	s11 =	sadd.s32 $0x1C00, s6  }
0x11: {  	s12 =	sadd.s32 $0x3800, s6;
	s13 =	sadd.s32 $0x5400, s6;
	s14 =	sadd.s32 $0x7000, s6  }
0x12: {  	[dreg:$0x5] =	wrdreg s25;
	s0 =	sadd.s32 $0x48600, s0;
	s25 =	sshrl.u32 s26, $0x3  }
0x13: {  	v0 =	vimm.f32 $0.0e+00;
	s26 =	simm.s32 $0xF180;
	[dreg:$0x6] =	wrdreg s0;
	s0 =	simm.s32 $0x3  }
.LBB2_1:
0x14: {  	s4 =	rddreg [dreg:$0x3]  }
0x15: {  	[tilespmem:s3], [sflag:$0x7] =	stream.linear.gather [hbm4b:s4+s3], $0x4EC0, $0x38;
	[tilespmem:$0x1FF80] =	vst v63  }
0x16: {  	_ =	swait.ge [sflag:s15], $0x4EC0  }
0x17: {  	[sflag:s15] =	ssyncset.done $0x0  }
0x18: {  	s5 =	rddreg [dreg:$0x4];
	[sflag:s15] =	ssyncadd.s32 $0xFFFFB140  }
0x19: {  	[tilespmem:s16], [sflag:$0x7] =	stream.linear.gather [hbm4b:s5+s3], $0x4EC0, $0x38;
	[tilespmem:$0x1FF80] =	vst v63  }
0x1a: {  	_ =	swait.ge [sflag:s15], $0x4EC0  }
0x1b: {  	[sflag:s15] =	ssyncset.done $0x0  }
0x1c: {  	[sflag:s15] =	ssyncadd.s32 $0xFFFFB140  }
0x1d: {  	[tilespmem:s18], [sflag:$0x1] =	stream.indirect.gather [hbm4b:s7+s17], $0x40, s3, s17, $0xb8;
	[tilespmem:$0x1FF80] =	vst v63  }
0x1e: {  	_ = 	snop  }
0x1f: {  	[tilespmem:s19], [sflag:$0x2] =	stream.indirect.gather [hbm4b:s7+s17], $0x40, s17, s17, $0xb8;
	[tilespmem:$0x1FF80] =	vst v63  }
0x20: {  	s8 =	simm.s32 $0xE0;
	s9 =	sand.u32 $0x7F00, s3  }
0x21: {  	[tilespmem:s21], [sflag:$0x3] =	stream.indirect.gather [hbm4b:s7+s17], $0x40, s8, s17, $0xb8;
	[tilespmem:$0x1FF80] =	vst v63  }
0x22: {  	s5 =	sand.u32 $0x30, s3;
	s8 =	sshrl.u32 s9, $0x2  }
0x23: {  	s4 =	simm.s32 $0x40;
	s8 =	sor.u32 s5, s8;
	s5 =	simm.s32 $0x0  }
.LBB2_2:
0x24: {  	p0 =	sne.s32 s4, $0x6FC0  }
0x25: {  	[tilespmem:s8+$0x14580] =	vst v0;
	s5 =	sadd.s32 $0x10, s5;
	s8 =	smov.u32 s4;
	s4 =	sadd.s32 $0x40, s4  }
.Ltmp0:
0x26: {  	(pc) =	sbr.rel @p0 .LBB2_2-.Ltmp0, $4  }
0x27: {  	_ = 	snop  }
0x28: {  	s8 =	sand.u32 $0x7F00, s8  }
0x29: {  	s9 =	sand.u32 $0x30, s5;
	s8 =	sshrl.u32 s8, $0x2  }
0x2a: {  	s8 =	sor.u32 s9, s8  }
0x2b: {  	[tilespmem:s8+$0x14580] =	vst v0  }
0x2c: {  	[spmem:s6] =	stream.linear.scatter [tilespmem:s22], [sflag:$0x7], $0x1C00, $0x38;
	[tilespmem:$0x1FF80] =	vst v63  }
0x2d: {  	_ =	swait.ge [sflag:s15], $0x1C00  }
0x2e: {  	[sflag:s15] =	ssyncset.done $0x0  }
0x2f: {  	[sflag:s15] =	ssyncadd.s32 $0xFFFFE400  }
0x30: {  	[spmem:s11] =	stream.linear.scatter [tilespmem:s22], [sflag:$0x7], $0x1C00, $0x38;
	[tilespmem:$0x1FF80] =	vst v63  }
0x31: {  	_ =	swait.ge [sflag:s15], $0x1C00  }
0x32: {  	[sflag:s15] =	ssyncset.done $0x0  }
0x33: {  	[sflag:s15] =	ssyncadd.s32 $0xFFFFE400  }
0x34: {  	[spmem:s12] =	stream.linear.scatter [tilespmem:s22], [sflag:$0x7], $0x1C00, $0x38;
	[tilespmem:$0x1FF80] =	vst v63  }
0x35: {  	_ =	swait.ge [sflag:s15], $0x1C00  }
0x36: {  	[sflag:s15] =	ssyncset.done $0x0  }
0x37: {  	[sflag:s15] =	ssyncadd.s32 $0xFFFFE400  }
0x38: {  	[spmem:s13] =	stream.linear.scatter [tilespmem:s22], [sflag:$0x7], $0x1C00, $0x38;
	[tilespmem:$0x1FF80] =	vst v63  }
0x39: {  	_ =	swait.ge [sflag:s15], $0x1C00  }
0x3a: {  	[sflag:s15] =	ssyncset.done $0x0  }
0x3b: {  	[sflag:s15] =	ssyncadd.s32 $0xFFFFE400  }
0x3c: {  	[spmem:s14] =	stream.linear.scatter [tilespmem:s22], [sflag:$0x7], $0x1C00, $0x38;
	[tilespmem:$0x1FF80] =	vst v63  }
0x3d: {  	_ =	swait.ge [sflag:s15], $0x1C00  }
0x3e: {  	[sflag:s15] =	ssyncset.done $0x0  }
0x3f: {  	s4 =	rddreg [dreg:$0x5];
	[sflag:s15] =	ssyncadd.s32 $0xFFFFE400  }
0x40: {  	[spmem:s4] =	stream.linear.scatter [tilespmem:s22], [sflag:$0x7], $0x1200, $0x38;
	[tilespmem:$0x1FF80] =	vst v63  }
0x41: {  	_ =	swait.ge [sflag:s15], $0x1200  }
0x42: {  	[sflag:s15] =	ssyncset.done $0x0  }
0x43: {  	[sflag:s15] =	ssyncadd.s32 $0xFFFFEE00  }
0x44: {  	[bflag:$0x0] =	sbarrier.arrive $0xFFFF  }
0x45: {  	_ =	swait.ge [sflag:s23], $0x1C00  }
0x46: {  	[sflag:s23] =	ssyncset.done $0x0  }
0x47: {  	[sflag:s23] =	ssyncadd.s32 $0xFFFFE400  }
0x48: {  	[spmem:s1] =	stream.indirect.scatter.add.f32 [tilespmem:s18], [sflag:$0x7], $0x40, s16, s17, $0xb8;
	[tilespmem:$0x1FF80] =	vst v63  }
0x49: {  	_ =	swait.ge [sflag:s15], $0x1C00  }
0x4a: {  	[sflag:s15] =	ssyncset.done $0x0  }
0x4b: {  	s9 =	simm.s32 $0x150;
	[sflag:s15] =	ssyncadd.s32 $0xFFFFE400  }
0x4c: {  	[tilespmem:s26], [sflag:$0x4] =	stream.indirect.gather [hbm4b:s7+s17], $0x40, s9, s17, $0xb8;
	[tilespmem:$0x1FF80] =	vst v63  }
0x4d: {  	_ =	swait.ge [sflag:s28], $0x1C00  }
0x4e: {  	[sflag:s28] =	ssyncset.done $0x0  }
0x4f: {  	s5 =	simm.s32 $0x4F30;
	[sflag:s28] =	ssyncadd.s32 $0xFFFFE400  }
0x50: {  	[spmem:s1] =	stream.indirect.scatter.add.f32 [tilespmem:s19], [sflag:$0x7], $0x40, s5, s17, $0xb8;
	[tilespmem:$0x1FF80] =	vst v63  }
0x51: {  	_ =	swait.ge [sflag:s15], $0x1C00  }
0x52: {  	[sflag:s15] =	ssyncset.done $0x0  }
0x53: {  	s8 =	simm.s32 $0x1C0;
	[sflag:s15] =	ssyncadd.s32 $0xFFFFE400  }
0x54: {  	[tilespmem:s31], [sflag:$0x5] =	stream.indirect.gather [hbm4b:s7+s17], $0x40, s8, s17, $0xb8;
	[tilespmem:$0x1FF80] =	vst v63  }
0x55: {  	_ =	swait.ge [sflag:s0], $0x1C00  }
0x56: {  	[sflag:s0] =	ssyncset.done $0x0  }
0x57: {  	s9 =	simm.s32 $0x4FA0;
	[sflag:s0] =	ssyncadd.s32 $0xFFFFE400  }
0x58: {  	[spmem:s1] =	stream.indirect.scatter.add.f32 [tilespmem:s21], [sflag:$0x7], $0x40, s9, s17, $0xb8;
	[tilespmem:$0x1FF80] =	vst v63  }
0x59: {  	_ =	swait.ge [sflag:s15], $0x1C00  }
0x5a: {  	[sflag:s15] =	ssyncset.done $0x0  }
0x5b: {  	s5 =	simm.s32 $0x230;
	[sflag:s15] =	ssyncadd.s32 $0xFFFFE400  }
0x5c: {  	[tilespmem:s2], [sflag:$0x6] =	stream.indirect.gather [hbm4b:s7+s17], $0x40, s5, s17, $0xb8;
	[tilespmem:$0x1FF80] =	vst v63  }
0x5d: {  	_ =	swait.ge [sflag:s29], $0x1C00  }
0x5e: {  	[sflag:s29] =	ssyncset.done $0x0  }
0x5f: {  	s8 =	simm.s32 $0x5010;
	[sflag:s29] =	ssyncadd.s32 $0xFFFFE400  }
0x60: {  	[spmem:s1] =	stream.indirect.scatter.add.f32 [tilespmem:s26], [sflag:$0x7], $0x40, s8, s17, $0xb8;
	[tilespmem:$0x1FF80] =	vst v63  }
0x61: {  	_ =	swait.ge [sflag:s15], $0x1C00  }
0x62: {  	[sflag:s15] =	ssyncset.done $0x0  }
0x63: {  	s9 =	simm.s32 $0x2A0;
	[sflag:s15] =	ssyncadd.s32 $0xFFFFE400  }
0x64: {  	[tilespmem:s18], [sflag:$0x1] =	stream.indirect.gather [hbm4b:s7+s17], $0x40, s9, s17, $0xb8;
	[tilespmem:$0x1FF80] =	vst v63  }
0x65: {  	_ =	swait.ge [sflag:s30], $0x1C00  }
0x66: {  	[sflag:s30] =	ssyncset.done $0x0  }
0x67: {  	s5 =	simm.s32 $0x5080;
	[sflag:s30] =	ssyncadd.s32 $0xFFFFE400  }
0x68: {  	[spmem:s1] =	stream.indirect.scatter.add.f32 [tilespmem:s31], [sflag:$0x7], $0x40, s5, s17, $0xb8;
	[tilespmem:$0x1FF80] =	vst v63  }
0x69: {  	_ =	swait.ge [sflag:s15], $0x1C00  }
0x6a: {  	[sflag:s15] =	ssyncset.done $0x0  }
0x6b: {  	s8 =	simm.s32 $0x310;
	[sflag:s15] =	ssyncadd.s32 $0xFFFFE400  }
0x6c: {  	[tilespmem:s19], [sflag:$0x2] =	stream.indirect.gather [hbm4b:s7+s17], $0x40, s8, s17, $0xb8;
	[tilespmem:$0x1FF80] =	vst v63  }
0x6d: {  	_ =	swait.ge [sflag:s20], $0x1C00  }
0x6e: {  	[sflag:s20] =	ssyncset.done $0x0  }
0x6f: {  	s9 =	simm.s32 $0x50F0;
	[sflag:s20] =	ssyncadd.s32 $0xFFFFE400  }
0x70: {  	[spmem:s1] =	stream.indirect.scatter.add.f32 [tilespmem:s2], [sflag:$0x7], $0x40, s9, s17, $0xb8;
	[tilespmem:$0x1FF80] =	vst v63  }
0x71: {  	_ =	swait.ge [sflag:s15], $0x1C00  }
0x72: {  	[sflag:s15] =	ssyncset.done $0x0  }
0x73: {  	s5 =	simm.s32 $0x380;
	[sflag:s15] =	ssyncadd.s32 $0xFFFFE400  }
0x74: {  	[tilespmem:s21], [sflag:$0x3] =	stream.indirect.gather [hbm4b:s7+s17], $0x40, s5, s17, $0xb8;
	[tilespmem:$0x1FF80] =	vst v63  }
0x75: {  	_ =	swait.ge [sflag:s23], $0x1C00  }
0x76: {  	[sflag:s23] =	ssyncset.done $0x0  }
0x77: {  	s8 =	simm.s32 $0x5160;
	[sflag:s23] =	ssyncadd.s32 $0xFFFFE400  }
0x78: {  	[spmem:s1] =	stream.indirect.scatter.add.f32 [tilespmem:s18], [sflag:$0x7], $0x40, s8, s17, $0xb8;
	[tilespmem:$0x1FF80] =	vst v63  }
0x79: {  	_ =	swait.ge [sflag:s15], $0x1C00  }
0x7a: {  	[sflag:s15] =	ssyncset.done $0x0  }
0x7b: {  	s9 =	simm.s32 $0x3F0;
	[sflag:s15] =	ssyncadd.s32 $0xFFFFE400  }
0x7c: {  	[tilespmem:s26], [sflag:$0x4] =	stream.indirect.gather [hbm4b:s7+s17], $0x40, s9, s17, $0xb8;
	[tilespmem:$0x1FF80] =	vst v63  }
0x7d: {  	_ =	swait.ge [sflag:s28], $0x1C00  }
0x7e: {  	[sflag:s28] =	ssyncset.done $0x0  }
0x7f: {  	s5 =	simm.s32 $0x51D0;
	[sflag:s28] =	ssyncadd.s32 $0xFFFFE400  }
0x80: {  	[spmem:s1] =	stream.indirect.scatter.add.f32 [tilespmem:s19], [sflag:$0x7], $0x40, s5, s17, $0xb8;
	[tilespmem:$0x1FF80] =	vst v63  }
0x81: {  	_ =	swait.ge [sflag:s15], $0x1C00  }
0x82: {  	[sflag:s15] =	ssyncset.done $0x0  }
0x83: {  	s8 =	simm.s32 $0x460;
	[sflag:s15] =	ssyncadd.s32 $0xFFFFE400  }
0x84: {  	[tilespmem:s31], [sflag:$0x5] =	stream.indirect.gather [hbm4b:s7+s17], $0x40, s8, s17, $0xb8;
	[tilespmem:$0x1FF80] =	vst v63  }
0x85: {  	_ =	swait.ge [sflag:s0], $0x1C00  }
0x86: {  	[sflag:s0] =	ssyncset.done $0x0  }
0x87: {  	s9 =	simm.s32 $0x5240;
	[sflag:s0] =	ssyncadd.s32 $0xFFFFE400  }
0x88: {  	[spmem:s1] =	stream.indirect.scatter.add.f32 [tilespmem:s21], [sflag:$0x7], $0x40, s9, s17, $0xb8;
	[tilespmem:$0x1FF80] =	vst v63  }
0x89: {  	_ =	swait.ge [sflag:s15], $0x1C00  }
0x8a: {  	[sflag:s15] =	ssyncset.done $0x0  }
0x8b: {  	s4 =	simm.s32 $0xA80;
	s5 =	simm.s32 $0x4D0;
	[sflag:s15] =	ssyncadd.s32 $0xFFFFE400  }
.LBB2_4:
0x8c: {  	[tilespmem:s2], [sflag:$0x6] =	stream.indirect.gather [hbm4b:s7+s17], $0x40, s5, s17, $0xb8;
	[tilespmem:$0x1FF80] =	vst v63  }
0x8d: {  	s5 =	smov.u32 s4  }
0x8e: {  	p0 =	sne.s32 s4, $0x12600;
	s4 =	sadd.s32 $0xA80, s4;
	_ =	swait.ge [sflag:s29], $0x1C00  }
0x8f: {  	s5 =	sshra.s32 s5, $0x2;
	[sflag:s29] =	ssyncset.done $0x0  }
0x90: {  	s8 =	sadd.s32 $0x5010, s5;
	[sflag:s29] =	ssyncadd.s32 $0xFFFFE400  }
0x91: {  	[spmem:s1] =	stream.indirect.scatter.add.f32 [tilespmem:s26], [sflag:$0x7], $0x40, s8, s17, $0xb8;
	[tilespmem:$0x1FF80] =	vst v63  }
0x92: {  	_ =	swait.ge [sflag:s15], $0x1C00  }
0x93: {  	[sflag:s15] =	ssyncset.done $0x0  }
0x94: {  	s8 =	sadd.s32 $0x2A0, s5;
	[sflag:s15] =	ssyncadd.s32 $0xFFFFE400  }
0x95: {  	[tilespmem:s18], [sflag:$0x1] =	stream.indirect.gather [hbm4b:s7+s17], $0x40, s8, s17, $0xb8;
	[tilespmem:$0x1FF80] =	vst v63  }
0x96: {  	_ =	swait.ge [sflag:s30], $0x1C00  }
0x97: {  	[sflag:s30] =	ssyncset.done $0x0  }
0x98: {  	s8 =	sadd.s32 $0x5080, s5;
	[sflag:s30] =	ssyncadd.s32 $0xFFFFE400  }
0x99: {  	[spmem:s1] =	stream.indirect.scatter.add.f32 [tilespmem:s31], [sflag:$0x7], $0x40, s8, s17, $0xb8;
	[tilespmem:$0x1FF80] =	vst v63  }
0x9a: {  	_ =	swait.ge [sflag:s15], $0x1C00  }
0x9b: {  	[sflag:s15] =	ssyncset.done $0x0  }
0x9c: {  	s8 =	sadd.s32 $0x310, s5;
	[sflag:s15] =	ssyncadd.s32 $0xFFFFE400  }
0x9d: {  	[tilespmem:s19], [sflag:$0x2] =	stream.indirect.gather [hbm4b:s7+s17], $0x40, s8, s17, $0xb8;
	[tilespmem:$0x1FF80] =	vst v63  }
0x9e: {  	_ =	swait.ge [sflag:s20], $0x1C00  }
0x9f: {  	[sflag:s20] =	ssyncset.done $0x0  }
0xa0: {  	s8 =	sadd.s32 $0x50F0, s5;
	[sflag:s20] =	ssyncadd.s32 $0xFFFFE400  }
0xa1: {  	[spmem:s1] =	stream.indirect.scatter.add.f32 [tilespmem:s2], [sflag:$0x7], $0x40, s8, s17, $0xb8;
	[tilespmem:$0x1FF80] =	vst v63  }
0xa2: {  	_ =	swait.ge [sflag:s15], $0x1C00  }
0xa3: {  	[sflag:s15] =	ssyncset.done $0x0  }
0xa4: {  	s8 =	sadd.s32 $0x380, s5;
	[sflag:s15] =	ssyncadd.s32 $0xFFFFE400  }
0xa5: {  	[tilespmem:s21], [sflag:$0x3] =	stream.indirect.gather [hbm4b:s7+s17], $0x40, s8, s17, $0xb8;
	[tilespmem:$0x1FF80] =	vst v63  }
0xa6: {  	_ =	swait.ge [sflag:s23], $0x1C00  }
0xa7: {  	[sflag:s23] =	ssyncset.done $0x0  }
0xa8: {  	s8 =	sadd.s32 $0x5160, s5;
	[sflag:s23] =	ssyncadd.s32 $0xFFFFE400  }
0xa9: {  	[spmem:s1] =	stream.indirect.scatter.add.f32 [tilespmem:s18], [sflag:$0x7], $0x40, s8, s17, $0xb8;
	[tilespmem:$0x1FF80] =	vst v63  }
0xaa: {  	_ =	swait.ge [sflag:s15], $0x1C00  }
0xab: {  	[sflag:s15] =	ssyncset.done $0x0  }
0xac: {  	s8 =	sadd.s32 $0x3F0, s5;
	[sflag:s15] =	ssyncadd.s32 $0xFFFFE400  }
0xad: {  	[tilespmem:s26], [sflag:$0x4] =	stream.indirect.gather [hbm4b:s7+s17], $0x40, s8, s17, $0xb8;
	[tilespmem:$0x1FF80] =	vst v63  }
0xae: {  	_ =	swait.ge [sflag:s28], $0x1C00  }
0xaf: {  	[sflag:s28] =	ssyncset.done $0x0  }
0xb0: {  	s8 =	sadd.s32 $0x51D0, s5;
	[sflag:s28] =	ssyncadd.s32 $0xFFFFE400  }
0xb1: {  	[spmem:s1] =	stream.indirect.scatter.add.f32 [tilespmem:s19], [sflag:$0x7], $0x40, s8, s17, $0xb8;
	[tilespmem:$0x1FF80] =	vst v63  }
0xb2: {  	_ =	swait.ge [sflag:s15], $0x1C00  }
0xb3: {  	[sflag:s15] =	ssyncset.done $0x0  }
0xb4: {  	s8 =	sadd.s32 $0x460, s5;
	[sflag:s15] =	ssyncadd.s32 $0xFFFFE400  }
0xb5: {  	[tilespmem:s31], [sflag:$0x5] =	stream.indirect.gather [hbm4b:s7+s17], $0x40, s8, s17, $0xb8;
	[tilespmem:$0x1FF80] =	vst v63  }
0xb6: {  	_ =	swait.ge [sflag:s0], $0x1C00  }
0xb7: {  	[sflag:s0] =	ssyncset.done $0x0  }
.Ltmp1:
0xb8: {  	s8 =	sadd.s32 $0x5240, s5;
	[sflag:s0] =	ssyncadd.s32 $0xFFFFE400;
	(pc) =	sbr.rel @p0 .LBB2_4-.Ltmp1, $4  }
0xb9: {  	[spmem:s1] =	stream.indirect.scatter.add.f32 [tilespmem:s21], [sflag:$0x7], $0x40, s8, s17, $0xb8;
	[tilespmem:$0x1FF80] =	vst v63  }
0xba: {  	_ =	swait.ge [sflag:s15], $0x1C00  }
0xbb: {  	[sflag:s15] =	ssyncset.done $0x0  }
0xbc: {  	s5 =	sadd.s32 $0x4D0, s5;
	[sflag:s15] =	ssyncadd.s32 $0xFFFFE400  }
0xbd: {  	[tilespmem:s2], [sflag:$0x6] =	stream.indirect.gather [hbm4b:s7+s17], $0x40, s5, s17, $0xb8;
	[tilespmem:$0x1FF80] =	vst v63  }
0xbe: {  	_ =	swait.ge [sflag:s29], $0x1C00  }
0xbf: {  	[sflag:s29] =	ssyncset.done $0x0  }
0xc0: {  	s4 =	simm.s32 $0x9C30;
	[sflag:s29] =	ssyncadd.s32 $0xFFFFE400  }
0xc1: {  	[spmem:s1] =	stream.indirect.scatter.add.f32 [tilespmem:s26], [sflag:$0x7], $0x40, s4, s17, $0xb8;
	[tilespmem:$0x1FF80] =	vst v63  }
0xc2: {  	_ =	swait.ge [sflag:s15], $0x1C00  }
0xc3: {  	[sflag:s15] =	ssyncset.done $0x0  }
0xc4: {  	[sflag:s15] =	ssyncadd.s32 $0xFFFFE400  }
0xc5: {  	_ =	swait.ge [sflag:s30], $0x1C00  }
0xc6: {  	[sflag:s30] =	ssyncset.done $0x0  }
0xc7: {  	s9 =	simm.s32 $0x9CA0;
	[sflag:s30] =	ssyncadd.s32 $0xFFFFE400  }
0xc8: {  	[spmem:s1] =	stream.indirect.scatter.add.f32 [tilespmem:s31], [sflag:$0x7], $0x40, s9, s17, $0xb8;
	[tilespmem:$0x1FF80] =	vst v63  }
0xc9: {  	_ =	swait.ge [sflag:s15], $0x1C00  }
0xca: {  	[sflag:s15] =	ssyncset.done $0x0  }
0xcb: {  	[sflag:s15] =	ssyncadd.s32 $0xFFFFE400  }
0xcc: {  	_ =	swait.ge [sflag:s20], $0x1C00  }
0xcd: {  	[sflag:s20] =	ssyncset.done $0x0  }
0xce: {  	s5 =	simm.s32 $0x9D10;
	[sflag:s20] =	ssyncadd.s32 $0xFFFFE400  }
0xcf: {  	[spmem:s1] =	stream.indirect.scatter.add.f32 [tilespmem:s2], [sflag:$0x7], $0x40, s5, s17, $0xb8;
	[tilespmem:$0x1FF80] =	vst v63  }
0xd0: {  	_ =	swait.ge [sflag:s15], $0x1C00  }
0xd1: {  	[sflag:s15] =	ssyncset.done $0x0  }
0xd2: {  	s8 =	stileid.u32;
	s24 =	sadd.s32 $0x1, s24;
	[sflag:s15] =	ssyncadd.s32 $0xFFFFE400  }
0xd3: {  	p0 =	sne.s32 s24, s10;
	s4 =	sshll.u32 s8, $0x6;
	[bflag:$0x0] =	sbarrier.arrive $0xFFFF  }
.Ltmp2:
0xd4: {  	s4 =	sor.u32 $0x1C07, s4;
	s9 =	rddreg [dreg:$0x6];
	(pc) =	sbr.rel @p0 .LBB2_1-.Ltmp2, $4  }
0xd5: {  	[hbm:s9], [sflag:s4] =	dma.local [spmem:s25], $0x13C0  }
0xd6: {  	_ =	swait.ge [sflag:s15], $0x13C0  }
0xd7: {  	[sflag:s15] =	ssyncset.done $0x0  }
0xd8: {  	[sflag:s15] =	ssyncadd.s32 $0xFFFFEC40  }
0xd9: {  	_ =	sfence.sel $0x180000  }
0xda: {  	[bflag:$0x0] =	sbarrier.arrive $0xFFFF  }
0xdb: {  	_ =	strace $0x90000050  }
0xdc: {  	s0 =	stileid.u32;
	[bflag:$0x2] =	sbarrier.arrive $0xFFFF  }
0xdd: {  	p0 =	sne.s32 s0, $0x0;
	s0 =	rddreg [dreg:$0x2]  }
0xde: {  	s0 =	sadd.s32 @!p0 $0x100000, s0  }
0xdf: {  	[sflag:s0] =	ssyncadd.tile.s32 @!p0 $0x1;
	_ =	shalt  }
.Lfunc_end2:
_tile_overlayer_lowered:
.L_overlay_start_2:
0xe0: {  	(tag) =	ssettag $0x2  }
0xe1: {  	s0 =	rddreg [dreg:$0x0];
	s2 =	stileid.u32  }
0xe2: {  	s1 =	rddreg [dreg:$0x1];
	p0 =	sne.s32 s2, $0x0  }
0xe3: {  	s3 =	rddreg [dreg:$0x2];
	[bflag:$0x3] =	sbarrier.arrive $0xFFFF;
	s2 =	simm.s32 @!p0 $0x1C07  }
0xe4: {  	[timem:s3], [sflag:s2] =	dma.local @!p0 [hbm:s0], s1  }
0xe5: {  	s0 =	simm.s32 @!p0 $0x7  }
0xe6: {  	_ =	swait.ge @!p0 [sflag:s0], s1  }
0xe7: {  	s1 =	ssub.s32 @!p0 $0x0, s1;
	[sflag:s0] =	ssyncset.done @!p0 $0x0  }
0xe8: {  	[sflag:s0] =	ssyncadd.s32 @!p0 s1  }
0xe9: {  	[bflag:$0x3] =	sbarrier.arrive $0xFFFF  }
0xea: {  	_ =	shalt  }

</sc_bundles>
